<compile_context>
chip_gen: v7x
topology: tpu7x:2x2x1
jax: 0.10.2.dev20260603
libtpu: 0.0.44.dev20260713+nightly
codegen_flags: <defaults>
</compile_context>

<pallas_src>
import jax
import jax.numpy as jnp
from jax import lax
from jax.experimental import pallas as pl
from jax.experimental.pallas import tpu as pltpu
from jax.experimental.pallas import tpu_sc as plsc

_C = 19
_KEEP = 512
_RB = 256
_PINF = 0x7F800000


def _stage1_body(inp_ref, tgt_ref, dist_ref, nll_ref, mx_ref):
    t = tgt_ref[0]
    x = inp_ref[0, 0]
    s_exp = jnp.exp(x)
    s_abs = jnp.abs(x)
    xt = jnp.where(t == 0, x, 0.0)
    for c in range(1, _C):
        x = inp_ref[0, c]
        s_exp = s_exp + jnp.exp(x)
        s_abs = s_abs + jnp.abs(x)
        xt = jnp.where(t == c, x, xt)
    dist = s_abs - jnp.abs(xt) + jnp.abs(xt - 1.0)
    dist_ref[0] = dist
    nll_ref[0] = jnp.log(s_exp) - xt
    mx_ref[0] = jnp.max(dist.reshape(_RB, 32, 16), axis=-1)


def _sc_batch(b, mx_hbm, distr_hbm, nllr_hbm, out_hbm, mx_v, l3_v,
              rowidx_v, r128idx_v, rows512_v, ebits_v, eidx_v, gr128_v,
              goff_v, qr128_v, qoff_v, outb_v, dsem):
    iota = lax.iota(jnp.int32, 16)
    zeros_i = jnp.zeros((16,), jnp.int32)

    def _zero(ref, n):
        @pl.loop(0, n, step=128)
        def _(i):
            for u in range(8):
                ref[pl.ds(i + u * 16, 16)] = zeros_i

    _zero(ebits_v, 16384)
    _zero(rowidx_v, 1024)
    _zero(r128idx_v, 1024)
    _zero(gr128_v, 1024)
    _zero(goff_v, 1024)
    _zero(qr128_v, 1024)
    _zero(qoff_v, 1024)

    pltpu.sync_copy(mx_hbm.at[b], mx_v)

    @pl.loop(0, 1024, step=16)
    def _(j):
        idx0 = j * 16 + iota * 16
        acc = plsc.load_gather(mx_v, [idx0])
        for k in range(1, 16):
            acc = jnp.maximum(acc, plsc.load_gather(mx_v, [idx0 + k]))
        l3_v[pl.ds(j, 16)] = acc

    def _count_gt(ref, is_f32, nslice128, mid):
        def step(i, cv):
            for u in range(8):
                v = ref[pl.ds(i * 128 + u * 16, 16)]
                bits = plsc.bitcast(v, jnp.int32) if is_f32 else v
                cv = cv + (bits > mid).astype(jnp.int32)
            return cv

        cv = lax.fori_loop(0, nslice128, step, jnp.zeros((16,), jnp.int32))
        return jnp.sum(cv, axis=0)

    def _kth_bits(ref, is_f32, nslice128, lo0, hi0):
        def cond(lohi):
            lo, hi = lohi
            return hi - lo > 1

        def bis(lohi):
            lo, hi = lohi
            mid = lo + (hi - lo) // 2
            below = _count_gt(ref, is_f32, nslice128, mid) < _KEEP
            return (jnp.where(below, lo, mid), jnp.where(below, mid, hi))

        _, hi = lax.while_loop(cond, bis, (lo0, hi0))
        return hi

    def mmstep(i, mv):
        return jnp.maximum(mv, l3_v[pl.ds(i * 16, 16)])

    mxall = lax.fori_loop(0, 64, mmstep, jnp.zeros((16,), jnp.float32))
    maxbits = jnp.max(plsc.bitcast(mxall, jnp.int32), axis=0)

    f3 = _kth_bits(l3_v, True, jnp.int32(8), jnp.int32(-1), maxbits + 1)

    def cstep(i, ptr):
        for u in range(4):
            bits = plsc.bitcast(mx_v[pl.ds(i * 64 + u * 16, 16)], jnp.int32)
            mask = bits >= f3
            plsc.store_compressed(ebits_v.at[pl.ds(ptr, 16)], bits, mask=mask)
            c = plsc.all_reduce_population_count(mask)
            ptr = jnp.minimum(ptr + c[0], 16384 - 16)
        return ptr

    ncand = lax.fori_loop(0, 256, cstep, jnp.int32(0))
    f2 = _kth_bits(ebits_v, False, (ncand + 127) // 128, f3 - 1,
                   maxbits + 1)

    _zero(ebits_v, 16384)

    rowbase = b * 16384

    def rstep(i, ptr):
        for u in range(4):
            bits = plsc.bitcast(mx_v[pl.ds(i * 64 + u * 16, 16)], jnp.int32)
            mask = bits >= f2
            gids = rowbase + i * 64 + u * 16 + iota
            plsc.store_compressed(rowidx_v.at[pl.ds(ptr, 16)], gids,
                                  mask=mask)
            plsc.store_compressed(r128idx_v.at[pl.ds(ptr, 16)], gids >> 3,
                                  mask=mask)
            c = plsc.all_reduce_population_count(mask)
            ptr = jnp.minimum(ptr + c[0], 1024 - 16)
        return ptr

    rowcnt = lax.fori_loop(0, 256, rstep, jnp.int32(0))

    copies = [
        pltpu.async_copy(
            distr_hbm.at[r128idx_v.at[pl.ds(k * 128, 128)]],
            rows512_v.at[pl.ds(k * 128, 128), :], dsem)
        for k in range(4)
    ]
    for cp in copies:
        cp.wait()
    rowlim = jnp.minimum(rowcnt, 512)

    def estep(j, eptr):
        for t in range(16):
            rloc = j * 16 + t
            rv = plsc.load_gather(rowidx_v, [jnp.full((16,), rloc)])
            cols = (rv & 7) * 16 + iota
            vals = plsc.load_gather(rows512_v,
                                    [jnp.full((16,), rloc), cols])
            bits = plsc.bitcast(vals, jnp.int32)
            mask = (bits >= f2) & (rloc < rowlim)
            plsc.store_compressed(ebits_v.at[pl.ds(eptr, 16)], bits,
                                  mask=mask)
            plsc.store_compressed(eidx_v.at[pl.ds(eptr, 16)],
                                  rv * 16 + iota, mask=mask)
            c = plsc.all_reduce_population_count(mask)
            eptr = jnp.minimum(eptr + c[0], 16384 - 16)
        return eptr

    ecnt = lax.fori_loop(0, (rowlim + 15) // 16, estep, jnp.int32(0))

    thr = _kth_bits(ebits_v, False, (ecnt + 127) // 128, f2 - 1,
                    maxbits + 1)

    def sstep(i, carry):
        m, e, gptr, qptr = carry
        bits = ebits_v[pl.ds(i * 16, 16)]
        eidx = eidx_v[pl.ds(i * 16, 16)]
        gt = bits > thr
        eq = bits == thr
        r128v = eidx >> 7
        offv = eidx & 127
        plsc.store_compressed(gr128_v.at[pl.ds(gptr, 16)], r128v, mask=gt)
        plsc.store_compressed(goff_v.at[pl.ds(gptr, 16)], offv, mask=gt)
        plsc.store_compressed(qr128_v.at[pl.ds(qptr, 16)], r128v, mask=eq)
        plsc.store_compressed(qoff_v.at[pl.ds(qptr, 16)], offv, mask=eq)
        gc = plsc.all_reduce_population_count(gt)
        qc = plsc.all_reduce_population_count(eq)
        return (m + gc[0], e + qc[0],
                jnp.minimum(gptr + gc[0], 1024 - 16),
                jnp.minimum(qptr + qc[0], 1024 - 16))

    z = jnp.int32(0)
    m, e, _, _ = lax.fori_loop(0, (ecnt + 15) // 16, sstep, (z, z, z, z))

    def _gather_sum(r128_ref, off_ref, n, nchunk):
        copies = [
            pltpu.async_copy(
                nllr_hbm.at[r128_ref.at[pl.ds(k * 128, 128)]],
                rows512_v.at[pl.ds(k * 128, 128), :], dsem)
            for k in range(nchunk)
        ]
        for cp in copies:
            cp.wait()

        def ss(i, acc):
            pos = i * 16 + iota
            offs = off_ref[pl.ds(i * 16, 16)]
            vals = plsc.load_gather(rows512_v, [pos, offs])
            return acc + jnp.where(pos < n, vals, 0.0)

        acc = lax.fori_loop(0, (n + 15) // 16, ss,
                            jnp.zeros((16,), jnp.float32))
        return jnp.sum(acc, axis=0)

    s_gt = _gather_sum(gr128_v, goff_v, m, 4)
    e = jnp.minimum(e, 128)
    s_eq = _gather_sum(qr128_v, qoff_v, e, 1)

    stats = jnp.where(iota == 0, s_gt, 0.0)
    stats = jnp.where(iota == 1, s_eq, stats)
    stats = jnp.where(iota == 2, m.astype(jnp.float32), stats)
    stats = jnp.where(iota == 3, e.astype(jnp.float32), stats)
    outb_v[...] = stats
    pltpu.sync_copy(outb_v, out_hbm.at[b])


def _sc_body(mx_hbm, distr_hbm, nllr_hbm, out_hbm, *scratch):
    cid = lax.axis_index("core")
    sid = lax.axis_index("subcore")

    @pl.when(sid < 4)
    def _():
        _sc_batch(cid * 4 + sid, mx_hbm, distr_hbm, nllr_hbm, out_hbm,
                  *scratch)


def _sc_select(mxr, distr, nllr):
    mesh = plsc.VectorSubcoreMesh(core_axis_name="core",
                                  subcore_axis_name="subcore",
                                  num_cores=2, num_subcores=16)
    return pl.kernel(
        _sc_body,
        out_type=jax.ShapeDtypeStruct((8, 16), jnp.float32),
        mesh=mesh,
        compiler_params=pltpu.CompilerParams(needs_layout_passes=False),
        scratch_types=[
            pltpu.VMEM((16384,), jnp.float32),
            pltpu.VMEM((1024,), jnp.float32),
            pltpu.VMEM((1024,), jnp.int32),
            pltpu.VMEM((1024,), jnp.int32),
            pltpu.VMEM((512, 128), jnp.float32),
            pltpu.VMEM((16384,), jnp.int32),
            pltpu.VMEM((16384,), jnp.int32),
            pltpu.VMEM((1024,), jnp.int32),
            pltpu.VMEM((1024,), jnp.int32),
            pltpu.VMEM((1024,), jnp.int32),
            pltpu.VMEM((1024,), jnp.int32),
            pltpu.VMEM((16,), jnp.float32),
            pltpu.SemaphoreType.DMA,
        ],
    )(mxr, distr, nllr)


def kernel(inputs, targets):
    B, C, H, W = inputs.shape
    grid1 = (B, H // _RB)
    dist, nll, mx = pl.pallas_call(
        _stage1_body,
        grid=grid1,
        in_specs=[
            pl.BlockSpec((1, C, _RB, W), lambda b, i: (b, 0, i, 0)),
            pl.BlockSpec((1, _RB, W), lambda b, i: (b, i, 0)),
        ],
        out_specs=[
            pl.BlockSpec((1, _RB, W), lambda b, i: (b, i, 0)),
            pl.BlockSpec((1, _RB, W), lambda b, i: (b, i, 0)),
            pl.BlockSpec((1, _RB, 32), lambda b, i: (b, i, 0)),
        ],
        out_shape=[
            jax.ShapeDtypeStruct((B, H, W), jnp.float32),
            jax.ShapeDtypeStruct((B, H, W), jnp.float32),
            jax.ShapeDtypeStruct((B, H, 32), jnp.float32),
        ],
    )(inputs, targets)

    nrow128 = B * H * 4
    out = _sc_select(mx.reshape(B, H * 32),
                     dist.reshape(nrow128, 128),
                     nll.reshape(nrow128, 128))
    s_gt, s_eq, m, e = out[:, 0], out[:, 1], out[:, 2], out[:, 3]
    contrib = s_gt + (_KEEP - m) * s_eq / e
    return jnp.sum(contrib) / (B * _KEEP)

# --- scband reference (transcript-rebuilt; emitter-appended) ---
"""Pipeline reference for scband-online-bootstrapping-loss-25348896981481 (READ-ONLY COPY).

The authoritative reference and input builder live on the scoring server;
editing this copy changes nothing except your own understanding.
"""

import jax, jax.numpy as jnp
import numpy as np

KEEP = 512
NUM_CLASSES = 19


def setup_inputs(seed: int = 0) -> dict:
    key = jax.random.key(seed)
    k1, k2 = jax.random.split(key)
    inputs = jax.random.normal(k1, (8, NUM_CLASSES, 512, 512), dtype=jnp.float32)
    targets = jax.random.randint(k2, (8, 512, 512), 0, NUM_CLASSES, dtype=jnp.int32)
    return {"inputs": inputs, "targets": targets}


def reference(inputs, targets):
    # multi_class_ob_loss path (multiclass=True)
    B = inputs.shape[0]
    C = inputs.shape[1]
    # one-hot of targets, permuted to [B, C, H, W]
    onehot = jax.nn.one_hot(targets, C, dtype=jnp.float32)          # [B, H, W, C]
    onehot = jnp.transpose(onehot, (0, 3, 1, 2))                     # [B, C, H, W]
    distance = jnp.sum(jnp.abs(inputs - onehot), axis=1)             # [B, H, W]
    distance = distance.reshape(B, -1)                               # [B, N]
    distance_arg = jnp.argsort(distance, axis=1)                     # ascending
    # torch boolean-mask indexing returns elements in increasing index order,
    # so the effective selection is the top-KEEP hardest indices, sorted by position
    top_idx = jnp.sort(distance_arg[:, -KEEP:], axis=1)              # [B, KEEP]

    reshaped_inputs = inputs.reshape(B, C, -1)                       # [B, C, N]
    reshaped_targets = targets.reshape(B, -1)                        # [B, N]

    sel_inputs = jnp.take_along_axis(reshaped_inputs, top_idx[:, None, :], axis=2)  # [B, C, KEEP]
    sel_targets = jnp.take_along_axis(reshaped_targets, top_idx, axis=1)            # [B, KEEP]

    # nn.CrossEntropyLoss on [B, C, KEEP] logits vs [B, KEEP] class indices, mean reduction
    logp = jax.nn.log_softmax(sel_inputs, axis=1)                    # [B, C, KEEP]
    nll = -jnp.take_along_axis(logp, sel_targets[:, None, :], axis=1)[:, 0, :]      # [B, KEEP]
    loss = jnp.mean(nll)
    return loss

if __name__ == "__main__":
    import jax
    _d = setup_inputs()
    print(jax.jit(kernel)(*tuple(_d.values())))

</pallas_src>

<mosaic_0001>
#map = affine_map<(d0, d1) -> (0, 0)>
module attributes {stable_mosaic.version = 14 : i64} {
  func.func @_sc_body(%arg0: i32, %arg1: i32, %arg2: memref<8x16384xf32, #tpu.memory_space<hbm>>, %arg3: memref<16384x128xf32, #tpu.memory_space<hbm>>, %arg4: memref<16384x128xf32, #tpu.memory_space<hbm>>, %arg5: memref<8x16xf32, #tpu.memory_space<hbm>>, %arg6: memref<16384xf32, #tpu.memory_space<vmem>>, %arg7: memref<1024xf32, #tpu.memory_space<vmem>>, %arg8: memref<1024xi32, #tpu.memory_space<vmem>>, %arg9: memref<1024xi32, #tpu.memory_space<vmem>>, %arg10: memref<512x128xf32, #tpu.memory_space<vmem>>, %arg11: memref<16384xi32, #tpu.memory_space<vmem>>, %arg12: memref<16384xi32, #tpu.memory_space<vmem>>, %arg13: memref<1024xi32, #tpu.memory_space<vmem>>, %arg14: memref<1024xi32, #tpu.memory_space<vmem>>, %arg15: memref<1024xi32, #tpu.memory_space<vmem>>, %arg16: memref<1024xi32, #tpu.memory_space<vmem>>, %arg17: memref<16xf32, #tpu.memory_space<vmem>>, %arg18: memref<!tpu.dma_semaphore, #tpu.memory_space<semaphore_mem>>) attributes {dimension_semantics = [#tpu.dimension_semantics<core_parallel>, #tpu.dimension_semantics<subcore_parallel>], iteration_bounds = array<i64: 2, 16>, scalar_prefetch = 0 : i64, scratch_operands = 13 : i64, tpu.core_type = #tpu.core_type<sc_vector_subcore>, window_params = [{transform_indices = #map}, {transform_indices = #map}, {transform_indices = #map}, {transform_indices = #map}]} {
    %lt3A = arith.constant 4 : i32
    %lt3A_0 = arith.cmpi slt, %arg1, %lt3A : i32
    %convert_element_type3A = arith.extui %lt3A_0 : i1 to i32
    %cond3A = arith.constant 0 : i32
    %cond3A_1 = arith.cmpi ne, %convert_element_type3A, %cond3A : i32
    scf.if %cond3A_1 {
      %mul3A = arith.constant 4 : i32
      %mul3A_2 = arith.muli %arg0, %mul3A : i32
      %add3A = arith.addi %mul3A_2, %arg1 : i32
      %iota3A = tpu.iota {dimensions = array<i32: 0>} : vector<16xi32>
      %broadcast_in_dim3A = arith.constant 0 : i32
      %broadcast_in_dim3A_3 = vector.broadcast %broadcast_in_dim3A : i32 to vector<16xi32>
      %scan3A = arith.constant 0 : i32
      %scan3A_4 = arith.constant 128 : i32
      %scan3A_5 = arith.addi %scan3A, %scan3A_4 : i32
      %scan3A_6 = arith.constant 1 : i32
      scf.for %scan3A_470 = %scan3A to %scan3A_5 step %scan3A_6  : i32 {
        %mul3A_471 = arith.constant 128 : i32
        %mul3A_472 = arith.muli %scan3A_470, %mul3A_471 : i32
        %add3A_473 = arith.constant 0 : i32
        %add3A_474 = arith.addi %add3A_473, %mul3A_472 : i32
        %add3A_475 = arith.constant 0 : i32
        %add3A_476 = arith.addi %add3A_474, %add3A_475 : i32
        %swap3A_477 = arith.index_cast %add3A_476 : i32 to index
        %swap3A_478 = tpu.vector_load %arg11[%swap3A_477] {strides = array<i32>} : memref<16384xi32, #tpu.memory_space<vmem>>, vector<16xi32>,
        tpu.vector_store %arg11[%swap3A_477], %broadcast_in_dim3A_3 {strides = array<i32>} : memref<16384xi32, #tpu.memory_space<vmem>>, vector<16xi32>,
        %add3A_479 = arith.constant 16 : i32
        %add3A_480 = arith.addi %add3A_474, %add3A_479 : i32
        %swap3A_481 = arith.index_cast %add3A_480 : i32 to index
        %swap3A_482 = tpu.vector_load %arg11[%swap3A_481] {strides = array<i32>} : memref<16384xi32, #tpu.memory_space<vmem>>, vector<16xi32>,
        tpu.vector_store %arg11[%swap3A_481], %broadcast_in_dim3A_3 {strides = array<i32>} : memref<16384xi32, #tpu.memory_space<vmem>>, vector<16xi32>,
        %add3A_483 = arith.constant 32 : i32
        %add3A_484 = arith.addi %add3A_474, %add3A_483 : i32
        %swap3A_485 = arith.index_cast %add3A_484 : i32 to index
        %swap3A_486 = tpu.vector_load %arg11[%swap3A_485] {strides = array<i32>} : memref<16384xi32, #tpu.memory_space<vmem>>, vector<16xi32>,
        tpu.vector_store %arg11[%swap3A_485], %broadcast_in_dim3A_3 {strides = array<i32>} : memref<16384xi32, #tpu.memory_space<vmem>>, vector<16xi32>,
        %add3A_487 = arith.constant 48 : i32
        %add3A_488 = arith.addi %add3A_474, %add3A_487 : i32
        %swap3A_489 = arith.index_cast %add3A_488 : i32 to index
        %swap3A_490 = tpu.vector_load %arg11[%swap3A_489] {strides = array<i32>} : memref<16384xi32, #tpu.memory_space<vmem>>, vector<16xi32>,
        tpu.vector_store %arg11[%swap3A_489], %broadcast_in_dim3A_3 {strides = array<i32>} : memref<16384xi32, #tpu.memory_space<vmem>>, vector<16xi32>,
        %add3A_491 = arith.constant 64 : i32
        %add3A_492 = arith.addi %add3A_474, %add3A_491 : i32
        %swap3A_493 = arith.index_cast %add3A_492 : i32 to index
        %swap3A_494 = tpu.vector_load %arg11[%swap3A_493] {strides = array<i32>} : memref<16384xi32, #tpu.memory_space<vmem>>, vector<16xi32>,
        tpu.vector_store %arg11[%swap3A_493], %broadcast_in_dim3A_3 {strides = array<i32>} : memref<16384xi32, #tpu.memory_space<vmem>>, vector<16xi32>,
        %add3A_495 = arith.constant 80 : i32
        %add3A_496 = arith.addi %add3A_474, %add3A_495 : i32
        %swap3A_497 = arith.index_cast %add3A_496 : i32 to index
        %swap3A_498 = tpu.vector_load %arg11[%swap3A_497] {strides = array<i32>} : memref<16384xi32, #tpu.memory_space<vmem>>, vector<16xi32>,
        tpu.vector_store %arg11[%swap3A_497], %broadcast_in_dim3A_3 {strides = array<i32>} : memref<16384xi32, #tpu.memory_space<vmem>>, vector<16xi32>,
        %add3A_499 = arith.constant 96 : i32
        %add3A_500 = arith.addi %add3A_474, %add3A_499 : i32
        %swap3A_501 = arith.index_cast %add3A_500 : i32 to index
        %swap3A_502 = tpu.vector_load %arg11[%swap3A_501] {strides = array<i32>} : memref<16384xi32, #tpu.memory_space<vmem>>, vector<16xi32>,
        tpu.vector_store %arg11[%swap3A_501], %broadcast_in_dim3A_3 {strides = array<i32>} : memref<16384xi32, #tpu.memory_space<vmem>>, vector<16xi32>,
        %add3A_503 = arith.constant 112 : i32
        %add3A_504 = arith.addi %add3A_474, %add3A_503 : i32
        %swap3A_505 = arith.index_cast %add3A_504 : i32 to index
        %swap3A_506 = tpu.vector_load %arg11[%swap3A_505] {strides = array<i32>} : memref<16384xi32, #tpu.memory_space<vmem>>, vector<16xi32>,
        tpu.vector_store %arg11[%swap3A_505], %broadcast_in_dim3A_3 {strides = array<i32>} : memref<16384xi32, #tpu.memory_space<vmem>>, vector<16xi32>,
      }
      %scan3A_7 = arith.constant 128 : i32
      %scan3A_8 = arith.constant 0 : i32
      %scan3A_9 = arith.constant 8 : i32
      %scan3A_10 = arith.addi %scan3A_8, %scan3A_9 : i32
      %scan3A_11 = arith.constant 1 : i32
      scf.for %scan3A_470 = %scan3A_8 to %scan3A_10 step %scan3A_11  : i32 {
        %mul3A_471 = arith.constant 128 : i32
        %mul3A_472 = arith.muli %scan3A_470, %mul3A_471 : i32
        %add3A_473 = arith.constant 0 : i32
        %add3A_474 = arith.addi %add3A_473, %mul3A_472 : i32
        %add3A_475 = arith.constant 0 : i32
        %add3A_476 = arith.addi %add3A_474, %add3A_475 : i32
        %swap3A_477 = arith.index_cast %add3A_476 : i32 to index
        %swap3A_478 = tpu.vector_load %arg8[%swap3A_477] {strides = array<i32>} : memref<1024xi32, #tpu.memory_space<vmem>>, vector<16xi32>,
        tpu.vector_store %arg8[%swap3A_477], %broadcast_in_dim3A_3 {strides = array<i32>} : memref<1024xi32, #tpu.memory_space<vmem>>, vector<16xi32>,
        %add3A_479 = arith.constant 16 : i32
        %add3A_480 = arith.addi %add3A_474, %add3A_479 : i32
        %swap3A_481 = arith.index_cast %add3A_480 : i32 to index
        %swap3A_482 = tpu.vector_load %arg8[%swap3A_481] {strides = array<i32>} : memref<1024xi32, #tpu.memory_space<vmem>>, vector<16xi32>,
        tpu.vector_store %arg8[%swap3A_481], %broadcast_in_dim3A_3 {strides = array<i32>} : memref<1024xi32, #tpu.memory_space<vmem>>, vector<16xi32>,
        %add3A_483 = arith.constant 32 : i32
        %add3A_484 = arith.addi %add3A_474, %add3A_483 : i32
        %swap3A_485 = arith.index_cast %add3A_484 : i32 to index
        %swap3A_486 = tpu.vector_load %arg8[%swap3A_485] {strides = array<i32>} : memref<1024xi32, #tpu.memory_space<vmem>>, vector<16xi32>,
        tpu.vector_store %arg8[%swap3A_485], %broadcast_in_dim3A_3 {strides = array<i32>} : memref<1024xi32, #tpu.memory_space<vmem>>, vector<16xi32>,
        %add3A_487 = arith.constant 48 : i32
        %add3A_488 = arith.addi %add3A_474, %add3A_487 : i32
        %swap3A_489 = arith.index_cast %add3A_488 : i32 to index
        %swap3A_490 = tpu.vector_load %arg8[%swap3A_489] {strides = array<i32>} : memref<1024xi32, #tpu.memory_space<vmem>>, vector<16xi32>,
        tpu.vector_store %arg8[%swap3A_489], %broadcast_in_dim3A_3 {strides = array<i32>} : memref<1024xi32, #tpu.memory_space<vmem>>, vector<16xi32>,
        %add3A_491 = arith.constant 64 : i32
        %add3A_492 = arith.addi %add3A_474, %add3A_491 : i32
        %swap3A_493 = arith.index_cast %add3A_492 : i32 to index
        %swap3A_494 = tpu.vector_load %arg8[%swap3A_493] {strides = array<i32>} : memref<1024xi32, #tpu.memory_space<vmem>>, vector<16xi32>,
        tpu.vector_store %arg8[%swap3A_493], %broadcast_in_dim3A_3 {strides = array<i32>} : memref<1024xi32, #tpu.memory_space<vmem>>, vector<16xi32>,
        %add3A_495 = arith.constant 80 : i32
        %add3A_496 = arith.addi %add3A_474, %add3A_495 : i32
        %swap3A_497 = arith.index_cast %add3A_496 : i32 to index
        %swap3A_498 = tpu.vector_load %arg8[%swap3A_497] {strides = array<i32>} : memref<1024xi32, #tpu.memory_space<vmem>>, vector<16xi32>,
        tpu.vector_store %arg8[%swap3A_497], %broadcast_in_dim3A_3 {strides = array<i32>} : memref<1024xi32, #tpu.memory_space<vmem>>, vector<16xi32>,
        %add3A_499 = arith.constant 96 : i32
        %add3A_500 = arith.addi %add3A_474, %add3A_499 : i32
        %swap3A_501 = arith.index_cast %add3A_500 : i32 to index
        %swap3A_502 = tpu.vector_load %arg8[%swap3A_501] {strides = array<i32>} : memref<1024xi32, #tpu.memory_space<vmem>>, vector<16xi32>,
        tpu.vector_store %arg8[%swap3A_501], %broadcast_in_dim3A_3 {strides = array<i32>} : memref<1024xi32, #tpu.memory_space<vmem>>, vector<16xi32>,
        %add3A_503 = arith.constant 112 : i32
        %add3A_504 = arith.addi %add3A_474, %add3A_503 : i32
        %swap3A_505 = arith.index_cast %add3A_504 : i32 to index
        %swap3A_506 = tpu.vector_load %arg8[%swap3A_505] {strides = array<i32>} : memref<1024xi32, #tpu.memory_space<vmem>>, vector<16xi32>,
        tpu.vector_store %arg8[%swap3A_505], %broadcast_in_dim3A_3 {strides = array<i32>} : memref<1024xi32, #tpu.memory_space<vmem>>, vector<16xi32>,
      }
      %scan3A_12 = arith.constant 8 : i32
      %scan3A_13 = arith.constant 0 : i32
      %scan3A_14 = arith.constant 8 : i32
      %scan3A_15 = arith.addi %scan3A_13, %scan3A_14 : i32
      %scan3A_16 = arith.constant 1 : i32
      scf.for %scan3A_470 = %scan3A_13 to %scan3A_15 step %scan3A_16  : i32 {
        %mul3A_471 = arith.constant 128 : i32
        %mul3A_472 = arith.muli %scan3A_470, %mul3A_471 : i32
        %add3A_473 = arith.constant 0 : i32
        %add3A_474 = arith.addi %add3A_473, %mul3A_472 : i32
        %add3A_475 = arith.constant 0 : i32
        %add3A_476 = arith.addi %add3A_474, %add3A_475 : i32
        %swap3A_477 = arith.index_cast %add3A_476 : i32 to index
        %swap3A_478 = tpu.vector_load %arg9[%swap3A_477] {strides = array<i32>} : memref<1024xi32, #tpu.memory_space<vmem>>, vector<16xi32>,
        tpu.vector_store %arg9[%swap3A_477], %broadcast_in_dim3A_3 {strides = array<i32>} : memref<1024xi32, #tpu.memory_space<vmem>>, vector<16xi32>,
        %add3A_479 = arith.constant 16 : i32
        %add3A_480 = arith.addi %add3A_474, %add3A_479 : i32
        %swap3A_481 = arith.index_cast %add3A_480 : i32 to index
        %swap3A_482 = tpu.vector_load %arg9[%swap3A_481] {strides = array<i32>} : memref<1024xi32, #tpu.memory_space<vmem>>, vector<16xi32>,
        tpu.vector_store %arg9[%swap3A_481], %broadcast_in_dim3A_3 {strides = array<i32>} : memref<1024xi32, #tpu.memory_space<vmem>>, vector<16xi32>,
        %add3A_483 = arith.constant 32 : i32
        %add3A_484 = arith.addi %add3A_474, %add3A_483 : i32
        %swap3A_485 = arith.index_cast %add3A_484 : i32 to index
        %swap3A_486 = tpu.vector_load %arg9[%swap3A_485] {strides = array<i32>} : memref<1024xi32, #tpu.memory_space<vmem>>, vector<16xi32>,
        tpu.vector_store %arg9[%swap3A_485], %broadcast_in_dim3A_3 {strides = array<i32>} : memref<1024xi32, #tpu.memory_space<vmem>>, vector<16xi32>,
        %add3A_487 = arith.constant 48 : i32
        %add3A_488 = arith.addi %add3A_474, %add3A_487 : i32
        %swap3A_489 = arith.index_cast %add3A_488 : i32 to index
        %swap3A_490 = tpu.vector_load %arg9[%swap3A_489] {strides = array<i32>} : memref<1024xi32, #tpu.memory_space<vmem>>, vector<16xi32>,
        tpu.vector_store %arg9[%swap3A_489], %broadcast_in_dim3A_3 {strides = array<i32>} : memref<1024xi32, #tpu.memory_space<vmem>>, vector<16xi32>,
        %add3A_491 = arith.constant 64 : i32
        %add3A_492 = arith.addi %add3A_474, %add3A_491 : i32
        %swap3A_493 = arith.index_cast %add3A_492 : i32 to index
        %swap3A_494 = tpu.vector_load %arg9[%swap3A_493] {strides = array<i32>} : memref<1024xi32, #tpu.memory_space<vmem>>, vector<16xi32>,
        tpu.vector_store %arg9[%swap3A_493], %broadcast_in_dim3A_3 {strides = array<i32>} : memref<1024xi32, #tpu.memory_space<vmem>>, vector<16xi32>,
        %add3A_495 = arith.constant 80 : i32
        %add3A_496 = arith.addi %add3A_474, %add3A_495 : i32
        %swap3A_497 = arith.index_cast %add3A_496 : i32 to index
        %swap3A_498 = tpu.vector_load %arg9[%swap3A_497] {strides = array<i32>} : memref<1024xi32, #tpu.memory_space<vmem>>, vector<16xi32>,
        tpu.vector_store %arg9[%swap3A_497], %broadcast_in_dim3A_3 {strides = array<i32>} : memref<1024xi32, #tpu.memory_space<vmem>>, vector<16xi32>,
        %add3A_499 = arith.constant 96 : i32
        %add3A_500 = arith.addi %add3A_474, %add3A_499 : i32
        %swap3A_501 = arith.index_cast %add3A_500 : i32 to index
        %swap3A_502 = tpu.vector_load %arg9[%swap3A_501] {strides = array<i32>} : memref<1024xi32, #tpu.memory_space<vmem>>, vector<16xi32>,
        tpu.vector_store %arg9[%swap3A_501], %broadcast_in_dim3A_3 {strides = array<i32>} : memref<1024xi32, #tpu.memory_space<vmem>>, vector<16xi32>,
        %add3A_503 = arith.constant 112 : i32
        %add3A_504 = arith.addi %add3A_474, %add3A_503 : i32
        %swap3A_505 = arith.index_cast %add3A_504 : i32 to index
        %swap3A_506 = tpu.vector_load %arg9[%swap3A_505] {strides = array<i32>} : memref<1024xi32, #tpu.memory_space<vmem>>, vector<16xi32>,
        tpu.vector_store %arg9[%swap3A_505], %broadcast_in_dim3A_3 {strides = array<i32>} : memref<1024xi32, #tpu.memory_space<vmem>>, vector<16xi32>,
      }
      %scan3A_17 = arith.constant 8 : i32
      %scan3A_18 = arith.constant 0 : i32
      %scan3A_19 = arith.constant 8 : i32
      %scan3A_20 = arith.addi %scan3A_18, %scan3A_19 : i32
      %scan3A_21 = arith.constant 1 : i32
      scf.for %scan3A_470 = %scan3A_18 to %scan3A_20 step %scan3A_21  : i32 {
        %mul3A_471 = arith.constant 128 : i32
        %mul3A_472 = arith.muli %scan3A_470, %mul3A_471 : i32
        %add3A_473 = arith.constant 0 : i32
        %add3A_474 = arith.addi %add3A_473, %mul3A_472 : i32
        %add3A_475 = arith.constant 0 : i32
        %add3A_476 = arith.addi %add3A_474, %add3A_475 : i32
        %swap3A_477 = arith.index_cast %add3A_476 : i32 to index
        %swap3A_478 = tpu.vector_load %arg13[%swap3A_477] {strides = array<i32>} : memref<1024xi32, #tpu.memory_space<vmem>>, vector<16xi32>,
        tpu.vector_store %arg13[%swap3A_477], %broadcast_in_dim3A_3 {strides = array<i32>} : memref<1024xi32, #tpu.memory_space<vmem>>, vector<16xi32>,
        %add3A_479 = arith.constant 16 : i32
        %add3A_480 = arith.addi %add3A_474, %add3A_479 : i32
        %swap3A_481 = arith.index_cast %add3A_480 : i32 to index
        %swap3A_482 = tpu.vector_load %arg13[%swap3A_481] {strides = array<i32>} : memref<1024xi32, #tpu.memory_space<vmem>>, vector<16xi32>,
        tpu.vector_store %arg13[%swap3A_481], %broadcast_in_dim3A_3 {strides = array<i32>} : memref<1024xi32, #tpu.memory_space<vmem>>, vector<16xi32>,
        %add3A_483 = arith.constant 32 : i32
        %add3A_484 = arith.addi %add3A_474, %add3A_483 : i32
        %swap3A_485 = arith.index_cast %add3A_484 : i32 to index
        %swap3A_486 = tpu.vector_load %arg13[%swap3A_485] {strides = array<i32>} : memref<1024xi32, #tpu.memory_space<vmem>>, vector<16xi32>,
        tpu.vector_store %arg13[%swap3A_485], %broadcast_in_dim3A_3 {strides = array<i32>} : memref<1024xi32, #tpu.memory_space<vmem>>, vector<16xi32>,
        %add3A_487 = arith.constant 48 : i32
        %add3A_488 = arith.addi %add3A_474, %add3A_487 : i32
        %swap3A_489 = arith.index_cast %add3A_488 : i32 to index
        %swap3A_490 = tpu.vector_load %arg13[%swap3A_489] {strides = array<i32>} : memref<1024xi32, #tpu.memory_space<vmem>>, vector<16xi32>,
        tpu.vector_store %arg13[%swap3A_489], %broadcast_in_dim3A_3 {strides = array<i32>} : memref<1024xi32, #tpu.memory_space<vmem>>, vector<16xi32>,
        %add3A_491 = arith.constant 64 : i32
        %add3A_492 = arith.addi %add3A_474, %add3A_491 : i32
        %swap3A_493 = arith.index_cast %add3A_492 : i32 to index
        %swap3A_494 = tpu.vector_load %arg13[%swap3A_493] {strides = array<i32>} : memref<1024xi32, #tpu.memory_space<vmem>>, vector<16xi32>,
        tpu.vector_store %arg13[%swap3A_493], %broadcast_in_dim3A_3 {strides = array<i32>} : memref<1024xi32, #tpu.memory_space<vmem>>, vector<16xi32>,
        %add3A_495 = arith.constant 80 : i32
        %add3A_496 = arith.addi %add3A_474, %add3A_495 : i32
        %swap3A_497 = arith.index_cast %add3A_496 : i32 to index
        %swap3A_498 = tpu.vector_load %arg13[%swap3A_497] {strides = array<i32>} : memref<1024xi32, #tpu.memory_space<vmem>>, vector<16xi32>,
        tpu.vector_store %arg13[%swap3A_497], %broadcast_in_dim3A_3 {strides = array<i32>} : memref<1024xi32, #tpu.memory_space<vmem>>, vector<16xi32>,
        %add3A_499 = arith.constant 96 : i32
        %add3A_500 = arith.addi %add3A_474, %add3A_499 : i32
        %swap3A_501 = arith.index_cast %add3A_500 : i32 to index
        %swap3A_502 = tpu.vector_load %arg13[%swap3A_501] {strides = array<i32>} : memref<1024xi32, #tpu.memory_space<vmem>>, vector<16xi32>,
        tpu.vector_store %arg13[%swap3A_501], %broadcast_in_dim3A_3 {strides = array<i32>} : memref<1024xi32, #tpu.memory_space<vmem>>, vector<16xi32>,
        %add3A_503 = arith.constant 112 : i32
        %add3A_504 = arith.addi %add3A_474, %add3A_503 : i32
        %swap3A_505 = arith.index_cast %add3A_504 : i32 to index
        %swap3A_506 = tpu.vector_load %arg13[%swap3A_505] {strides = array<i32>} : memref<1024xi32, #tpu.memory_space<vmem>>, vector<16xi32>,
        tpu.vector_store %arg13[%swap3A_505], %broadcast_in_dim3A_3 {strides = array<i32>} : memref<1024xi32, #tpu.memory_space<vmem>>, vector<16xi32>,
      }
      %scan3A_22 = arith.constant 8 : i32
      %scan3A_23 = arith.constant 0 : i32
      %scan3A_24 = arith.constant 8 : i32
      %scan3A_25 = arith.addi %scan3A_23, %scan3A_24 : i32
      %scan3A_26 = arith.constant 1 : i32
      scf.for %scan3A_470 = %scan3A_23 to %scan3A_25 step %scan3A_26  : i32 {
        %mul3A_471 = arith.constant 128 : i32
        %mul3A_472 = arith.muli %scan3A_470, %mul3A_471 : i32
        %add3A_473 = arith.constant 0 : i32
        %add3A_474 = arith.addi %add3A_473, %mul3A_472 : i32
        %add3A_475 = arith.constant 0 : i32
        %add3A_476 = arith.addi %add3A_474, %add3A_475 : i32
        %swap3A_477 = arith.index_cast %add3A_476 : i32 to index
        %swap3A_478 = tpu.vector_load %arg14[%swap3A_477] {strides = array<i32>} : memref<1024xi32, #tpu.memory_space<vmem>>, vector<16xi32>,
        tpu.vector_store %arg14[%swap3A_477], %broadcast_in_dim3A_3 {strides = array<i32>} : memref<1024xi32, #tpu.memory_space<vmem>>, vector<16xi32>,
        %add3A_479 = arith.constant 16 : i32
        %add3A_480 = arith.addi %add3A_474, %add3A_479 : i32
        %swap3A_481 = arith.index_cast %add3A_480 : i32 to index
        %swap3A_482 = tpu.vector_load %arg14[%swap3A_481] {strides = array<i32>} : memref<1024xi32, #tpu.memory_space<vmem>>, vector<16xi32>,
        tpu.vector_store %arg14[%swap3A_481], %broadcast_in_dim3A_3 {strides = array<i32>} : memref<1024xi32, #tpu.memory_space<vmem>>, vector<16xi32>,
        %add3A_483 = arith.constant 32 : i32
        %add3A_484 = arith.addi %add3A_474, %add3A_483 : i32
        %swap3A_485 = arith.index_cast %add3A_484 : i32 to index
        %swap3A_486 = tpu.vector_load %arg14[%swap3A_485] {strides = array<i32>} : memref<1024xi32, #tpu.memory_space<vmem>>, vector<16xi32>,
        tpu.vector_store %arg14[%swap3A_485], %broadcast_in_dim3A_3 {strides = array<i32>} : memref<1024xi32, #tpu.memory_space<vmem>>, vector<16xi32>,
        %add3A_487 = arith.constant 48 : i32
        %add3A_488 = arith.addi %add3A_474, %add3A_487 : i32
        %swap3A_489 = arith.index_cast %add3A_488 : i32 to index
        %swap3A_490 = tpu.vector_load %arg14[%swap3A_489] {strides = array<i32>} : memref<1024xi32, #tpu.memory_space<vmem>>, vector<16xi32>,
        tpu.vector_store %arg14[%swap3A_489], %broadcast_in_dim3A_3 {strides = array<i32>} : memref<1024xi32, #tpu.memory_space<vmem>>, vector<16xi32>,
        %add3A_491 = arith.constant 64 : i32
        %add3A_492 = arith.addi %add3A_474, %add3A_491 : i32
        %swap3A_493 = arith.index_cast %add3A_492 : i32 to index
        %swap3A_494 = tpu.vector_load %arg14[%swap3A_493] {strides = array<i32>} : memref<1024xi32, #tpu.memory_space<vmem>>, vector<16xi32>,
        tpu.vector_store %arg14[%swap3A_493], %broadcast_in_dim3A_3 {strides = array<i32>} : memref<1024xi32, #tpu.memory_space<vmem>>, vector<16xi32>,
        %add3A_495 = arith.constant 80 : i32
        %add3A_496 = arith.addi %add3A_474, %add3A_495 : i32
        %swap3A_497 = arith.index_cast %add3A_496 : i32 to index
        %swap3A_498 = tpu.vector_load %arg14[%swap3A_497] {strides = array<i32>} : memref<1024xi32, #tpu.memory_space<vmem>>, vector<16xi32>,
        tpu.vector_store %arg14[%swap3A_497], %broadcast_in_dim3A_3 {strides = array<i32>} : memref<1024xi32, #tpu.memory_space<vmem>>, vector<16xi32>,
        %add3A_499 = arith.constant 96 : i32
        %add3A_500 = arith.addi %add3A_474, %add3A_499 : i32
        %swap3A_501 = arith.index_cast %add3A_500 : i32 to index
        %swap3A_502 = tpu.vector_load %arg14[%swap3A_501] {strides = array<i32>} : memref<1024xi32, #tpu.memory_space<vmem>>, vector<16xi32>,
        tpu.vector_store %arg14[%swap3A_501], %broadcast_in_dim3A_3 {strides = array<i32>} : memref<1024xi32, #tpu.memory_space<vmem>>, vector<16xi32>,
        %add3A_503 = arith.constant 112 : i32
        %add3A_504 = arith.addi %add3A_474, %add3A_503 : i32
        %swap3A_505 = arith.index_cast %add3A_504 : i32 to index
        %swap3A_506 = tpu.vector_load %arg14[%swap3A_505] {strides = array<i32>} : memref<1024xi32, #tpu.memory_space<vmem>>, vector<16xi32>,
        tpu.vector_store %arg14[%swap3A_505], %broadcast_in_dim3A_3 {strides = array<i32>} : memref<1024xi32, #tpu.memory_space<vmem>>, vector<16xi32>,
      }
      %scan3A_27 = arith.constant 8 : i32
      %scan3A_28 = arith.constant 0 : i32
      %scan3A_29 = arith.constant 8 : i32
      %scan3A_30 = arith.addi %scan3A_28, %scan3A_29 : i32
      %scan3A_31 = arith.constant 1 : i32
      scf.for %scan3A_470 = %scan3A_28 to %scan3A_30 step %scan3A_31  : i32 {
        %mul3A_471 = arith.constant 128 : i32
        %mul3A_472 = arith.muli %scan3A_470, %mul3A_471 : i32
        %add3A_473 = arith.constant 0 : i32
        %add3A_474 = arith.addi %add3A_473, %mul3A_472 : i32
        %add3A_475 = arith.constant 0 : i32
        %add3A_476 = arith.addi %add3A_474, %add3A_475 : i32
        %swap3A_477 = arith.index_cast %add3A_476 : i32 to index
        %swap3A_478 = tpu.vector_load %arg15[%swap3A_477] {strides = array<i32>} : memref<1024xi32, #tpu.memory_space<vmem>>, vector<16xi32>,
        tpu.vector_store %arg15[%swap3A_477], %broadcast_in_dim3A_3 {strides = array<i32>} : memref<1024xi32, #tpu.memory_space<vmem>>, vector<16xi32>,
        %add3A_479 = arith.constant 16 : i32
        %add3A_480 = arith.addi %add3A_474, %add3A_479 : i32
        %swap3A_481 = arith.index_cast %add3A_480 : i32 to index
        %swap3A_482 = tpu.vector_load %arg15[%swap3A_481] {strides = array<i32>} : memref<1024xi32, #tpu.memory_space<vmem>>, vector<16xi32>,
        tpu.vector_store %arg15[%swap3A_481], %broadcast_in_dim3A_3 {strides = array<i32>} : memref<1024xi32, #tpu.memory_space<vmem>>, vector<16xi32>,
        %add3A_483 = arith.constant 32 : i32
        %add3A_484 = arith.addi %add3A_474, %add3A_483 : i32
        %swap3A_485 = arith.index_cast %add3A_484 : i32 to index
        %swap3A_486 = tpu.vector_load %arg15[%swap3A_485] {strides = array<i32>} : memref<1024xi32, #tpu.memory_space<vmem>>, vector<16xi32>,
        tpu.vector_store %arg15[%swap3A_485], %broadcast_in_dim3A_3 {strides = array<i32>} : memref<1024xi32, #tpu.memory_space<vmem>>, vector<16xi32>,
        %add3A_487 = arith.constant 48 : i32
        %add3A_488 = arith.addi %add3A_474, %add3A_487 : i32
        %swap3A_489 = arith.index_cast %add3A_488 : i32 to index
        %swap3A_490 = tpu.vector_load %arg15[%swap3A_489] {strides = array<i32>} : memref<1024xi32, #tpu.memory_space<vmem>>, vector<16xi32>,
        tpu.vector_store %arg15[%swap3A_489], %broadcast_in_dim3A_3 {strides = array<i32>} : memref<1024xi32, #tpu.memory_space<vmem>>, vector<16xi32>,
        %add3A_491 = arith.constant 64 : i32
        %add3A_492 = arith.addi %add3A_474, %add3A_491 : i32
        %swap3A_493 = arith.index_cast %add3A_492 : i32 to index
        %swap3A_494 = tpu.vector_load %arg15[%swap3A_493] {strides = array<i32>} : memref<1024xi32, #tpu.memory_space<vmem>>, vector<16xi32>,
        tpu.vector_store %arg15[%swap3A_493], %broadcast_in_dim3A_3 {strides = array<i32>} : memref<1024xi32, #tpu.memory_space<vmem>>, vector<16xi32>,
        %add3A_495 = arith.constant 80 : i32
        %add3A_496 = arith.addi %add3A_474, %add3A_495 : i32
        %swap3A_497 = arith.index_cast %add3A_496 : i32 to index
        %swap3A_498 = tpu.vector_load %arg15[%swap3A_497] {strides = array<i32>} : memref<1024xi32, #tpu.memory_space<vmem>>, vector<16xi32>,
        tpu.vector_store %arg15[%swap3A_497], %broadcast_in_dim3A_3 {strides = array<i32>} : memref<1024xi32, #tpu.memory_space<vmem>>, vector<16xi32>,
        %add3A_499 = arith.constant 96 : i32
        %add3A_500 = arith.addi %add3A_474, %add3A_499 : i32
        %swap3A_501 = arith.index_cast %add3A_500 : i32 to index
        %swap3A_502 = tpu.vector_load %arg15[%swap3A_501] {strides = array<i32>} : memref<1024xi32, #tpu.memory_space<vmem>>, vector<16xi32>,
        tpu.vector_store %arg15[%swap3A_501], %broadcast_in_dim3A_3 {strides = array<i32>} : memref<1024xi32, #tpu.memory_space<vmem>>, vector<16xi32>,
        %add3A_503 = arith.constant 112 : i32
        %add3A_504 = arith.addi %add3A_474, %add3A_503 : i32
        %swap3A_505 = arith.index_cast %add3A_504 : i32 to index
        %swap3A_506 = tpu.vector_load %arg15[%swap3A_505] {strides = array<i32>} : memref<1024xi32, #tpu.memory_space<vmem>>, vector<16xi32>,
        tpu.vector_store %arg15[%swap3A_505], %broadcast_in_dim3A_3 {strides = array<i32>} : memref<1024xi32, #tpu.memory_space<vmem>>, vector<16xi32>,
      }
      %scan3A_32 = arith.constant 8 : i32
      %scan3A_33 = arith.constant 0 : i32
      %scan3A_34 = arith.constant 8 : i32
      %scan3A_35 = arith.addi %scan3A_33, %scan3A_34 : i32
      %scan3A_36 = arith.constant 1 : i32
      scf.for %scan3A_470 = %scan3A_33 to %scan3A_35 step %scan3A_36  : i32 {
        %mul3A_471 = arith.constant 128 : i32
        %mul3A_472 = arith.muli %scan3A_470, %mul3A_471 : i32
        %add3A_473 = arith.constant 0 : i32
        %add3A_474 = arith.addi %add3A_473, %mul3A_472 : i32
        %add3A_475 = arith.constant 0 : i32
        %add3A_476 = arith.addi %add3A_474, %add3A_475 : i32
        %swap3A_477 = arith.index_cast %add3A_476 : i32 to index
        %swap3A_478 = tpu.vector_load %arg16[%swap3A_477] {strides = array<i32>} : memref<1024xi32, #tpu.memory_space<vmem>>, vector<16xi32>,
        tpu.vector_store %arg16[%swap3A_477], %broadcast_in_dim3A_3 {strides = array<i32>} : memref<1024xi32, #tpu.memory_space<vmem>>, vector<16xi32>,
        %add3A_479 = arith.constant 16 : i32
        %add3A_480 = arith.addi %add3A_474, %add3A_479 : i32
        %swap3A_481 = arith.index_cast %add3A_480 : i32 to index
        %swap3A_482 = tpu.vector_load %arg16[%swap3A_481] {strides = array<i32>} : memref<1024xi32, #tpu.memory_space<vmem>>, vector<16xi32>,
        tpu.vector_store %arg16[%swap3A_481], %broadcast_in_dim3A_3 {strides = array<i32>} : memref<1024xi32, #tpu.memory_space<vmem>>, vector<16xi32>,
        %add3A_483 = arith.constant 32 : i32
        %add3A_484 = arith.addi %add3A_474, %add3A_483 : i32
        %swap3A_485 = arith.index_cast %add3A_484 : i32 to index
        %swap3A_486 = tpu.vector_load %arg16[%swap3A_485] {strides = array<i32>} : memref<1024xi32, #tpu.memory_space<vmem>>, vector<16xi32>,
        tpu.vector_store %arg16[%swap3A_485], %broadcast_in_dim3A_3 {strides = array<i32>} : memref<1024xi32, #tpu.memory_space<vmem>>, vector<16xi32>,
        %add3A_487 = arith.constant 48 : i32
        %add3A_488 = arith.addi %add3A_474, %add3A_487 : i32
        %swap3A_489 = arith.index_cast %add3A_488 : i32 to index
        %swap3A_490 = tpu.vector_load %arg16[%swap3A_489] {strides = array<i32>} : memref<1024xi32, #tpu.memory_space<vmem>>, vector<16xi32>,
        tpu.vector_store %arg16[%swap3A_489], %broadcast_in_dim3A_3 {strides = array<i32>} : memref<1024xi32, #tpu.memory_space<vmem>>, vector<16xi32>,
        %add3A_491 = arith.constant 64 : i32
        %add3A_492 = arith.addi %add3A_474, %add3A_491 : i32
        %swap3A_493 = arith.index_cast %add3A_492 : i32 to index
        %swap3A_494 = tpu.vector_load %arg16[%swap3A_493] {strides = array<i32>} : memref<1024xi32, #tpu.memory_space<vmem>>, vector<16xi32>,
        tpu.vector_store %arg16[%swap3A_493], %broadcast_in_dim3A_3 {strides = array<i32>} : memref<1024xi32, #tpu.memory_space<vmem>>, vector<16xi32>,
        %add3A_495 = arith.constant 80 : i32
        %add3A_496 = arith.addi %add3A_474, %add3A_495 : i32
        %swap3A_497 = arith.index_cast %add3A_496 : i32 to index
        %swap3A_498 = tpu.vector_load %arg16[%swap3A_497] {strides = array<i32>} : memref<1024xi32, #tpu.memory_space<vmem>>, vector<16xi32>,
        tpu.vector_store %arg16[%swap3A_497], %broadcast_in_dim3A_3 {strides = array<i32>} : memref<1024xi32, #tpu.memory_space<vmem>>, vector<16xi32>,
        %add3A_499 = arith.constant 96 : i32
        %add3A_500 = arith.addi %add3A_474, %add3A_499 : i32
        %swap3A_501 = arith.index_cast %add3A_500 : i32 to index
        %swap3A_502 = tpu.vector_load %arg16[%swap3A_501] {strides = array<i32>} : memref<1024xi32, #tpu.memory_space<vmem>>, vector<16xi32>,
        tpu.vector_store %arg16[%swap3A_501], %broadcast_in_dim3A_3 {strides = array<i32>} : memref<1024xi32, #tpu.memory_space<vmem>>, vector<16xi32>,
        %add3A_503 = arith.constant 112 : i32
        %add3A_504 = arith.addi %add3A_474, %add3A_503 : i32
        %swap3A_505 = arith.index_cast %add3A_504 : i32 to index
        %swap3A_506 = tpu.vector_load %arg16[%swap3A_505] {strides = array<i32>} : memref<1024xi32, #tpu.memory_space<vmem>>, vector<16xi32>,
        tpu.vector_store %arg16[%swap3A_505], %broadcast_in_dim3A_3 {strides = array<i32>} : memref<1024xi32, #tpu.memory_space<vmem>>, vector<16xi32>,
      }
      %scan3A_37 = arith.constant 8 : i32
      "tpu.region"() ({
        %run_scoped3A = tpu.sem_alloc : memref<!tpu.dma_semaphore, #tpu.memory_space<semaphore_mem>>
        %dma_start3A_470 = arith.constant 0 : i32
        %dma_start3A_471 = tpu.memref_slice %arg2[%add3A, %dma_start3A_470] : memref<8x16384xf32, #tpu.memory_space<hbm>> -> memref<1x16384xf32, #tpu.memory_space<hbm>>
        %dma_start3A_472 = tpu.memref_squeeze %dma_start3A_471 : memref<1x16384xf32, #tpu.memory_space<hbm>> -> memref<16384xf32, #tpu.memory_space<hbm>>
        %dma_start3A_473 = arith.constant 0 : i32
        %dma_start3A_474 = tpu.memref_slice %arg2[%add3A, %dma_start3A_473] : memref<8x16384xf32, #tpu.memory_space<hbm>> -> memref<1x16384xf32, #tpu.memory_space<hbm>>
        %dma_start3A_475 = tpu.memref_squeeze %dma_start3A_474 : memref<1x16384xf32, #tpu.memory_space<hbm>> -> memref<16384xf32, #tpu.memory_space<hbm>>
        tpu.enqueue_dma source(%dma_start3A_475 : memref<16384xf32, #tpu.memory_space<hbm>>) target(%arg6 : memref<16384xf32, #tpu.memory_space<vmem>>) target_semaphore(%run_scoped3A : memref<!tpu.dma_semaphore, #tpu.memory_space<semaphore_mem>>)
        %dma_wait3A_476 = arith.constant 0 : i32
        %dma_wait3A_477 = tpu.memref_slice %arg2[%add3A, %dma_wait3A_476] : memref<8x16384xf32, #tpu.memory_space<hbm>> -> memref<1x16384xf32, #tpu.memory_space<hbm>>
        %dma_wait3A_478 = tpu.memref_squeeze %dma_wait3A_477 : memref<1x16384xf32, #tpu.memory_space<hbm>> -> memref<16384xf32, #tpu.memory_space<hbm>>
        %dma_wait3A_479 = arith.constant 0 : i32
        %dma_wait3A_480 = tpu.memref_slice %arg2[%add3A, %dma_wait3A_479] : memref<8x16384xf32, #tpu.memory_space<hbm>> -> memref<1x16384xf32, #tpu.memory_space<hbm>>
        %dma_wait3A_481 = tpu.memref_squeeze %dma_wait3A_480 : memref<1x16384xf32, #tpu.memory_space<hbm>> -> memref<16384xf32, #tpu.memory_space<hbm>>
        tpu.wait_dma2 semaphore(%run_scoped3A : memref<!tpu.dma_semaphore, #tpu.memory_space<semaphore_mem>>) src(%dma_wait3A_481 : memref<16384xf32, #tpu.memory_space<hbm>>) dst(%arg6 : memref<16384xf32, #tpu.memory_space<vmem>>)
        tpu.yield
      }) : () -> ()
      %scan3A_38 = arith.constant 0 : i32
      %scan3A_39 = arith.constant 64 : i32
      %scan3A_40 = arith.addi %scan3A_38, %scan3A_39 : i32
      %scan3A_41 = arith.constant 1 : i32
      scf.for %scan3A_470 = %scan3A_38 to %scan3A_40 step %scan3A_41  : i32 {
        %mul3A_471 = arith.constant 16 : i32
        %mul3A_472 = arith.muli %scan3A_470, %mul3A_471 : i32
        %add3A_473 = arith.constant 0 : i32
        %add3A_474 = arith.addi %add3A_473, %mul3A_472 : i32
        %mul3A_475 = arith.constant 16 : i32
        %mul3A_476 = arith.muli %add3A_474, %mul3A_475 : i32
        %mul3A_477 = arith.constant 16 : i32
        %mul3A_478 = vector.broadcast %mul3A_477 : i32 to vector<16xi32>
        %mul3A_479 = arith.muli %iota3A, %mul3A_478 : vector<16xi32>
        %add3A_480 = vector.broadcast %mul3A_476 : i32 to vector<16xi32>
        %add3A_481 = arith.addi %add3A_480, %mul3A_479 : vector<16xi32>
        %gather3A = tpu.vector_load_idx %arg6[%add3A_481] : memref<16384xf32, #tpu.memory_space<vmem>>[vector<16xi32>], vector<16xf32>,
        %add3A_482 = arith.constant 1 : i32
        %add3A_483 = vector.broadcast %add3A_482 : i32 to vector<16xi32>
        %add3A_484 = arith.addi %add3A_481, %add3A_483 : vector<16xi32>
        %gather3A_485 = tpu.vector_load_idx %arg6[%add3A_484] : memref<16384xf32, #tpu.memory_space<vmem>>[vector<16xi32>], vector<16xf32>,
        %max3A = arith.maximumf %gather3A, %gather3A_485 : vector<16xf32>
        %add3A_486 = arith.constant 2 : i32
        %add3A_487 = vector.broadcast %add3A_486 : i32 to vector<16xi32>
        %add3A_488 = arith.addi %add3A_481, %add3A_487 : vector<16xi32>
        %gather3A_489 = tpu.vector_load_idx %arg6[%add3A_488] : memref<16384xf32, #tpu.memory_space<vmem>>[vector<16xi32>], vector<16xf32>,
        %max3A_490 = arith.maximumf %max3A, %gather3A_489 : vector<16xf32>
        %add3A_491 = arith.constant 3 : i32
        %add3A_492 = vector.broadcast %add3A_491 : i32 to vector<16xi32>
        %add3A_493 = arith.addi %add3A_481, %add3A_492 : vector<16xi32>
        %gather3A_494 = tpu.vector_load_idx %arg6[%add3A_493] : memref<16384xf32, #tpu.memory_space<vmem>>[vector<16xi32>], vector<16xf32>,
        %max3A_495 = arith.maximumf %max3A_490, %gather3A_494 : vector<16xf32>
        %add3A_496 = arith.constant 4 : i32
        %add3A_497 = vector.broadcast %add3A_496 : i32 to vector<16xi32>
        %add3A_498 = arith.addi %add3A_481, %add3A_497 : vector<16xi32>
        %gather3A_499 = tpu.vector_load_idx %arg6[%add3A_498] : memref<16384xf32, #tpu.memory_space<vmem>>[vector<16xi32>], vector<16xf32>,
        %max3A_500 = arith.maximumf %max3A_495, %gather3A_499 : vector<16xf32>
        %add3A_501 = arith.constant 5 : i32
        %add3A_502 = vector.broadcast %add3A_501 : i32 to vector<16xi32>
        %add3A_503 = arith.addi %add3A_481, %add3A_502 : vector<16xi32>
        %gather3A_504 = tpu.vector_load_idx %arg6[%add3A_503] : memref<16384xf32, #tpu.memory_space<vmem>>[vector<16xi32>], vector<16xf32>,
        %max3A_505 = arith.maximumf %max3A_500, %gather3A_504 : vector<16xf32>
        %add3A_506 = arith.constant 6 : i32
        %add3A_507 = vector.broadcast %add3A_506 : i32 to vector<16xi32>
        %add3A_508 = arith.addi %add3A_481, %add3A_507 : vector<16xi32>
        %gather3A_509 = tpu.vector_load_idx %arg6[%add3A_508] : memref<16384xf32, #tpu.memory_space<vmem>>[vector<16xi32>], vector<16xf32>,
        %max3A_510 = arith.maximumf %max3A_505, %gather3A_509 : vector<16xf32>
        %add3A_511 = arith.constant 7 : i32
        %add3A_512 = vector.broadcast %add3A_511 : i32 to vector<16xi32>
        %add3A_513 = arith.addi %add3A_481, %add3A_512 : vector<16xi32>
        %gather3A_514 = tpu.vector_load_idx %arg6[%add3A_513] : memref<16384xf32, #tpu.memory_space<vmem>>[vector<16xi32>], vector<16xf32>,
        %max3A_515 = arith.maximumf %max3A_510, %gather3A_514 : vector<16xf32>
        %add3A_516 = arith.constant 8 : i32
        %add3A_517 = vector.broadcast %add3A_516 : i32 to vector<16xi32>
        %add3A_518 = arith.addi %add3A_481, %add3A_517 : vector<16xi32>
        %gather3A_519 = tpu.vector_load_idx %arg6[%add3A_518] : memref<16384xf32, #tpu.memory_space<vmem>>[vector<16xi32>], vector<16xf32>,
        %max3A_520 = arith.maximumf %max3A_515, %gather3A_519 : vector<16xf32>
        %add3A_521 = arith.constant 9 : i32
        %add3A_522 = vector.broadcast %add3A_521 : i32 to vector<16xi32>
        %add3A_523 = arith.addi %add3A_481, %add3A_522 : vector<16xi32>
        %gather3A_524 = tpu.vector_load_idx %arg6[%add3A_523] : memref<16384xf32, #tpu.memory_space<vmem>>[vector<16xi32>], vector<16xf32>,
        %max3A_525 = arith.maximumf %max3A_520, %gather3A_524 : vector<16xf32>
        %add3A_526 = arith.constant 10 : i32
        %add3A_527 = vector.broadcast %add3A_526 : i32 to vector<16xi32>
        %add3A_528 = arith.addi %add3A_481, %add3A_527 : vector<16xi32>
        %gather3A_529 = tpu.vector_load_idx %arg6[%add3A_528] : memref<16384xf32, #tpu.memory_space<vmem>>[vector<16xi32>], vector<16xf32>,
        %max3A_530 = arith.maximumf %max3A_525, %gather3A_529 : vector<16xf32>
        %add3A_531 = arith.constant 11 : i32
        %add3A_532 = vector.broadcast %add3A_531 : i32 to vector<16xi32>
        %add3A_533 = arith.addi %add3A_481, %add3A_532 : vector<16xi32>
        %gather3A_534 = tpu.vector_load_idx %arg6[%add3A_533] : memref<16384xf32, #tpu.memory_space<vmem>>[vector<16xi32>], vector<16xf32>,
        %max3A_535 = arith.maximumf %max3A_530, %gather3A_534 : vector<16xf32>
        %add3A_536 = arith.constant 12 : i32
        %add3A_537 = vector.broadcast %add3A_536 : i32 to vector<16xi32>
        %add3A_538 = arith.addi %add3A_481, %add3A_537 : vector<16xi32>
        %gather3A_539 = tpu.vector_load_idx %arg6[%add3A_538] : memref<16384xf32, #tpu.memory_space<vmem>>[vector<16xi32>], vector<16xf32>,
        %max3A_540 = arith.maximumf %max3A_535, %gather3A_539 : vector<16xf32>
        %add3A_541 = arith.constant 13 : i32
        %add3A_542 = vector.broadcast %add3A_541 : i32 to vector<16xi32>
        %add3A_543 = arith.addi %add3A_481, %add3A_542 : vector<16xi32>
        %gather3A_544 = tpu.vector_load_idx %arg6[%add3A_543] : memref<16384xf32, #tpu.memory_space<vmem>>[vector<16xi32>], vector<16xf32>,
        %max3A_545 = arith.maximumf %max3A_540, %gather3A_544 : vector<16xf32>
        %add3A_546 = arith.constant 14 : i32
        %add3A_547 = vector.broadcast %add3A_546 : i32 to vector<16xi32>
        %add3A_548 = arith.addi %add3A_481, %add3A_547 : vector<16xi32>
        %gather3A_549 = tpu.vector_load_idx %arg6[%add3A_548] : memref<16384xf32, #tpu.memory_space<vmem>>[vector<16xi32>], vector<16xf32>,
        %max3A_550 = arith.maximumf %max3A_545, %gather3A_549 : vector<16xf32>
        %add3A_551 = arith.constant 15 : i32
        %add3A_552 = vector.broadcast %add3A_551 : i32 to vector<16xi32>
        %add3A_553 = arith.addi %add3A_481, %add3A_552 : vector<16xi32>
        %gather3A_554 = tpu.vector_load_idx %arg6[%add3A_553] : memref<16384xf32, #tpu.memory_space<vmem>>[vector<16xi32>], vector<16xf32>,
        %max3A_555 = arith.maximumf %max3A_550, %gather3A_554 : vector<16xf32>
        %swap3A_556 = arith.index_cast %add3A_474 : i32 to index
        %swap3A_557 = tpu.vector_load %arg7[%swap3A_556] {strides = array<i32>} : memref<1024xf32, #tpu.memory_space<vmem>>, vector<16xf32>,
        tpu.vector_store %arg7[%swap3A_556], %max3A_555 {strides = array<i32>} : memref<1024xf32, #tpu.memory_space<vmem>>, vector<16xf32>,
      }
      %scan3A_42 = arith.constant 64 : i32
      %broadcast_in_dim3A_43 = arith.constant 0.000000e+00 : f32
      %broadcast_in_dim3A_44 = vector.broadcast %broadcast_in_dim3A_43 : f32 to vector<16xf32>
      %scan3A_45 = arith.constant 0 : i32
      %scan3A_46 = arith.constant 64 : i32
      %scan3A_47 = arith.addi %scan3A_45, %scan3A_46 : i32
      %scan3A_48 = arith.constant 1 : i32
      %scan3A_49 = scf.for %scan3A_470 = %scan3A_45 to %scan3A_47 step %scan3A_48 iter_args(%scan3A_471 = %broadcast_in_dim3A_44) -> (vector<16xf32>)  : i32 {
        %mul3A_472 = arith.constant 16 : i32
        %mul3A_473 = arith.muli %scan3A_470, %mul3A_472 : i32
        %get3A = arith.index_cast %mul3A_473 : i32 to index
        %get3A_474 = tpu.vector_load %arg7[%get3A] {strides = array<i32>} : memref<1024xf32, #tpu.memory_space<vmem>>, vector<16xf32>,
        %max3A = arith.maximumf %scan3A_471, %get3A_474 : vector<16xf32>
        scf.yield %max3A : vector<16xf32>
      }
      %scan3A_50 = arith.constant 64 : i32
      %bitcast3A = vector.bitcast %scan3A_49 : vector<16xf32> to vector<16xi32>
      %reduce_max3A = arith.constant true
      %reduce_max3A_51 = vector.broadcast %reduce_max3A : i1 to vector<16xi1>
      %reduce_max3A_52 = arith.constant -2147483648 : i32
      %reduce_max3A_53 = vector.broadcast %reduce_max3A_52 : i32 to vector<16xi32>
      %reduce_max3A_54 = arith.xori %bitcast3A, %reduce_max3A_53 : vector<16xi32>
      %reduce_max3A_55 = tpu.scan <max>, %reduce_max3A_54 masked %reduce_max3A_51 : vector<16xi32>, vector<16xi1> -> vector<16xi32>
      %reduce_max3A_56 = arith.xori %reduce_max3A_55, %reduce_max3A_53 : vector<16xi32>
      %reduce_max3A_57 = vector.extract %reduce_max3A_56[15] : i32 from vector<16xi32>
      %add3A_58 = arith.constant 1 : i32
      %add3A_59 = arith.addi %reduce_max3A_57, %add3A_58 : i32
      %while3A = arith.constant 8 : i32
      %while3A_60 = arith.constant -1 : i32
      %while3A_61:2 = scf.while (%while3A_470 = %while3A_60, %while3A_471 = %add3A_59) : (i32, i32) -> (i32, i32) {
        %sub3A_472 = arith.subi %while3A_471, %while3A_470 : i32
        %gt3A = arith.constant 1 : i32
        %gt3A_473 = arith.cmpi sgt, %sub3A_472, %gt3A : i32
        scf.condition(%gt3A_473) %while3A_470, %while3A_471 : i32, i32
      } do {
      ^bb0(%while3A_470: i32, %while3A_471: i32):
        %sub3A_472 = arith.subi %while3A_471, %while3A_470 : i32
        %jit3A_473 = arith.constant 2 : i32
        %div3A_474 = arith.divsi %sub3A_472, %jit3A_473 : i32
        %sign3A_475 = arith.constant 0 : i32
        %sign3A_476 = arith.cmpi sgt, %sub3A_472, %sign3A_475 : i32
        %sign3A_477 = arith.extui %sign3A_476 : i1 to i32
        %sign3A_478 = arith.constant 0 : i32
        %sign3A_479 = arith.cmpi slt, %sub3A_472, %sign3A_478 : i32
        %sign3A_480 = arith.extui %sign3A_479 : i1 to i32
        %sign3A_481 = arith.subi %sign3A_477, %sign3A_480 : i32
        %sign3A_482 = arith.constant 0 : i32
        %sign3A_483 = arith.cmpi sgt, %jit3A_473, %sign3A_482 : i32
        %sign3A_484 = arith.extui %sign3A_483 : i1 to i32
        %sign3A_485 = arith.constant 0 : i32
        %sign3A_486 = arith.cmpi slt, %jit3A_473, %sign3A_485 : i32
        %sign3A_487 = arith.extui %sign3A_486 : i1 to i32
        %sign3A_488 = arith.subi %sign3A_484, %sign3A_487 : i32
        %ne3A_489 = arith.cmpi ne, %sign3A_481, %sign3A_488 : i32
        %rem3A_490 = arith.remsi %sub3A_472, %jit3A_473 : i32
        %ne3A_491 = arith.constant 0 : i32
        %ne3A_492 = arith.cmpi ne, %rem3A_490, %ne3A_491 : i32
        %and3A_493 = arith.andi %ne3A_489, %ne3A_492 : i1
        %sub3A_494 = arith.constant 1 : i32
        %sub3A_495 = arith.subi %div3A_474, %sub3A_494 : i32
        %select_n3A_496 = arith.select %and3A_493, %sub3A_495, %div3A_474 : i32
        %add3A_497 = arith.addi %while3A_470, %select_n3A_496 : i32
        %broadcast_in_dim3A_498 = arith.constant 0 : i32
        %broadcast_in_dim3A_499 = vector.broadcast %broadcast_in_dim3A_498 : i32 to vector<16xi32>
        %while3A_500 = arith.constant 0 : i32
        %while3A_501 = arith.subi %while3A, %while3A_500 : i32
        %while3A_502 = arith.addi %while3A_500, %while3A_501 : i32
        %while3A_503 = arith.constant 1 : i32
        %while3A_504 = arith.divsi %while3A_501, %while3A_503 : i32
        %while3A_505 = arith.muli %while3A_504, %while3A_503 : i32
        %while3A_506 = arith.addi %while3A_500, %while3A_505 : i32
        %while3A_507 = arith.constant 1 : i32
        %while3A_508 = scf.for %while3A_519 = %while3A_500 to %while3A_506 step %while3A_507 iter_args(%while3A_520 = %broadcast_in_dim3A_499) -> (vector<16xi32>)  : i32 {
          %mul3A_521 = arith.constant 128 : i32
          %mul3A_522 = arith.muli %while3A_519, %mul3A_521 : i32
          %add3A_523 = arith.constant 0 : i32
          %add3A_524 = arith.addi %mul3A_522, %add3A_523 : i32
          %get3A = arith.index_cast %add3A_524 : i32 to index
          %get3A_525 = tpu.vector_load %arg7[%get3A] {strides = array<i32>} : memref<1024xf32, #tpu.memory_space<vmem>>, vector<16xf32>,
          %bitcast3A_526 = vector.bitcast %get3A_525 : vector<16xf32> to vector<16xi32>
          %gt3A = vector.broadcast %add3A_497 : i32 to vector<16xi32>
          %gt3A_527 = arith.cmpi sgt, %bitcast3A_526, %gt3A : vector<16xi32>
          %convert_element_type3A_528 = arith.extui %gt3A_527 : vector<16xi1> to vector<16xi32>
          %add3A_529 = arith.addi %while3A_520, %convert_element_type3A_528 : vector<16xi32>
          %mul3A_530 = arith.constant 128 : i32
          %mul3A_531 = arith.muli %while3A_519, %mul3A_530 : i32
          %add3A_532 = arith.constant 16 : i32
          %add3A_533 = arith.addi %mul3A_531, %add3A_532 : i32
          %get3A_534 = arith.index_cast %add3A_533 : i32 to index
          %get3A_535 = tpu.vector_load %arg7[%get3A_534] {strides = array<i32>} : memref<1024xf32, #tpu.memory_space<vmem>>, vector<16xf32>,
          %bitcast3A_536 = vector.bitcast %get3A_535 : vector<16xf32> to vector<16xi32>
          %gt3A_537 = vector.broadcast %add3A_497 : i32 to vector<16xi32>
          %gt3A_538 = arith.cmpi sgt, %bitcast3A_536, %gt3A_537 : vector<16xi32>
          %convert_element_type3A_539 = arith.extui %gt3A_538 : vector<16xi1> to vector<16xi32>
          %add3A_540 = arith.addi %add3A_529, %convert_element_type3A_539 : vector<16xi32>
          %mul3A_541 = arith.constant 128 : i32
          %mul3A_542 = arith.muli %while3A_519, %mul3A_541 : i32
          %add3A_543 = arith.constant 32 : i32
          %add3A_544 = arith.addi %mul3A_542, %add3A_543 : i32
          %get3A_545 = arith.index_cast %add3A_544 : i32 to index
          %get3A_546 = tpu.vector_load %arg7[%get3A_545] {strides = array<i32>} : memref<1024xf32, #tpu.memory_space<vmem>>, vector<16xf32>,
          %bitcast3A_547 = vector.bitcast %get3A_546 : vector<16xf32> to vector<16xi32>
          %gt3A_548 = vector.broadcast %add3A_497 : i32 to vector<16xi32>
          %gt3A_549 = arith.cmpi sgt, %bitcast3A_547, %gt3A_548 : vector<16xi32>
          %convert_element_type3A_550 = arith.extui %gt3A_549 : vector<16xi1> to vector<16xi32>
          %add3A_551 = arith.addi %add3A_540, %convert_element_type3A_550 : vector<16xi32>
          %mul3A_552 = arith.constant 128 : i32
          %mul3A_553 = arith.muli %while3A_519, %mul3A_552 : i32
          %add3A_554 = arith.constant 48 : i32
          %add3A_555 = arith.addi %mul3A_553, %add3A_554 : i32
          %get3A_556 = arith.index_cast %add3A_555 : i32 to index
          %get3A_557 = tpu.vector_load %arg7[%get3A_556] {strides = array<i32>} : memref<1024xf32, #tpu.memory_space<vmem>>, vector<16xf32>,
          %bitcast3A_558 = vector.bitcast %get3A_557 : vector<16xf32> to vector<16xi32>
          %gt3A_559 = vector.broadcast %add3A_497 : i32 to vector<16xi32>
          %gt3A_560 = arith.cmpi sgt, %bitcast3A_558, %gt3A_559 : vector<16xi32>
          %convert_element_type3A_561 = arith.extui %gt3A_560 : vector<16xi1> to vector<16xi32>
          %add3A_562 = arith.addi %add3A_551, %convert_element_type3A_561 : vector<16xi32>
          %mul3A_563 = arith.constant 128 : i32
          %mul3A_564 = arith.muli %while3A_519, %mul3A_563 : i32
          %add3A_565 = arith.constant 64 : i32
          %add3A_566 = arith.addi %mul3A_564, %add3A_565 : i32
          %get3A_567 = arith.index_cast %add3A_566 : i32 to index
          %get3A_568 = tpu.vector_load %arg7[%get3A_567] {strides = array<i32>} : memref<1024xf32, #tpu.memory_space<vmem>>, vector<16xf32>,
          %bitcast3A_569 = vector.bitcast %get3A_568 : vector<16xf32> to vector<16xi32>
          %gt3A_570 = vector.broadcast %add3A_497 : i32 to vector<16xi32>
          %gt3A_571 = arith.cmpi sgt, %bitcast3A_569, %gt3A_570 : vector<16xi32>
          %convert_element_type3A_572 = arith.extui %gt3A_571 : vector<16xi1> to vector<16xi32>
          %add3A_573 = arith.addi %add3A_562, %convert_element_type3A_572 : vector<16xi32>
          %mul3A_574 = arith.constant 128 : i32
          %mul3A_575 = arith.muli %while3A_519, %mul3A_574 : i32
          %add3A_576 = arith.constant 80 : i32
          %add3A_577 = arith.addi %mul3A_575, %add3A_576 : i32
          %get3A_578 = arith.index_cast %add3A_577 : i32 to index
          %get3A_579 = tpu.vector_load %arg7[%get3A_578] {strides = array<i32>} : memref<1024xf32, #tpu.memory_space<vmem>>, vector<16xf32>,
          %bitcast3A_580 = vector.bitcast %get3A_579 : vector<16xf32> to vector<16xi32>
          %gt3A_581 = vector.broadcast %add3A_497 : i32 to vector<16xi32>
          %gt3A_582 = arith.cmpi sgt, %bitcast3A_580, %gt3A_581 : vector<16xi32>
          %convert_element_type3A_583 = arith.extui %gt3A_582 : vector<16xi1> to vector<16xi32>
          %add3A_584 = arith.addi %add3A_573, %convert_element_type3A_583 : vector<16xi32>
          %mul3A_585 = arith.constant 128 : i32
          %mul3A_586 = arith.muli %while3A_519, %mul3A_585 : i32
          %add3A_587 = arith.constant 96 : i32
          %add3A_588 = arith.addi %mul3A_586, %add3A_587 : i32
          %get3A_589 = arith.index_cast %add3A_588 : i32 to index
          %get3A_590 = tpu.vector_load %arg7[%get3A_589] {strides = array<i32>} : memref<1024xf32, #tpu.memory_space<vmem>>, vector<16xf32>,
          %bitcast3A_591 = vector.bitcast %get3A_590 : vector<16xf32> to vector<16xi32>
          %gt3A_592 = vector.broadcast %add3A_497 : i32 to vector<16xi32>
          %gt3A_593 = arith.cmpi sgt, %bitcast3A_591, %gt3A_592 : vector<16xi32>
          %convert_element_type3A_594 = arith.extui %gt3A_593 : vector<16xi1> to vector<16xi32>
          %add3A_595 = arith.addi %add3A_584, %convert_element_type3A_594 : vector<16xi32>
          %mul3A_596 = arith.constant 128 : i32
          %mul3A_597 = arith.muli %while3A_519, %mul3A_596 : i32
          %add3A_598 = arith.constant 112 : i32
          %add3A_599 = arith.addi %mul3A_597, %add3A_598 : i32
          %get3A_600 = arith.index_cast %add3A_599 : i32 to index
          %get3A_601 = tpu.vector_load %arg7[%get3A_600] {strides = array<i32>} : memref<1024xf32, #tpu.memory_space<vmem>>, vector<16xf32>,
          %bitcast3A_602 = vector.bitcast %get3A_601 : vector<16xf32> to vector<16xi32>
          %gt3A_603 = vector.broadcast %add3A_497 : i32 to vector<16xi32>
          %gt3A_604 = arith.cmpi sgt, %bitcast3A_602, %gt3A_603 : vector<16xi32>
          %convert_element_type3A_605 = arith.extui %gt3A_604 : vector<16xi1> to vector<16xi32>
          %add3A_606 = arith.addi %add3A_595, %convert_element_type3A_605 : vector<16xi32>
          scf.yield %add3A_606 : vector<16xi32>
        }
        %while3A_509 = arith.constant 1 : i32
        %while3A_510 = scf.for %while3A_519 = %while3A_506 to %while3A_502 step %while3A_509 iter_args(%while3A_520 = %while3A_508) -> (vector<16xi32>)  : i32 {
          %mul3A_521 = arith.constant 128 : i32
          %mul3A_522 = arith.muli %while3A_519, %mul3A_521 : i32
          %add3A_523 = arith.constant 0 : i32
          %add3A_524 = arith.addi %mul3A_522, %add3A_523 : i32
          %get3A = arith.index_cast %add3A_524 : i32 to index
          %get3A_525 = tpu.vector_load %arg7[%get3A] {strides = array<i32>} : memref<1024xf32, #tpu.memory_space<vmem>>, vector<16xf32>,
          %bitcast3A_526 = vector.bitcast %get3A_525 : vector<16xf32> to vector<16xi32>
          %gt3A = vector.broadcast %add3A_497 : i32 to vector<16xi32>
          %gt3A_527 = arith.cmpi sgt, %bitcast3A_526, %gt3A : vector<16xi32>
          %convert_element_type3A_528 = arith.extui %gt3A_527 : vector<16xi1> to vector<16xi32>
          %add3A_529 = arith.addi %while3A_520, %convert_element_type3A_528 : vector<16xi32>
          %mul3A_530 = arith.constant 128 : i32
          %mul3A_531 = arith.muli %while3A_519, %mul3A_530 : i32
          %add3A_532 = arith.constant 16 : i32
          %add3A_533 = arith.addi %mul3A_531, %add3A_532 : i32
          %get3A_534 = arith.index_cast %add3A_533 : i32 to index
          %get3A_535 = tpu.vector_load %arg7[%get3A_534] {strides = array<i32>} : memref<1024xf32, #tpu.memory_space<vmem>>, vector<16xf32>,
          %bitcast3A_536 = vector.bitcast %get3A_535 : vector<16xf32> to vector<16xi32>
          %gt3A_537 = vector.broadcast %add3A_497 : i32 to vector<16xi32>
          %gt3A_538 = arith.cmpi sgt, %bitcast3A_536, %gt3A_537 : vector<16xi32>
          %convert_element_type3A_539 = arith.extui %gt3A_538 : vector<16xi1> to vector<16xi32>
          %add3A_540 = arith.addi %add3A_529, %convert_element_type3A_539 : vector<16xi32>
          %mul3A_541 = arith.constant 128 : i32
          %mul3A_542 = arith.muli %while3A_519, %mul3A_541 : i32
          %add3A_543 = arith.constant 32 : i32
          %add3A_544 = arith.addi %mul3A_542, %add3A_543 : i32
          %get3A_545 = arith.index_cast %add3A_544 : i32 to index
          %get3A_546 = tpu.vector_load %arg7[%get3A_545] {strides = array<i32>} : memref<1024xf32, #tpu.memory_space<vmem>>, vector<16xf32>,
          %bitcast3A_547 = vector.bitcast %get3A_546 : vector<16xf32> to vector<16xi32>
          %gt3A_548 = vector.broadcast %add3A_497 : i32 to vector<16xi32>
          %gt3A_549 = arith.cmpi sgt, %bitcast3A_547, %gt3A_548 : vector<16xi32>
          %convert_element_type3A_550 = arith.extui %gt3A_549 : vector<16xi1> to vector<16xi32>
          %add3A_551 = arith.addi %add3A_540, %convert_element_type3A_550 : vector<16xi32>
          %mul3A_552 = arith.constant 128 : i32
          %mul3A_553 = arith.muli %while3A_519, %mul3A_552 : i32
          %add3A_554 = arith.constant 48 : i32
          %add3A_555 = arith.addi %mul3A_553, %add3A_554 : i32
          %get3A_556 = arith.index_cast %add3A_555 : i32 to index
          %get3A_557 = tpu.vector_load %arg7[%get3A_556] {strides = array<i32>} : memref<1024xf32, #tpu.memory_space<vmem>>, vector<16xf32>,
          %bitcast3A_558 = vector.bitcast %get3A_557 : vector<16xf32> to vector<16xi32>
          %gt3A_559 = vector.broadcast %add3A_497 : i32 to vector<16xi32>
          %gt3A_560 = arith.cmpi sgt, %bitcast3A_558, %gt3A_559 : vector<16xi32>
          %convert_element_type3A_561 = arith.extui %gt3A_560 : vector<16xi1> to vector<16xi32>
          %add3A_562 = arith.addi %add3A_551, %convert_element_type3A_561 : vector<16xi32>
          %mul3A_563 = arith.constant 128 : i32
          %mul3A_564 = arith.muli %while3A_519, %mul3A_563 : i32
          %add3A_565 = arith.constant 64 : i32
          %add3A_566 = arith.addi %mul3A_564, %add3A_565 : i32
          %get3A_567 = arith.index_cast %add3A_566 : i32 to index
          %get3A_568 = tpu.vector_load %arg7[%get3A_567] {strides = array<i32>} : memref<1024xf32, #tpu.memory_space<vmem>>, vector<16xf32>,
          %bitcast3A_569 = vector.bitcast %get3A_568 : vector<16xf32> to vector<16xi32>
          %gt3A_570 = vector.broadcast %add3A_497 : i32 to vector<16xi32>
          %gt3A_571 = arith.cmpi sgt, %bitcast3A_569, %gt3A_570 : vector<16xi32>
          %convert_element_type3A_572 = arith.extui %gt3A_571 : vector<16xi1> to vector<16xi32>
          %add3A_573 = arith.addi %add3A_562, %convert_element_type3A_572 : vector<16xi32>
          %mul3A_574 = arith.constant 128 : i32
          %mul3A_575 = arith.muli %while3A_519, %mul3A_574 : i32
          %add3A_576 = arith.constant 80 : i32
          %add3A_577 = arith.addi %mul3A_575, %add3A_576 : i32
          %get3A_578 = arith.index_cast %add3A_577 : i32 to index
          %get3A_579 = tpu.vector_load %arg7[%get3A_578] {strides = array<i32>} : memref<1024xf32, #tpu.memory_space<vmem>>, vector<16xf32>,
          %bitcast3A_580 = vector.bitcast %get3A_579 : vector<16xf32> to vector<16xi32>
          %gt3A_581 = vector.broadcast %add3A_497 : i32 to vector<16xi32>
          %gt3A_582 = arith.cmpi sgt, %bitcast3A_580, %gt3A_581 : vector<16xi32>
          %convert_element_type3A_583 = arith.extui %gt3A_582 : vector<16xi1> to vector<16xi32>
          %add3A_584 = arith.addi %add3A_573, %convert_element_type3A_583 : vector<16xi32>
          %mul3A_585 = arith.constant 128 : i32
          %mul3A_586 = arith.muli %while3A_519, %mul3A_585 : i32
          %add3A_587 = arith.constant 96 : i32
          %add3A_588 = arith.addi %mul3A_586, %add3A_587 : i32
          %get3A_589 = arith.index_cast %add3A_588 : i32 to index
          %get3A_590 = tpu.vector_load %arg7[%get3A_589] {strides = array<i32>} : memref<1024xf32, #tpu.memory_space<vmem>>, vector<16xf32>,
          %bitcast3A_591 = vector.bitcast %get3A_590 : vector<16xf32> to vector<16xi32>
          %gt3A_592 = vector.broadcast %add3A_497 : i32 to vector<16xi32>
          %gt3A_593 = arith.cmpi sgt, %bitcast3A_591, %gt3A_592 : vector<16xi32>
          %convert_element_type3A_594 = arith.extui %gt3A_593 : vector<16xi1> to vector<16xi32>
          %add3A_595 = arith.addi %add3A_584, %convert_element_type3A_594 : vector<16xi32>
          %mul3A_596 = arith.constant 128 : i32
          %mul3A_597 = arith.muli %while3A_519, %mul3A_596 : i32
          %add3A_598 = arith.constant 112 : i32
          %add3A_599 = arith.addi %mul3A_597, %add3A_598 : i32
          %get3A_600 = arith.index_cast %add3A_599 : i32 to index
          %get3A_601 = tpu.vector_load %arg7[%get3A_600] {strides = array<i32>} : memref<1024xf32, #tpu.memory_space<vmem>>, vector<16xf32>,
          %bitcast3A_602 = vector.bitcast %get3A_601 : vector<16xf32> to vector<16xi32>
          %gt3A_603 = vector.broadcast %add3A_497 : i32 to vector<16xi32>
          %gt3A_604 = arith.cmpi sgt, %bitcast3A_602, %gt3A_603 : vector<16xi32>
          %convert_element_type3A_605 = arith.extui %gt3A_604 : vector<16xi1> to vector<16xi32>
          %add3A_606 = arith.addi %add3A_595, %convert_element_type3A_605 : vector<16xi32>
          scf.yield %add3A_606 : vector<16xi32>
        }
        %reduce_sum3A_511 = arith.constant true
        %reduce_sum3A_512 = vector.broadcast %reduce_sum3A_511 : i1 to vector<16xi1>
        %reduce_sum3A_513 = tpu.scan <sum>, %while3A_510 masked %reduce_sum3A_512 : vector<16xi32>, vector<16xi1> -> vector<16xi32>
        %reduce_sum3A_514 = vector.extract %reduce_sum3A_513[15] : i32 from vector<16xi32>
        %lt3A_515 = arith.constant 512 : i32
        %lt3A_516 = arith.cmpi slt, %reduce_sum3A_514, %lt3A_515 : i32
        %select_n3A_517 = arith.select %lt3A_516, %while3A_470, %add3A_497 : i32
        %select_n3A_518 = arith.select %lt3A_516, %add3A_497, %while3A_471 : i32
        scf.yield %select_n3A_517, %select_n3A_518 : i32, i32
      }
      %scan3A_62 = arith.constant 0 : i32
      %scan3A_63 = arith.constant 0 : i32
      %scan3A_64 = arith.constant 256 : i32
      %scan3A_65 = arith.addi %scan3A_63, %scan3A_64 : i32
      %scan3A_66 = arith.constant 1 : i32
      %scan3A_67 = scf.for %scan3A_470 = %scan3A_63 to %scan3A_65 step %scan3A_66 iter_args(%scan3A_471 = %scan3A_62) -> (i32)  : i32 {
        %mul3A_472 = arith.constant 64 : i32
        %mul3A_473 = arith.muli %scan3A_470, %mul3A_472 : i32
        %add3A_474 = arith.constant 0 : i32
        %add3A_475 = arith.addi %mul3A_473, %add3A_474 : i32
        %get3A = arith.index_cast %add3A_475 : i32 to index
        %get3A_476 = tpu.vector_load %arg6[%get3A] {strides = array<i32>} : memref<16384xf32, #tpu.memory_space<vmem>>, vector<16xf32>,
        %bitcast3A_477 = vector.bitcast %get3A_476 : vector<16xf32> to vector<16xi32>
        %ge3A = vector.broadcast %while3A_61#1 : i32 to vector<16xi32>
        %ge3A_478 = arith.cmpi sge, %bitcast3A_477, %ge3A : vector<16xi32>
        %swap3A_479 = arith.index_cast %scan3A_471 : i32 to index
        %swap3A_480 = tpu.vector_load %arg11[%swap3A_479] masked %ge3A_478 {strides = array<i32>} : memref<16384xi32, #tpu.memory_space<vmem>>, vector<16xi32>, vector<16xi1>
        tpu.vector_store %arg11[%swap3A_479], %bitcast3A_477 masked %ge3A_478 {strides = array<i32>} : memref<16384xi32, #tpu.memory_space<vmem>>, vector<16xi32>, vector<16xi1>
        %all_reduce_population_count3A = tpu.all_reduce %ge3A_478 {dim = 0 : i64, kind = #tpu.reduction_kind<sum>} : vector<16xi1> -> vector<16xi32>
        %slice3A = vector.extract_strided_slice %all_reduce_population_count3A {offsets = [0], sizes = [1], strides = [1]} : vector<16xi32> to vector<1xi32>
        %squeeze3A = vector.extract %slice3A[0] : i32 from vector<1xi32>
        %add3A_481 = arith.addi %scan3A_471, %squeeze3A : i32
        %min3A_482 = arith.constant 16368 : i32
        %min3A_483 = arith.minsi %add3A_481, %min3A_482 : i32
        %mul3A_484 = arith.constant 64 : i32
        %mul3A_485 = arith.muli %scan3A_470, %mul3A_484 : i32
        %add3A_486 = arith.constant 16 : i32
        %add3A_487 = arith.addi %mul3A_485, %add3A_486 : i32
        %get3A_488 = arith.index_cast %add3A_487 : i32 to index
        %get3A_489 = tpu.vector_load %arg6[%get3A_488] {strides = array<i32>} : memref<16384xf32, #tpu.memory_space<vmem>>, vector<16xf32>,
        %bitcast3A_490 = vector.bitcast %get3A_489 : vector<16xf32> to vector<16xi32>
        %ge3A_491 = vector.broadcast %while3A_61#1 : i32 to vector<16xi32>
        %ge3A_492 = arith.cmpi sge, %bitcast3A_490, %ge3A_491 : vector<16xi32>
        %swap3A_493 = arith.index_cast %min3A_483 : i32 to index
        %swap3A_494 = tpu.vector_load %arg11[%swap3A_493] masked %ge3A_492 {strides = array<i32>} : memref<16384xi32, #tpu.memory_space<vmem>>, vector<16xi32>, vector<16xi1>
        tpu.vector_store %arg11[%swap3A_493], %bitcast3A_490 masked %ge3A_492 {strides = array<i32>} : memref<16384xi32, #tpu.memory_space<vmem>>, vector<16xi32>, vector<16xi1>
        %all_reduce_population_count3A_495 = tpu.all_reduce %ge3A_492 {dim = 0 : i64, kind = #tpu.reduction_kind<sum>} : vector<16xi1> -> vector<16xi32>
        %slice3A_496 = vector.extract_strided_slice %all_reduce_population_count3A_495 {offsets = [0], sizes = [1], strides = [1]} : vector<16xi32> to vector<1xi32>
        %squeeze3A_497 = vector.extract %slice3A_496[0] : i32 from vector<1xi32>
        %add3A_498 = arith.addi %min3A_483, %squeeze3A_497 : i32
        %min3A_499 = arith.constant 16368 : i32
        %min3A_500 = arith.minsi %add3A_498, %min3A_499 : i32
        %mul3A_501 = arith.constant 64 : i32
        %mul3A_502 = arith.muli %scan3A_470, %mul3A_501 : i32
        %add3A_503 = arith.constant 32 : i32
        %add3A_504 = arith.addi %mul3A_502, %add3A_503 : i32
        %get3A_505 = arith.index_cast %add3A_504 : i32 to index
        %get3A_506 = tpu.vector_load %arg6[%get3A_505] {strides = array<i32>} : memref<16384xf32, #tpu.memory_space<vmem>>, vector<16xf32>,
        %bitcast3A_507 = vector.bitcast %get3A_506 : vector<16xf32> to vector<16xi32>
        %ge3A_508 = vector.broadcast %while3A_61#1 : i32 to vector<16xi32>
        %ge3A_509 = arith.cmpi sge, %bitcast3A_507, %ge3A_508 : vector<16xi32>
        %swap3A_510 = arith.index_cast %min3A_500 : i32 to index
        %swap3A_511 = tpu.vector_load %arg11[%swap3A_510] masked %ge3A_509 {strides = array<i32>} : memref<16384xi32, #tpu.memory_space<vmem>>, vector<16xi32>, vector<16xi1>
        tpu.vector_store %arg11[%swap3A_510], %bitcast3A_507 masked %ge3A_509 {strides = array<i32>} : memref<16384xi32, #tpu.memory_space<vmem>>, vector<16xi32>, vector<16xi1>
        %all_reduce_population_count3A_512 = tpu.all_reduce %ge3A_509 {dim = 0 : i64, kind = #tpu.reduction_kind<sum>} : vector<16xi1> -> vector<16xi32>
        %slice3A_513 = vector.extract_strided_slice %all_reduce_population_count3A_512 {offsets = [0], sizes = [1], strides = [1]} : vector<16xi32> to vector<1xi32>
        %squeeze3A_514 = vector.extract %slice3A_513[0] : i32 from vector<1xi32>
        %add3A_515 = arith.addi %min3A_500, %squeeze3A_514 : i32
        %min3A_516 = arith.constant 16368 : i32
        %min3A_517 = arith.minsi %add3A_515, %min3A_516 : i32
        %mul3A_518 = arith.constant 64 : i32
        %mul3A_519 = arith.muli %scan3A_470, %mul3A_518 : i32
        %add3A_520 = arith.constant 48 : i32
        %add3A_521 = arith.addi %mul3A_519, %add3A_520 : i32
        %get3A_522 = arith.index_cast %add3A_521 : i32 to index
        %get3A_523 = tpu.vector_load %arg6[%get3A_522] {strides = array<i32>} : memref<16384xf32, #tpu.memory_space<vmem>>, vector<16xf32>,
        %bitcast3A_524 = vector.bitcast %get3A_523 : vector<16xf32> to vector<16xi32>
        %ge3A_525 = vector.broadcast %while3A_61#1 : i32 to vector<16xi32>
        %ge3A_526 = arith.cmpi sge, %bitcast3A_524, %ge3A_525 : vector<16xi32>
        %swap3A_527 = arith.index_cast %min3A_517 : i32 to index
        %swap3A_528 = tpu.vector_load %arg11[%swap3A_527] masked %ge3A_526 {strides = array<i32>} : memref<16384xi32, #tpu.memory_space<vmem>>, vector<16xi32>, vector<16xi1>
        tpu.vector_store %arg11[%swap3A_527], %bitcast3A_524 masked %ge3A_526 {strides = array<i32>} : memref<16384xi32, #tpu.memory_space<vmem>>, vector<16xi32>, vector<16xi1>
        %all_reduce_population_count3A_529 = tpu.all_reduce %ge3A_526 {dim = 0 : i64, kind = #tpu.reduction_kind<sum>} : vector<16xi1> -> vector<16xi32>
        %slice3A_530 = vector.extract_strided_slice %all_reduce_population_count3A_529 {offsets = [0], sizes = [1], strides = [1]} : vector<16xi32> to vector<1xi32>
        %squeeze3A_531 = vector.extract %slice3A_530[0] : i32 from vector<1xi32>
        %add3A_532 = arith.addi %min3A_517, %squeeze3A_531 : i32
        %min3A_533 = arith.constant 16368 : i32
        %min3A_534 = arith.minsi %add3A_532, %min3A_533 : i32
        scf.yield %min3A_534 : i32
      }
      %scan3A_68 = arith.constant 256 : i32
      %add3A_69 = arith.constant 127 : i32
      %add3A_70 = arith.addi %scan3A_67, %add3A_69 : i32
      %jit3A = arith.constant 128 : i32
      %div3A = arith.divsi %add3A_70, %jit3A : i32
      %sign3A = arith.constant 0 : i32
      %sign3A_71 = arith.cmpi sgt, %add3A_70, %sign3A : i32
      %sign3A_72 = arith.extui %sign3A_71 : i1 to i32
      %sign3A_73 = arith.constant 0 : i32
      %sign3A_74 = arith.cmpi slt, %add3A_70, %sign3A_73 : i32
      %sign3A_75 = arith.extui %sign3A_74 : i1 to i32
      %sign3A_76 = arith.subi %sign3A_72, %sign3A_75 : i32
      %sign3A_77 = arith.constant 0 : i32
      %sign3A_78 = arith.cmpi sgt, %jit3A, %sign3A_77 : i32
      %sign3A_79 = arith.extui %sign3A_78 : i1 to i32
      %sign3A_80 = arith.constant 0 : i32
      %sign3A_81 = arith.cmpi slt, %jit3A, %sign3A_80 : i32
      %sign3A_82 = arith.extui %sign3A_81 : i1 to i32
      %sign3A_83 = arith.subi %sign3A_79, %sign3A_82 : i32
      %ne3A = arith.cmpi ne, %sign3A_76, %sign3A_83 : i32
      %rem3A = arith.remsi %add3A_70, %jit3A : i32
      %ne3A_84 = arith.constant 0 : i32
      %ne3A_85 = arith.cmpi ne, %rem3A, %ne3A_84 : i32
      %and3A = arith.andi %ne3A, %ne3A_85 : i1
      %sub3A = arith.constant 1 : i32
      %sub3A_86 = arith.subi %div3A, %sub3A : i32
      %select_n3A = arith.select %and3A, %sub3A_86, %div3A : i32
      %sub3A_87 = arith.constant 1 : i32
      %sub3A_88 = arith.subi %while3A_61#1, %sub3A_87 : i32
      %add3A_89 = arith.constant 1 : i32
      %add3A_90 = arith.addi %reduce_max3A_57, %add3A_89 : i32
      %while3A_91:2 = scf.while (%while3A_470 = %sub3A_88, %while3A_471 = %add3A_90) : (i32, i32) -> (i32, i32) {
        %sub3A_472 = arith.subi %while3A_471, %while3A_470 : i32
        %gt3A = arith.constant 1 : i32
        %gt3A_473 = arith.cmpi sgt, %sub3A_472, %gt3A : i32
        scf.condition(%gt3A_473) %while3A_470, %while3A_471 : i32, i32
      } do {
      ^bb0(%while3A_470: i32, %while3A_471: i32):
        %sub3A_472 = arith.subi %while3A_471, %while3A_470 : i32
        %jit3A_473 = arith.constant 2 : i32
        %div3A_474 = arith.divsi %sub3A_472, %jit3A_473 : i32
        %sign3A_475 = arith.constant 0 : i32
        %sign3A_476 = arith.cmpi sgt, %sub3A_472, %sign3A_475 : i32
        %sign3A_477 = arith.extui %sign3A_476 : i1 to i32
        %sign3A_478 = arith.constant 0 : i32
        %sign3A_479 = arith.cmpi slt, %sub3A_472, %sign3A_478 : i32
        %sign3A_480 = arith.extui %sign3A_479 : i1 to i32
        %sign3A_481 = arith.subi %sign3A_477, %sign3A_480 : i32
        %sign3A_482 = arith.constant 0 : i32
        %sign3A_483 = arith.cmpi sgt, %jit3A_473, %sign3A_482 : i32
        %sign3A_484 = arith.extui %sign3A_483 : i1 to i32
        %sign3A_485 = arith.constant 0 : i32
        %sign3A_486 = arith.cmpi slt, %jit3A_473, %sign3A_485 : i32
        %sign3A_487 = arith.extui %sign3A_486 : i1 to i32
        %sign3A_488 = arith.subi %sign3A_484, %sign3A_487 : i32
        %ne3A_489 = arith.cmpi ne, %sign3A_481, %sign3A_488 : i32
        %rem3A_490 = arith.remsi %sub3A_472, %jit3A_473 : i32
        %ne3A_491 = arith.constant 0 : i32
        %ne3A_492 = arith.cmpi ne, %rem3A_490, %ne3A_491 : i32
        %and3A_493 = arith.andi %ne3A_489, %ne3A_492 : i1
        %sub3A_494 = arith.constant 1 : i32
        %sub3A_495 = arith.subi %div3A_474, %sub3A_494 : i32
        %select_n3A_496 = arith.select %and3A_493, %sub3A_495, %div3A_474 : i32
        %add3A_497 = arith.addi %while3A_470, %select_n3A_496 : i32
        %broadcast_in_dim3A_498 = arith.constant 0 : i32
        %broadcast_in_dim3A_499 = vector.broadcast %broadcast_in_dim3A_498 : i32 to vector<16xi32>
        %while3A_500 = arith.constant 0 : i32
        %while3A_501 = arith.subi %select_n3A, %while3A_500 : i32
        %while3A_502 = arith.addi %while3A_500, %while3A_501 : i32
        %while3A_503 = arith.constant 1 : i32
        %while3A_504 = arith.divsi %while3A_501, %while3A_503 : i32
        %while3A_505 = arith.muli %while3A_504, %while3A_503 : i32
        %while3A_506 = arith.addi %while3A_500, %while3A_505 : i32
        %while3A_507 = arith.constant 1 : i32
        %while3A_508 = scf.for %while3A_519 = %while3A_500 to %while3A_506 step %while3A_507 iter_args(%while3A_520 = %broadcast_in_dim3A_499) -> (vector<16xi32>)  : i32 {
          %mul3A_521 = arith.constant 128 : i32
          %mul3A_522 = arith.muli %while3A_519, %mul3A_521 : i32
          %add3A_523 = arith.constant 0 : i32
          %add3A_524 = arith.addi %mul3A_522, %add3A_523 : i32
          %get3A = arith.index_cast %add3A_524 : i32 to index
          %get3A_525 = tpu.vector_load %arg11[%get3A] {strides = array<i32>} : memref<16384xi32, #tpu.memory_space<vmem>>, vector<16xi32>,
          %gt3A = vector.broadcast %add3A_497 : i32 to vector<16xi32>
          %gt3A_526 = arith.cmpi sgt, %get3A_525, %gt3A : vector<16xi32>
          %convert_element_type3A_527 = arith.extui %gt3A_526 : vector<16xi1> to vector<16xi32>
          %add3A_528 = arith.addi %while3A_520, %convert_element_type3A_527 : vector<16xi32>
          %mul3A_529 = arith.constant 128 : i32
          %mul3A_530 = arith.muli %while3A_519, %mul3A_529 : i32
          %add3A_531 = arith.constant 16 : i32
          %add3A_532 = arith.addi %mul3A_530, %add3A_531 : i32
          %get3A_533 = arith.index_cast %add3A_532 : i32 to index
          %get3A_534 = tpu.vector_load %arg11[%get3A_533] {strides = array<i32>} : memref<16384xi32, #tpu.memory_space<vmem>>, vector<16xi32>,
          %gt3A_535 = vector.broadcast %add3A_497 : i32 to vector<16xi32>
          %gt3A_536 = arith.cmpi sgt, %get3A_534, %gt3A_535 : vector<16xi32>
          %convert_element_type3A_537 = arith.extui %gt3A_536 : vector<16xi1> to vector<16xi32>
          %add3A_538 = arith.addi %add3A_528, %convert_element_type3A_537 : vector<16xi32>
          %mul3A_539 = arith.constant 128 : i32
          %mul3A_540 = arith.muli %while3A_519, %mul3A_539 : i32
          %add3A_541 = arith.constant 32 : i32
          %add3A_542 = arith.addi %mul3A_540, %add3A_541 : i32
          %get3A_543 = arith.index_cast %add3A_542 : i32 to index
          %get3A_544 = tpu.vector_load %arg11[%get3A_543] {strides = array<i32>} : memref<16384xi32, #tpu.memory_space<vmem>>, vector<16xi32>,
          %gt3A_545 = vector.broadcast %add3A_497 : i32 to vector<16xi32>
          %gt3A_546 = arith.cmpi sgt, %get3A_544, %gt3A_545 : vector<16xi32>
          %convert_element_type3A_547 = arith.extui %gt3A_546 : vector<16xi1> to vector<16xi32>
          %add3A_548 = arith.addi %add3A_538, %convert_element_type3A_547 : vector<16xi32>
          %mul3A_549 = arith.constant 128 : i32
          %mul3A_550 = arith.muli %while3A_519, %mul3A_549 : i32
          %add3A_551 = arith.constant 48 : i32
          %add3A_552 = arith.addi %mul3A_550, %add3A_551 : i32
          %get3A_553 = arith.index_cast %add3A_552 : i32 to index
          %get3A_554 = tpu.vector_load %arg11[%get3A_553] {strides = array<i32>} : memref<16384xi32, #tpu.memory_space<vmem>>, vector<16xi32>,
          %gt3A_555 = vector.broadcast %add3A_497 : i32 to vector<16xi32>
          %gt3A_556 = arith.cmpi sgt, %get3A_554, %gt3A_555 : vector<16xi32>
          %convert_element_type3A_557 = arith.extui %gt3A_556 : vector<16xi1> to vector<16xi32>
          %add3A_558 = arith.addi %add3A_548, %convert_element_type3A_557 : vector<16xi32>
          %mul3A_559 = arith.constant 128 : i32
          %mul3A_560 = arith.muli %while3A_519, %mul3A_559 : i32
          %add3A_561 = arith.constant 64 : i32
          %add3A_562 = arith.addi %mul3A_560, %add3A_561 : i32
          %get3A_563 = arith.index_cast %add3A_562 : i32 to index
          %get3A_564 = tpu.vector_load %arg11[%get3A_563] {strides = array<i32>} : memref<16384xi32, #tpu.memory_space<vmem>>, vector<16xi32>,
          %gt3A_565 = vector.broadcast %add3A_497 : i32 to vector<16xi32>
          %gt3A_566 = arith.cmpi sgt, %get3A_564, %gt3A_565 : vector<16xi32>
          %convert_element_type3A_567 = arith.extui %gt3A_566 : vector<16xi1> to vector<16xi32>
          %add3A_568 = arith.addi %add3A_558, %convert_element_type3A_567 : vector<16xi32>
          %mul3A_569 = arith.constant 128 : i32
          %mul3A_570 = arith.muli %while3A_519, %mul3A_569 : i32
          %add3A_571 = arith.constant 80 : i32
          %add3A_572 = arith.addi %mul3A_570, %add3A_571 : i32
          %get3A_573 = arith.index_cast %add3A_572 : i32 to index
          %get3A_574 = tpu.vector_load %arg11[%get3A_573] {strides = array<i32>} : memref<16384xi32, #tpu.memory_space<vmem>>, vector<16xi32>,
          %gt3A_575 = vector.broadcast %add3A_497 : i32 to vector<16xi32>
          %gt3A_576 = arith.cmpi sgt, %get3A_574, %gt3A_575 : vector<16xi32>
          %convert_element_type3A_577 = arith.extui %gt3A_576 : vector<16xi1> to vector<16xi32>
          %add3A_578 = arith.addi %add3A_568, %convert_element_type3A_577 : vector<16xi32>
          %mul3A_579 = arith.constant 128 : i32
          %mul3A_580 = arith.muli %while3A_519, %mul3A_579 : i32
          %add3A_581 = arith.constant 96 : i32
          %add3A_582 = arith.addi %mul3A_580, %add3A_581 : i32
          %get3A_583 = arith.index_cast %add3A_582 : i32 to index
          %get3A_584 = tpu.vector_load %arg11[%get3A_583] {strides = array<i32>} : memref<16384xi32, #tpu.memory_space<vmem>>, vector<16xi32>,
          %gt3A_585 = vector.broadcast %add3A_497 : i32 to vector<16xi32>
          %gt3A_586 = arith.cmpi sgt, %get3A_584, %gt3A_585 : vector<16xi32>
          %convert_element_type3A_587 = arith.extui %gt3A_586 : vector<16xi1> to vector<16xi32>
          %add3A_588 = arith.addi %add3A_578, %convert_element_type3A_587 : vector<16xi32>
          %mul3A_589 = arith.constant 128 : i32
          %mul3A_590 = arith.muli %while3A_519, %mul3A_589 : i32
          %add3A_591 = arith.constant 112 : i32
          %add3A_592 = arith.addi %mul3A_590, %add3A_591 : i32
          %get3A_593 = arith.index_cast %add3A_592 : i32 to index
          %get3A_594 = tpu.vector_load %arg11[%get3A_593] {strides = array<i32>} : memref<16384xi32, #tpu.memory_space<vmem>>, vector<16xi32>,
          %gt3A_595 = vector.broadcast %add3A_497 : i32 to vector<16xi32>
          %gt3A_596 = arith.cmpi sgt, %get3A_594, %gt3A_595 : vector<16xi32>
          %convert_element_type3A_597 = arith.extui %gt3A_596 : vector<16xi1> to vector<16xi32>
          %add3A_598 = arith.addi %add3A_588, %convert_element_type3A_597 : vector<16xi32>
          scf.yield %add3A_598 : vector<16xi32>
        }
        %while3A_509 = arith.constant 1 : i32
        %while3A_510 = scf.for %while3A_519 = %while3A_506 to %while3A_502 step %while3A_509 iter_args(%while3A_520 = %while3A_508) -> (vector<16xi32>)  : i32 {
          %mul3A_521 = arith.constant 128 : i32
          %mul3A_522 = arith.muli %while3A_519, %mul3A_521 : i32
          %add3A_523 = arith.constant 0 : i32
          %add3A_524 = arith.addi %mul3A_522, %add3A_523 : i32
          %get3A = arith.index_cast %add3A_524 : i32 to index
          %get3A_525 = tpu.vector_load %arg11[%get3A] {strides = array<i32>} : memref<16384xi32, #tpu.memory_space<vmem>>, vector<16xi32>,
          %gt3A = vector.broadcast %add3A_497 : i32 to vector<16xi32>
          %gt3A_526 = arith.cmpi sgt, %get3A_525, %gt3A : vector<16xi32>
          %convert_element_type3A_527 = arith.extui %gt3A_526 : vector<16xi1> to vector<16xi32>
          %add3A_528 = arith.addi %while3A_520, %convert_element_type3A_527 : vector<16xi32>
          %mul3A_529 = arith.constant 128 : i32
          %mul3A_530 = arith.muli %while3A_519, %mul3A_529 : i32
          %add3A_531 = arith.constant 16 : i32
          %add3A_532 = arith.addi %mul3A_530, %add3A_531 : i32
          %get3A_533 = arith.index_cast %add3A_532 : i32 to index
          %get3A_534 = tpu.vector_load %arg11[%get3A_533] {strides = array<i32>} : memref<16384xi32, #tpu.memory_space<vmem>>, vector<16xi32>,
          %gt3A_535 = vector.broadcast %add3A_497 : i32 to vector<16xi32>
          %gt3A_536 = arith.cmpi sgt, %get3A_534, %gt3A_535 : vector<16xi32>
          %convert_element_type3A_537 = arith.extui %gt3A_536 : vector<16xi1> to vector<16xi32>
          %add3A_538 = arith.addi %add3A_528, %convert_element_type3A_537 : vector<16xi32>
          %mul3A_539 = arith.constant 128 : i32
          %mul3A_540 = arith.muli %while3A_519, %mul3A_539 : i32
          %add3A_541 = arith.constant 32 : i32
          %add3A_542 = arith.addi %mul3A_540, %add3A_541 : i32
          %get3A_543 = arith.index_cast %add3A_542 : i32 to index
          %get3A_544 = tpu.vector_load %arg11[%get3A_543] {strides = array<i32>} : memref<16384xi32, #tpu.memory_space<vmem>>, vector<16xi32>,
          %gt3A_545 = vector.broadcast %add3A_497 : i32 to vector<16xi32>
          %gt3A_546 = arith.cmpi sgt, %get3A_544, %gt3A_545 : vector<16xi32>
          %convert_element_type3A_547 = arith.extui %gt3A_546 : vector<16xi1> to vector<16xi32>
          %add3A_548 = arith.addi %add3A_538, %convert_element_type3A_547 : vector<16xi32>
          %mul3A_549 = arith.constant 128 : i32
          %mul3A_550 = arith.muli %while3A_519, %mul3A_549 : i32
          %add3A_551 = arith.constant 48 : i32
          %add3A_552 = arith.addi %mul3A_550, %add3A_551 : i32
          %get3A_553 = arith.index_cast %add3A_552 : i32 to index
          %get3A_554 = tpu.vector_load %arg11[%get3A_553] {strides = array<i32>} : memref<16384xi32, #tpu.memory_space<vmem>>, vector<16xi32>,
          %gt3A_555 = vector.broadcast %add3A_497 : i32 to vector<16xi32>
          %gt3A_556 = arith.cmpi sgt, %get3A_554, %gt3A_555 : vector<16xi32>
          %convert_element_type3A_557 = arith.extui %gt3A_556 : vector<16xi1> to vector<16xi32>
          %add3A_558 = arith.addi %add3A_548, %convert_element_type3A_557 : vector<16xi32>
          %mul3A_559 = arith.constant 128 : i32
          %mul3A_560 = arith.muli %while3A_519, %mul3A_559 : i32
          %add3A_561 = arith.constant 64 : i32
          %add3A_562 = arith.addi %mul3A_560, %add3A_561 : i32
          %get3A_563 = arith.index_cast %add3A_562 : i32 to index
          %get3A_564 = tpu.vector_load %arg11[%get3A_563] {strides = array<i32>} : memref<16384xi32, #tpu.memory_space<vmem>>, vector<16xi32>,
          %gt3A_565 = vector.broadcast %add3A_497 : i32 to vector<16xi32>
          %gt3A_566 = arith.cmpi sgt, %get3A_564, %gt3A_565 : vector<16xi32>
          %convert_element_type3A_567 = arith.extui %gt3A_566 : vector<16xi1> to vector<16xi32>
          %add3A_568 = arith.addi %add3A_558, %convert_element_type3A_567 : vector<16xi32>
          %mul3A_569 = arith.constant 128 : i32
          %mul3A_570 = arith.muli %while3A_519, %mul3A_569 : i32
          %add3A_571 = arith.constant 80 : i32
          %add3A_572 = arith.addi %mul3A_570, %add3A_571 : i32
          %get3A_573 = arith.index_cast %add3A_572 : i32 to index
          %get3A_574 = tpu.vector_load %arg11[%get3A_573] {strides = array<i32>} : memref<16384xi32, #tpu.memory_space<vmem>>, vector<16xi32>,
          %gt3A_575 = vector.broadcast %add3A_497 : i32 to vector<16xi32>
          %gt3A_576 = arith.cmpi sgt, %get3A_574, %gt3A_575 : vector<16xi32>
          %convert_element_type3A_577 = arith.extui %gt3A_576 : vector<16xi1> to vector<16xi32>
          %add3A_578 = arith.addi %add3A_568, %convert_element_type3A_577 : vector<16xi32>
          %mul3A_579 = arith.constant 128 : i32
          %mul3A_580 = arith.muli %while3A_519, %mul3A_579 : i32
          %add3A_581 = arith.constant 96 : i32
          %add3A_582 = arith.addi %mul3A_580, %add3A_581 : i32
          %get3A_583 = arith.index_cast %add3A_582 : i32 to index
          %get3A_584 = tpu.vector_load %arg11[%get3A_583] {strides = array<i32>} : memref<16384xi32, #tpu.memory_space<vmem>>, vector<16xi32>,
          %gt3A_585 = vector.broadcast %add3A_497 : i32 to vector<16xi32>
          %gt3A_586 = arith.cmpi sgt, %get3A_584, %gt3A_585 : vector<16xi32>
          %convert_element_type3A_587 = arith.extui %gt3A_586 : vector<16xi1> to vector<16xi32>
          %add3A_588 = arith.addi %add3A_578, %convert_element_type3A_587 : vector<16xi32>
          %mul3A_589 = arith.constant 128 : i32
          %mul3A_590 = arith.muli %while3A_519, %mul3A_589 : i32
          %add3A_591 = arith.constant 112 : i32
          %add3A_592 = arith.addi %mul3A_590, %add3A_591 : i32
          %get3A_593 = arith.index_cast %add3A_592 : i32 to index
          %get3A_594 = tpu.vector_load %arg11[%get3A_593] {strides = array<i32>} : memref<16384xi32, #tpu.memory_space<vmem>>, vector<16xi32>,
          %gt3A_595 = vector.broadcast %add3A_497 : i32 to vector<16xi32>
          %gt3A_596 = arith.cmpi sgt, %get3A_594, %gt3A_595 : vector<16xi32>
          %convert_element_type3A_597 = arith.extui %gt3A_596 : vector<16xi1> to vector<16xi32>
          %add3A_598 = arith.addi %add3A_588, %convert_element_type3A_597 : vector<16xi32>
          scf.yield %add3A_598 : vector<16xi32>
        }
        %reduce_sum3A_511 = arith.constant true
        %reduce_sum3A_512 = vector.broadcast %reduce_sum3A_511 : i1 to vector<16xi1>
        %reduce_sum3A_513 = tpu.scan <sum>, %while3A_510 masked %reduce_sum3A_512 : vector<16xi32>, vector<16xi1> -> vector<16xi32>
        %reduce_sum3A_514 = vector.extract %reduce_sum3A_513[15] : i32 from vector<16xi32>
        %lt3A_515 = arith.constant 512 : i32
        %lt3A_516 = arith.cmpi slt, %reduce_sum3A_514, %lt3A_515 : i32
        %select_n3A_517 = arith.select %lt3A_516, %while3A_470, %add3A_497 : i32
        %select_n3A_518 = arith.select %lt3A_516, %add3A_497, %while3A_471 : i32
        scf.yield %select_n3A_517, %select_n3A_518 : i32, i32
      }
      %scan3A_92 = arith.constant 0 : i32
      %scan3A_93 = arith.constant 128 : i32
      %scan3A_94 = arith.addi %scan3A_92, %scan3A_93 : i32
      %scan3A_95 = arith.constant 1 : i32
      scf.for %scan3A_470 = %scan3A_92 to %scan3A_94 step %scan3A_95  : i32 {
        %mul3A_471 = arith.constant 128 : i32
        %mul3A_472 = arith.muli %scan3A_470, %mul3A_471 : i32
        %add3A_473 = arith.constant 0 : i32
        %add3A_474 = arith.addi %add3A_473, %mul3A_472 : i32
        %add3A_475 = arith.constant 0 : i32
        %add3A_476 = arith.addi %add3A_474, %add3A_475 : i32
        %swap3A_477 = arith.index_cast %add3A_476 : i32 to index
        %swap3A_478 = tpu.vector_load %arg11[%swap3A_477] {strides = array<i32>} : memref<16384xi32, #tpu.memory_space<vmem>>, vector<16xi32>,
        tpu.vector_store %arg11[%swap3A_477], %broadcast_in_dim3A_3 {strides = array<i32>} : memref<16384xi32, #tpu.memory_space<vmem>>, vector<16xi32>,
        %add3A_479 = arith.constant 16 : i32
        %add3A_480 = arith.addi %add3A_474, %add3A_479 : i32
        %swap3A_481 = arith.index_cast %add3A_480 : i32 to index
        %swap3A_482 = tpu.vector_load %arg11[%swap3A_481] {strides = array<i32>} : memref<16384xi32, #tpu.memory_space<vmem>>, vector<16xi32>,
        tpu.vector_store %arg11[%swap3A_481], %broadcast_in_dim3A_3 {strides = array<i32>} : memref<16384xi32, #tpu.memory_space<vmem>>, vector<16xi32>,
        %add3A_483 = arith.constant 32 : i32
        %add3A_484 = arith.addi %add3A_474, %add3A_483 : i32
        %swap3A_485 = arith.index_cast %add3A_484 : i32 to index
        %swap3A_486 = tpu.vector_load %arg11[%swap3A_485] {strides = array<i32>} : memref<16384xi32, #tpu.memory_space<vmem>>, vector<16xi32>,
        tpu.vector_store %arg11[%swap3A_485], %broadcast_in_dim3A_3 {strides = array<i32>} : memref<16384xi32, #tpu.memory_space<vmem>>, vector<16xi32>,
        %add3A_487 = arith.constant 48 : i32
        %add3A_488 = arith.addi %add3A_474, %add3A_487 : i32
        %swap3A_489 = arith.index_cast %add3A_488 : i32 to index
        %swap3A_490 = tpu.vector_load %arg11[%swap3A_489] {strides = array<i32>} : memref<16384xi32, #tpu.memory_space<vmem>>, vector<16xi32>,
        tpu.vector_store %arg11[%swap3A_489], %broadcast_in_dim3A_3 {strides = array<i32>} : memref<16384xi32, #tpu.memory_space<vmem>>, vector<16xi32>,
        %add3A_491 = arith.constant 64 : i32
        %add3A_492 = arith.addi %add3A_474, %add3A_491 : i32
        %swap3A_493 = arith.index_cast %add3A_492 : i32 to index
        %swap3A_494 = tpu.vector_load %arg11[%swap3A_493] {strides = array<i32>} : memref<16384xi32, #tpu.memory_space<vmem>>, vector<16xi32>,
        tpu.vector_store %arg11[%swap3A_493], %broadcast_in_dim3A_3 {strides = array<i32>} : memref<16384xi32, #tpu.memory_space<vmem>>, vector<16xi32>,
        %add3A_495 = arith.constant 80 : i32
        %add3A_496 = arith.addi %add3A_474, %add3A_495 : i32
        %swap3A_497 = arith.index_cast %add3A_496 : i32 to index
        %swap3A_498 = tpu.vector_load %arg11[%swap3A_497] {strides = array<i32>} : memref<16384xi32, #tpu.memory_space<vmem>>, vector<16xi32>,
        tpu.vector_store %arg11[%swap3A_497], %broadcast_in_dim3A_3 {strides = array<i32>} : memref<16384xi32, #tpu.memory_space<vmem>>, vector<16xi32>,
        %add3A_499 = arith.constant 96 : i32
        %add3A_500 = arith.addi %add3A_474, %add3A_499 : i32
        %swap3A_501 = arith.index_cast %add3A_500 : i32 to index
        %swap3A_502 = tpu.vector_load %arg11[%swap3A_501] {strides = array<i32>} : memref<16384xi32, #tpu.memory_space<vmem>>, vector<16xi32>,
        tpu.vector_store %arg11[%swap3A_501], %broadcast_in_dim3A_3 {strides = array<i32>} : memref<16384xi32, #tpu.memory_space<vmem>>, vector<16xi32>,
        %add3A_503 = arith.constant 112 : i32
        %add3A_504 = arith.addi %add3A_474, %add3A_503 : i32
        %swap3A_505 = arith.index_cast %add3A_504 : i32 to index
        %swap3A_506 = tpu.vector_load %arg11[%swap3A_505] {strides = array<i32>} : memref<16384xi32, #tpu.memory_space<vmem>>, vector<16xi32>,
        tpu.vector_store %arg11[%swap3A_505], %broadcast_in_dim3A_3 {strides = array<i32>} : memref<16384xi32, #tpu.memory_space<vmem>>, vector<16xi32>,
      }
      %scan3A_96 = arith.constant 128 : i32
      %mul3A_97 = arith.constant 16384 : i32
      %mul3A_98 = arith.muli %add3A, %mul3A_97 : i32
      %scan3A_99 = arith.constant 0 : i32
      %scan3A_100 = arith.constant 0 : i32
      %scan3A_101 = arith.constant 256 : i32
      %scan3A_102 = arith.addi %scan3A_100, %scan3A_101 : i32
      %scan3A_103 = arith.constant 1 : i32
      %scan3A_104 = scf.for %scan3A_470 = %scan3A_100 to %scan3A_102 step %scan3A_103 iter_args(%scan3A_471 = %scan3A_99) -> (i32)  : i32 {
        %mul3A_472 = arith.constant 64 : i32
        %mul3A_473 = arith.muli %scan3A_470, %mul3A_472 : i32
        %add3A_474 = arith.constant 0 : i32
        %add3A_475 = arith.addi %mul3A_473, %add3A_474 : i32
        %get3A = arith.index_cast %add3A_475 : i32 to index
        %get3A_476 = tpu.vector_load %arg6[%get3A] {strides = array<i32>} : memref<16384xf32, #tpu.memory_space<vmem>>, vector<16xf32>,
        %bitcast3A_477 = vector.bitcast %get3A_476 : vector<16xf32> to vector<16xi32>
        %ge3A = vector.broadcast %while3A_91#1 : i32 to vector<16xi32>
        %ge3A_478 = arith.cmpi sge, %bitcast3A_477, %ge3A : vector<16xi32>
        %mul3A_479 = arith.constant 64 : i32
        %mul3A_480 = arith.muli %scan3A_470, %mul3A_479 : i32
        %add3A_481 = arith.addi %mul3A_98, %mul3A_480 : i32
        %add3A_482 = arith.constant 0 : i32
        %add3A_483 = arith.addi %add3A_481, %add3A_482 : i32
        %add3A_484 = vector.broadcast %add3A_483 : i32 to vector<16xi32>
        %add3A_485 = arith.addi %add3A_484, %iota3A : vector<16xi32>
        %swap3A_486 = arith.index_cast %scan3A_471 : i32 to index
        %swap3A_487 = tpu.vector_load %arg8[%swap3A_486] masked %ge3A_478 {strides = array<i32>} : memref<1024xi32, #tpu.memory_space<vmem>>, vector<16xi32>, vector<16xi1>
        tpu.vector_store %arg8[%swap3A_486], %add3A_485 masked %ge3A_478 {strides = array<i32>} : memref<1024xi32, #tpu.memory_space<vmem>>, vector<16xi32>, vector<16xi1>
        %shift_right_arithmetic3A = arith.constant 3 : i32
        %shift_right_arithmetic3A_488 = vector.broadcast %shift_right_arithmetic3A : i32 to vector<16xi32>
        %shift_right_arithmetic3A_489 = arith.shrsi %add3A_485, %shift_right_arithmetic3A_488 : vector<16xi32>
        %swap3A_490 = arith.index_cast %scan3A_471 : i32 to index
        %swap3A_491 = tpu.vector_load %arg9[%swap3A_490] masked %ge3A_478 {strides = array<i32>} : memref<1024xi32, #tpu.memory_space<vmem>>, vector<16xi32>, vector<16xi1>
        tpu.vector_store %arg9[%swap3A_490], %shift_right_arithmetic3A_489 masked %ge3A_478 {strides = array<i32>} : memref<1024xi32, #tpu.memory_space<vmem>>, vector<16xi32>, vector<16xi1>
        %all_reduce_population_count3A = tpu.all_reduce %ge3A_478 {dim = 0 : i64, kind = #tpu.reduction_kind<sum>} : vector<16xi1> -> vector<16xi32>
        %slice3A = vector.extract_strided_slice %all_reduce_population_count3A {offsets = [0], sizes = [1], strides = [1]} : vector<16xi32> to vector<1xi32>
        %squeeze3A = vector.extract %slice3A[0] : i32 from vector<1xi32>
        %add3A_492 = arith.addi %scan3A_471, %squeeze3A : i32
        %min3A_493 = arith.constant 1008 : i32
        %min3A_494 = arith.minsi %add3A_492, %min3A_493 : i32
        %mul3A_495 = arith.constant 64 : i32
        %mul3A_496 = arith.muli %scan3A_470, %mul3A_495 : i32
        %add3A_497 = arith.constant 16 : i32
        %add3A_498 = arith.addi %mul3A_496, %add3A_497 : i32
        %get3A_499 = arith.index_cast %add3A_498 : i32 to index
        %get3A_500 = tpu.vector_load %arg6[%get3A_499] {strides = array<i32>} : memref<16384xf32, #tpu.memory_space<vmem>>, vector<16xf32>,
        %bitcast3A_501 = vector.bitcast %get3A_500 : vector<16xf32> to vector<16xi32>
        %ge3A_502 = vector.broadcast %while3A_91#1 : i32 to vector<16xi32>
        %ge3A_503 = arith.cmpi sge, %bitcast3A_501, %ge3A_502 : vector<16xi32>
        %mul3A_504 = arith.constant 64 : i32
        %mul3A_505 = arith.muli %scan3A_470, %mul3A_504 : i32
        %add3A_506 = arith.addi %mul3A_98, %mul3A_505 : i32
        %add3A_507 = arith.constant 16 : i32
        %add3A_508 = arith.addi %add3A_506, %add3A_507 : i32
        %add3A_509 = vector.broadcast %add3A_508 : i32 to vector<16xi32>
        %add3A_510 = arith.addi %add3A_509, %iota3A : vector<16xi32>
        %swap3A_511 = arith.index_cast %min3A_494 : i32 to index
        %swap3A_512 = tpu.vector_load %arg8[%swap3A_511] masked %ge3A_503 {strides = array<i32>} : memref<1024xi32, #tpu.memory_space<vmem>>, vector<16xi32>, vector<16xi1>
        tpu.vector_store %arg8[%swap3A_511], %add3A_510 masked %ge3A_503 {strides = array<i32>} : memref<1024xi32, #tpu.memory_space<vmem>>, vector<16xi32>, vector<16xi1>
        %shift_right_arithmetic3A_513 = arith.constant 3 : i32
        %shift_right_arithmetic3A_514 = vector.broadcast %shift_right_arithmetic3A_513 : i32 to vector<16xi32>
        %shift_right_arithmetic3A_515 = arith.shrsi %add3A_510, %shift_right_arithmetic3A_514 : vector<16xi32>
        %swap3A_516 = arith.index_cast %min3A_494 : i32 to index
        %swap3A_517 = tpu.vector_load %arg9[%swap3A_516] masked %ge3A_503 {strides = array<i32>} : memref<1024xi32, #tpu.memory_space<vmem>>, vector<16xi32>, vector<16xi1>
        tpu.vector_store %arg9[%swap3A_516], %shift_right_arithmetic3A_515 masked %ge3A_503 {strides = array<i32>} : memref<1024xi32, #tpu.memory_space<vmem>>, vector<16xi32>, vector<16xi1>
        %all_reduce_population_count3A_518 = tpu.all_reduce %ge3A_503 {dim = 0 : i64, kind = #tpu.reduction_kind<sum>} : vector<16xi1> -> vector<16xi32>
        %slice3A_519 = vector.extract_strided_slice %all_reduce_population_count3A_518 {offsets = [0], sizes = [1], strides = [1]} : vector<16xi32> to vector<1xi32>
        %squeeze3A_520 = vector.extract %slice3A_519[0] : i32 from vector<1xi32>
        %add3A_521 = arith.addi %min3A_494, %squeeze3A_520 : i32
        %min3A_522 = arith.constant 1008 : i32
        %min3A_523 = arith.minsi %add3A_521, %min3A_522 : i32
        %mul3A_524 = arith.constant 64 : i32
        %mul3A_525 = arith.muli %scan3A_470, %mul3A_524 : i32
        %add3A_526 = arith.constant 32 : i32
        %add3A_527 = arith.addi %mul3A_525, %add3A_526 : i32
        %get3A_528 = arith.index_cast %add3A_527 : i32 to index
        %get3A_529 = tpu.vector_load %arg6[%get3A_528] {strides = array<i32>} : memref<16384xf32, #tpu.memory_space<vmem>>, vector<16xf32>,
        %bitcast3A_530 = vector.bitcast %get3A_529 : vector<16xf32> to vector<16xi32>
        %ge3A_531 = vector.broadcast %while3A_91#1 : i32 to vector<16xi32>
        %ge3A_532 = arith.cmpi sge, %bitcast3A_530, %ge3A_531 : vector<16xi32>
        %mul3A_533 = arith.constant 64 : i32
        %mul3A_534 = arith.muli %scan3A_470, %mul3A_533 : i32
        %add3A_535 = arith.addi %mul3A_98, %mul3A_534 : i32
        %add3A_536 = arith.constant 32 : i32
        %add3A_537 = arith.addi %add3A_535, %add3A_536 : i32
        %add3A_538 = vector.broadcast %add3A_537 : i32 to vector<16xi32>
        %add3A_539 = arith.addi %add3A_538, %iota3A : vector<16xi32>
        %swap3A_540 = arith.index_cast %min3A_523 : i32 to index
        %swap3A_541 = tpu.vector_load %arg8[%swap3A_540] masked %ge3A_532 {strides = array<i32>} : memref<1024xi32, #tpu.memory_space<vmem>>, vector<16xi32>, vector<16xi1>
        tpu.vector_store %arg8[%swap3A_540], %add3A_539 masked %ge3A_532 {strides = array<i32>} : memref<1024xi32, #tpu.memory_space<vmem>>, vector<16xi32>, vector<16xi1>
        %shift_right_arithmetic3A_542 = arith.constant 3 : i32
        %shift_right_arithmetic3A_543 = vector.broadcast %shift_right_arithmetic3A_542 : i32 to vector<16xi32>
        %shift_right_arithmetic3A_544 = arith.shrsi %add3A_539, %shift_right_arithmetic3A_543 : vector<16xi32>
        %swap3A_545 = arith.index_cast %min3A_523 : i32 to index
        %swap3A_546 = tpu.vector_load %arg9[%swap3A_545] masked %ge3A_532 {strides = array<i32>} : memref<1024xi32, #tpu.memory_space<vmem>>, vector<16xi32>, vector<16xi1>
        tpu.vector_store %arg9[%swap3A_545], %shift_right_arithmetic3A_544 masked %ge3A_532 {strides = array<i32>} : memref<1024xi32, #tpu.memory_space<vmem>>, vector<16xi32>, vector<16xi1>
        %all_reduce_population_count3A_547 = tpu.all_reduce %ge3A_532 {dim = 0 : i64, kind = #tpu.reduction_kind<sum>} : vector<16xi1> -> vector<16xi32>
        %slice3A_548 = vector.extract_strided_slice %all_reduce_population_count3A_547 {offsets = [0], sizes = [1], strides = [1]} : vector<16xi32> to vector<1xi32>
        %squeeze3A_549 = vector.extract %slice3A_548[0] : i32 from vector<1xi32>
        %add3A_550 = arith.addi %min3A_523, %squeeze3A_549 : i32
        %min3A_551 = arith.constant 1008 : i32
        %min3A_552 = arith.minsi %add3A_550, %min3A_551 : i32
        %mul3A_553 = arith.constant 64 : i32
        %mul3A_554 = arith.muli %scan3A_470, %mul3A_553 : i32
        %add3A_555 = arith.constant 48 : i32
        %add3A_556 = arith.addi %mul3A_554, %add3A_555 : i32
        %get3A_557 = arith.index_cast %add3A_556 : i32 to index
        %get3A_558 = tpu.vector_load %arg6[%get3A_557] {strides = array<i32>} : memref<16384xf32, #tpu.memory_space<vmem>>, vector<16xf32>,
        %bitcast3A_559 = vector.bitcast %get3A_558 : vector<16xf32> to vector<16xi32>
        %ge3A_560 = vector.broadcast %while3A_91#1 : i32 to vector<16xi32>
        %ge3A_561 = arith.cmpi sge, %bitcast3A_559, %ge3A_560 : vector<16xi32>
        %mul3A_562 = arith.constant 64 : i32
        %mul3A_563 = arith.muli %scan3A_470, %mul3A_562 : i32
        %add3A_564 = arith.addi %mul3A_98, %mul3A_563 : i32
        %add3A_565 = arith.constant 48 : i32
        %add3A_566 = arith.addi %add3A_564, %add3A_565 : i32
        %add3A_567 = vector.broadcast %add3A_566 : i32 to vector<16xi32>
        %add3A_568 = arith.addi %add3A_567, %iota3A : vector<16xi32>
        %swap3A_569 = arith.index_cast %min3A_552 : i32 to index
        %swap3A_570 = tpu.vector_load %arg8[%swap3A_569] masked %ge3A_561 {strides = array<i32>} : memref<1024xi32, #tpu.memory_space<vmem>>, vector<16xi32>, vector<16xi1>
        tpu.vector_store %arg8[%swap3A_569], %add3A_568 masked %ge3A_561 {strides = array<i32>} : memref<1024xi32, #tpu.memory_space<vmem>>, vector<16xi32>, vector<16xi1>
        %shift_right_arithmetic3A_571 = arith.constant 3 : i32
        %shift_right_arithmetic3A_572 = vector.broadcast %shift_right_arithmetic3A_571 : i32 to vector<16xi32>
        %shift_right_arithmetic3A_573 = arith.shrsi %add3A_568, %shift_right_arithmetic3A_572 : vector<16xi32>
        %swap3A_574 = arith.index_cast %min3A_552 : i32 to index
        %swap3A_575 = tpu.vector_load %arg9[%swap3A_574] masked %ge3A_561 {strides = array<i32>} : memref<1024xi32, #tpu.memory_space<vmem>>, vector<16xi32>, vector<16xi1>
        tpu.vector_store %arg9[%swap3A_574], %shift_right_arithmetic3A_573 masked %ge3A_561 {strides = array<i32>} : memref<1024xi32, #tpu.memory_space<vmem>>, vector<16xi32>, vector<16xi1>
        %all_reduce_population_count3A_576 = tpu.all_reduce %ge3A_561 {dim = 0 : i64, kind = #tpu.reduction_kind<sum>} : vector<16xi1> -> vector<16xi32>
        %slice3A_577 = vector.extract_strided_slice %all_reduce_population_count3A_576 {offsets = [0], sizes = [1], strides = [1]} : vector<16xi32> to vector<1xi32>
        %squeeze3A_578 = vector.extract %slice3A_577[0] : i32 from vector<1xi32>
        %add3A_579 = arith.addi %min3A_552, %squeeze3A_578 : i32
        %min3A_580 = arith.constant 1008 : i32
        %min3A_581 = arith.minsi %add3A_579, %min3A_580 : i32
        scf.yield %min3A_581 : i32
      }
      %scan3A_105 = arith.constant 256 : i32
      %dma_start3A = arith.constant 0 : i32
      %dma_start3A_106 = arith.constant 0 : i32
      %dma_start3A_107 = tpu.memref_slice %arg10[%dma_start3A, %dma_start3A_106] : memref<512x128xf32, #tpu.memory_space<vmem>> -> memref<128x128xf32, #tpu.memory_space<vmem>>
      %dma_start3A_108 = arith.constant 0 : i32
      %dma_start3A_109 = tpu.memref_slice %arg9[%dma_start3A_108] : memref<1024xi32, #tpu.memory_space<vmem>> -> memref<128xi32, #tpu.memory_space<vmem>>
      %dma_start3A_110 = arith.constant 0 : i32
      %dma_start3A_111 = arith.constant 0 : i32
      %dma_start3A_112 = tpu.memref_slice %arg3[%dma_start3A_110, %dma_start3A_111] : memref<16384x128xf32, #tpu.memory_space<hbm>> -> memref<16384x128xf32, #tpu.memory_space<hbm>>
      tpu.enqueue_indirect_dma source(%dma_start3A_112 : memref<16384x128xf32, #tpu.memory_space<hbm>>) target(%dma_start3A_107 : memref<128x128xf32, #tpu.memory_space<vmem>>) offsets(%dma_start3A_109 : memref<128xi32, #tpu.memory_space<vmem>>) semaphore(%arg18 : memref<!tpu.dma_semaphore, #tpu.memory_space<semaphore_mem>>)
      %dma_start3A_113 = arith.constant 128 : i32
      %dma_start3A_114 = arith.constant 0 : i32
      %dma_start3A_115 = tpu.memref_slice %arg10[%dma_start3A_113, %dma_start3A_114] : memref<512x128xf32, #tpu.memory_space<vmem>> -> memref<128x128xf32, #tpu.memory_space<vmem>>
      %dma_start3A_116 = arith.constant 128 : i32
      %dma_start3A_117 = tpu.memref_slice %arg9[%dma_start3A_116] : memref<1024xi32, #tpu.memory_space<vmem>> -> memref<128xi32, #tpu.memory_space<vmem>>
      %dma_start3A_118 = arith.constant 0 : i32
      %dma_start3A_119 = arith.constant 0 : i32
      %dma_start3A_120 = tpu.memref_slice %arg3[%dma_start3A_118, %dma_start3A_119] : memref<16384x128xf32, #tpu.memory_space<hbm>> -> memref<16384x128xf32, #tpu.memory_space<hbm>>
      tpu.enqueue_indirect_dma source(%dma_start3A_120 : memref<16384x128xf32, #tpu.memory_space<hbm>>) target(%dma_start3A_115 : memref<128x128xf32, #tpu.memory_space<vmem>>) offsets(%dma_start3A_117 : memref<128xi32, #tpu.memory_space<vmem>>) semaphore(%arg18 : memref<!tpu.dma_semaphore, #tpu.memory_space<semaphore_mem>>)
      %dma_start3A_121 = arith.constant 256 : i32
      %dma_start3A_122 = arith.constant 0 : i32
      %dma_start3A_123 = tpu.memref_slice %arg10[%dma_start3A_121, %dma_start3A_122] : memref<512x128xf32, #tpu.memory_space<vmem>> -> memref<128x128xf32, #tpu.memory_space<vmem>>
      %dma_start3A_124 = arith.constant 256 : i32
      %dma_start3A_125 = tpu.memref_slice %arg9[%dma_start3A_124] : memref<1024xi32, #tpu.memory_space<vmem>> -> memref<128xi32, #tpu.memory_space<vmem>>
      %dma_start3A_126 = arith.constant 0 : i32
      %dma_start3A_127 = arith.constant 0 : i32
      %dma_start3A_128 = tpu.memref_slice %arg3[%dma_start3A_126, %dma_start3A_127] : memref<16384x128xf32, #tpu.memory_space<hbm>> -> memref<16384x128xf32, #tpu.memory_space<hbm>>
      tpu.enqueue_indirect_dma source(%dma_start3A_128 : memref<16384x128xf32, #tpu.memory_space<hbm>>) target(%dma_start3A_123 : memref<128x128xf32, #tpu.memory_space<vmem>>) offsets(%dma_start3A_125 : memref<128xi32, #tpu.memory_space<vmem>>) semaphore(%arg18 : memref<!tpu.dma_semaphore, #tpu.memory_space<semaphore_mem>>)
      %dma_start3A_129 = arith.constant 384 : i32
      %dma_start3A_130 = arith.constant 0 : i32
      %dma_start3A_131 = tpu.memref_slice %arg10[%dma_start3A_129, %dma_start3A_130] : memref<512x128xf32, #tpu.memory_space<vmem>> -> memref<128x128xf32, #tpu.memory_space<vmem>>
      %dma_start3A_132 = arith.constant 384 : i32
      %dma_start3A_133 = tpu.memref_slice %arg9[%dma_start3A_132] : memref<1024xi32, #tpu.memory_space<vmem>> -> memref<128xi32, #tpu.memory_space<vmem>>
      %dma_start3A_134 = arith.constant 0 : i32
      %dma_start3A_135 = arith.constant 0 : i32
      %dma_start3A_136 = tpu.memref_slice %arg3[%dma_start3A_134, %dma_start3A_135] : memref<16384x128xf32, #tpu.memory_space<hbm>> -> memref<16384x128xf32, #tpu.memory_space<hbm>>
      tpu.enqueue_indirect_dma source(%dma_start3A_136 : memref<16384x128xf32, #tpu.memory_space<hbm>>) target(%dma_start3A_131 : memref<128x128xf32, #tpu.memory_space<vmem>>) offsets(%dma_start3A_133 : memref<128xi32, #tpu.memory_space<vmem>>) semaphore(%arg18 : memref<!tpu.dma_semaphore, #tpu.memory_space<semaphore_mem>>)
      %dma_wait3A = arith.constant 0 : i32
      %dma_wait3A_137 = arith.constant 0 : i32
      %dma_wait3A_138 = tpu.memref_slice %arg10[%dma_wait3A, %dma_wait3A_137] : memref<512x128xf32, #tpu.memory_space<vmem>> -> memref<128x128xf32, #tpu.memory_space<vmem>>
      %dma_wait3A_139 = arith.constant 0 : i32
      %dma_wait3A_140 = tpu.memref_slice %arg9[%dma_wait3A_139] : memref<1024xi32, #tpu.memory_space<vmem>> -> memref<128xi32, #tpu.memory_space<vmem>>
      %dma_wait3A_141 = arith.constant 0 : i32
      %dma_wait3A_142 = arith.constant 0 : i32
      %dma_wait3A_143 = tpu.memref_slice %arg3[%dma_wait3A_141, %dma_wait3A_142] : memref<16384x128xf32, #tpu.memory_space<hbm>> -> memref<16384x128xf32, #tpu.memory_space<hbm>>
      tpu.wait_indirect_dma semaphore(%arg18 : memref<!tpu.dma_semaphore, #tpu.memory_space<semaphore_mem>>) src(%dma_wait3A_143 : memref<16384x128xf32, #tpu.memory_space<hbm>>) dst(%dma_wait3A_138 : memref<128x128xf32, #tpu.memory_space<vmem>>)
      %dma_wait3A_144 = arith.constant 128 : i32
      %dma_wait3A_145 = arith.constant 0 : i32
      %dma_wait3A_146 = tpu.memref_slice %arg10[%dma_wait3A_144, %dma_wait3A_145] : memref<512x128xf32, #tpu.memory_space<vmem>> -> memref<128x128xf32, #tpu.memory_space<vmem>>
      %dma_wait3A_147 = arith.constant 128 : i32
      %dma_wait3A_148 = tpu.memref_slice %arg9[%dma_wait3A_147] : memref<1024xi32, #tpu.memory_space<vmem>> -> memref<128xi32, #tpu.memory_space<vmem>>
      %dma_wait3A_149 = arith.constant 0 : i32
      %dma_wait3A_150 = arith.constant 0 : i32
      %dma_wait3A_151 = tpu.memref_slice %arg3[%dma_wait3A_149, %dma_wait3A_150] : memref<16384x128xf32, #tpu.memory_space<hbm>> -> memref<16384x128xf32, #tpu.memory_space<hbm>>
      tpu.wait_indirect_dma semaphore(%arg18 : memref<!tpu.dma_semaphore, #tpu.memory_space<semaphore_mem>>) src(%dma_wait3A_151 : memref<16384x128xf32, #tpu.memory_space<hbm>>) dst(%dma_wait3A_146 : memref<128x128xf32, #tpu.memory_space<vmem>>)
      %dma_wait3A_152 = arith.constant 256 : i32
      %dma_wait3A_153 = arith.constant 0 : i32
      %dma_wait3A_154 = tpu.memref_slice %arg10[%dma_wait3A_152, %dma_wait3A_153] : memref<512x128xf32, #tpu.memory_space<vmem>> -> memref<128x128xf32, #tpu.memory_space<vmem>>
      %dma_wait3A_155 = arith.constant 256 : i32
      %dma_wait3A_156 = tpu.memref_slice %arg9[%dma_wait3A_155] : memref<1024xi32, #tpu.memory_space<vmem>> -> memref<128xi32, #tpu.memory_space<vmem>>
      %dma_wait3A_157 = arith.constant 0 : i32
      %dma_wait3A_158 = arith.constant 0 : i32
      %dma_wait3A_159 = tpu.memref_slice %arg3[%dma_wait3A_157, %dma_wait3A_158] : memref<16384x128xf32, #tpu.memory_space<hbm>> -> memref<16384x128xf32, #tpu.memory_space<hbm>>
      tpu.wait_indirect_dma semaphore(%arg18 : memref<!tpu.dma_semaphore, #tpu.memory_space<semaphore_mem>>) src(%dma_wait3A_159 : memref<16384x128xf32, #tpu.memory_space<hbm>>) dst(%dma_wait3A_154 : memref<128x128xf32, #tpu.memory_space<vmem>>)
      %dma_wait3A_160 = arith.constant 384 : i32
      %dma_wait3A_161 = arith.constant 0 : i32
      %dma_wait3A_162 = tpu.memref_slice %arg10[%dma_wait3A_160, %dma_wait3A_161] : memref<512x128xf32, #tpu.memory_space<vmem>> -> memref<128x128xf32, #tpu.memory_space<vmem>>
      %dma_wait3A_163 = arith.constant 384 : i32
      %dma_wait3A_164 = tpu.memref_slice %arg9[%dma_wait3A_163] : memref<1024xi32, #tpu.memory_space<vmem>> -> memref<128xi32, #tpu.memory_space<vmem>>
      %dma_wait3A_165 = arith.constant 0 : i32
      %dma_wait3A_166 = arith.constant 0 : i32
      %dma_wait3A_167 = tpu.memref_slice %arg3[%dma_wait3A_165, %dma_wait3A_166] : memref<16384x128xf32, #tpu.memory_space<hbm>> -> memref<16384x128xf32, #tpu.memory_space<hbm>>
      tpu.wait_indirect_dma semaphore(%arg18 : memref<!tpu.dma_semaphore, #tpu.memory_space<semaphore_mem>>) src(%dma_wait3A_167 : memref<16384x128xf32, #tpu.memory_space<hbm>>) dst(%dma_wait3A_162 : memref<128x128xf32, #tpu.memory_space<vmem>>)
      %min3A = arith.constant 512 : i32
      %min3A_168 = arith.minsi %scan3A_104, %min3A : i32
      %add3A_169 = arith.constant 15 : i32
      %add3A_170 = arith.addi %min3A_168, %add3A_169 : i32
      %jit3A_171 = arith.constant 16 : i32
      %div3A_172 = arith.divsi %add3A_170, %jit3A_171 : i32
      %sign3A_173 = arith.constant 0 : i32
      %sign3A_174 = arith.cmpi sgt, %add3A_170, %sign3A_173 : i32
      %sign3A_175 = arith.extui %sign3A_174 : i1 to i32
      %sign3A_176 = arith.constant 0 : i32
      %sign3A_177 = arith.cmpi slt, %add3A_170, %sign3A_176 : i32
      %sign3A_178 = arith.extui %sign3A_177 : i1 to i32
      %sign3A_179 = arith.subi %sign3A_175, %sign3A_178 : i32
      %sign3A_180 = arith.constant 0 : i32
      %sign3A_181 = arith.cmpi sgt, %jit3A_171, %sign3A_180 : i32
      %sign3A_182 = arith.extui %sign3A_181 : i1 to i32
      %sign3A_183 = arith.constant 0 : i32
      %sign3A_184 = arith.cmpi slt, %jit3A_171, %sign3A_183 : i32
      %sign3A_185 = arith.extui %sign3A_184 : i1 to i32
      %sign3A_186 = arith.subi %sign3A_182, %sign3A_185 : i32
      %ne3A_187 = arith.cmpi ne, %sign3A_179, %sign3A_186 : i32
      %rem3A_188 = arith.remsi %add3A_170, %jit3A_171 : i32
      %ne3A_189 = arith.constant 0 : i32
      %ne3A_190 = arith.cmpi ne, %rem3A_188, %ne3A_189 : i32
      %and3A_191 = arith.andi %ne3A_187, %ne3A_190 : i1
      %sub3A_192 = arith.constant 1 : i32
      %sub3A_193 = arith.subi %div3A_172, %sub3A_192 : i32
      %select_n3A_194 = arith.select %and3A_191, %sub3A_193, %div3A_172 : i32
      %while3A_195 = arith.constant 0 : i32
      %while3A_196 = arith.constant 0 : i32
      %while3A_197 = arith.subi %select_n3A_194, %while3A_195 : i32
      %while3A_198 = arith.addi %while3A_195, %while3A_197 : i32
      %while3A_199 = arith.constant 1 : i32
      %while3A_200 = arith.divsi %while3A_197, %while3A_199 : i32
      %while3A_201 = arith.muli %while3A_200, %while3A_199 : i32
      %while3A_202 = arith.addi %while3A_195, %while3A_201 : i32
      %while3A_203 = arith.constant 1 : i32
      %while3A_204 = scf.for %while3A_470 = %while3A_195 to %while3A_202 step %while3A_203 iter_args(%while3A_471 = %while3A_196) -> (i32)  : i32 {
        %mul3A_472 = arith.constant 16 : i32
        %mul3A_473 = arith.muli %while3A_470, %mul3A_472 : i32
        %add3A_474 = arith.constant 0 : i32
        %add3A_475 = arith.addi %mul3A_473, %add3A_474 : i32
        %broadcast_in_dim3A_476 = vector.broadcast %add3A_475 : i32 to vector<16xi32>
        %gather3A = tpu.vector_load_idx %arg8[%broadcast_in_dim3A_476] : memref<1024xi32, #tpu.memory_space<vmem>>[vector<16xi32>], vector<16xi32>,
        %and3A_477 = arith.constant 7 : i32
        %and3A_478 = vector.broadcast %and3A_477 : i32 to vector<16xi32>
        %and3A_479 = arith.andi %gather3A, %and3A_478 : vector<16xi32>
        %mul3A_480 = arith.constant 16 : i32
        %mul3A_481 = vector.broadcast %mul3A_480 : i32 to vector<16xi32>
        %mul3A_482 = arith.muli %and3A_479, %mul3A_481 : vector<16xi32>
        %add3A_483 = arith.addi %mul3A_482, %iota3A : vector<16xi32>
        %broadcast_in_dim3A_484 = vector.broadcast %add3A_475 : i32 to vector<16xi32>
        %gather3A_485 = tpu.vector_load_idx %arg10[%broadcast_in_dim3A_484, %add3A_483] : memref<512x128xf32, #tpu.memory_space<vmem>>[vector<16xi32>, vector<16xi32>], vector<16xf32>,
        %bitcast3A_486 = vector.bitcast %gather3A_485 : vector<16xf32> to vector<16xi32>
        %ge3A = vector.broadcast %while3A_91#1 : i32 to vector<16xi32>
        %ge3A_487 = arith.cmpi sge, %bitcast3A_486, %ge3A : vector<16xi32>
        %lt3A_488 = arith.cmpi slt, %add3A_475, %min3A_168 : i32
        %and3A_489 = vector.broadcast %lt3A_488 : i1 to vector<16xi1>
        %and3A_490 = arith.andi %ge3A_487, %and3A_489 : vector<16xi1>
        %swap3A_491 = arith.index_cast %while3A_471 : i32 to index
        %swap3A_492 = tpu.vector_load %arg11[%swap3A_491] masked %and3A_490 {strides = array<i32>} : memref<16384xi32, #tpu.memory_space<vmem>>, vector<16xi32>, vector<16xi1>
        tpu.vector_store %arg11[%swap3A_491], %bitcast3A_486 masked %and3A_490 {strides = array<i32>} : memref<16384xi32, #tpu.memory_space<vmem>>, vector<16xi32>, vector<16xi1>
        %mul3A_493 = arith.constant 16 : i32
        %mul3A_494 = vector.broadcast %mul3A_493 : i32 to vector<16xi32>
        %mul3A_495 = arith.muli %gather3A, %mul3A_494 : vector<16xi32>
        %add3A_496 = arith.addi %mul3A_495, %iota3A : vector<16xi32>
        %swap3A_497 = arith.index_cast %while3A_471 : i32 to index
        %swap3A_498 = tpu.vector_load %arg12[%swap3A_497] masked %and3A_490 {strides = array<i32>} : memref<16384xi32, #tpu.memory_space<vmem>>, vector<16xi32>, vector<16xi1>
        tpu.vector_store %arg12[%swap3A_497], %add3A_496 masked %and3A_490 {strides = array<i32>} : memref<16384xi32, #tpu.memory_space<vmem>>, vector<16xi32>, vector<16xi1>
        %all_reduce_population_count3A = tpu.all_reduce %and3A_490 {dim = 0 : i64, kind = #tpu.reduction_kind<sum>} : vector<16xi1> -> vector<16xi32>
        %slice3A = vector.extract_strided_slice %all_reduce_population_count3A {offsets = [0], sizes = [1], strides = [1]} : vector<16xi32> to vector<1xi32>
        %squeeze3A = vector.extract %slice3A[0] : i32 from vector<1xi32>
        %add3A_499 = arith.addi %while3A_471, %squeeze3A : i32
        %min3A_500 = arith.constant 16368 : i32
        %min3A_501 = arith.minsi %add3A_499, %min3A_500 : i32
        %mul3A_502 = arith.constant 16 : i32
        %mul3A_503 = arith.muli %while3A_470, %mul3A_502 : i32
        %add3A_504 = arith.constant 1 : i32
        %add3A_505 = arith.addi %mul3A_503, %add3A_504 : i32
        %broadcast_in_dim3A_506 = vector.broadcast %add3A_505 : i32 to vector<16xi32>
        %gather3A_507 = tpu.vector_load_idx %arg8[%broadcast_in_dim3A_506] : memref<1024xi32, #tpu.memory_space<vmem>>[vector<16xi32>], vector<16xi32>,
        %and3A_508 = arith.constant 7 : i32
        %and3A_509 = vector.broadcast %and3A_508 : i32 to vector<16xi32>
        %and3A_510 = arith.andi %gather3A_507, %and3A_509 : vector<16xi32>
        %mul3A_511 = arith.constant 16 : i32
        %mul3A_512 = vector.broadcast %mul3A_511 : i32 to vector<16xi32>
        %mul3A_513 = arith.muli %and3A_510, %mul3A_512 : vector<16xi32>
        %add3A_514 = arith.addi %mul3A_513, %iota3A : vector<16xi32>
        %broadcast_in_dim3A_515 = vector.broadcast %add3A_505 : i32 to vector<16xi32>
        %gather3A_516 = tpu.vector_load_idx %arg10[%broadcast_in_dim3A_515, %add3A_514] : memref<512x128xf32, #tpu.memory_space<vmem>>[vector<16xi32>, vector<16xi32>], vector<16xf32>,
        %bitcast3A_517 = vector.bitcast %gather3A_516 : vector<16xf32> to vector<16xi32>
        %ge3A_518 = vector.broadcast %while3A_91#1 : i32 to vector<16xi32>
        %ge3A_519 = arith.cmpi sge, %bitcast3A_517, %ge3A_518 : vector<16xi32>
        %lt3A_520 = arith.cmpi slt, %add3A_505, %min3A_168 : i32
        %and3A_521 = vector.broadcast %lt3A_520 : i1 to vector<16xi1>
        %and3A_522 = arith.andi %ge3A_519, %and3A_521 : vector<16xi1>
        %swap3A_523 = arith.index_cast %min3A_501 : i32 to index
        %swap3A_524 = tpu.vector_load %arg11[%swap3A_523] masked %and3A_522 {strides = array<i32>} : memref<16384xi32, #tpu.memory_space<vmem>>, vector<16xi32>, vector<16xi1>
        tpu.vector_store %arg11[%swap3A_523], %bitcast3A_517 masked %and3A_522 {strides = array<i32>} : memref<16384xi32, #tpu.memory_space<vmem>>, vector<16xi32>, vector<16xi1>
        %mul3A_525 = arith.constant 16 : i32
        %mul3A_526 = vector.broadcast %mul3A_525 : i32 to vector<16xi32>
        %mul3A_527 = arith.muli %gather3A_507, %mul3A_526 : vector<16xi32>
        %add3A_528 = arith.addi %mul3A_527, %iota3A : vector<16xi32>
        %swap3A_529 = arith.index_cast %min3A_501 : i32 to index
        %swap3A_530 = tpu.vector_load %arg12[%swap3A_529] masked %and3A_522 {strides = array<i32>} : memref<16384xi32, #tpu.memory_space<vmem>>, vector<16xi32>, vector<16xi1>
        tpu.vector_store %arg12[%swap3A_529], %add3A_528 masked %and3A_522 {strides = array<i32>} : memref<16384xi32, #tpu.memory_space<vmem>>, vector<16xi32>, vector<16xi1>
        %all_reduce_population_count3A_531 = tpu.all_reduce %and3A_522 {dim = 0 : i64, kind = #tpu.reduction_kind<sum>} : vector<16xi1> -> vector<16xi32>
        %slice3A_532 = vector.extract_strided_slice %all_reduce_population_count3A_531 {offsets = [0], sizes = [1], strides = [1]} : vector<16xi32> to vector<1xi32>
        %squeeze3A_533 = vector.extract %slice3A_532[0] : i32 from vector<1xi32>
        %add3A_534 = arith.addi %min3A_501, %squeeze3A_533 : i32
        %min3A_535 = arith.constant 16368 : i32
        %min3A_536 = arith.minsi %add3A_534, %min3A_535 : i32
        %mul3A_537 = arith.constant 16 : i32
        %mul3A_538 = arith.muli %while3A_470, %mul3A_537 : i32
        %add3A_539 = arith.constant 2 : i32
        %add3A_540 = arith.addi %mul3A_538, %add3A_539 : i32
        %broadcast_in_dim3A_541 = vector.broadcast %add3A_540 : i32 to vector<16xi32>
        %gather3A_542 = tpu.vector_load_idx %arg8[%broadcast_in_dim3A_541] : memref<1024xi32, #tpu.memory_space<vmem>>[vector<16xi32>], vector<16xi32>,
        %and3A_543 = arith.constant 7 : i32
        %and3A_544 = vector.broadcast %and3A_543 : i32 to vector<16xi32>
        %and3A_545 = arith.andi %gather3A_542, %and3A_544 : vector<16xi32>
        %mul3A_546 = arith.constant 16 : i32
        %mul3A_547 = vector.broadcast %mul3A_546 : i32 to vector<16xi32>
        %mul3A_548 = arith.muli %and3A_545, %mul3A_547 : vector<16xi32>
        %add3A_549 = arith.addi %mul3A_548, %iota3A : vector<16xi32>
        %broadcast_in_dim3A_550 = vector.broadcast %add3A_540 : i32 to vector<16xi32>
        %gather3A_551 = tpu.vector_load_idx %arg10[%broadcast_in_dim3A_550, %add3A_549] : memref<512x128xf32, #tpu.memory_space<vmem>>[vector<16xi32>, vector<16xi32>], vector<16xf32>,
        %bitcast3A_552 = vector.bitcast %gather3A_551 : vector<16xf32> to vector<16xi32>
        %ge3A_553 = vector.broadcast %while3A_91#1 : i32 to vector<16xi32>
        %ge3A_554 = arith.cmpi sge, %bitcast3A_552, %ge3A_553 : vector<16xi32>
        %lt3A_555 = arith.cmpi slt, %add3A_540, %min3A_168 : i32
        %and3A_556 = vector.broadcast %lt3A_555 : i1 to vector<16xi1>
        %and3A_557 = arith.andi %ge3A_554, %and3A_556 : vector<16xi1>
        %swap3A_558 = arith.index_cast %min3A_536 : i32 to index
        %swap3A_559 = tpu.vector_load %arg11[%swap3A_558] masked %and3A_557 {strides = array<i32>} : memref<16384xi32, #tpu.memory_space<vmem>>, vector<16xi32>, vector<16xi1>
        tpu.vector_store %arg11[%swap3A_558], %bitcast3A_552 masked %and3A_557 {strides = array<i32>} : memref<16384xi32, #tpu.memory_space<vmem>>, vector<16xi32>, vector<16xi1>
        %mul3A_560 = arith.constant 16 : i32
        %mul3A_561 = vector.broadcast %mul3A_560 : i32 to vector<16xi32>
        %mul3A_562 = arith.muli %gather3A_542, %mul3A_561 : vector<16xi32>
        %add3A_563 = arith.addi %mul3A_562, %iota3A : vector<16xi32>
        %swap3A_564 = arith.index_cast %min3A_536 : i32 to index
        %swap3A_565 = tpu.vector_load %arg12[%swap3A_564] masked %and3A_557 {strides = array<i32>} : memref<16384xi32, #tpu.memory_space<vmem>>, vector<16xi32>, vector<16xi1>
        tpu.vector_store %arg12[%swap3A_564], %add3A_563 masked %and3A_557 {strides = array<i32>} : memref<16384xi32, #tpu.memory_space<vmem>>, vector<16xi32>, vector<16xi1>
        %all_reduce_population_count3A_566 = tpu.all_reduce %and3A_557 {dim = 0 : i64, kind = #tpu.reduction_kind<sum>} : vector<16xi1> -> vector<16xi32>
        %slice3A_567 = vector.extract_strided_slice %all_reduce_population_count3A_566 {offsets = [0], sizes = [1], strides = [1]} : vector<16xi32> to vector<1xi32>
        %squeeze3A_568 = vector.extract %slice3A_567[0] : i32 from vector<1xi32>
        %add3A_569 = arith.addi %min3A_536, %squeeze3A_568 : i32
        %min3A_570 = arith.constant 16368 : i32
        %min3A_571 = arith.minsi %add3A_569, %min3A_570 : i32
        %mul3A_572 = arith.constant 16 : i32
        %mul3A_573 = arith.muli %while3A_470, %mul3A_572 : i32
        %add3A_574 = arith.constant 3 : i32
        %add3A_575 = arith.addi %mul3A_573, %add3A_574 : i32
        %broadcast_in_dim3A_576 = vector.broadcast %add3A_575 : i32 to vector<16xi32>
        %gather3A_577 = tpu.vector_load_idx %arg8[%broadcast_in_dim3A_576] : memref<1024xi32, #tpu.memory_space<vmem>>[vector<16xi32>], vector<16xi32>,
        %and3A_578 = arith.constant 7 : i32
        %and3A_579 = vector.broadcast %and3A_578 : i32 to vector<16xi32>
        %and3A_580 = arith.andi %gather3A_577, %and3A_579 : vector<16xi32>
        %mul3A_581 = arith.constant 16 : i32
        %mul3A_582 = vector.broadcast %mul3A_581 : i32 to vector<16xi32>
        %mul3A_583 = arith.muli %and3A_580, %mul3A_582 : vector<16xi32>
        %add3A_584 = arith.addi %mul3A_583, %iota3A : vector<16xi32>
        %broadcast_in_dim3A_585 = vector.broadcast %add3A_575 : i32 to vector<16xi32>
        %gather3A_586 = tpu.vector_load_idx %arg10[%broadcast_in_dim3A_585, %add3A_584] : memref<512x128xf32, #tpu.memory_space<vmem>>[vector<16xi32>, vector<16xi32>], vector<16xf32>,
        %bitcast3A_587 = vector.bitcast %gather3A_586 : vector<16xf32> to vector<16xi32>
        %ge3A_588 = vector.broadcast %while3A_91#1 : i32 to vector<16xi32>
        %ge3A_589 = arith.cmpi sge, %bitcast3A_587, %ge3A_588 : vector<16xi32>
        %lt3A_590 = arith.cmpi slt, %add3A_575, %min3A_168 : i32
        %and3A_591 = vector.broadcast %lt3A_590 : i1 to vector<16xi1>
        %and3A_592 = arith.andi %ge3A_589, %and3A_591 : vector<16xi1>
        %swap3A_593 = arith.index_cast %min3A_571 : i32 to index
        %swap3A_594 = tpu.vector_load %arg11[%swap3A_593] masked %and3A_592 {strides = array<i32>} : memref<16384xi32, #tpu.memory_space<vmem>>, vector<16xi32>, vector<16xi1>
        tpu.vector_store %arg11[%swap3A_593], %bitcast3A_587 masked %and3A_592 {strides = array<i32>} : memref<16384xi32, #tpu.memory_space<vmem>>, vector<16xi32>, vector<16xi1>
        %mul3A_595 = arith.constant 16 : i32
        %mul3A_596 = vector.broadcast %mul3A_595 : i32 to vector<16xi32>
        %mul3A_597 = arith.muli %gather3A_577, %mul3A_596 : vector<16xi32>
        %add3A_598 = arith.addi %mul3A_597, %iota3A : vector<16xi32>
        %swap3A_599 = arith.index_cast %min3A_571 : i32 to index
        %swap3A_600 = tpu.vector_load %arg12[%swap3A_599] masked %and3A_592 {strides = array<i32>} : memref<16384xi32, #tpu.memory_space<vmem>>, vector<16xi32>, vector<16xi1>
        tpu.vector_store %arg12[%swap3A_599], %add3A_598 masked %and3A_592 {strides = array<i32>} : memref<16384xi32, #tpu.memory_space<vmem>>, vector<16xi32>, vector<16xi1>
        %all_reduce_population_count3A_601 = tpu.all_reduce %and3A_592 {dim = 0 : i64, kind = #tpu.reduction_kind<sum>} : vector<16xi1> -> vector<16xi32>
        %slice3A_602 = vector.extract_strided_slice %all_reduce_population_count3A_601 {offsets = [0], sizes = [1], strides = [1]} : vector<16xi32> to vector<1xi32>
        %squeeze3A_603 = vector.extract %slice3A_602[0] : i32 from vector<1xi32>
        %add3A_604 = arith.addi %min3A_571, %squeeze3A_603 : i32
        %min3A_605 = arith.constant 16368 : i32
        %min3A_606 = arith.minsi %add3A_604, %min3A_605 : i32
        %mul3A_607 = arith.constant 16 : i32
        %mul3A_608 = arith.muli %while3A_470, %mul3A_607 : i32
        %add3A_609 = arith.constant 4 : i32
        %add3A_610 = arith.addi %mul3A_608, %add3A_609 : i32
        %broadcast_in_dim3A_611 = vector.broadcast %add3A_610 : i32 to vector<16xi32>
        %gather3A_612 = tpu.vector_load_idx %arg8[%broadcast_in_dim3A_611] : memref<1024xi32, #tpu.memory_space<vmem>>[vector<16xi32>], vector<16xi32>,
        %and3A_613 = arith.constant 7 : i32
        %and3A_614 = vector.broadcast %and3A_613 : i32 to vector<16xi32>
        %and3A_615 = arith.andi %gather3A_612, %and3A_614 : vector<16xi32>
        %mul3A_616 = arith.constant 16 : i32
        %mul3A_617 = vector.broadcast %mul3A_616 : i32 to vector<16xi32>
        %mul3A_618 = arith.muli %and3A_615, %mul3A_617 : vector<16xi32>
        %add3A_619 = arith.addi %mul3A_618, %iota3A : vector<16xi32>
        %broadcast_in_dim3A_620 = vector.broadcast %add3A_610 : i32 to vector<16xi32>
        %gather3A_621 = tpu.vector_load_idx %arg10[%broadcast_in_dim3A_620, %add3A_619] : memref<512x128xf32, #tpu.memory_space<vmem>>[vector<16xi32>, vector<16xi32>], vector<16xf32>,
        %bitcast3A_622 = vector.bitcast %gather3A_621 : vector<16xf32> to vector<16xi32>
        %ge3A_623 = vector.broadcast %while3A_91#1 : i32 to vector<16xi32>
        %ge3A_624 = arith.cmpi sge, %bitcast3A_622, %ge3A_623 : vector<16xi32>
        %lt3A_625 = arith.cmpi slt, %add3A_610, %min3A_168 : i32
        %and3A_626 = vector.broadcast %lt3A_625 : i1 to vector<16xi1>
        %and3A_627 = arith.andi %ge3A_624, %and3A_626 : vector<16xi1>
        %swap3A_628 = arith.index_cast %min3A_606 : i32 to index
        %swap3A_629 = tpu.vector_load %arg11[%swap3A_628] masked %and3A_627 {strides = array<i32>} : memref<16384xi32, #tpu.memory_space<vmem>>, vector<16xi32>, vector<16xi1>
        tpu.vector_store %arg11[%swap3A_628], %bitcast3A_622 masked %and3A_627 {strides = array<i32>} : memref<16384xi32, #tpu.memory_space<vmem>>, vector<16xi32>, vector<16xi1>
        %mul3A_630 = arith.constant 16 : i32
        %mul3A_631 = vector.broadcast %mul3A_630 : i32 to vector<16xi32>
        %mul3A_632 = arith.muli %gather3A_612, %mul3A_631 : vector<16xi32>
        %add3A_633 = arith.addi %mul3A_632, %iota3A : vector<16xi32>
        %swap3A_634 = arith.index_cast %min3A_606 : i32 to index
        %swap3A_635 = tpu.vector_load %arg12[%swap3A_634] masked %and3A_627 {strides = array<i32>} : memref<16384xi32, #tpu.memory_space<vmem>>, vector<16xi32>, vector<16xi1>
        tpu.vector_store %arg12[%swap3A_634], %add3A_633 masked %and3A_627 {strides = array<i32>} : memref<16384xi32, #tpu.memory_space<vmem>>, vector<16xi32>, vector<16xi1>
        %all_reduce_population_count3A_636 = tpu.all_reduce %and3A_627 {dim = 0 : i64, kind = #tpu.reduction_kind<sum>} : vector<16xi1> -> vector<16xi32>
        %slice3A_637 = vector.extract_strided_slice %all_reduce_population_count3A_636 {offsets = [0], sizes = [1], strides = [1]} : vector<16xi32> to vector<1xi32>
        %squeeze3A_638 = vector.extract %slice3A_637[0] : i32 from vector<1xi32>
        %add3A_639 = arith.addi %min3A_606, %squeeze3A_638 : i32
        %min3A_640 = arith.constant 16368 : i32
        %min3A_641 = arith.minsi %add3A_639, %min3A_640 : i32
        %mul3A_642 = arith.constant 16 : i32
        %mul3A_643 = arith.muli %while3A_470, %mul3A_642 : i32
        %add3A_644 = arith.constant 5 : i32
        %add3A_645 = arith.addi %mul3A_643, %add3A_644 : i32
        %broadcast_in_dim3A_646 = vector.broadcast %add3A_645 : i32 to vector<16xi32>
        %gather3A_647 = tpu.vector_load_idx %arg8[%broadcast_in_dim3A_646] : memref<1024xi32, #tpu.memory_space<vmem>>[vector<16xi32>], vector<16xi32>,
        %and3A_648 = arith.constant 7 : i32
        %and3A_649 = vector.broadcast %and3A_648 : i32 to vector<16xi32>
        %and3A_650 = arith.andi %gather3A_647, %and3A_649 : vector<16xi32>
        %mul3A_651 = arith.constant 16 : i32
        %mul3A_652 = vector.broadcast %mul3A_651 : i32 to vector<16xi32>
        %mul3A_653 = arith.muli %and3A_650, %mul3A_652 : vector<16xi32>
        %add3A_654 = arith.addi %mul3A_653, %iota3A : vector<16xi32>
        %broadcast_in_dim3A_655 = vector.broadcast %add3A_645 : i32 to vector<16xi32>
        %gather3A_656 = tpu.vector_load_idx %arg10[%broadcast_in_dim3A_655, %add3A_654] : memref<512x128xf32, #tpu.memory_space<vmem>>[vector<16xi32>, vector<16xi32>], vector<16xf32>,
        %bitcast3A_657 = vector.bitcast %gather3A_656 : vector<16xf32> to vector<16xi32>
        %ge3A_658 = vector.broadcast %while3A_91#1 : i32 to vector<16xi32>
        %ge3A_659 = arith.cmpi sge, %bitcast3A_657, %ge3A_658 : vector<16xi32>
        %lt3A_660 = arith.cmpi slt, %add3A_645, %min3A_168 : i32
        %and3A_661 = vector.broadcast %lt3A_660 : i1 to vector<16xi1>
        %and3A_662 = arith.andi %ge3A_659, %and3A_661 : vector<16xi1>
        %swap3A_663 = arith.index_cast %min3A_641 : i32 to index
        %swap3A_664 = tpu.vector_load %arg11[%swap3A_663] masked %and3A_662 {strides = array<i32>} : memref<16384xi32, #tpu.memory_space<vmem>>, vector<16xi32>, vector<16xi1>
        tpu.vector_store %arg11[%swap3A_663], %bitcast3A_657 masked %and3A_662 {strides = array<i32>} : memref<16384xi32, #tpu.memory_space<vmem>>, vector<16xi32>, vector<16xi1>
        %mul3A_665 = arith.constant 16 : i32
        %mul3A_666 = vector.broadcast %mul3A_665 : i32 to vector<16xi32>
        %mul3A_667 = arith.muli %gather3A_647, %mul3A_666 : vector<16xi32>
        %add3A_668 = arith.addi %mul3A_667, %iota3A : vector<16xi32>
        %swap3A_669 = arith.index_cast %min3A_641 : i32 to index
        %swap3A_670 = tpu.vector_load %arg12[%swap3A_669] masked %and3A_662 {strides = array<i32>} : memref<16384xi32, #tpu.memory_space<vmem>>, vector<16xi32>, vector<16xi1>
        tpu.vector_store %arg12[%swap3A_669], %add3A_668 masked %and3A_662 {strides = array<i32>} : memref<16384xi32, #tpu.memory_space<vmem>>, vector<16xi32>, vector<16xi1>
        %all_reduce_population_count3A_671 = tpu.all_reduce %and3A_662 {dim = 0 : i64, kind = #tpu.reduction_kind<sum>} : vector<16xi1> -> vector<16xi32>
        %slice3A_672 = vector.extract_strided_slice %all_reduce_population_count3A_671 {offsets = [0], sizes = [1], strides = [1]} : vector<16xi32> to vector<1xi32>
        %squeeze3A_673 = vector.extract %slice3A_672[0] : i32 from vector<1xi32>
        %add3A_674 = arith.addi %min3A_641, %squeeze3A_673 : i32
        %min3A_675 = arith.constant 16368 : i32
        %min3A_676 = arith.minsi %add3A_674, %min3A_675 : i32
        %mul3A_677 = arith.constant 16 : i32
        %mul3A_678 = arith.muli %while3A_470, %mul3A_677 : i32
        %add3A_679 = arith.constant 6 : i32
        %add3A_680 = arith.addi %mul3A_678, %add3A_679 : i32
        %broadcast_in_dim3A_681 = vector.broadcast %add3A_680 : i32 to vector<16xi32>
        %gather3A_682 = tpu.vector_load_idx %arg8[%broadcast_in_dim3A_681] : memref<1024xi32, #tpu.memory_space<vmem>>[vector<16xi32>], vector<16xi32>,
        %and3A_683 = arith.constant 7 : i32
        %and3A_684 = vector.broadcast %and3A_683 : i32 to vector<16xi32>
        %and3A_685 = arith.andi %gather3A_682, %and3A_684 : vector<16xi32>
        %mul3A_686 = arith.constant 16 : i32
        %mul3A_687 = vector.broadcast %mul3A_686 : i32 to vector<16xi32>
        %mul3A_688 = arith.muli %and3A_685, %mul3A_687 : vector<16xi32>
        %add3A_689 = arith.addi %mul3A_688, %iota3A : vector<16xi32>
        %broadcast_in_dim3A_690 = vector.broadcast %add3A_680 : i32 to vector<16xi32>
        %gather3A_691 = tpu.vector_load_idx %arg10[%broadcast_in_dim3A_690, %add3A_689] : memref<512x128xf32, #tpu.memory_space<vmem>>[vector<16xi32>, vector<16xi32>], vector<16xf32>,
        %bitcast3A_692 = vector.bitcast %gather3A_691 : vector<16xf32> to vector<16xi32>
        %ge3A_693 = vector.broadcast %while3A_91#1 : i32 to vector<16xi32>
        %ge3A_694 = arith.cmpi sge, %bitcast3A_692, %ge3A_693 : vector<16xi32>
        %lt3A_695 = arith.cmpi slt, %add3A_680, %min3A_168 : i32
        %and3A_696 = vector.broadcast %lt3A_695 : i1 to vector<16xi1>
        %and3A_697 = arith.andi %ge3A_694, %and3A_696 : vector<16xi1>
        %swap3A_698 = arith.index_cast %min3A_676 : i32 to index
        %swap3A_699 = tpu.vector_load %arg11[%swap3A_698] masked %and3A_697 {strides = array<i32>} : memref<16384xi32, #tpu.memory_space<vmem>>, vector<16xi32>, vector<16xi1>
        tpu.vector_store %arg11[%swap3A_698], %bitcast3A_692 masked %and3A_697 {strides = array<i32>} : memref<16384xi32, #tpu.memory_space<vmem>>, vector<16xi32>, vector<16xi1>
        %mul3A_700 = arith.constant 16 : i32
        %mul3A_701 = vector.broadcast %mul3A_700 : i32 to vector<16xi32>
        %mul3A_702 = arith.muli %gather3A_682, %mul3A_701 : vector<16xi32>
        %add3A_703 = arith.addi %mul3A_702, %iota3A : vector<16xi32>
        %swap3A_704 = arith.index_cast %min3A_676 : i32 to index
        %swap3A_705 = tpu.vector_load %arg12[%swap3A_704] masked %and3A_697 {strides = array<i32>} : memref<16384xi32, #tpu.memory_space<vmem>>, vector<16xi32>, vector<16xi1>
        tpu.vector_store %arg12[%swap3A_704], %add3A_703 masked %and3A_697 {strides = array<i32>} : memref<16384xi32, #tpu.memory_space<vmem>>, vector<16xi32>, vector<16xi1>
        %all_reduce_population_count3A_706 = tpu.all_reduce %and3A_697 {dim = 0 : i64, kind = #tpu.reduction_kind<sum>} : vector<16xi1> -> vector<16xi32>
        %slice3A_707 = vector.extract_strided_slice %all_reduce_population_count3A_706 {offsets = [0], sizes = [1], strides = [1]} : vector<16xi32> to vector<1xi32>
        %squeeze3A_708 = vector.extract %slice3A_707[0] : i32 from vector<1xi32>
        %add3A_709 = arith.addi %min3A_676, %squeeze3A_708 : i32
        %min3A_710 = arith.constant 16368 : i32
        %min3A_711 = arith.minsi %add3A_709, %min3A_710 : i32
        %mul3A_712 = arith.constant 16 : i32
        %mul3A_713 = arith.muli %while3A_470, %mul3A_712 : i32
        %add3A_714 = arith.constant 7 : i32
        %add3A_715 = arith.addi %mul3A_713, %add3A_714 : i32
        %broadcast_in_dim3A_716 = vector.broadcast %add3A_715 : i32 to vector<16xi32>
        %gather3A_717 = tpu.vector_load_idx %arg8[%broadcast_in_dim3A_716] : memref<1024xi32, #tpu.memory_space<vmem>>[vector<16xi32>], vector<16xi32>,
        %and3A_718 = arith.constant 7 : i32
        %and3A_719 = vector.broadcast %and3A_718 : i32 to vector<16xi32>
        %and3A_720 = arith.andi %gather3A_717, %and3A_719 : vector<16xi32>
        %mul3A_721 = arith.constant 16 : i32
        %mul3A_722 = vector.broadcast %mul3A_721 : i32 to vector<16xi32>
        %mul3A_723 = arith.muli %and3A_720, %mul3A_722 : vector<16xi32>
        %add3A_724 = arith.addi %mul3A_723, %iota3A : vector<16xi32>
        %broadcast_in_dim3A_725 = vector.broadcast %add3A_715 : i32 to vector<16xi32>
        %gather3A_726 = tpu.vector_load_idx %arg10[%broadcast_in_dim3A_725, %add3A_724] : memref<512x128xf32, #tpu.memory_space<vmem>>[vector<16xi32>, vector<16xi32>], vector<16xf32>,
        %bitcast3A_727 = vector.bitcast %gather3A_726 : vector<16xf32> to vector<16xi32>
        %ge3A_728 = vector.broadcast %while3A_91#1 : i32 to vector<16xi32>
        %ge3A_729 = arith.cmpi sge, %bitcast3A_727, %ge3A_728 : vector<16xi32>
        %lt3A_730 = arith.cmpi slt, %add3A_715, %min3A_168 : i32
        %and3A_731 = vector.broadcast %lt3A_730 : i1 to vector<16xi1>
        %and3A_732 = arith.andi %ge3A_729, %and3A_731 : vector<16xi1>
        %swap3A_733 = arith.index_cast %min3A_711 : i32 to index
        %swap3A_734 = tpu.vector_load %arg11[%swap3A_733] masked %and3A_732 {strides = array<i32>} : memref<16384xi32, #tpu.memory_space<vmem>>, vector<16xi32>, vector<16xi1>
        tpu.vector_store %arg11[%swap3A_733], %bitcast3A_727 masked %and3A_732 {strides = array<i32>} : memref<16384xi32, #tpu.memory_space<vmem>>, vector<16xi32>, vector<16xi1>
        %mul3A_735 = arith.constant 16 : i32
        %mul3A_736 = vector.broadcast %mul3A_735 : i32 to vector<16xi32>
        %mul3A_737 = arith.muli %gather3A_717, %mul3A_736 : vector<16xi32>
        %add3A_738 = arith.addi %mul3A_737, %iota3A : vector<16xi32>
        %swap3A_739 = arith.index_cast %min3A_711 : i32 to index
        %swap3A_740 = tpu.vector_load %arg12[%swap3A_739] masked %and3A_732 {strides = array<i32>} : memref<16384xi32, #tpu.memory_space<vmem>>, vector<16xi32>, vector<16xi1>
        tpu.vector_store %arg12[%swap3A_739], %add3A_738 masked %and3A_732 {strides = array<i32>} : memref<16384xi32, #tpu.memory_space<vmem>>, vector<16xi32>, vector<16xi1>
        %all_reduce_population_count3A_741 = tpu.all_reduce %and3A_732 {dim = 0 : i64, kind = #tpu.reduction_kind<sum>} : vector<16xi1> -> vector<16xi32>
        %slice3A_742 = vector.extract_strided_slice %all_reduce_population_count3A_741 {offsets = [0], sizes = [1], strides = [1]} : vector<16xi32> to vector<1xi32>
        %squeeze3A_743 = vector.extract %slice3A_742[0] : i32 from vector<1xi32>
        %add3A_744 = arith.addi %min3A_711, %squeeze3A_743 : i32
        %min3A_745 = arith.constant 16368 : i32
        %min3A_746 = arith.minsi %add3A_744, %min3A_745 : i32
        %mul3A_747 = arith.constant 16 : i32
        %mul3A_748 = arith.muli %while3A_470, %mul3A_747 : i32
        %add3A_749 = arith.constant 8 : i32
        %add3A_750 = arith.addi %mul3A_748, %add3A_749 : i32
        %broadcast_in_dim3A_751 = vector.broadcast %add3A_750 : i32 to vector<16xi32>
        %gather3A_752 = tpu.vector_load_idx %arg8[%broadcast_in_dim3A_751] : memref<1024xi32, #tpu.memory_space<vmem>>[vector<16xi32>], vector<16xi32>,
        %and3A_753 = arith.constant 7 : i32
        %and3A_754 = vector.broadcast %and3A_753 : i32 to vector<16xi32>
        %and3A_755 = arith.andi %gather3A_752, %and3A_754 : vector<16xi32>
        %mul3A_756 = arith.constant 16 : i32
        %mul3A_757 = vector.broadcast %mul3A_756 : i32 to vector<16xi32>
        %mul3A_758 = arith.muli %and3A_755, %mul3A_757 : vector<16xi32>
        %add3A_759 = arith.addi %mul3A_758, %iota3A : vector<16xi32>
        %broadcast_in_dim3A_760 = vector.broadcast %add3A_750 : i32 to vector<16xi32>
        %gather3A_761 = tpu.vector_load_idx %arg10[%broadcast_in_dim3A_760, %add3A_759] : memref<512x128xf32, #tpu.memory_space<vmem>>[vector<16xi32>, vector<16xi32>], vector<16xf32>,
        %bitcast3A_762 = vector.bitcast %gather3A_761 : vector<16xf32> to vector<16xi32>
        %ge3A_763 = vector.broadcast %while3A_91#1 : i32 to vector<16xi32>
        %ge3A_764 = arith.cmpi sge, %bitcast3A_762, %ge3A_763 : vector<16xi32>
        %lt3A_765 = arith.cmpi slt, %add3A_750, %min3A_168 : i32
        %and3A_766 = vector.broadcast %lt3A_765 : i1 to vector<16xi1>
        %and3A_767 = arith.andi %ge3A_764, %and3A_766 : vector<16xi1>
        %swap3A_768 = arith.index_cast %min3A_746 : i32 to index
        %swap3A_769 = tpu.vector_load %arg11[%swap3A_768] masked %and3A_767 {strides = array<i32>} : memref<16384xi32, #tpu.memory_space<vmem>>, vector<16xi32>, vector<16xi1>
        tpu.vector_store %arg11[%swap3A_768], %bitcast3A_762 masked %and3A_767 {strides = array<i32>} : memref<16384xi32, #tpu.memory_space<vmem>>, vector<16xi32>, vector<16xi1>
        %mul3A_770 = arith.constant 16 : i32
        %mul3A_771 = vector.broadcast %mul3A_770 : i32 to vector<16xi32>
        %mul3A_772 = arith.muli %gather3A_752, %mul3A_771 : vector<16xi32>
        %add3A_773 = arith.addi %mul3A_772, %iota3A : vector<16xi32>
        %swap3A_774 = arith.index_cast %min3A_746 : i32 to index
        %swap3A_775 = tpu.vector_load %arg12[%swap3A_774] masked %and3A_767 {strides = array<i32>} : memref<16384xi32, #tpu.memory_space<vmem>>, vector<16xi32>, vector<16xi1>
        tpu.vector_store %arg12[%swap3A_774], %add3A_773 masked %and3A_767 {strides = array<i32>} : memref<16384xi32, #tpu.memory_space<vmem>>, vector<16xi32>, vector<16xi1>
        %all_reduce_population_count3A_776 = tpu.all_reduce %and3A_767 {dim = 0 : i64, kind = #tpu.reduction_kind<sum>} : vector<16xi1> -> vector<16xi32>
        %slice3A_777 = vector.extract_strided_slice %all_reduce_population_count3A_776 {offsets = [0], sizes = [1], strides = [1]} : vector<16xi32> to vector<1xi32>
        %squeeze3A_778 = vector.extract %slice3A_777[0] : i32 from vector<1xi32>
        %add3A_779 = arith.addi %min3A_746, %squeeze3A_778 : i32
        %min3A_780 = arith.constant 16368 : i32
        %min3A_781 = arith.minsi %add3A_779, %min3A_780 : i32
        %mul3A_782 = arith.constant 16 : i32
        %mul3A_783 = arith.muli %while3A_470, %mul3A_782 : i32
        %add3A_784 = arith.constant 9 : i32
        %add3A_785 = arith.addi %mul3A_783, %add3A_784 : i32
        %broadcast_in_dim3A_786 = vector.broadcast %add3A_785 : i32 to vector<16xi32>
        %gather3A_787 = tpu.vector_load_idx %arg8[%broadcast_in_dim3A_786] : memref<1024xi32, #tpu.memory_space<vmem>>[vector<16xi32>], vector<16xi32>,
        %and3A_788 = arith.constant 7 : i32
        %and3A_789 = vector.broadcast %and3A_788 : i32 to vector<16xi32>
        %and3A_790 = arith.andi %gather3A_787, %and3A_789 : vector<16xi32>
        %mul3A_791 = arith.constant 16 : i32
        %mul3A_792 = vector.broadcast %mul3A_791 : i32 to vector<16xi32>
        %mul3A_793 = arith.muli %and3A_790, %mul3A_792 : vector<16xi32>
        %add3A_794 = arith.addi %mul3A_793, %iota3A : vector<16xi32>
        %broadcast_in_dim3A_795 = vector.broadcast %add3A_785 : i32 to vector<16xi32>
        %gather3A_796 = tpu.vector_load_idx %arg10[%broadcast_in_dim3A_795, %add3A_794] : memref<512x128xf32, #tpu.memory_space<vmem>>[vector<16xi32>, vector<16xi32>], vector<16xf32>,
        %bitcast3A_797 = vector.bitcast %gather3A_796 : vector<16xf32> to vector<16xi32>
        %ge3A_798 = vector.broadcast %while3A_91#1 : i32 to vector<16xi32>
        %ge3A_799 = arith.cmpi sge, %bitcast3A_797, %ge3A_798 : vector<16xi32>
        %lt3A_800 = arith.cmpi slt, %add3A_785, %min3A_168 : i32
        %and3A_801 = vector.broadcast %lt3A_800 : i1 to vector<16xi1>
        %and3A_802 = arith.andi %ge3A_799, %and3A_801 : vector<16xi1>
        %swap3A_803 = arith.index_cast %min3A_781 : i32 to index
        %swap3A_804 = tpu.vector_load %arg11[%swap3A_803] masked %and3A_802 {strides = array<i32>} : memref<16384xi32, #tpu.memory_space<vmem>>, vector<16xi32>, vector<16xi1>
        tpu.vector_store %arg11[%swap3A_803], %bitcast3A_797 masked %and3A_802 {strides = array<i32>} : memref<16384xi32, #tpu.memory_space<vmem>>, vector<16xi32>, vector<16xi1>
        %mul3A_805 = arith.constant 16 : i32
        %mul3A_806 = vector.broadcast %mul3A_805 : i32 to vector<16xi32>
        %mul3A_807 = arith.muli %gather3A_787, %mul3A_806 : vector<16xi32>
        %add3A_808 = arith.addi %mul3A_807, %iota3A : vector<16xi32>
        %swap3A_809 = arith.index_cast %min3A_781 : i32 to index
        %swap3A_810 = tpu.vector_load %arg12[%swap3A_809] masked %and3A_802 {strides = array<i32>} : memref<16384xi32, #tpu.memory_space<vmem>>, vector<16xi32>, vector<16xi1>
        tpu.vector_store %arg12[%swap3A_809], %add3A_808 masked %and3A_802 {strides = array<i32>} : memref<16384xi32, #tpu.memory_space<vmem>>, vector<16xi32>, vector<16xi1>
        %all_reduce_population_count3A_811 = tpu.all_reduce %and3A_802 {dim = 0 : i64, kind = #tpu.reduction_kind<sum>} : vector<16xi1> -> vector<16xi32>
        %slice3A_812 = vector.extract_strided_slice %all_reduce_population_count3A_811 {offsets = [0], sizes = [1], strides = [1]} : vector<16xi32> to vector<1xi32>
        %squeeze3A_813 = vector.extract %slice3A_812[0] : i32 from vector<1xi32>
        %add3A_814 = arith.addi %min3A_781, %squeeze3A_813 : i32
        %min3A_815 = arith.constant 16368 : i32
        %min3A_816 = arith.minsi %add3A_814, %min3A_815 : i32
        %mul3A_817 = arith.constant 16 : i32
        %mul3A_818 = arith.muli %while3A_470, %mul3A_817 : i32
        %add3A_819 = arith.constant 10 : i32
        %add3A_820 = arith.addi %mul3A_818, %add3A_819 : i32
        %broadcast_in_dim3A_821 = vector.broadcast %add3A_820 : i32 to vector<16xi32>
        %gather3A_822 = tpu.vector_load_idx %arg8[%broadcast_in_dim3A_821] : memref<1024xi32, #tpu.memory_space<vmem>>[vector<16xi32>], vector<16xi32>,
        %and3A_823 = arith.constant 7 : i32
        %and3A_824 = vector.broadcast %and3A_823 : i32 to vector<16xi32>
        %and3A_825 = arith.andi %gather3A_822, %and3A_824 : vector<16xi32>
        %mul3A_826 = arith.constant 16 : i32
        %mul3A_827 = vector.broadcast %mul3A_826 : i32 to vector<16xi32>
        %mul3A_828 = arith.muli %and3A_825, %mul3A_827 : vector<16xi32>
        %add3A_829 = arith.addi %mul3A_828, %iota3A : vector<16xi32>
        %broadcast_in_dim3A_830 = vector.broadcast %add3A_820 : i32 to vector<16xi32>
        %gather3A_831 = tpu.vector_load_idx %arg10[%broadcast_in_dim3A_830, %add3A_829] : memref<512x128xf32, #tpu.memory_space<vmem>>[vector<16xi32>, vector<16xi32>], vector<16xf32>,
        %bitcast3A_832 = vector.bitcast %gather3A_831 : vector<16xf32> to vector<16xi32>
        %ge3A_833 = vector.broadcast %while3A_91#1 : i32 to vector<16xi32>
        %ge3A_834 = arith.cmpi sge, %bitcast3A_832, %ge3A_833 : vector<16xi32>
        %lt3A_835 = arith.cmpi slt, %add3A_820, %min3A_168 : i32
        %and3A_836 = vector.broadcast %lt3A_835 : i1 to vector<16xi1>
        %and3A_837 = arith.andi %ge3A_834, %and3A_836 : vector<16xi1>
        %swap3A_838 = arith.index_cast %min3A_816 : i32 to index
        %swap3A_839 = tpu.vector_load %arg11[%swap3A_838] masked %and3A_837 {strides = array<i32>} : memref<16384xi32, #tpu.memory_space<vmem>>, vector<16xi32>, vector<16xi1>
        tpu.vector_store %arg11[%swap3A_838], %bitcast3A_832 masked %and3A_837 {strides = array<i32>} : memref<16384xi32, #tpu.memory_space<vmem>>, vector<16xi32>, vector<16xi1>
        %mul3A_840 = arith.constant 16 : i32
        %mul3A_841 = vector.broadcast %mul3A_840 : i32 to vector<16xi32>
        %mul3A_842 = arith.muli %gather3A_822, %mul3A_841 : vector<16xi32>
        %add3A_843 = arith.addi %mul3A_842, %iota3A : vector<16xi32>
        %swap3A_844 = arith.index_cast %min3A_816 : i32 to index
        %swap3A_845 = tpu.vector_load %arg12[%swap3A_844] masked %and3A_837 {strides = array<i32>} : memref<16384xi32, #tpu.memory_space<vmem>>, vector<16xi32>, vector<16xi1>
        tpu.vector_store %arg12[%swap3A_844], %add3A_843 masked %and3A_837 {strides = array<i32>} : memref<16384xi32, #tpu.memory_space<vmem>>, vector<16xi32>, vector<16xi1>
        %all_reduce_population_count3A_846 = tpu.all_reduce %and3A_837 {dim = 0 : i64, kind = #tpu.reduction_kind<sum>} : vector<16xi1> -> vector<16xi32>
        %slice3A_847 = vector.extract_strided_slice %all_reduce_population_count3A_846 {offsets = [0], sizes = [1], strides = [1]} : vector<16xi32> to vector<1xi32>
        %squeeze3A_848 = vector.extract %slice3A_847[0] : i32 from vector<1xi32>
        %add3A_849 = arith.addi %min3A_816, %squeeze3A_848 : i32
        %min3A_850 = arith.constant 16368 : i32
        %min3A_851 = arith.minsi %add3A_849, %min3A_850 : i32
        %mul3A_852 = arith.constant 16 : i32
        %mul3A_853 = arith.muli %while3A_470, %mul3A_852 : i32
        %add3A_854 = arith.constant 11 : i32
        %add3A_855 = arith.addi %mul3A_853, %add3A_854 : i32
        %broadcast_in_dim3A_856 = vector.broadcast %add3A_855 : i32 to vector<16xi32>
        %gather3A_857 = tpu.vector_load_idx %arg8[%broadcast_in_dim3A_856] : memref<1024xi32, #tpu.memory_space<vmem>>[vector<16xi32>], vector<16xi32>,
        %and3A_858 = arith.constant 7 : i32
        %and3A_859 = vector.broadcast %and3A_858 : i32 to vector<16xi32>
        %and3A_860 = arith.andi %gather3A_857, %and3A_859 : vector<16xi32>
        %mul3A_861 = arith.constant 16 : i32
        %mul3A_862 = vector.broadcast %mul3A_861 : i32 to vector<16xi32>
        %mul3A_863 = arith.muli %and3A_860, %mul3A_862 : vector<16xi32>
        %add3A_864 = arith.addi %mul3A_863, %iota3A : vector<16xi32>
        %broadcast_in_dim3A_865 = vector.broadcast %add3A_855 : i32 to vector<16xi32>
        %gather3A_866 = tpu.vector_load_idx %arg10[%broadcast_in_dim3A_865, %add3A_864] : memref<512x128xf32, #tpu.memory_space<vmem>>[vector<16xi32>, vector<16xi32>], vector<16xf32>,
        %bitcast3A_867 = vector.bitcast %gather3A_866 : vector<16xf32> to vector<16xi32>
        %ge3A_868 = vector.broadcast %while3A_91#1 : i32 to vector<16xi32>
        %ge3A_869 = arith.cmpi sge, %bitcast3A_867, %ge3A_868 : vector<16xi32>
        %lt3A_870 = arith.cmpi slt, %add3A_855, %min3A_168 : i32
        %and3A_871 = vector.broadcast %lt3A_870 : i1 to vector<16xi1>
        %and3A_872 = arith.andi %ge3A_869, %and3A_871 : vector<16xi1>
        %swap3A_873 = arith.index_cast %min3A_851 : i32 to index
        %swap3A_874 = tpu.vector_load %arg11[%swap3A_873] masked %and3A_872 {strides = array<i32>} : memref<16384xi32, #tpu.memory_space<vmem>>, vector<16xi32>, vector<16xi1>
        tpu.vector_store %arg11[%swap3A_873], %bitcast3A_867 masked %and3A_872 {strides = array<i32>} : memref<16384xi32, #tpu.memory_space<vmem>>, vector<16xi32>, vector<16xi1>
        %mul3A_875 = arith.constant 16 : i32
        %mul3A_876 = vector.broadcast %mul3A_875 : i32 to vector<16xi32>
        %mul3A_877 = arith.muli %gather3A_857, %mul3A_876 : vector<16xi32>
        %add3A_878 = arith.addi %mul3A_877, %iota3A : vector<16xi32>
        %swap3A_879 = arith.index_cast %min3A_851 : i32 to index
        %swap3A_880 = tpu.vector_load %arg12[%swap3A_879] masked %and3A_872 {strides = array<i32>} : memref<16384xi32, #tpu.memory_space<vmem>>, vector<16xi32>, vector<16xi1>
        tpu.vector_store %arg12[%swap3A_879], %add3A_878 masked %and3A_872 {strides = array<i32>} : memref<16384xi32, #tpu.memory_space<vmem>>, vector<16xi32>, vector<16xi1>
        %all_reduce_population_count3A_881 = tpu.all_reduce %and3A_872 {dim = 0 : i64, kind = #tpu.reduction_kind<sum>} : vector<16xi1> -> vector<16xi32>
        %slice3A_882 = vector.extract_strided_slice %all_reduce_population_count3A_881 {offsets = [0], sizes = [1], strides = [1]} : vector<16xi32> to vector<1xi32>
        %squeeze3A_883 = vector.extract %slice3A_882[0] : i32 from vector<1xi32>
        %add3A_884 = arith.addi %min3A_851, %squeeze3A_883 : i32
        %min3A_885 = arith.constant 16368 : i32
        %min3A_886 = arith.minsi %add3A_884, %min3A_885 : i32
        %mul3A_887 = arith.constant 16 : i32
        %mul3A_888 = arith.muli %while3A_470, %mul3A_887 : i32
        %add3A_889 = arith.constant 12 : i32
        %add3A_890 = arith.addi %mul3A_888, %add3A_889 : i32
        %broadcast_in_dim3A_891 = vector.broadcast %add3A_890 : i32 to vector<16xi32>
        %gather3A_892 = tpu.vector_load_idx %arg8[%broadcast_in_dim3A_891] : memref<1024xi32, #tpu.memory_space<vmem>>[vector<16xi32>], vector<16xi32>,
        %and3A_893 = arith.constant 7 : i32
        %and3A_894 = vector.broadcast %and3A_893 : i32 to vector<16xi32>
        %and3A_895 = arith.andi %gather3A_892, %and3A_894 : vector<16xi32>
        %mul3A_896 = arith.constant 16 : i32
        %mul3A_897 = vector.broadcast %mul3A_896 : i32 to vector<16xi32>
        %mul3A_898 = arith.muli %and3A_895, %mul3A_897 : vector<16xi32>
        %add3A_899 = arith.addi %mul3A_898, %iota3A : vector<16xi32>
        %broadcast_in_dim3A_900 = vector.broadcast %add3A_890 : i32 to vector<16xi32>
        %gather3A_901 = tpu.vector_load_idx %arg10[%broadcast_in_dim3A_900, %add3A_899] : memref<512x128xf32, #tpu.memory_space<vmem>>[vector<16xi32>, vector<16xi32>], vector<16xf32>,
        %bitcast3A_902 = vector.bitcast %gather3A_901 : vector<16xf32> to vector<16xi32>
        %ge3A_903 = vector.broadcast %while3A_91#1 : i32 to vector<16xi32>
        %ge3A_904 = arith.cmpi sge, %bitcast3A_902, %ge3A_903 : vector<16xi32>
        %lt3A_905 = arith.cmpi slt, %add3A_890, %min3A_168 : i32
        %and3A_906 = vector.broadcast %lt3A_905 : i1 to vector<16xi1>
        %and3A_907 = arith.andi %ge3A_904, %and3A_906 : vector<16xi1>
        %swap3A_908 = arith.index_cast %min3A_886 : i32 to index
        %swap3A_909 = tpu.vector_load %arg11[%swap3A_908] masked %and3A_907 {strides = array<i32>} : memref<16384xi32, #tpu.memory_space<vmem>>, vector<16xi32>, vector<16xi1>
        tpu.vector_store %arg11[%swap3A_908], %bitcast3A_902 masked %and3A_907 {strides = array<i32>} : memref<16384xi32, #tpu.memory_space<vmem>>, vector<16xi32>, vector<16xi1>
        %mul3A_910 = arith.constant 16 : i32
        %mul3A_911 = vector.broadcast %mul3A_910 : i32 to vector<16xi32>
        %mul3A_912 = arith.muli %gather3A_892, %mul3A_911 : vector<16xi32>
        %add3A_913 = arith.addi %mul3A_912, %iota3A : vector<16xi32>
        %swap3A_914 = arith.index_cast %min3A_886 : i32 to index
        %swap3A_915 = tpu.vector_load %arg12[%swap3A_914] masked %and3A_907 {strides = array<i32>} : memref<16384xi32, #tpu.memory_space<vmem>>, vector<16xi32>, vector<16xi1>
        tpu.vector_store %arg12[%swap3A_914], %add3A_913 masked %and3A_907 {strides = array<i32>} : memref<16384xi32, #tpu.memory_space<vmem>>, vector<16xi32>, vector<16xi1>
        %all_reduce_population_count3A_916 = tpu.all_reduce %and3A_907 {dim = 0 : i64, kind = #tpu.reduction_kind<sum>} : vector<16xi1> -> vector<16xi32>
        %slice3A_917 = vector.extract_strided_slice %all_reduce_population_count3A_916 {offsets = [0], sizes = [1], strides = [1]} : vector<16xi32> to vector<1xi32>
        %squeeze3A_918 = vector.extract %slice3A_917[0] : i32 from vector<1xi32>
        %add3A_919 = arith.addi %min3A_886, %squeeze3A_918 : i32
        %min3A_920 = arith.constant 16368 : i32
        %min3A_921 = arith.minsi %add3A_919, %min3A_920 : i32
        %mul3A_922 = arith.constant 16 : i32
        %mul3A_923 = arith.muli %while3A_470, %mul3A_922 : i32
        %add3A_924 = arith.constant 13 : i32
        %add3A_925 = arith.addi %mul3A_923, %add3A_924 : i32
        %broadcast_in_dim3A_926 = vector.broadcast %add3A_925 : i32 to vector<16xi32>
        %gather3A_927 = tpu.vector_load_idx %arg8[%broadcast_in_dim3A_926] : memref<1024xi32, #tpu.memory_space<vmem>>[vector<16xi32>], vector<16xi32>,
        %and3A_928 = arith.constant 7 : i32
        %and3A_929 = vector.broadcast %and3A_928 : i32 to vector<16xi32>
        %and3A_930 = arith.andi %gather3A_927, %and3A_929 : vector<16xi32>
        %mul3A_931 = arith.constant 16 : i32
        %mul3A_932 = vector.broadcast %mul3A_931 : i32 to vector<16xi32>
        %mul3A_933 = arith.muli %and3A_930, %mul3A_932 : vector<16xi32>
        %add3A_934 = arith.addi %mul3A_933, %iota3A : vector<16xi32>
        %broadcast_in_dim3A_935 = vector.broadcast %add3A_925 : i32 to vector<16xi32>
        %gather3A_936 = tpu.vector_load_idx %arg10[%broadcast_in_dim3A_935, %add3A_934] : memref<512x128xf32, #tpu.memory_space<vmem>>[vector<16xi32>, vector<16xi32>], vector<16xf32>,
        %bitcast3A_937 = vector.bitcast %gather3A_936 : vector<16xf32> to vector<16xi32>
        %ge3A_938 = vector.broadcast %while3A_91#1 : i32 to vector<16xi32>
        %ge3A_939 = arith.cmpi sge, %bitcast3A_937, %ge3A_938 : vector<16xi32>
        %lt3A_940 = arith.cmpi slt, %add3A_925, %min3A_168 : i32
        %and3A_941 = vector.broadcast %lt3A_940 : i1 to vector<16xi1>
        %and3A_942 = arith.andi %ge3A_939, %and3A_941 : vector<16xi1>
        %swap3A_943 = arith.index_cast %min3A_921 : i32 to index
        %swap3A_944 = tpu.vector_load %arg11[%swap3A_943] masked %and3A_942 {strides = array<i32>} : memref<16384xi32, #tpu.memory_space<vmem>>, vector<16xi32>, vector<16xi1>
        tpu.vector_store %arg11[%swap3A_943], %bitcast3A_937 masked %and3A_942 {strides = array<i32>} : memref<16384xi32, #tpu.memory_space<vmem>>, vector<16xi32>, vector<16xi1>
        %mul3A_945 = arith.constant 16 : i32
        %mul3A_946 = vector.broadcast %mul3A_945 : i32 to vector<16xi32>
        %mul3A_947 = arith.muli %gather3A_927, %mul3A_946 : vector<16xi32>
        %add3A_948 = arith.addi %mul3A_947, %iota3A : vector<16xi32>
        %swap3A_949 = arith.index_cast %min3A_921 : i32 to index
        %swap3A_950 = tpu.vector_load %arg12[%swap3A_949] masked %and3A_942 {strides = array<i32>} : memref<16384xi32, #tpu.memory_space<vmem>>, vector<16xi32>, vector<16xi1>
        tpu.vector_store %arg12[%swap3A_949], %add3A_948 masked %and3A_942 {strides = array<i32>} : memref<16384xi32, #tpu.memory_space<vmem>>, vector<16xi32>, vector<16xi1>
        %all_reduce_population_count3A_951 = tpu.all_reduce %and3A_942 {dim = 0 : i64, kind = #tpu.reduction_kind<sum>} : vector<16xi1> -> vector<16xi32>
        %slice3A_952 = vector.extract_strided_slice %all_reduce_population_count3A_951 {offsets = [0], sizes = [1], strides = [1]} : vector<16xi32> to vector<1xi32>
        %squeeze3A_953 = vector.extract %slice3A_952[0] : i32 from vector<1xi32>
        %add3A_954 = arith.addi %min3A_921, %squeeze3A_953 : i32
        %min3A_955 = arith.constant 16368 : i32
        %min3A_956 = arith.minsi %add3A_954, %min3A_955 : i32
        %mul3A_957 = arith.constant 16 : i32
        %mul3A_958 = arith.muli %while3A_470, %mul3A_957 : i32
        %add3A_959 = arith.constant 14 : i32
        %add3A_960 = arith.addi %mul3A_958, %add3A_959 : i32
        %broadcast_in_dim3A_961 = vector.broadcast %add3A_960 : i32 to vector<16xi32>
        %gather3A_962 = tpu.vector_load_idx %arg8[%broadcast_in_dim3A_961] : memref<1024xi32, #tpu.memory_space<vmem>>[vector<16xi32>], vector<16xi32>,
        %and3A_963 = arith.constant 7 : i32
        %and3A_964 = vector.broadcast %and3A_963 : i32 to vector<16xi32>
        %and3A_965 = arith.andi %gather3A_962, %and3A_964 : vector<16xi32>
        %mul3A_966 = arith.constant 16 : i32
        %mul3A_967 = vector.broadcast %mul3A_966 : i32 to vector<16xi32>
        %mul3A_968 = arith.muli %and3A_965, %mul3A_967 : vector<16xi32>
        %add3A_969 = arith.addi %mul3A_968, %iota3A : vector<16xi32>
        %broadcast_in_dim3A_970 = vector.broadcast %add3A_960 : i32 to vector<16xi32>
        %gather3A_971 = tpu.vector_load_idx %arg10[%broadcast_in_dim3A_970, %add3A_969] : memref<512x128xf32, #tpu.memory_space<vmem>>[vector<16xi32>, vector<16xi32>], vector<16xf32>,
        %bitcast3A_972 = vector.bitcast %gather3A_971 : vector<16xf32> to vector<16xi32>
        %ge3A_973 = vector.broadcast %while3A_91#1 : i32 to vector<16xi32>
        %ge3A_974 = arith.cmpi sge, %bitcast3A_972, %ge3A_973 : vector<16xi32>
        %lt3A_975 = arith.cmpi slt, %add3A_960, %min3A_168 : i32
        %and3A_976 = vector.broadcast %lt3A_975 : i1 to vector<16xi1>
        %and3A_977 = arith.andi %ge3A_974, %and3A_976 : vector<16xi1>
        %swap3A_978 = arith.index_cast %min3A_956 : i32 to index
        %swap3A_979 = tpu.vector_load %arg11[%swap3A_978] masked %and3A_977 {strides = array<i32>} : memref<16384xi32, #tpu.memory_space<vmem>>, vector<16xi32>, vector<16xi1>
        tpu.vector_store %arg11[%swap3A_978], %bitcast3A_972 masked %and3A_977 {strides = array<i32>} : memref<16384xi32, #tpu.memory_space<vmem>>, vector<16xi32>, vector<16xi1>
        %mul3A_980 = arith.constant 16 : i32
        %mul3A_981 = vector.broadcast %mul3A_980 : i32 to vector<16xi32>
        %mul3A_982 = arith.muli %gather3A_962, %mul3A_981 : vector<16xi32>
        %add3A_983 = arith.addi %mul3A_982, %iota3A : vector<16xi32>
        %swap3A_984 = arith.index_cast %min3A_956 : i32 to index
        %swap3A_985 = tpu.vector_load %arg12[%swap3A_984] masked %and3A_977 {strides = array<i32>} : memref<16384xi32, #tpu.memory_space<vmem>>, vector<16xi32>, vector<16xi1>
        tpu.vector_store %arg12[%swap3A_984], %add3A_983 masked %and3A_977 {strides = array<i32>} : memref<16384xi32, #tpu.memory_space<vmem>>, vector<16xi32>, vector<16xi1>
        %all_reduce_population_count3A_986 = tpu.all_reduce %and3A_977 {dim = 0 : i64, kind = #tpu.reduction_kind<sum>} : vector<16xi1> -> vector<16xi32>
        %slice3A_987 = vector.extract_strided_slice %all_reduce_population_count3A_986 {offsets = [0], sizes = [1], strides = [1]} : vector<16xi32> to vector<1xi32>
        %squeeze3A_988 = vector.extract %slice3A_987[0] : i32 from vector<1xi32>
        %add3A_989 = arith.addi %min3A_956, %squeeze3A_988 : i32
        %min3A_990 = arith.constant 16368 : i32
        %min3A_991 = arith.minsi %add3A_989, %min3A_990 : i32
        %mul3A_992 = arith.constant 16 : i32
        %mul3A_993 = arith.muli %while3A_470, %mul3A_992 : i32
        %add3A_994 = arith.constant 15 : i32
        %add3A_995 = arith.addi %mul3A_993, %add3A_994 : i32
        %broadcast_in_dim3A_996 = vector.broadcast %add3A_995 : i32 to vector<16xi32>
        %gather3A_997 = tpu.vector_load_idx %arg8[%broadcast_in_dim3A_996] : memref<1024xi32, #tpu.memory_space<vmem>>[vector<16xi32>], vector<16xi32>,
        %and3A_998 = arith.constant 7 : i32
        %and3A_999 = vector.broadcast %and3A_998 : i32 to vector<16xi32>
        %and3A_1000 = arith.andi %gather3A_997, %and3A_999 : vector<16xi32>
        %mul3A_1001 = arith.constant 16 : i32
        %mul3A_1002 = vector.broadcast %mul3A_1001 : i32 to vector<16xi32>
        %mul3A_1003 = arith.muli %and3A_1000, %mul3A_1002 : vector<16xi32>
        %add3A_1004 = arith.addi %mul3A_1003, %iota3A : vector<16xi32>
        %broadcast_in_dim3A_1005 = vector.broadcast %add3A_995 : i32 to vector<16xi32>
        %gather3A_1006 = tpu.vector_load_idx %arg10[%broadcast_in_dim3A_1005, %add3A_1004] : memref<512x128xf32, #tpu.memory_space<vmem>>[vector<16xi32>, vector<16xi32>], vector<16xf32>,
        %bitcast3A_1007 = vector.bitcast %gather3A_1006 : vector<16xf32> to vector<16xi32>
        %ge3A_1008 = vector.broadcast %while3A_91#1 : i32 to vector<16xi32>
        %ge3A_1009 = arith.cmpi sge, %bitcast3A_1007, %ge3A_1008 : vector<16xi32>
        %lt3A_1010 = arith.cmpi slt, %add3A_995, %min3A_168 : i32
        %and3A_1011 = vector.broadcast %lt3A_1010 : i1 to vector<16xi1>
        %and3A_1012 = arith.andi %ge3A_1009, %and3A_1011 : vector<16xi1>
        %swap3A_1013 = arith.index_cast %min3A_991 : i32 to index
        %swap3A_1014 = tpu.vector_load %arg11[%swap3A_1013] masked %and3A_1012 {strides = array<i32>} : memref<16384xi32, #tpu.memory_space<vmem>>, vector<16xi32>, vector<16xi1>
        tpu.vector_store %arg11[%swap3A_1013], %bitcast3A_1007 masked %and3A_1012 {strides = array<i32>} : memref<16384xi32, #tpu.memory_space<vmem>>, vector<16xi32>, vector<16xi1>
        %mul3A_1015 = arith.constant 16 : i32
        %mul3A_1016 = vector.broadcast %mul3A_1015 : i32 to vector<16xi32>
        %mul3A_1017 = arith.muli %gather3A_997, %mul3A_1016 : vector<16xi32>
        %add3A_1018 = arith.addi %mul3A_1017, %iota3A : vector<16xi32>
        %swap3A_1019 = arith.index_cast %min3A_991 : i32 to index
        %swap3A_1020 = tpu.vector_load %arg12[%swap3A_1019] masked %and3A_1012 {strides = array<i32>} : memref<16384xi32, #tpu.memory_space<vmem>>, vector<16xi32>, vector<16xi1>
        tpu.vector_store %arg12[%swap3A_1019], %add3A_1018 masked %and3A_1012 {strides = array<i32>} : memref<16384xi32, #tpu.memory_space<vmem>>, vector<16xi32>, vector<16xi1>
        %all_reduce_population_count3A_1021 = tpu.all_reduce %and3A_1012 {dim = 0 : i64, kind = #tpu.reduction_kind<sum>} : vector<16xi1> -> vector<16xi32>
        %slice3A_1022 = vector.extract_strided_slice %all_reduce_population_count3A_1021 {offsets = [0], sizes = [1], strides = [1]} : vector<16xi32> to vector<1xi32>
        %squeeze3A_1023 = vector.extract %slice3A_1022[0] : i32 from vector<1xi32>
        %add3A_1024 = arith.addi %min3A_991, %squeeze3A_1023 : i32
        %min3A_1025 = arith.constant 16368 : i32
        %min3A_1026 = arith.minsi %add3A_1024, %min3A_1025 : i32
        scf.yield %min3A_1026 : i32
      }
      %while3A_205 = arith.constant 1 : i32
      %while3A_206 = scf.for %while3A_470 = %while3A_202 to %while3A_198 step %while3A_205 iter_args(%while3A_471 = %while3A_204) -> (i32)  : i32 {
        %mul3A_472 = arith.constant 16 : i32
        %mul3A_473 = arith.muli %while3A_470, %mul3A_472 : i32
        %add3A_474 = arith.constant 0 : i32
        %add3A_475 = arith.addi %mul3A_473, %add3A_474 : i32
        %broadcast_in_dim3A_476 = vector.broadcast %add3A_475 : i32 to vector<16xi32>
        %gather3A = tpu.vector_load_idx %arg8[%broadcast_in_dim3A_476] : memref<1024xi32, #tpu.memory_space<vmem>>[vector<16xi32>], vector<16xi32>,
        %and3A_477 = arith.constant 7 : i32
        %and3A_478 = vector.broadcast %and3A_477 : i32 to vector<16xi32>
        %and3A_479 = arith.andi %gather3A, %and3A_478 : vector<16xi32>
        %mul3A_480 = arith.constant 16 : i32
        %mul3A_481 = vector.broadcast %mul3A_480 : i32 to vector<16xi32>
        %mul3A_482 = arith.muli %and3A_479, %mul3A_481 : vector<16xi32>
        %add3A_483 = arith.addi %mul3A_482, %iota3A : vector<16xi32>
        %broadcast_in_dim3A_484 = vector.broadcast %add3A_475 : i32 to vector<16xi32>
        %gather3A_485 = tpu.vector_load_idx %arg10[%broadcast_in_dim3A_484, %add3A_483] : memref<512x128xf32, #tpu.memory_space<vmem>>[vector<16xi32>, vector<16xi32>], vector<16xf32>,
        %bitcast3A_486 = vector.bitcast %gather3A_485 : vector<16xf32> to vector<16xi32>
        %ge3A = vector.broadcast %while3A_91#1 : i32 to vector<16xi32>
        %ge3A_487 = arith.cmpi sge, %bitcast3A_486, %ge3A : vector<16xi32>
        %lt3A_488 = arith.cmpi slt, %add3A_475, %min3A_168 : i32
        %and3A_489 = vector.broadcast %lt3A_488 : i1 to vector<16xi1>
        %and3A_490 = arith.andi %ge3A_487, %and3A_489 : vector<16xi1>
        %swap3A_491 = arith.index_cast %while3A_471 : i32 to index
        %swap3A_492 = tpu.vector_load %arg11[%swap3A_491] masked %and3A_490 {strides = array<i32>} : memref<16384xi32, #tpu.memory_space<vmem>>, vector<16xi32>, vector<16xi1>
        tpu.vector_store %arg11[%swap3A_491], %bitcast3A_486 masked %and3A_490 {strides = array<i32>} : memref<16384xi32, #tpu.memory_space<vmem>>, vector<16xi32>, vector<16xi1>
        %mul3A_493 = arith.constant 16 : i32
        %mul3A_494 = vector.broadcast %mul3A_493 : i32 to vector<16xi32>
        %mul3A_495 = arith.muli %gather3A, %mul3A_494 : vector<16xi32>
        %add3A_496 = arith.addi %mul3A_495, %iota3A : vector<16xi32>
        %swap3A_497 = arith.index_cast %while3A_471 : i32 to index
        %swap3A_498 = tpu.vector_load %arg12[%swap3A_497] masked %and3A_490 {strides = array<i32>} : memref<16384xi32, #tpu.memory_space<vmem>>, vector<16xi32>, vector<16xi1>
        tpu.vector_store %arg12[%swap3A_497], %add3A_496 masked %and3A_490 {strides = array<i32>} : memref<16384xi32, #tpu.memory_space<vmem>>, vector<16xi32>, vector<16xi1>
        %all_reduce_population_count3A = tpu.all_reduce %and3A_490 {dim = 0 : i64, kind = #tpu.reduction_kind<sum>} : vector<16xi1> -> vector<16xi32>
        %slice3A = vector.extract_strided_slice %all_reduce_population_count3A {offsets = [0], sizes = [1], strides = [1]} : vector<16xi32> to vector<1xi32>
        %squeeze3A = vector.extract %slice3A[0] : i32 from vector<1xi32>
        %add3A_499 = arith.addi %while3A_471, %squeeze3A : i32
        %min3A_500 = arith.constant 16368 : i32
        %min3A_501 = arith.minsi %add3A_499, %min3A_500 : i32
        %mul3A_502 = arith.constant 16 : i32
        %mul3A_503 = arith.muli %while3A_470, %mul3A_502 : i32
        %add3A_504 = arith.constant 1 : i32
        %add3A_505 = arith.addi %mul3A_503, %add3A_504 : i32
        %broadcast_in_dim3A_506 = vector.broadcast %add3A_505 : i32 to vector<16xi32>
        %gather3A_507 = tpu.vector_load_idx %arg8[%broadcast_in_dim3A_506] : memref<1024xi32, #tpu.memory_space<vmem>>[vector<16xi32>], vector<16xi32>,
        %and3A_508 = arith.constant 7 : i32
        %and3A_509 = vector.broadcast %and3A_508 : i32 to vector<16xi32>
        %and3A_510 = arith.andi %gather3A_507, %and3A_509 : vector<16xi32>
        %mul3A_511 = arith.constant 16 : i32
        %mul3A_512 = vector.broadcast %mul3A_511 : i32 to vector<16xi32>
        %mul3A_513 = arith.muli %and3A_510, %mul3A_512 : vector<16xi32>
        %add3A_514 = arith.addi %mul3A_513, %iota3A : vector<16xi32>
        %broadcast_in_dim3A_515 = vector.broadcast %add3A_505 : i32 to vector<16xi32>
        %gather3A_516 = tpu.vector_load_idx %arg10[%broadcast_in_dim3A_515, %add3A_514] : memref<512x128xf32, #tpu.memory_space<vmem>>[vector<16xi32>, vector<16xi32>], vector<16xf32>,
        %bitcast3A_517 = vector.bitcast %gather3A_516 : vector<16xf32> to vector<16xi32>
        %ge3A_518 = vector.broadcast %while3A_91#1 : i32 to vector<16xi32>
        %ge3A_519 = arith.cmpi sge, %bitcast3A_517, %ge3A_518 : vector<16xi32>
        %lt3A_520 = arith.cmpi slt, %add3A_505, %min3A_168 : i32
        %and3A_521 = vector.broadcast %lt3A_520 : i1 to vector<16xi1>
        %and3A_522 = arith.andi %ge3A_519, %and3A_521 : vector<16xi1>
        %swap3A_523 = arith.index_cast %min3A_501 : i32 to index
        %swap3A_524 = tpu.vector_load %arg11[%swap3A_523] masked %and3A_522 {strides = array<i32>} : memref<16384xi32, #tpu.memory_space<vmem>>, vector<16xi32>, vector<16xi1>
        tpu.vector_store %arg11[%swap3A_523], %bitcast3A_517 masked %and3A_522 {strides = array<i32>} : memref<16384xi32, #tpu.memory_space<vmem>>, vector<16xi32>, vector<16xi1>
        %mul3A_525 = arith.constant 16 : i32
        %mul3A_526 = vector.broadcast %mul3A_525 : i32 to vector<16xi32>
        %mul3A_527 = arith.muli %gather3A_507, %mul3A_526 : vector<16xi32>
        %add3A_528 = arith.addi %mul3A_527, %iota3A : vector<16xi32>
        %swap3A_529 = arith.index_cast %min3A_501 : i32 to index
        %swap3A_530 = tpu.vector_load %arg12[%swap3A_529] masked %and3A_522 {strides = array<i32>} : memref<16384xi32, #tpu.memory_space<vmem>>, vector<16xi32>, vector<16xi1>
        tpu.vector_store %arg12[%swap3A_529], %add3A_528 masked %and3A_522 {strides = array<i32>} : memref<16384xi32, #tpu.memory_space<vmem>>, vector<16xi32>, vector<16xi1>
        %all_reduce_population_count3A_531 = tpu.all_reduce %and3A_522 {dim = 0 : i64, kind = #tpu.reduction_kind<sum>} : vector<16xi1> -> vector<16xi32>
        %slice3A_532 = vector.extract_strided_slice %all_reduce_population_count3A_531 {offsets = [0], sizes = [1], strides = [1]} : vector<16xi32> to vector<1xi32>
        %squeeze3A_533 = vector.extract %slice3A_532[0] : i32 from vector<1xi32>
        %add3A_534 = arith.addi %min3A_501, %squeeze3A_533 : i32
        %min3A_535 = arith.constant 16368 : i32
        %min3A_536 = arith.minsi %add3A_534, %min3A_535 : i32
        %mul3A_537 = arith.constant 16 : i32
        %mul3A_538 = arith.muli %while3A_470, %mul3A_537 : i32
        %add3A_539 = arith.constant 2 : i32
        %add3A_540 = arith.addi %mul3A_538, %add3A_539 : i32
        %broadcast_in_dim3A_541 = vector.broadcast %add3A_540 : i32 to vector<16xi32>
        %gather3A_542 = tpu.vector_load_idx %arg8[%broadcast_in_dim3A_541] : memref<1024xi32, #tpu.memory_space<vmem>>[vector<16xi32>], vector<16xi32>,
        %and3A_543 = arith.constant 7 : i32
        %and3A_544 = vector.broadcast %and3A_543 : i32 to vector<16xi32>
        %and3A_545 = arith.andi %gather3A_542, %and3A_544 : vector<16xi32>
        %mul3A_546 = arith.constant 16 : i32
        %mul3A_547 = vector.broadcast %mul3A_546 : i32 to vector<16xi32>
        %mul3A_548 = arith.muli %and3A_545, %mul3A_547 : vector<16xi32>
        %add3A_549 = arith.addi %mul3A_548, %iota3A : vector<16xi32>
        %broadcast_in_dim3A_550 = vector.broadcast %add3A_540 : i32 to vector<16xi32>
        %gather3A_551 = tpu.vector_load_idx %arg10[%broadcast_in_dim3A_550, %add3A_549] : memref<512x128xf32, #tpu.memory_space<vmem>>[vector<16xi32>, vector<16xi32>], vector<16xf32>,
        %bitcast3A_552 = vector.bitcast %gather3A_551 : vector<16xf32> to vector<16xi32>
        %ge3A_553 = vector.broadcast %while3A_91#1 : i32 to vector<16xi32>
        %ge3A_554 = arith.cmpi sge, %bitcast3A_552, %ge3A_553 : vector<16xi32>
        %lt3A_555 = arith.cmpi slt, %add3A_540, %min3A_168 : i32
        %and3A_556 = vector.broadcast %lt3A_555 : i1 to vector<16xi1>
        %and3A_557 = arith.andi %ge3A_554, %and3A_556 : vector<16xi1>
        %swap3A_558 = arith.index_cast %min3A_536 : i32 to index
        %swap3A_559 = tpu.vector_load %arg11[%swap3A_558] masked %and3A_557 {strides = array<i32>} : memref<16384xi32, #tpu.memory_space<vmem>>, vector<16xi32>, vector<16xi1>
        tpu.vector_store %arg11[%swap3A_558], %bitcast3A_552 masked %and3A_557 {strides = array<i32>} : memref<16384xi32, #tpu.memory_space<vmem>>, vector<16xi32>, vector<16xi1>
        %mul3A_560 = arith.constant 16 : i32
        %mul3A_561 = vector.broadcast %mul3A_560 : i32 to vector<16xi32>
        %mul3A_562 = arith.muli %gather3A_542, %mul3A_561 : vector<16xi32>
        %add3A_563 = arith.addi %mul3A_562, %iota3A : vector<16xi32>
        %swap3A_564 = arith.index_cast %min3A_536 : i32 to index
        %swap3A_565 = tpu.vector_load %arg12[%swap3A_564] masked %and3A_557 {strides = array<i32>} : memref<16384xi32, #tpu.memory_space<vmem>>, vector<16xi32>, vector<16xi1>
        tpu.vector_store %arg12[%swap3A_564], %add3A_563 masked %and3A_557 {strides = array<i32>} : memref<16384xi32, #tpu.memory_space<vmem>>, vector<16xi32>, vector<16xi1>
        %all_reduce_population_count3A_566 = tpu.all_reduce %and3A_557 {dim = 0 : i64, kind = #tpu.reduction_kind<sum>} : vector<16xi1> -> vector<16xi32>
        %slice3A_567 = vector.extract_strided_slice %all_reduce_population_count3A_566 {offsets = [0], sizes = [1], strides = [1]} : vector<16xi32> to vector<1xi32>
        %squeeze3A_568 = vector.extract %slice3A_567[0] : i32 from vector<1xi32>
        %add3A_569 = arith.addi %min3A_536, %squeeze3A_568 : i32
        %min3A_570 = arith.constant 16368 : i32
        %min3A_571 = arith.minsi %add3A_569, %min3A_570 : i32
        %mul3A_572 = arith.constant 16 : i32
        %mul3A_573 = arith.muli %while3A_470, %mul3A_572 : i32
        %add3A_574 = arith.constant 3 : i32
        %add3A_575 = arith.addi %mul3A_573, %add3A_574 : i32
        %broadcast_in_dim3A_576 = vector.broadcast %add3A_575 : i32 to vector<16xi32>
        %gather3A_577 = tpu.vector_load_idx %arg8[%broadcast_in_dim3A_576] : memref<1024xi32, #tpu.memory_space<vmem>>[vector<16xi32>], vector<16xi32>,
        %and3A_578 = arith.constant 7 : i32
        %and3A_579 = vector.broadcast %and3A_578 : i32 to vector<16xi32>
        %and3A_580 = arith.andi %gather3A_577, %and3A_579 : vector<16xi32>
        %mul3A_581 = arith.constant 16 : i32
        %mul3A_582 = vector.broadcast %mul3A_581 : i32 to vector<16xi32>
        %mul3A_583 = arith.muli %and3A_580, %mul3A_582 : vector<16xi32>
        %add3A_584 = arith.addi %mul3A_583, %iota3A : vector<16xi32>
        %broadcast_in_dim3A_585 = vector.broadcast %add3A_575 : i32 to vector<16xi32>
        %gather3A_586 = tpu.vector_load_idx %arg10[%broadcast_in_dim3A_585, %add3A_584] : memref<512x128xf32, #tpu.memory_space<vmem>>[vector<16xi32>, vector<16xi32>], vector<16xf32>,
        %bitcast3A_587 = vector.bitcast %gather3A_586 : vector<16xf32> to vector<16xi32>
        %ge3A_588 = vector.broadcast %while3A_91#1 : i32 to vector<16xi32>
        %ge3A_589 = arith.cmpi sge, %bitcast3A_587, %ge3A_588 : vector<16xi32>
        %lt3A_590 = arith.cmpi slt, %add3A_575, %min3A_168 : i32
        %and3A_591 = vector.broadcast %lt3A_590 : i1 to vector<16xi1>
        %and3A_592 = arith.andi %ge3A_589, %and3A_591 : vector<16xi1>
        %swap3A_593 = arith.index_cast %min3A_571 : i32 to index
        %swap3A_594 = tpu.vector_load %arg11[%swap3A_593] masked %and3A_592 {strides = array<i32>} : memref<16384xi32, #tpu.memory_space<vmem>>, vector<16xi32>, vector<16xi1>
        tpu.vector_store %arg11[%swap3A_593], %bitcast3A_587 masked %and3A_592 {strides = array<i32>} : memref<16384xi32, #tpu.memory_space<vmem>>, vector<16xi32>, vector<16xi1>
        %mul3A_595 = arith.constant 16 : i32
        %mul3A_596 = vector.broadcast %mul3A_595 : i32 to vector<16xi32>
        %mul3A_597 = arith.muli %gather3A_577, %mul3A_596 : vector<16xi32>
        %add3A_598 = arith.addi %mul3A_597, %iota3A : vector<16xi32>
        %swap3A_599 = arith.index_cast %min3A_571 : i32 to index
        %swap3A_600 = tpu.vector_load %arg12[%swap3A_599] masked %and3A_592 {strides = array<i32>} : memref<16384xi32, #tpu.memory_space<vmem>>, vector<16xi32>, vector<16xi1>
        tpu.vector_store %arg12[%swap3A_599], %add3A_598 masked %and3A_592 {strides = array<i32>} : memref<16384xi32, #tpu.memory_space<vmem>>, vector<16xi32>, vector<16xi1>
        %all_reduce_population_count3A_601 = tpu.all_reduce %and3A_592 {dim = 0 : i64, kind = #tpu.reduction_kind<sum>} : vector<16xi1> -> vector<16xi32>
        %slice3A_602 = vector.extract_strided_slice %all_reduce_population_count3A_601 {offsets = [0], sizes = [1], strides = [1]} : vector<16xi32> to vector<1xi32>
        %squeeze3A_603 = vector.extract %slice3A_602[0] : i32 from vector<1xi32>
        %add3A_604 = arith.addi %min3A_571, %squeeze3A_603 : i32
        %min3A_605 = arith.constant 16368 : i32
        %min3A_606 = arith.minsi %add3A_604, %min3A_605 : i32
        %mul3A_607 = arith.constant 16 : i32
        %mul3A_608 = arith.muli %while3A_470, %mul3A_607 : i32
        %add3A_609 = arith.constant 4 : i32
        %add3A_610 = arith.addi %mul3A_608, %add3A_609 : i32
        %broadcast_in_dim3A_611 = vector.broadcast %add3A_610 : i32 to vector<16xi32>
        %gather3A_612 = tpu.vector_load_idx %arg8[%broadcast_in_dim3A_611] : memref<1024xi32, #tpu.memory_space<vmem>>[vector<16xi32>], vector<16xi32>,
        %and3A_613 = arith.constant 7 : i32
        %and3A_614 = vector.broadcast %and3A_613 : i32 to vector<16xi32>
        %and3A_615 = arith.andi %gather3A_612, %and3A_614 : vector<16xi32>
        %mul3A_616 = arith.constant 16 : i32
        %mul3A_617 = vector.broadcast %mul3A_616 : i32 to vector<16xi32>
        %mul3A_618 = arith.muli %and3A_615, %mul3A_617 : vector<16xi32>
        %add3A_619 = arith.addi %mul3A_618, %iota3A : vector<16xi32>
        %broadcast_in_dim3A_620 = vector.broadcast %add3A_610 : i32 to vector<16xi32>
        %gather3A_621 = tpu.vector_load_idx %arg10[%broadcast_in_dim3A_620, %add3A_619] : memref<512x128xf32, #tpu.memory_space<vmem>>[vector<16xi32>, vector<16xi32>], vector<16xf32>,
        %bitcast3A_622 = vector.bitcast %gather3A_621 : vector<16xf32> to vector<16xi32>
        %ge3A_623 = vector.broadcast %while3A_91#1 : i32 to vector<16xi32>
        %ge3A_624 = arith.cmpi sge, %bitcast3A_622, %ge3A_623 : vector<16xi32>
        %lt3A_625 = arith.cmpi slt, %add3A_610, %min3A_168 : i32
        %and3A_626 = vector.broadcast %lt3A_625 : i1 to vector<16xi1>
        %and3A_627 = arith.andi %ge3A_624, %and3A_626 : vector<16xi1>
        %swap3A_628 = arith.index_cast %min3A_606 : i32 to index
        %swap3A_629 = tpu.vector_load %arg11[%swap3A_628] masked %and3A_627 {strides = array<i32>} : memref<16384xi32, #tpu.memory_space<vmem>>, vector<16xi32>, vector<16xi1>
        tpu.vector_store %arg11[%swap3A_628], %bitcast3A_622 masked %and3A_627 {strides = array<i32>} : memref<16384xi32, #tpu.memory_space<vmem>>, vector<16xi32>, vector<16xi1>
        %mul3A_630 = arith.constant 16 : i32
        %mul3A_631 = vector.broadcast %mul3A_630 : i32 to vector<16xi32>
        %mul3A_632 = arith.muli %gather3A_612, %mul3A_631 : vector<16xi32>
        %add3A_633 = arith.addi %mul3A_632, %iota3A : vector<16xi32>
        %swap3A_634 = arith.index_cast %min3A_606 : i32 to index
        %swap3A_635 = tpu.vector_load %arg12[%swap3A_634] masked %and3A_627 {strides = array<i32>} : memref<16384xi32, #tpu.memory_space<vmem>>, vector<16xi32>, vector<16xi1>
        tpu.vector_store %arg12[%swap3A_634], %add3A_633 masked %and3A_627 {strides = array<i32>} : memref<16384xi32, #tpu.memory_space<vmem>>, vector<16xi32>, vector<16xi1>
        %all_reduce_population_count3A_636 = tpu.all_reduce %and3A_627 {dim = 0 : i64, kind = #tpu.reduction_kind<sum>} : vector<16xi1> -> vector<16xi32>
        %slice3A_637 = vector.extract_strided_slice %all_reduce_population_count3A_636 {offsets = [0], sizes = [1], strides = [1]} : vector<16xi32> to vector<1xi32>
        %squeeze3A_638 = vector.extract %slice3A_637[0] : i32 from vector<1xi32>
        %add3A_639 = arith.addi %min3A_606, %squeeze3A_638 : i32
        %min3A_640 = arith.constant 16368 : i32
        %min3A_641 = arith.minsi %add3A_639, %min3A_640 : i32
        %mul3A_642 = arith.constant 16 : i32
        %mul3A_643 = arith.muli %while3A_470, %mul3A_642 : i32
        %add3A_644 = arith.constant 5 : i32
        %add3A_645 = arith.addi %mul3A_643, %add3A_644 : i32
        %broadcast_in_dim3A_646 = vector.broadcast %add3A_645 : i32 to vector<16xi32>
        %gather3A_647 = tpu.vector_load_idx %arg8[%broadcast_in_dim3A_646] : memref<1024xi32, #tpu.memory_space<vmem>>[vector<16xi32>], vector<16xi32>,
        %and3A_648 = arith.constant 7 : i32
        %and3A_649 = vector.broadcast %and3A_648 : i32 to vector<16xi32>
        %and3A_650 = arith.andi %gather3A_647, %and3A_649 : vector<16xi32>
        %mul3A_651 = arith.constant 16 : i32
        %mul3A_652 = vector.broadcast %mul3A_651 : i32 to vector<16xi32>
        %mul3A_653 = arith.muli %and3A_650, %mul3A_652 : vector<16xi32>
        %add3A_654 = arith.addi %mul3A_653, %iota3A : vector<16xi32>
        %broadcast_in_dim3A_655 = vector.broadcast %add3A_645 : i32 to vector<16xi32>
        %gather3A_656 = tpu.vector_load_idx %arg10[%broadcast_in_dim3A_655, %add3A_654] : memref<512x128xf32, #tpu.memory_space<vmem>>[vector<16xi32>, vector<16xi32>], vector<16xf32>,
        %bitcast3A_657 = vector.bitcast %gather3A_656 : vector<16xf32> to vector<16xi32>
        %ge3A_658 = vector.broadcast %while3A_91#1 : i32 to vector<16xi32>
        %ge3A_659 = arith.cmpi sge, %bitcast3A_657, %ge3A_658 : vector<16xi32>
        %lt3A_660 = arith.cmpi slt, %add3A_645, %min3A_168 : i32
        %and3A_661 = vector.broadcast %lt3A_660 : i1 to vector<16xi1>
        %and3A_662 = arith.andi %ge3A_659, %and3A_661 : vector<16xi1>
        %swap3A_663 = arith.index_cast %min3A_641 : i32 to index
        %swap3A_664 = tpu.vector_load %arg11[%swap3A_663] masked %and3A_662 {strides = array<i32>} : memref<16384xi32, #tpu.memory_space<vmem>>, vector<16xi32>, vector<16xi1>
        tpu.vector_store %arg11[%swap3A_663], %bitcast3A_657 masked %and3A_662 {strides = array<i32>} : memref<16384xi32, #tpu.memory_space<vmem>>, vector<16xi32>, vector<16xi1>
        %mul3A_665 = arith.constant 16 : i32
        %mul3A_666 = vector.broadcast %mul3A_665 : i32 to vector<16xi32>
        %mul3A_667 = arith.muli %gather3A_647, %mul3A_666 : vector<16xi32>
        %add3A_668 = arith.addi %mul3A_667, %iota3A : vector<16xi32>
        %swap3A_669 = arith.index_cast %min3A_641 : i32 to index
        %swap3A_670 = tpu.vector_load %arg12[%swap3A_669] masked %and3A_662 {strides = array<i32>} : memref<16384xi32, #tpu.memory_space<vmem>>, vector<16xi32>, vector<16xi1>
        tpu.vector_store %arg12[%swap3A_669], %add3A_668 masked %and3A_662 {strides = array<i32>} : memref<16384xi32, #tpu.memory_space<vmem>>, vector<16xi32>, vector<16xi1>
        %all_reduce_population_count3A_671 = tpu.all_reduce %and3A_662 {dim = 0 : i64, kind = #tpu.reduction_kind<sum>} : vector<16xi1> -> vector<16xi32>
        %slice3A_672 = vector.extract_strided_slice %all_reduce_population_count3A_671 {offsets = [0], sizes = [1], strides = [1]} : vector<16xi32> to vector<1xi32>
        %squeeze3A_673 = vector.extract %slice3A_672[0] : i32 from vector<1xi32>
        %add3A_674 = arith.addi %min3A_641, %squeeze3A_673 : i32
        %min3A_675 = arith.constant 16368 : i32
        %min3A_676 = arith.minsi %add3A_674, %min3A_675 : i32
        %mul3A_677 = arith.constant 16 : i32
        %mul3A_678 = arith.muli %while3A_470, %mul3A_677 : i32
        %add3A_679 = arith.constant 6 : i32
        %add3A_680 = arith.addi %mul3A_678, %add3A_679 : i32
        %broadcast_in_dim3A_681 = vector.broadcast %add3A_680 : i32 to vector<16xi32>
        %gather3A_682 = tpu.vector_load_idx %arg8[%broadcast_in_dim3A_681] : memref<1024xi32, #tpu.memory_space<vmem>>[vector<16xi32>], vector<16xi32>,
        %and3A_683 = arith.constant 7 : i32
        %and3A_684 = vector.broadcast %and3A_683 : i32 to vector<16xi32>
        %and3A_685 = arith.andi %gather3A_682, %and3A_684 : vector<16xi32>
        %mul3A_686 = arith.constant 16 : i32
        %mul3A_687 = vector.broadcast %mul3A_686 : i32 to vector<16xi32>
        %mul3A_688 = arith.muli %and3A_685, %mul3A_687 : vector<16xi32>
        %add3A_689 = arith.addi %mul3A_688, %iota3A : vector<16xi32>
        %broadcast_in_dim3A_690 = vector.broadcast %add3A_680 : i32 to vector<16xi32>
        %gather3A_691 = tpu.vector_load_idx %arg10[%broadcast_in_dim3A_690, %add3A_689] : memref<512x128xf32, #tpu.memory_space<vmem>>[vector<16xi32>, vector<16xi32>], vector<16xf32>,
        %bitcast3A_692 = vector.bitcast %gather3A_691 : vector<16xf32> to vector<16xi32>
        %ge3A_693 = vector.broadcast %while3A_91#1 : i32 to vector<16xi32>
        %ge3A_694 = arith.cmpi sge, %bitcast3A_692, %ge3A_693 : vector<16xi32>
        %lt3A_695 = arith.cmpi slt, %add3A_680, %min3A_168 : i32
        %and3A_696 = vector.broadcast %lt3A_695 : i1 to vector<16xi1>
        %and3A_697 = arith.andi %ge3A_694, %and3A_696 : vector<16xi1>
        %swap3A_698 = arith.index_cast %min3A_676 : i32 to index
        %swap3A_699 = tpu.vector_load %arg11[%swap3A_698] masked %and3A_697 {strides = array<i32>} : memref<16384xi32, #tpu.memory_space<vmem>>, vector<16xi32>, vector<16xi1>
        tpu.vector_store %arg11[%swap3A_698], %bitcast3A_692 masked %and3A_697 {strides = array<i32>} : memref<16384xi32, #tpu.memory_space<vmem>>, vector<16xi32>, vector<16xi1>
        %mul3A_700 = arith.constant 16 : i32
        %mul3A_701 = vector.broadcast %mul3A_700 : i32 to vector<16xi32>
        %mul3A_702 = arith.muli %gather3A_682, %mul3A_701 : vector<16xi32>
        %add3A_703 = arith.addi %mul3A_702, %iota3A : vector<16xi32>
        %swap3A_704 = arith.index_cast %min3A_676 : i32 to index
        %swap3A_705 = tpu.vector_load %arg12[%swap3A_704] masked %and3A_697 {strides = array<i32>} : memref<16384xi32, #tpu.memory_space<vmem>>, vector<16xi32>, vector<16xi1>
        tpu.vector_store %arg12[%swap3A_704], %add3A_703 masked %and3A_697 {strides = array<i32>} : memref<16384xi32, #tpu.memory_space<vmem>>, vector<16xi32>, vector<16xi1>
        %all_reduce_population_count3A_706 = tpu.all_reduce %and3A_697 {dim = 0 : i64, kind = #tpu.reduction_kind<sum>} : vector<16xi1> -> vector<16xi32>
        %slice3A_707 = vector.extract_strided_slice %all_reduce_population_count3A_706 {offsets = [0], sizes = [1], strides = [1]} : vector<16xi32> to vector<1xi32>
        %squeeze3A_708 = vector.extract %slice3A_707[0] : i32 from vector<1xi32>
        %add3A_709 = arith.addi %min3A_676, %squeeze3A_708 : i32
        %min3A_710 = arith.constant 16368 : i32
        %min3A_711 = arith.minsi %add3A_709, %min3A_710 : i32
        %mul3A_712 = arith.constant 16 : i32
        %mul3A_713 = arith.muli %while3A_470, %mul3A_712 : i32
        %add3A_714 = arith.constant 7 : i32
        %add3A_715 = arith.addi %mul3A_713, %add3A_714 : i32
        %broadcast_in_dim3A_716 = vector.broadcast %add3A_715 : i32 to vector<16xi32>
        %gather3A_717 = tpu.vector_load_idx %arg8[%broadcast_in_dim3A_716] : memref<1024xi32, #tpu.memory_space<vmem>>[vector<16xi32>], vector<16xi32>,
        %and3A_718 = arith.constant 7 : i32
        %and3A_719 = vector.broadcast %and3A_718 : i32 to vector<16xi32>
        %and3A_720 = arith.andi %gather3A_717, %and3A_719 : vector<16xi32>
        %mul3A_721 = arith.constant 16 : i32
        %mul3A_722 = vector.broadcast %mul3A_721 : i32 to vector<16xi32>
        %mul3A_723 = arith.muli %and3A_720, %mul3A_722 : vector<16xi32>
        %add3A_724 = arith.addi %mul3A_723, %iota3A : vector<16xi32>
        %broadcast_in_dim3A_725 = vector.broadcast %add3A_715 : i32 to vector<16xi32>
        %gather3A_726 = tpu.vector_load_idx %arg10[%broadcast_in_dim3A_725, %add3A_724] : memref<512x128xf32, #tpu.memory_space<vmem>>[vector<16xi32>, vector<16xi32>], vector<16xf32>,
        %bitcast3A_727 = vector.bitcast %gather3A_726 : vector<16xf32> to vector<16xi32>
        %ge3A_728 = vector.broadcast %while3A_91#1 : i32 to vector<16xi32>
        %ge3A_729 = arith.cmpi sge, %bitcast3A_727, %ge3A_728 : vector<16xi32>
        %lt3A_730 = arith.cmpi slt, %add3A_715, %min3A_168 : i32
        %and3A_731 = vector.broadcast %lt3A_730 : i1 to vector<16xi1>
        %and3A_732 = arith.andi %ge3A_729, %and3A_731 : vector<16xi1>
        %swap3A_733 = arith.index_cast %min3A_711 : i32 to index
        %swap3A_734 = tpu.vector_load %arg11[%swap3A_733] masked %and3A_732 {strides = array<i32>} : memref<16384xi32, #tpu.memory_space<vmem>>, vector<16xi32>, vector<16xi1>
        tpu.vector_store %arg11[%swap3A_733], %bitcast3A_727 masked %and3A_732 {strides = array<i32>} : memref<16384xi32, #tpu.memory_space<vmem>>, vector<16xi32>, vector<16xi1>
        %mul3A_735 = arith.constant 16 : i32
        %mul3A_736 = vector.broadcast %mul3A_735 : i32 to vector<16xi32>
        %mul3A_737 = arith.muli %gather3A_717, %mul3A_736 : vector<16xi32>
        %add3A_738 = arith.addi %mul3A_737, %iota3A : vector<16xi32>
        %swap3A_739 = arith.index_cast %min3A_711 : i32 to index
        %swap3A_740 = tpu.vector_load %arg12[%swap3A_739] masked %and3A_732 {strides = array<i32>} : memref<16384xi32, #tpu.memory_space<vmem>>, vector<16xi32>, vector<16xi1>
        tpu.vector_store %arg12[%swap3A_739], %add3A_738 masked %and3A_732 {strides = array<i32>} : memref<16384xi32, #tpu.memory_space<vmem>>, vector<16xi32>, vector<16xi1>
        %all_reduce_population_count3A_741 = tpu.all_reduce %and3A_732 {dim = 0 : i64, kind = #tpu.reduction_kind<sum>} : vector<16xi1> -> vector<16xi32>
        %slice3A_742 = vector.extract_strided_slice %all_reduce_population_count3A_741 {offsets = [0], sizes = [1], strides = [1]} : vector<16xi32> to vector<1xi32>
        %squeeze3A_743 = vector.extract %slice3A_742[0] : i32 from vector<1xi32>
        %add3A_744 = arith.addi %min3A_711, %squeeze3A_743 : i32
        %min3A_745 = arith.constant 16368 : i32
        %min3A_746 = arith.minsi %add3A_744, %min3A_745 : i32
        %mul3A_747 = arith.constant 16 : i32
        %mul3A_748 = arith.muli %while3A_470, %mul3A_747 : i32
        %add3A_749 = arith.constant 8 : i32
        %add3A_750 = arith.addi %mul3A_748, %add3A_749 : i32
        %broadcast_in_dim3A_751 = vector.broadcast %add3A_750 : i32 to vector<16xi32>
        %gather3A_752 = tpu.vector_load_idx %arg8[%broadcast_in_dim3A_751] : memref<1024xi32, #tpu.memory_space<vmem>>[vector<16xi32>], vector<16xi32>,
        %and3A_753 = arith.constant 7 : i32
        %and3A_754 = vector.broadcast %and3A_753 : i32 to vector<16xi32>
        %and3A_755 = arith.andi %gather3A_752, %and3A_754 : vector<16xi32>
        %mul3A_756 = arith.constant 16 : i32
        %mul3A_757 = vector.broadcast %mul3A_756 : i32 to vector<16xi32>
        %mul3A_758 = arith.muli %and3A_755, %mul3A_757 : vector<16xi32>
        %add3A_759 = arith.addi %mul3A_758, %iota3A : vector<16xi32>
        %broadcast_in_dim3A_760 = vector.broadcast %add3A_750 : i32 to vector<16xi32>
        %gather3A_761 = tpu.vector_load_idx %arg10[%broadcast_in_dim3A_760, %add3A_759] : memref<512x128xf32, #tpu.memory_space<vmem>>[vector<16xi32>, vector<16xi32>], vector<16xf32>,
        %bitcast3A_762 = vector.bitcast %gather3A_761 : vector<16xf32> to vector<16xi32>
        %ge3A_763 = vector.broadcast %while3A_91#1 : i32 to vector<16xi32>
        %ge3A_764 = arith.cmpi sge, %bitcast3A_762, %ge3A_763 : vector<16xi32>
        %lt3A_765 = arith.cmpi slt, %add3A_750, %min3A_168 : i32
        %and3A_766 = vector.broadcast %lt3A_765 : i1 to vector<16xi1>
        %and3A_767 = arith.andi %ge3A_764, %and3A_766 : vector<16xi1>
        %swap3A_768 = arith.index_cast %min3A_746 : i32 to index
        %swap3A_769 = tpu.vector_load %arg11[%swap3A_768] masked %and3A_767 {strides = array<i32>} : memref<16384xi32, #tpu.memory_space<vmem>>, vector<16xi32>, vector<16xi1>
        tpu.vector_store %arg11[%swap3A_768], %bitcast3A_762 masked %and3A_767 {strides = array<i32>} : memref<16384xi32, #tpu.memory_space<vmem>>, vector<16xi32>, vector<16xi1>
        %mul3A_770 = arith.constant 16 : i32
        %mul3A_771 = vector.broadcast %mul3A_770 : i32 to vector<16xi32>
        %mul3A_772 = arith.muli %gather3A_752, %mul3A_771 : vector<16xi32>
        %add3A_773 = arith.addi %mul3A_772, %iota3A : vector<16xi32>
        %swap3A_774 = arith.index_cast %min3A_746 : i32 to index
        %swap3A_775 = tpu.vector_load %arg12[%swap3A_774] masked %and3A_767 {strides = array<i32>} : memref<16384xi32, #tpu.memory_space<vmem>>, vector<16xi32>, vector<16xi1>
        tpu.vector_store %arg12[%swap3A_774], %add3A_773 masked %and3A_767 {strides = array<i32>} : memref<16384xi32, #tpu.memory_space<vmem>>, vector<16xi32>, vector<16xi1>
        %all_reduce_population_count3A_776 = tpu.all_reduce %and3A_767 {dim = 0 : i64, kind = #tpu.reduction_kind<sum>} : vector<16xi1> -> vector<16xi32>
        %slice3A_777 = vector.extract_strided_slice %all_reduce_population_count3A_776 {offsets = [0], sizes = [1], strides = [1]} : vector<16xi32> to vector<1xi32>
        %squeeze3A_778 = vector.extract %slice3A_777[0] : i32 from vector<1xi32>
        %add3A_779 = arith.addi %min3A_746, %squeeze3A_778 : i32
        %min3A_780 = arith.constant 16368 : i32
        %min3A_781 = arith.minsi %add3A_779, %min3A_780 : i32
        %mul3A_782 = arith.constant 16 : i32
        %mul3A_783 = arith.muli %while3A_470, %mul3A_782 : i32
        %add3A_784 = arith.constant 9 : i32
        %add3A_785 = arith.addi %mul3A_783, %add3A_784 : i32
        %broadcast_in_dim3A_786 = vector.broadcast %add3A_785 : i32 to vector<16xi32>
        %gather3A_787 = tpu.vector_load_idx %arg8[%broadcast_in_dim3A_786] : memref<1024xi32, #tpu.memory_space<vmem>>[vector<16xi32>], vector<16xi32>,
        %and3A_788 = arith.constant 7 : i32
        %and3A_789 = vector.broadcast %and3A_788 : i32 to vector<16xi32>
        %and3A_790 = arith.andi %gather3A_787, %and3A_789 : vector<16xi32>
        %mul3A_791 = arith.constant 16 : i32
        %mul3A_792 = vector.broadcast %mul3A_791 : i32 to vector<16xi32>
        %mul3A_793 = arith.muli %and3A_790, %mul3A_792 : vector<16xi32>
        %add3A_794 = arith.addi %mul3A_793, %iota3A : vector<16xi32>
        %broadcast_in_dim3A_795 = vector.broadcast %add3A_785 : i32 to vector<16xi32>
        %gather3A_796 = tpu.vector_load_idx %arg10[%broadcast_in_dim3A_795, %add3A_794] : memref<512x128xf32, #tpu.memory_space<vmem>>[vector<16xi32>, vector<16xi32>], vector<16xf32>,
        %bitcast3A_797 = vector.bitcast %gather3A_796 : vector<16xf32> to vector<16xi32>
        %ge3A_798 = vector.broadcast %while3A_91#1 : i32 to vector<16xi32>
        %ge3A_799 = arith.cmpi sge, %bitcast3A_797, %ge3A_798 : vector<16xi32>
        %lt3A_800 = arith.cmpi slt, %add3A_785, %min3A_168 : i32
        %and3A_801 = vector.broadcast %lt3A_800 : i1 to vector<16xi1>
        %and3A_802 = arith.andi %ge3A_799, %and3A_801 : vector<16xi1>
        %swap3A_803 = arith.index_cast %min3A_781 : i32 to index
        %swap3A_804 = tpu.vector_load %arg11[%swap3A_803] masked %and3A_802 {strides = array<i32>} : memref<16384xi32, #tpu.memory_space<vmem>>, vector<16xi32>, vector<16xi1>
        tpu.vector_store %arg11[%swap3A_803], %bitcast3A_797 masked %and3A_802 {strides = array<i32>} : memref<16384xi32, #tpu.memory_space<vmem>>, vector<16xi32>, vector<16xi1>
        %mul3A_805 = arith.constant 16 : i32
        %mul3A_806 = vector.broadcast %mul3A_805 : i32 to vector<16xi32>
        %mul3A_807 = arith.muli %gather3A_787, %mul3A_806 : vector<16xi32>
        %add3A_808 = arith.addi %mul3A_807, %iota3A : vector<16xi32>
        %swap3A_809 = arith.index_cast %min3A_781 : i32 to index
        %swap3A_810 = tpu.vector_load %arg12[%swap3A_809] masked %and3A_802 {strides = array<i32>} : memref<16384xi32, #tpu.memory_space<vmem>>, vector<16xi32>, vector<16xi1>
        tpu.vector_store %arg12[%swap3A_809], %add3A_808 masked %and3A_802 {strides = array<i32>} : memref<16384xi32, #tpu.memory_space<vmem>>, vector<16xi32>, vector<16xi1>
        %all_reduce_population_count3A_811 = tpu.all_reduce %and3A_802 {dim = 0 : i64, kind = #tpu.reduction_kind<sum>} : vector<16xi1> -> vector<16xi32>
        %slice3A_812 = vector.extract_strided_slice %all_reduce_population_count3A_811 {offsets = [0], sizes = [1], strides = [1]} : vector<16xi32> to vector<1xi32>
        %squeeze3A_813 = vector.extract %slice3A_812[0] : i32 from vector<1xi32>
        %add3A_814 = arith.addi %min3A_781, %squeeze3A_813 : i32
        %min3A_815 = arith.constant 16368 : i32
        %min3A_816 = arith.minsi %add3A_814, %min3A_815 : i32
        %mul3A_817 = arith.constant 16 : i32
        %mul3A_818 = arith.muli %while3A_470, %mul3A_817 : i32
        %add3A_819 = arith.constant 10 : i32
        %add3A_820 = arith.addi %mul3A_818, %add3A_819 : i32
        %broadcast_in_dim3A_821 = vector.broadcast %add3A_820 : i32 to vector<16xi32>
        %gather3A_822 = tpu.vector_load_idx %arg8[%broadcast_in_dim3A_821] : memref<1024xi32, #tpu.memory_space<vmem>>[vector<16xi32>], vector<16xi32>,
        %and3A_823 = arith.constant 7 : i32
        %and3A_824 = vector.broadcast %and3A_823 : i32 to vector<16xi32>
        %and3A_825 = arith.andi %gather3A_822, %and3A_824 : vector<16xi32>
        %mul3A_826 = arith.constant 16 : i32
        %mul3A_827 = vector.broadcast %mul3A_826 : i32 to vector<16xi32>
        %mul3A_828 = arith.muli %and3A_825, %mul3A_827 : vector<16xi32>
        %add3A_829 = arith.addi %mul3A_828, %iota3A : vector<16xi32>
        %broadcast_in_dim3A_830 = vector.broadcast %add3A_820 : i32 to vector<16xi32>
        %gather3A_831 = tpu.vector_load_idx %arg10[%broadcast_in_dim3A_830, %add3A_829] : memref<512x128xf32, #tpu.memory_space<vmem>>[vector<16xi32>, vector<16xi32>], vector<16xf32>,
        %bitcast3A_832 = vector.bitcast %gather3A_831 : vector<16xf32> to vector<16xi32>
        %ge3A_833 = vector.broadcast %while3A_91#1 : i32 to vector<16xi32>
        %ge3A_834 = arith.cmpi sge, %bitcast3A_832, %ge3A_833 : vector<16xi32>
        %lt3A_835 = arith.cmpi slt, %add3A_820, %min3A_168 : i32
        %and3A_836 = vector.broadcast %lt3A_835 : i1 to vector<16xi1>
        %and3A_837 = arith.andi %ge3A_834, %and3A_836 : vector<16xi1>
        %swap3A_838 = arith.index_cast %min3A_816 : i32 to index
        %swap3A_839 = tpu.vector_load %arg11[%swap3A_838] masked %and3A_837 {strides = array<i32>} : memref<16384xi32, #tpu.memory_space<vmem>>, vector<16xi32>, vector<16xi1>
        tpu.vector_store %arg11[%swap3A_838], %bitcast3A_832 masked %and3A_837 {strides = array<i32>} : memref<16384xi32, #tpu.memory_space<vmem>>, vector<16xi32>, vector<16xi1>
        %mul3A_840 = arith.constant 16 : i32
        %mul3A_841 = vector.broadcast %mul3A_840 : i32 to vector<16xi32>
        %mul3A_842 = arith.muli %gather3A_822, %mul3A_841 : vector<16xi32>
        %add3A_843 = arith.addi %mul3A_842, %iota3A : vector<16xi32>
        %swap3A_844 = arith.index_cast %min3A_816 : i32 to index
        %swap3A_845 = tpu.vector_load %arg12[%swap3A_844] masked %and3A_837 {strides = array<i32>} : memref<16384xi32, #tpu.memory_space<vmem>>, vector<16xi32>, vector<16xi1>
        tpu.vector_store %arg12[%swap3A_844], %add3A_843 masked %and3A_837 {strides = array<i32>} : memref<16384xi32, #tpu.memory_space<vmem>>, vector<16xi32>, vector<16xi1>
        %all_reduce_population_count3A_846 = tpu.all_reduce %and3A_837 {dim = 0 : i64, kind = #tpu.reduction_kind<sum>} : vector<16xi1> -> vector<16xi32>
        %slice3A_847 = vector.extract_strided_slice %all_reduce_population_count3A_846 {offsets = [0], sizes = [1], strides = [1]} : vector<16xi32> to vector<1xi32>
        %squeeze3A_848 = vector.extract %slice3A_847[0] : i32 from vector<1xi32>
        %add3A_849 = arith.addi %min3A_816, %squeeze3A_848 : i32
        %min3A_850 = arith.constant 16368 : i32
        %min3A_851 = arith.minsi %add3A_849, %min3A_850 : i32
        %mul3A_852 = arith.constant 16 : i32
        %mul3A_853 = arith.muli %while3A_470, %mul3A_852 : i32
        %add3A_854 = arith.constant 11 : i32
        %add3A_855 = arith.addi %mul3A_853, %add3A_854 : i32
        %broadcast_in_dim3A_856 = vector.broadcast %add3A_855 : i32 to vector<16xi32>
        %gather3A_857 = tpu.vector_load_idx %arg8[%broadcast_in_dim3A_856] : memref<1024xi32, #tpu.memory_space<vmem>>[vector<16xi32>], vector<16xi32>,
        %and3A_858 = arith.constant 7 : i32
        %and3A_859 = vector.broadcast %and3A_858 : i32 to vector<16xi32>
        %and3A_860 = arith.andi %gather3A_857, %and3A_859 : vector<16xi32>
        %mul3A_861 = arith.constant 16 : i32
        %mul3A_862 = vector.broadcast %mul3A_861 : i32 to vector<16xi32>
        %mul3A_863 = arith.muli %and3A_860, %mul3A_862 : vector<16xi32>
        %add3A_864 = arith.addi %mul3A_863, %iota3A : vector<16xi32>
        %broadcast_in_dim3A_865 = vector.broadcast %add3A_855 : i32 to vector<16xi32>
        %gather3A_866 = tpu.vector_load_idx %arg10[%broadcast_in_dim3A_865, %add3A_864] : memref<512x128xf32, #tpu.memory_space<vmem>>[vector<16xi32>, vector<16xi32>], vector<16xf32>,
        %bitcast3A_867 = vector.bitcast %gather3A_866 : vector<16xf32> to vector<16xi32>
        %ge3A_868 = vector.broadcast %while3A_91#1 : i32 to vector<16xi32>
        %ge3A_869 = arith.cmpi sge, %bitcast3A_867, %ge3A_868 : vector<16xi32>
        %lt3A_870 = arith.cmpi slt, %add3A_855, %min3A_168 : i32
        %and3A_871 = vector.broadcast %lt3A_870 : i1 to vector<16xi1>
        %and3A_872 = arith.andi %ge3A_869, %and3A_871 : vector<16xi1>
        %swap3A_873 = arith.index_cast %min3A_851 : i32 to index
        %swap3A_874 = tpu.vector_load %arg11[%swap3A_873] masked %and3A_872 {strides = array<i32>} : memref<16384xi32, #tpu.memory_space<vmem>>, vector<16xi32>, vector<16xi1>
        tpu.vector_store %arg11[%swap3A_873], %bitcast3A_867 masked %and3A_872 {strides = array<i32>} : memref<16384xi32, #tpu.memory_space<vmem>>, vector<16xi32>, vector<16xi1>
        %mul3A_875 = arith.constant 16 : i32
        %mul3A_876 = vector.broadcast %mul3A_875 : i32 to vector<16xi32>
        %mul3A_877 = arith.muli %gather3A_857, %mul3A_876 : vector<16xi32>
        %add3A_878 = arith.addi %mul3A_877, %iota3A : vector<16xi32>
        %swap3A_879 = arith.index_cast %min3A_851 : i32 to index
        %swap3A_880 = tpu.vector_load %arg12[%swap3A_879] masked %and3A_872 {strides = array<i32>} : memref<16384xi32, #tpu.memory_space<vmem>>, vector<16xi32>, vector<16xi1>
        tpu.vector_store %arg12[%swap3A_879], %add3A_878 masked %and3A_872 {strides = array<i32>} : memref<16384xi32, #tpu.memory_space<vmem>>, vector<16xi32>, vector<16xi1>
        %all_reduce_population_count3A_881 = tpu.all_reduce %and3A_872 {dim = 0 : i64, kind = #tpu.reduction_kind<sum>} : vector<16xi1> -> vector<16xi32>
        %slice3A_882 = vector.extract_strided_slice %all_reduce_population_count3A_881 {offsets = [0], sizes = [1], strides = [1]} : vector<16xi32> to vector<1xi32>
        %squeeze3A_883 = vector.extract %slice3A_882[0] : i32 from vector<1xi32>
        %add3A_884 = arith.addi %min3A_851, %squeeze3A_883 : i32
        %min3A_885 = arith.constant 16368 : i32
        %min3A_886 = arith.minsi %add3A_884, %min3A_885 : i32
        %mul3A_887 = arith.constant 16 : i32
        %mul3A_888 = arith.muli %while3A_470, %mul3A_887 : i32
        %add3A_889 = arith.constant 12 : i32
        %add3A_890 = arith.addi %mul3A_888, %add3A_889 : i32
        %broadcast_in_dim3A_891 = vector.broadcast %add3A_890 : i32 to vector<16xi32>
        %gather3A_892 = tpu.vector_load_idx %arg8[%broadcast_in_dim3A_891] : memref<1024xi32, #tpu.memory_space<vmem>>[vector<16xi32>], vector<16xi32>,
        %and3A_893 = arith.constant 7 : i32
        %and3A_894 = vector.broadcast %and3A_893 : i32 to vector<16xi32>
        %and3A_895 = arith.andi %gather3A_892, %and3A_894 : vector<16xi32>
        %mul3A_896 = arith.constant 16 : i32
        %mul3A_897 = vector.broadcast %mul3A_896 : i32 to vector<16xi32>
        %mul3A_898 = arith.muli %and3A_895, %mul3A_897 : vector<16xi32>
        %add3A_899 = arith.addi %mul3A_898, %iota3A : vector<16xi32>
        %broadcast_in_dim3A_900 = vector.broadcast %add3A_890 : i32 to vector<16xi32>
        %gather3A_901 = tpu.vector_load_idx %arg10[%broadcast_in_dim3A_900, %add3A_899] : memref<512x128xf32, #tpu.memory_space<vmem>>[vector<16xi32>, vector<16xi32>], vector<16xf32>,
        %bitcast3A_902 = vector.bitcast %gather3A_901 : vector<16xf32> to vector<16xi32>
        %ge3A_903 = vector.broadcast %while3A_91#1 : i32 to vector<16xi32>
        %ge3A_904 = arith.cmpi sge, %bitcast3A_902, %ge3A_903 : vector<16xi32>
        %lt3A_905 = arith.cmpi slt, %add3A_890, %min3A_168 : i32
        %and3A_906 = vector.broadcast %lt3A_905 : i1 to vector<16xi1>
        %and3A_907 = arith.andi %ge3A_904, %and3A_906 : vector<16xi1>
        %swap3A_908 = arith.index_cast %min3A_886 : i32 to index
        %swap3A_909 = tpu.vector_load %arg11[%swap3A_908] masked %and3A_907 {strides = array<i32>} : memref<16384xi32, #tpu.memory_space<vmem>>, vector<16xi32>, vector<16xi1>
        tpu.vector_store %arg11[%swap3A_908], %bitcast3A_902 masked %and3A_907 {strides = array<i32>} : memref<16384xi32, #tpu.memory_space<vmem>>, vector<16xi32>, vector<16xi1>
        %mul3A_910 = arith.constant 16 : i32
        %mul3A_911 = vector.broadcast %mul3A_910 : i32 to vector<16xi32>
        %mul3A_912 = arith.muli %gather3A_892, %mul3A_911 : vector<16xi32>
        %add3A_913 = arith.addi %mul3A_912, %iota3A : vector<16xi32>
        %swap3A_914 = arith.index_cast %min3A_886 : i32 to index
        %swap3A_915 = tpu.vector_load %arg12[%swap3A_914] masked %and3A_907 {strides = array<i32>} : memref<16384xi32, #tpu.memory_space<vmem>>, vector<16xi32>, vector<16xi1>
        tpu.vector_store %arg12[%swap3A_914], %add3A_913 masked %and3A_907 {strides = array<i32>} : memref<16384xi32, #tpu.memory_space<vmem>>, vector<16xi32>, vector<16xi1>
        %all_reduce_population_count3A_916 = tpu.all_reduce %and3A_907 {dim = 0 : i64, kind = #tpu.reduction_kind<sum>} : vector<16xi1> -> vector<16xi32>
        %slice3A_917 = vector.extract_strided_slice %all_reduce_population_count3A_916 {offsets = [0], sizes = [1], strides = [1]} : vector<16xi32> to vector<1xi32>
        %squeeze3A_918 = vector.extract %slice3A_917[0] : i32 from vector<1xi32>
        %add3A_919 = arith.addi %min3A_886, %squeeze3A_918 : i32
        %min3A_920 = arith.constant 16368 : i32
        %min3A_921 = arith.minsi %add3A_919, %min3A_920 : i32
        %mul3A_922 = arith.constant 16 : i32
        %mul3A_923 = arith.muli %while3A_470, %mul3A_922 : i32
        %add3A_924 = arith.constant 13 : i32
        %add3A_925 = arith.addi %mul3A_923, %add3A_924 : i32
        %broadcast_in_dim3A_926 = vector.broadcast %add3A_925 : i32 to vector<16xi32>
        %gather3A_927 = tpu.vector_load_idx %arg8[%broadcast_in_dim3A_926] : memref<1024xi32, #tpu.memory_space<vmem>>[vector<16xi32>], vector<16xi32>,
        %and3A_928 = arith.constant 7 : i32
        %and3A_929 = vector.broadcast %and3A_928 : i32 to vector<16xi32>
        %and3A_930 = arith.andi %gather3A_927, %and3A_929 : vector<16xi32>
        %mul3A_931 = arith.constant 16 : i32
        %mul3A_932 = vector.broadcast %mul3A_931 : i32 to vector<16xi32>
        %mul3A_933 = arith.muli %and3A_930, %mul3A_932 : vector<16xi32>
        %add3A_934 = arith.addi %mul3A_933, %iota3A : vector<16xi32>
        %broadcast_in_dim3A_935 = vector.broadcast %add3A_925 : i32 to vector<16xi32>
        %gather3A_936 = tpu.vector_load_idx %arg10[%broadcast_in_dim3A_935, %add3A_934] : memref<512x128xf32, #tpu.memory_space<vmem>>[vector<16xi32>, vector<16xi32>], vector<16xf32>,
        %bitcast3A_937 = vector.bitcast %gather3A_936 : vector<16xf32> to vector<16xi32>
        %ge3A_938 = vector.broadcast %while3A_91#1 : i32 to vector<16xi32>
        %ge3A_939 = arith.cmpi sge, %bitcast3A_937, %ge3A_938 : vector<16xi32>
        %lt3A_940 = arith.cmpi slt, %add3A_925, %min3A_168 : i32
        %and3A_941 = vector.broadcast %lt3A_940 : i1 to vector<16xi1>
        %and3A_942 = arith.andi %ge3A_939, %and3A_941 : vector<16xi1>
        %swap3A_943 = arith.index_cast %min3A_921 : i32 to index
        %swap3A_944 = tpu.vector_load %arg11[%swap3A_943] masked %and3A_942 {strides = array<i32>} : memref<16384xi32, #tpu.memory_space<vmem>>, vector<16xi32>, vector<16xi1>
        tpu.vector_store %arg11[%swap3A_943], %bitcast3A_937 masked %and3A_942 {strides = array<i32>} : memref<16384xi32, #tpu.memory_space<vmem>>, vector<16xi32>, vector<16xi1>
        %mul3A_945 = arith.constant 16 : i32
        %mul3A_946 = vector.broadcast %mul3A_945 : i32 to vector<16xi32>
        %mul3A_947 = arith.muli %gather3A_927, %mul3A_946 : vector<16xi32>
        %add3A_948 = arith.addi %mul3A_947, %iota3A : vector<16xi32>
        %swap3A_949 = arith.index_cast %min3A_921 : i32 to index
        %swap3A_950 = tpu.vector_load %arg12[%swap3A_949] masked %and3A_942 {strides = array<i32>} : memref<16384xi32, #tpu.memory_space<vmem>>, vector<16xi32>, vector<16xi1>
        tpu.vector_store %arg12[%swap3A_949], %add3A_948 masked %and3A_942 {strides = array<i32>} : memref<16384xi32, #tpu.memory_space<vmem>>, vector<16xi32>, vector<16xi1>
        %all_reduce_population_count3A_951 = tpu.all_reduce %and3A_942 {dim = 0 : i64, kind = #tpu.reduction_kind<sum>} : vector<16xi1> -> vector<16xi32>
        %slice3A_952 = vector.extract_strided_slice %all_reduce_population_count3A_951 {offsets = [0], sizes = [1], strides = [1]} : vector<16xi32> to vector<1xi32>
        %squeeze3A_953 = vector.extract %slice3A_952[0] : i32 from vector<1xi32>
        %add3A_954 = arith.addi %min3A_921, %squeeze3A_953 : i32
        %min3A_955 = arith.constant 16368 : i32
        %min3A_956 = arith.minsi %add3A_954, %min3A_955 : i32
        %mul3A_957 = arith.constant 16 : i32
        %mul3A_958 = arith.muli %while3A_470, %mul3A_957 : i32
        %add3A_959 = arith.constant 14 : i32
        %add3A_960 = arith.addi %mul3A_958, %add3A_959 : i32
        %broadcast_in_dim3A_961 = vector.broadcast %add3A_960 : i32 to vector<16xi32>
        %gather3A_962 = tpu.vector_load_idx %arg8[%broadcast_in_dim3A_961] : memref<1024xi32, #tpu.memory_space<vmem>>[vector<16xi32>], vector<16xi32>,
        %and3A_963 = arith.constant 7 : i32
        %and3A_964 = vector.broadcast %and3A_963 : i32 to vector<16xi32>
        %and3A_965 = arith.andi %gather3A_962, %and3A_964 : vector<16xi32>
        %mul3A_966 = arith.constant 16 : i32
        %mul3A_967 = vector.broadcast %mul3A_966 : i32 to vector<16xi32>
        %mul3A_968 = arith.muli %and3A_965, %mul3A_967 : vector<16xi32>
        %add3A_969 = arith.addi %mul3A_968, %iota3A : vector<16xi32>
        %broadcast_in_dim3A_970 = vector.broadcast %add3A_960 : i32 to vector<16xi32>
        %gather3A_971 = tpu.vector_load_idx %arg10[%broadcast_in_dim3A_970, %add3A_969] : memref<512x128xf32, #tpu.memory_space<vmem>>[vector<16xi32>, vector<16xi32>], vector<16xf32>,
        %bitcast3A_972 = vector.bitcast %gather3A_971 : vector<16xf32> to vector<16xi32>
        %ge3A_973 = vector.broadcast %while3A_91#1 : i32 to vector<16xi32>
        %ge3A_974 = arith.cmpi sge, %bitcast3A_972, %ge3A_973 : vector<16xi32>
        %lt3A_975 = arith.cmpi slt, %add3A_960, %min3A_168 : i32
        %and3A_976 = vector.broadcast %lt3A_975 : i1 to vector<16xi1>
        %and3A_977 = arith.andi %ge3A_974, %and3A_976 : vector<16xi1>
        %swap3A_978 = arith.index_cast %min3A_956 : i32 to index
        %swap3A_979 = tpu.vector_load %arg11[%swap3A_978] masked %and3A_977 {strides = array<i32>} : memref<16384xi32, #tpu.memory_space<vmem>>, vector<16xi32>, vector<16xi1>
        tpu.vector_store %arg11[%swap3A_978], %bitcast3A_972 masked %and3A_977 {strides = array<i32>} : memref<16384xi32, #tpu.memory_space<vmem>>, vector<16xi32>, vector<16xi1>
        %mul3A_980 = arith.constant 16 : i32
        %mul3A_981 = vector.broadcast %mul3A_980 : i32 to vector<16xi32>
        %mul3A_982 = arith.muli %gather3A_962, %mul3A_981 : vector<16xi32>
        %add3A_983 = arith.addi %mul3A_982, %iota3A : vector<16xi32>
        %swap3A_984 = arith.index_cast %min3A_956 : i32 to index
        %swap3A_985 = tpu.vector_load %arg12[%swap3A_984] masked %and3A_977 {strides = array<i32>} : memref<16384xi32, #tpu.memory_space<vmem>>, vector<16xi32>, vector<16xi1>
        tpu.vector_store %arg12[%swap3A_984], %add3A_983 masked %and3A_977 {strides = array<i32>} : memref<16384xi32, #tpu.memory_space<vmem>>, vector<16xi32>, vector<16xi1>
        %all_reduce_population_count3A_986 = tpu.all_reduce %and3A_977 {dim = 0 : i64, kind = #tpu.reduction_kind<sum>} : vector<16xi1> -> vector<16xi32>
        %slice3A_987 = vector.extract_strided_slice %all_reduce_population_count3A_986 {offsets = [0], sizes = [1], strides = [1]} : vector<16xi32> to vector<1xi32>
        %squeeze3A_988 = vector.extract %slice3A_987[0] : i32 from vector<1xi32>
        %add3A_989 = arith.addi %min3A_956, %squeeze3A_988 : i32
        %min3A_990 = arith.constant 16368 : i32
        %min3A_991 = arith.minsi %add3A_989, %min3A_990 : i32
        %mul3A_992 = arith.constant 16 : i32
        %mul3A_993 = arith.muli %while3A_470, %mul3A_992 : i32
        %add3A_994 = arith.constant 15 : i32
        %add3A_995 = arith.addi %mul3A_993, %add3A_994 : i32
        %broadcast_in_dim3A_996 = vector.broadcast %add3A_995 : i32 to vector<16xi32>
        %gather3A_997 = tpu.vector_load_idx %arg8[%broadcast_in_dim3A_996] : memref<1024xi32, #tpu.memory_space<vmem>>[vector<16xi32>], vector<16xi32>,
        %and3A_998 = arith.constant 7 : i32
        %and3A_999 = vector.broadcast %and3A_998 : i32 to vector<16xi32>
        %and3A_1000 = arith.andi %gather3A_997, %and3A_999 : vector<16xi32>
        %mul3A_1001 = arith.constant 16 : i32
        %mul3A_1002 = vector.broadcast %mul3A_1001 : i32 to vector<16xi32>
        %mul3A_1003 = arith.muli %and3A_1000, %mul3A_1002 : vector<16xi32>
        %add3A_1004 = arith.addi %mul3A_1003, %iota3A : vector<16xi32>
        %broadcast_in_dim3A_1005 = vector.broadcast %add3A_995 : i32 to vector<16xi32>
        %gather3A_1006 = tpu.vector_load_idx %arg10[%broadcast_in_dim3A_1005, %add3A_1004] : memref<512x128xf32, #tpu.memory_space<vmem>>[vector<16xi32>, vector<16xi32>], vector<16xf32>,
        %bitcast3A_1007 = vector.bitcast %gather3A_1006 : vector<16xf32> to vector<16xi32>
        %ge3A_1008 = vector.broadcast %while3A_91#1 : i32 to vector<16xi32>
        %ge3A_1009 = arith.cmpi sge, %bitcast3A_1007, %ge3A_1008 : vector<16xi32>
        %lt3A_1010 = arith.cmpi slt, %add3A_995, %min3A_168 : i32
        %and3A_1011 = vector.broadcast %lt3A_1010 : i1 to vector<16xi1>
        %and3A_1012 = arith.andi %ge3A_1009, %and3A_1011 : vector<16xi1>
        %swap3A_1013 = arith.index_cast %min3A_991 : i32 to index
        %swap3A_1014 = tpu.vector_load %arg11[%swap3A_1013] masked %and3A_1012 {strides = array<i32>} : memref<16384xi32, #tpu.memory_space<vmem>>, vector<16xi32>, vector<16xi1>
        tpu.vector_store %arg11[%swap3A_1013], %bitcast3A_1007 masked %and3A_1012 {strides = array<i32>} : memref<16384xi32, #tpu.memory_space<vmem>>, vector<16xi32>, vector<16xi1>
        %mul3A_1015 = arith.constant 16 : i32
        %mul3A_1016 = vector.broadcast %mul3A_1015 : i32 to vector<16xi32>
        %mul3A_1017 = arith.muli %gather3A_997, %mul3A_1016 : vector<16xi32>
        %add3A_1018 = arith.addi %mul3A_1017, %iota3A : vector<16xi32>
        %swap3A_1019 = arith.index_cast %min3A_991 : i32 to index
        %swap3A_1020 = tpu.vector_load %arg12[%swap3A_1019] masked %and3A_1012 {strides = array<i32>} : memref<16384xi32, #tpu.memory_space<vmem>>, vector<16xi32>, vector<16xi1>
        tpu.vector_store %arg12[%swap3A_1019], %add3A_1018 masked %and3A_1012 {strides = array<i32>} : memref<16384xi32, #tpu.memory_space<vmem>>, vector<16xi32>, vector<16xi1>
        %all_reduce_population_count3A_1021 = tpu.all_reduce %and3A_1012 {dim = 0 : i64, kind = #tpu.reduction_kind<sum>} : vector<16xi1> -> vector<16xi32>
        %slice3A_1022 = vector.extract_strided_slice %all_reduce_population_count3A_1021 {offsets = [0], sizes = [1], strides = [1]} : vector<16xi32> to vector<1xi32>
        %squeeze3A_1023 = vector.extract %slice3A_1022[0] : i32 from vector<1xi32>
        %add3A_1024 = arith.addi %min3A_991, %squeeze3A_1023 : i32
        %min3A_1025 = arith.constant 16368 : i32
        %min3A_1026 = arith.minsi %add3A_1024, %min3A_1025 : i32
        scf.yield %min3A_1026 : i32
      }
      %add3A_207 = arith.constant 127 : i32
      %add3A_208 = arith.addi %while3A_206, %add3A_207 : i32
      %jit3A_209 = arith.constant 128 : i32
      %div3A_210 = arith.divsi %add3A_208, %jit3A_209 : i32
      %sign3A_211 = arith.constant 0 : i32
      %sign3A_212 = arith.cmpi sgt, %add3A_208, %sign3A_211 : i32
      %sign3A_213 = arith.extui %sign3A_212 : i1 to i32
      %sign3A_214 = arith.constant 0 : i32
      %sign3A_215 = arith.cmpi slt, %add3A_208, %sign3A_214 : i32
      %sign3A_216 = arith.extui %sign3A_215 : i1 to i32
      %sign3A_217 = arith.subi %sign3A_213, %sign3A_216 : i32
      %sign3A_218 = arith.constant 0 : i32
      %sign3A_219 = arith.cmpi sgt, %jit3A_209, %sign3A_218 : i32
      %sign3A_220 = arith.extui %sign3A_219 : i1 to i32
      %sign3A_221 = arith.constant 0 : i32
      %sign3A_222 = arith.cmpi slt, %jit3A_209, %sign3A_221 : i32
      %sign3A_223 = arith.extui %sign3A_222 : i1 to i32
      %sign3A_224 = arith.subi %sign3A_220, %sign3A_223 : i32
      %ne3A_225 = arith.cmpi ne, %sign3A_217, %sign3A_224 : i32
      %rem3A_226 = arith.remsi %add3A_208, %jit3A_209 : i32
      %ne3A_227 = arith.constant 0 : i32
      %ne3A_228 = arith.cmpi ne, %rem3A_226, %ne3A_227 : i32
      %and3A_229 = arith.andi %ne3A_225, %ne3A_228 : i1
      %sub3A_230 = arith.constant 1 : i32
      %sub3A_231 = arith.subi %div3A_210, %sub3A_230 : i32
      %select_n3A_232 = arith.select %and3A_229, %sub3A_231, %div3A_210 : i32
      %sub3A_233 = arith.constant 1 : i32
      %sub3A_234 = arith.subi %while3A_91#1, %sub3A_233 : i32
      %add3A_235 = arith.constant 1 : i32
      %add3A_236 = arith.addi %reduce_max3A_57, %add3A_235 : i32
      %while3A_237:2 = scf.while (%while3A_470 = %sub3A_234, %while3A_471 = %add3A_236) : (i32, i32) -> (i32, i32) {
        %sub3A_472 = arith.subi %while3A_471, %while3A_470 : i32
        %gt3A = arith.constant 1 : i32
        %gt3A_473 = arith.cmpi sgt, %sub3A_472, %gt3A : i32
        scf.condition(%gt3A_473) %while3A_470, %while3A_471 : i32, i32
      } do {
      ^bb0(%while3A_470: i32, %while3A_471: i32):
        %sub3A_472 = arith.subi %while3A_471, %while3A_470 : i32
        %jit3A_473 = arith.constant 2 : i32
        %div3A_474 = arith.divsi %sub3A_472, %jit3A_473 : i32
        %sign3A_475 = arith.constant 0 : i32
        %sign3A_476 = arith.cmpi sgt, %sub3A_472, %sign3A_475 : i32
        %sign3A_477 = arith.extui %sign3A_476 : i1 to i32
        %sign3A_478 = arith.constant 0 : i32
        %sign3A_479 = arith.cmpi slt, %sub3A_472, %sign3A_478 : i32
        %sign3A_480 = arith.extui %sign3A_479 : i1 to i32
        %sign3A_481 = arith.subi %sign3A_477, %sign3A_480 : i32
        %sign3A_482 = arith.constant 0 : i32
        %sign3A_483 = arith.cmpi sgt, %jit3A_473, %sign3A_482 : i32
        %sign3A_484 = arith.extui %sign3A_483 : i1 to i32
        %sign3A_485 = arith.constant 0 : i32
        %sign3A_486 = arith.cmpi slt, %jit3A_473, %sign3A_485 : i32
        %sign3A_487 = arith.extui %sign3A_486 : i1 to i32
        %sign3A_488 = arith.subi %sign3A_484, %sign3A_487 : i32
        %ne3A_489 = arith.cmpi ne, %sign3A_481, %sign3A_488 : i32
        %rem3A_490 = arith.remsi %sub3A_472, %jit3A_473 : i32
        %ne3A_491 = arith.constant 0 : i32
        %ne3A_492 = arith.cmpi ne, %rem3A_490, %ne3A_491 : i32
        %and3A_493 = arith.andi %ne3A_489, %ne3A_492 : i1
        %sub3A_494 = arith.constant 1 : i32
        %sub3A_495 = arith.subi %div3A_474, %sub3A_494 : i32
        %select_n3A_496 = arith.select %and3A_493, %sub3A_495, %div3A_474 : i32
        %add3A_497 = arith.addi %while3A_470, %select_n3A_496 : i32
        %broadcast_in_dim3A_498 = arith.constant 0 : i32
        %broadcast_in_dim3A_499 = vector.broadcast %broadcast_in_dim3A_498 : i32 to vector<16xi32>
        %while3A_500 = arith.constant 0 : i32
        %while3A_501 = arith.subi %select_n3A_232, %while3A_500 : i32
        %while3A_502 = arith.addi %while3A_500, %while3A_501 : i32
        %while3A_503 = arith.constant 1 : i32
        %while3A_504 = arith.divsi %while3A_501, %while3A_503 : i32
        %while3A_505 = arith.muli %while3A_504, %while3A_503 : i32
        %while3A_506 = arith.addi %while3A_500, %while3A_505 : i32
        %while3A_507 = arith.constant 1 : i32
        %while3A_508 = scf.for %while3A_519 = %while3A_500 to %while3A_506 step %while3A_507 iter_args(%while3A_520 = %broadcast_in_dim3A_499) -> (vector<16xi32>)  : i32 {
          %mul3A_521 = arith.constant 128 : i32
          %mul3A_522 = arith.muli %while3A_519, %mul3A_521 : i32
          %add3A_523 = arith.constant 0 : i32
          %add3A_524 = arith.addi %mul3A_522, %add3A_523 : i32
          %get3A = arith.index_cast %add3A_524 : i32 to index
          %get3A_525 = tpu.vector_load %arg11[%get3A] {strides = array<i32>} : memref<16384xi32, #tpu.memory_space<vmem>>, vector<16xi32>,
          %gt3A = vector.broadcast %add3A_497 : i32 to vector<16xi32>
          %gt3A_526 = arith.cmpi sgt, %get3A_525, %gt3A : vector<16xi32>
          %convert_element_type3A_527 = arith.extui %gt3A_526 : vector<16xi1> to vector<16xi32>
          %add3A_528 = arith.addi %while3A_520, %convert_element_type3A_527 : vector<16xi32>
          %mul3A_529 = arith.constant 128 : i32
          %mul3A_530 = arith.muli %while3A_519, %mul3A_529 : i32
          %add3A_531 = arith.constant 16 : i32
          %add3A_532 = arith.addi %mul3A_530, %add3A_531 : i32
          %get3A_533 = arith.index_cast %add3A_532 : i32 to index
          %get3A_534 = tpu.vector_load %arg11[%get3A_533] {strides = array<i32>} : memref<16384xi32, #tpu.memory_space<vmem>>, vector<16xi32>,
          %gt3A_535 = vector.broadcast %add3A_497 : i32 to vector<16xi32>
          %gt3A_536 = arith.cmpi sgt, %get3A_534, %gt3A_535 : vector<16xi32>
          %convert_element_type3A_537 = arith.extui %gt3A_536 : vector<16xi1> to vector<16xi32>
          %add3A_538 = arith.addi %add3A_528, %convert_element_type3A_537 : vector<16xi32>
          %mul3A_539 = arith.constant 128 : i32
          %mul3A_540 = arith.muli %while3A_519, %mul3A_539 : i32
          %add3A_541 = arith.constant 32 : i32
          %add3A_542 = arith.addi %mul3A_540, %add3A_541 : i32
          %get3A_543 = arith.index_cast %add3A_542 : i32 to index
          %get3A_544 = tpu.vector_load %arg11[%get3A_543] {strides = array<i32>} : memref<16384xi32, #tpu.memory_space<vmem>>, vector<16xi32>,
          %gt3A_545 = vector.broadcast %add3A_497 : i32 to vector<16xi32>
          %gt3A_546 = arith.cmpi sgt, %get3A_544, %gt3A_545 : vector<16xi32>
          %convert_element_type3A_547 = arith.extui %gt3A_546 : vector<16xi1> to vector<16xi32>
          %add3A_548 = arith.addi %add3A_538, %convert_element_type3A_547 : vector<16xi32>
          %mul3A_549 = arith.constant 128 : i32
          %mul3A_550 = arith.muli %while3A_519, %mul3A_549 : i32
          %add3A_551 = arith.constant 48 : i32
          %add3A_552 = arith.addi %mul3A_550, %add3A_551 : i32
          %get3A_553 = arith.index_cast %add3A_552 : i32 to index
          %get3A_554 = tpu.vector_load %arg11[%get3A_553] {strides = array<i32>} : memref<16384xi32, #tpu.memory_space<vmem>>, vector<16xi32>,
          %gt3A_555 = vector.broadcast %add3A_497 : i32 to vector<16xi32>
          %gt3A_556 = arith.cmpi sgt, %get3A_554, %gt3A_555 : vector<16xi32>
          %convert_element_type3A_557 = arith.extui %gt3A_556 : vector<16xi1> to vector<16xi32>
          %add3A_558 = arith.addi %add3A_548, %convert_element_type3A_557 : vector<16xi32>
          %mul3A_559 = arith.constant 128 : i32
          %mul3A_560 = arith.muli %while3A_519, %mul3A_559 : i32
          %add3A_561 = arith.constant 64 : i32
          %add3A_562 = arith.addi %mul3A_560, %add3A_561 : i32
          %get3A_563 = arith.index_cast %add3A_562 : i32 to index
          %get3A_564 = tpu.vector_load %arg11[%get3A_563] {strides = array<i32>} : memref<16384xi32, #tpu.memory_space<vmem>>, vector<16xi32>,
          %gt3A_565 = vector.broadcast %add3A_497 : i32 to vector<16xi32>
          %gt3A_566 = arith.cmpi sgt, %get3A_564, %gt3A_565 : vector<16xi32>
          %convert_element_type3A_567 = arith.extui %gt3A_566 : vector<16xi1> to vector<16xi32>
          %add3A_568 = arith.addi %add3A_558, %convert_element_type3A_567 : vector<16xi32>
          %mul3A_569 = arith.constant 128 : i32
          %mul3A_570 = arith.muli %while3A_519, %mul3A_569 : i32
          %add3A_571 = arith.constant 80 : i32
          %add3A_572 = arith.addi %mul3A_570, %add3A_571 : i32
          %get3A_573 = arith.index_cast %add3A_572 : i32 to index
          %get3A_574 = tpu.vector_load %arg11[%get3A_573] {strides = array<i32>} : memref<16384xi32, #tpu.memory_space<vmem>>, vector<16xi32>,
          %gt3A_575 = vector.broadcast %add3A_497 : i32 to vector<16xi32>
          %gt3A_576 = arith.cmpi sgt, %get3A_574, %gt3A_575 : vector<16xi32>
          %convert_element_type3A_577 = arith.extui %gt3A_576 : vector<16xi1> to vector<16xi32>
          %add3A_578 = arith.addi %add3A_568, %convert_element_type3A_577 : vector<16xi32>
          %mul3A_579 = arith.constant 128 : i32
          %mul3A_580 = arith.muli %while3A_519, %mul3A_579 : i32
          %add3A_581 = arith.constant 96 : i32
          %add3A_582 = arith.addi %mul3A_580, %add3A_581 : i32
          %get3A_583 = arith.index_cast %add3A_582 : i32 to index
          %get3A_584 = tpu.vector_load %arg11[%get3A_583] {strides = array<i32>} : memref<16384xi32, #tpu.memory_space<vmem>>, vector<16xi32>,
          %gt3A_585 = vector.broadcast %add3A_497 : i32 to vector<16xi32>
          %gt3A_586 = arith.cmpi sgt, %get3A_584, %gt3A_585 : vector<16xi32>
          %convert_element_type3A_587 = arith.extui %gt3A_586 : vector<16xi1> to vector<16xi32>
          %add3A_588 = arith.addi %add3A_578, %convert_element_type3A_587 : vector<16xi32>
          %mul3A_589 = arith.constant 128 : i32
          %mul3A_590 = arith.muli %while3A_519, %mul3A_589 : i32
          %add3A_591 = arith.constant 112 : i32
          %add3A_592 = arith.addi %mul3A_590, %add3A_591 : i32
          %get3A_593 = arith.index_cast %add3A_592 : i32 to index
          %get3A_594 = tpu.vector_load %arg11[%get3A_593] {strides = array<i32>} : memref<16384xi32, #tpu.memory_space<vmem>>, vector<16xi32>,
          %gt3A_595 = vector.broadcast %add3A_497 : i32 to vector<16xi32>
          %gt3A_596 = arith.cmpi sgt, %get3A_594, %gt3A_595 : vector<16xi32>
          %convert_element_type3A_597 = arith.extui %gt3A_596 : vector<16xi1> to vector<16xi32>
          %add3A_598 = arith.addi %add3A_588, %convert_element_type3A_597 : vector<16xi32>
          scf.yield %add3A_598 : vector<16xi32>
        }
        %while3A_509 = arith.constant 1 : i32
        %while3A_510 = scf.for %while3A_519 = %while3A_506 to %while3A_502 step %while3A_509 iter_args(%while3A_520 = %while3A_508) -> (vector<16xi32>)  : i32 {
          %mul3A_521 = arith.constant 128 : i32
          %mul3A_522 = arith.muli %while3A_519, %mul3A_521 : i32
          %add3A_523 = arith.constant 0 : i32
          %add3A_524 = arith.addi %mul3A_522, %add3A_523 : i32
          %get3A = arith.index_cast %add3A_524 : i32 to index
          %get3A_525 = tpu.vector_load %arg11[%get3A] {strides = array<i32>} : memref<16384xi32, #tpu.memory_space<vmem>>, vector<16xi32>,
          %gt3A = vector.broadcast %add3A_497 : i32 to vector<16xi32>
          %gt3A_526 = arith.cmpi sgt, %get3A_525, %gt3A : vector<16xi32>
          %convert_element_type3A_527 = arith.extui %gt3A_526 : vector<16xi1> to vector<16xi32>
          %add3A_528 = arith.addi %while3A_520, %convert_element_type3A_527 : vector<16xi32>
          %mul3A_529 = arith.constant 128 : i32
          %mul3A_530 = arith.muli %while3A_519, %mul3A_529 : i32
          %add3A_531 = arith.constant 16 : i32
          %add3A_532 = arith.addi %mul3A_530, %add3A_531 : i32
          %get3A_533 = arith.index_cast %add3A_532 : i32 to index
          %get3A_534 = tpu.vector_load %arg11[%get3A_533] {strides = array<i32>} : memref<16384xi32, #tpu.memory_space<vmem>>, vector<16xi32>,
          %gt3A_535 = vector.broadcast %add3A_497 : i32 to vector<16xi32>
          %gt3A_536 = arith.cmpi sgt, %get3A_534, %gt3A_535 : vector<16xi32>
          %convert_element_type3A_537 = arith.extui %gt3A_536 : vector<16xi1> to vector<16xi32>
          %add3A_538 = arith.addi %add3A_528, %convert_element_type3A_537 : vector<16xi32>
          %mul3A_539 = arith.constant 128 : i32
          %mul3A_540 = arith.muli %while3A_519, %mul3A_539 : i32
          %add3A_541 = arith.constant 32 : i32
          %add3A_542 = arith.addi %mul3A_540, %add3A_541 : i32
          %get3A_543 = arith.index_cast %add3A_542 : i32 to index
          %get3A_544 = tpu.vector_load %arg11[%get3A_543] {strides = array<i32>} : memref<16384xi32, #tpu.memory_space<vmem>>, vector<16xi32>,
          %gt3A_545 = vector.broadcast %add3A_497 : i32 to vector<16xi32>
          %gt3A_546 = arith.cmpi sgt, %get3A_544, %gt3A_545 : vector<16xi32>
          %convert_element_type3A_547 = arith.extui %gt3A_546 : vector<16xi1> to vector<16xi32>
          %add3A_548 = arith.addi %add3A_538, %convert_element_type3A_547 : vector<16xi32>
          %mul3A_549 = arith.constant 128 : i32
          %mul3A_550 = arith.muli %while3A_519, %mul3A_549 : i32
          %add3A_551 = arith.constant 48 : i32
          %add3A_552 = arith.addi %mul3A_550, %add3A_551 : i32
          %get3A_553 = arith.index_cast %add3A_552 : i32 to index
          %get3A_554 = tpu.vector_load %arg11[%get3A_553] {strides = array<i32>} : memref<16384xi32, #tpu.memory_space<vmem>>, vector<16xi32>,
          %gt3A_555 = vector.broadcast %add3A_497 : i32 to vector<16xi32>
          %gt3A_556 = arith.cmpi sgt, %get3A_554, %gt3A_555 : vector<16xi32>
          %convert_element_type3A_557 = arith.extui %gt3A_556 : vector<16xi1> to vector<16xi32>
          %add3A_558 = arith.addi %add3A_548, %convert_element_type3A_557 : vector<16xi32>
          %mul3A_559 = arith.constant 128 : i32
          %mul3A_560 = arith.muli %while3A_519, %mul3A_559 : i32
          %add3A_561 = arith.constant 64 : i32
          %add3A_562 = arith.addi %mul3A_560, %add3A_561 : i32
          %get3A_563 = arith.index_cast %add3A_562 : i32 to index
          %get3A_564 = tpu.vector_load %arg11[%get3A_563] {strides = array<i32>} : memref<16384xi32, #tpu.memory_space<vmem>>, vector<16xi32>,
          %gt3A_565 = vector.broadcast %add3A_497 : i32 to vector<16xi32>
          %gt3A_566 = arith.cmpi sgt, %get3A_564, %gt3A_565 : vector<16xi32>
          %convert_element_type3A_567 = arith.extui %gt3A_566 : vector<16xi1> to vector<16xi32>
          %add3A_568 = arith.addi %add3A_558, %convert_element_type3A_567 : vector<16xi32>
          %mul3A_569 = arith.constant 128 : i32
          %mul3A_570 = arith.muli %while3A_519, %mul3A_569 : i32
          %add3A_571 = arith.constant 80 : i32
          %add3A_572 = arith.addi %mul3A_570, %add3A_571 : i32
          %get3A_573 = arith.index_cast %add3A_572 : i32 to index
          %get3A_574 = tpu.vector_load %arg11[%get3A_573] {strides = array<i32>} : memref<16384xi32, #tpu.memory_space<vmem>>, vector<16xi32>,
          %gt3A_575 = vector.broadcast %add3A_497 : i32 to vector<16xi32>
          %gt3A_576 = arith.cmpi sgt, %get3A_574, %gt3A_575 : vector<16xi32>
          %convert_element_type3A_577 = arith.extui %gt3A_576 : vector<16xi1> to vector<16xi32>
          %add3A_578 = arith.addi %add3A_568, %convert_element_type3A_577 : vector<16xi32>
          %mul3A_579 = arith.constant 128 : i32
          %mul3A_580 = arith.muli %while3A_519, %mul3A_579 : i32
          %add3A_581 = arith.constant 96 : i32
          %add3A_582 = arith.addi %mul3A_580, %add3A_581 : i32
          %get3A_583 = arith.index_cast %add3A_582 : i32 to index
          %get3A_584 = tpu.vector_load %arg11[%get3A_583] {strides = array<i32>} : memref<16384xi32, #tpu.memory_space<vmem>>, vector<16xi32>,
          %gt3A_585 = vector.broadcast %add3A_497 : i32 to vector<16xi32>
          %gt3A_586 = arith.cmpi sgt, %get3A_584, %gt3A_585 : vector<16xi32>
          %convert_element_type3A_587 = arith.extui %gt3A_586 : vector<16xi1> to vector<16xi32>
          %add3A_588 = arith.addi %add3A_578, %convert_element_type3A_587 : vector<16xi32>
          %mul3A_589 = arith.constant 128 : i32
          %mul3A_590 = arith.muli %while3A_519, %mul3A_589 : i32
          %add3A_591 = arith.constant 112 : i32
          %add3A_592 = arith.addi %mul3A_590, %add3A_591 : i32
          %get3A_593 = arith.index_cast %add3A_592 : i32 to index
          %get3A_594 = tpu.vector_load %arg11[%get3A_593] {strides = array<i32>} : memref<16384xi32, #tpu.memory_space<vmem>>, vector<16xi32>,
          %gt3A_595 = vector.broadcast %add3A_497 : i32 to vector<16xi32>
          %gt3A_596 = arith.cmpi sgt, %get3A_594, %gt3A_595 : vector<16xi32>
          %convert_element_type3A_597 = arith.extui %gt3A_596 : vector<16xi1> to vector<16xi32>
          %add3A_598 = arith.addi %add3A_588, %convert_element_type3A_597 : vector<16xi32>
          scf.yield %add3A_598 : vector<16xi32>
        }
        %reduce_sum3A_511 = arith.constant true
        %reduce_sum3A_512 = vector.broadcast %reduce_sum3A_511 : i1 to vector<16xi1>
        %reduce_sum3A_513 = tpu.scan <sum>, %while3A_510 masked %reduce_sum3A_512 : vector<16xi32>, vector<16xi1> -> vector<16xi32>
        %reduce_sum3A_514 = vector.extract %reduce_sum3A_513[15] : i32 from vector<16xi32>
        %lt3A_515 = arith.constant 512 : i32
        %lt3A_516 = arith.cmpi slt, %reduce_sum3A_514, %lt3A_515 : i32
        %select_n3A_517 = arith.select %lt3A_516, %while3A_470, %add3A_497 : i32
        %select_n3A_518 = arith.select %lt3A_516, %add3A_497, %while3A_471 : i32
        scf.yield %select_n3A_517, %select_n3A_518 : i32, i32
      }
      %add3A_238 = arith.constant 15 : i32
      %add3A_239 = arith.addi %while3A_206, %add3A_238 : i32
      %jit3A_240 = arith.constant 16 : i32
      %div3A_241 = arith.divsi %add3A_239, %jit3A_240 : i32
      %sign3A_242 = arith.constant 0 : i32
      %sign3A_243 = arith.cmpi sgt, %add3A_239, %sign3A_242 : i32
      %sign3A_244 = arith.extui %sign3A_243 : i1 to i32
      %sign3A_245 = arith.constant 0 : i32
      %sign3A_246 = arith.cmpi slt, %add3A_239, %sign3A_245 : i32
      %sign3A_247 = arith.extui %sign3A_246 : i1 to i32
      %sign3A_248 = arith.subi %sign3A_244, %sign3A_247 : i32
      %sign3A_249 = arith.constant 0 : i32
      %sign3A_250 = arith.cmpi sgt, %jit3A_240, %sign3A_249 : i32
      %sign3A_251 = arith.extui %sign3A_250 : i1 to i32
      %sign3A_252 = arith.constant 0 : i32
      %sign3A_253 = arith.cmpi slt, %jit3A_240, %sign3A_252 : i32
      %sign3A_254 = arith.extui %sign3A_253 : i1 to i32
      %sign3A_255 = arith.subi %sign3A_251, %sign3A_254 : i32
      %ne3A_256 = arith.cmpi ne, %sign3A_248, %sign3A_255 : i32
      %rem3A_257 = arith.remsi %add3A_239, %jit3A_240 : i32
      %ne3A_258 = arith.constant 0 : i32
      %ne3A_259 = arith.cmpi ne, %rem3A_257, %ne3A_258 : i32
      %and3A_260 = arith.andi %ne3A_256, %ne3A_259 : i1
      %sub3A_261 = arith.constant 1 : i32
      %sub3A_262 = arith.subi %div3A_241, %sub3A_261 : i32
      %select_n3A_263 = arith.select %and3A_260, %sub3A_262, %div3A_241 : i32
      %while3A_264 = arith.constant 0 : i32
      %while3A_265 = arith.constant 0 : i32
      %while3A_266 = arith.constant 0 : i32
      %while3A_267 = arith.constant 0 : i32
      %while3A_268 = arith.constant 0 : i32
      %while3A_269 = arith.subi %select_n3A_263, %while3A_264 : i32
      %while3A_270 = arith.addi %while3A_264, %while3A_269 : i32
      %while3A_271 = arith.constant 1 : i32
      %while3A_272 = arith.divsi %while3A_269, %while3A_271 : i32
      %while3A_273 = arith.muli %while3A_272, %while3A_271 : i32
      %while3A_274 = arith.addi %while3A_264, %while3A_273 : i32
      %while3A_275 = arith.constant 1 : i32
      %while3A_276:4 = scf.for %while3A_470 = %while3A_264 to %while3A_274 step %while3A_275 iter_args(%while3A_471 = %while3A_265, %while3A_472 = %while3A_266, %while3A_473 = %while3A_267, %while3A_474 = %while3A_268) -> (i32, i32, i32, i32)  : i32 {
        %mul3A_475 = arith.constant 16 : i32
        %mul3A_476 = arith.muli %while3A_470, %mul3A_475 : i32
        %get3A = arith.index_cast %mul3A_476 : i32 to index
        %get3A_477 = tpu.vector_load %arg11[%get3A] {strides = array<i32>} : memref<16384xi32, #tpu.memory_space<vmem>>, vector<16xi32>,
        %mul3A_478 = arith.constant 16 : i32
        %mul3A_479 = arith.muli %while3A_470, %mul3A_478 : i32
        %get3A_480 = arith.index_cast %mul3A_479 : i32 to index
        %get3A_481 = tpu.vector_load %arg12[%get3A_480] {strides = array<i32>} : memref<16384xi32, #tpu.memory_space<vmem>>, vector<16xi32>,
        %gt3A = vector.broadcast %while3A_237#1 : i32 to vector<16xi32>
        %gt3A_482 = arith.cmpi sgt, %get3A_477, %gt3A : vector<16xi32>
        %eq3A_483 = vector.broadcast %while3A_237#1 : i32 to vector<16xi32>
        %eq3A_484 = arith.cmpi eq, %get3A_477, %eq3A_483 : vector<16xi32>
        %shift_right_arithmetic3A = arith.constant 7 : i32
        %shift_right_arithmetic3A_485 = vector.broadcast %shift_right_arithmetic3A : i32 to vector<16xi32>
        %shift_right_arithmetic3A_486 = arith.shrsi %get3A_481, %shift_right_arithmetic3A_485 : vector<16xi32>
        %and3A_487 = arith.constant 127 : i32
        %and3A_488 = vector.broadcast %and3A_487 : i32 to vector<16xi32>
        %and3A_489 = arith.andi %get3A_481, %and3A_488 : vector<16xi32>
        %swap3A_490 = arith.index_cast %while3A_473 : i32 to index
        %swap3A_491 = tpu.vector_load %arg13[%swap3A_490] masked %gt3A_482 {strides = array<i32>} : memref<1024xi32, #tpu.memory_space<vmem>>, vector<16xi32>, vector<16xi1>
        tpu.vector_store %arg13[%swap3A_490], %shift_right_arithmetic3A_486 masked %gt3A_482 {strides = array<i32>} : memref<1024xi32, #tpu.memory_space<vmem>>, vector<16xi32>, vector<16xi1>
        %swap3A_492 = arith.index_cast %while3A_473 : i32 to index
        %swap3A_493 = tpu.vector_load %arg14[%swap3A_492] masked %gt3A_482 {strides = array<i32>} : memref<1024xi32, #tpu.memory_space<vmem>>, vector<16xi32>, vector<16xi1>
        tpu.vector_store %arg14[%swap3A_492], %and3A_489 masked %gt3A_482 {strides = array<i32>} : memref<1024xi32, #tpu.memory_space<vmem>>, vector<16xi32>, vector<16xi1>
        %swap3A_494 = arith.index_cast %while3A_474 : i32 to index
        %swap3A_495 = tpu.vector_load %arg15[%swap3A_494] masked %eq3A_484 {strides = array<i32>} : memref<1024xi32, #tpu.memory_space<vmem>>, vector<16xi32>, vector<16xi1>
        tpu.vector_store %arg15[%swap3A_494], %shift_right_arithmetic3A_486 masked %eq3A_484 {strides = array<i32>} : memref<1024xi32, #tpu.memory_space<vmem>>, vector<16xi32>, vector<16xi1>
        %swap3A_496 = arith.index_cast %while3A_474 : i32 to index
        %swap3A_497 = tpu.vector_load %arg16[%swap3A_496] masked %eq3A_484 {strides = array<i32>} : memref<1024xi32, #tpu.memory_space<vmem>>, vector<16xi32>, vector<16xi1>
        tpu.vector_store %arg16[%swap3A_496], %and3A_489 masked %eq3A_484 {strides = array<i32>} : memref<1024xi32, #tpu.memory_space<vmem>>, vector<16xi32>, vector<16xi1>
        %all_reduce_population_count3A = tpu.all_reduce %gt3A_482 {dim = 0 : i64, kind = #tpu.reduction_kind<sum>} : vector<16xi1> -> vector<16xi32>
        %all_reduce_population_count3A_498 = tpu.all_reduce %eq3A_484 {dim = 0 : i64, kind = #tpu.reduction_kind<sum>} : vector<16xi1> -> vector<16xi32>
        %slice3A = vector.extract_strided_slice %all_reduce_population_count3A {offsets = [0], sizes = [1], strides = [1]} : vector<16xi32> to vector<1xi32>
        %squeeze3A = vector.extract %slice3A[0] : i32 from vector<1xi32>
        %add3A_499 = arith.addi %while3A_471, %squeeze3A : i32
        %slice3A_500 = vector.extract_strided_slice %all_reduce_population_count3A_498 {offsets = [0], sizes = [1], strides = [1]} : vector<16xi32> to vector<1xi32>
        %squeeze3A_501 = vector.extract %slice3A_500[0] : i32 from vector<1xi32>
        %add3A_502 = arith.addi %while3A_472, %squeeze3A_501 : i32
        %slice3A_503 = vector.extract_strided_slice %all_reduce_population_count3A {offsets = [0], sizes = [1], strides = [1]} : vector<16xi32> to vector<1xi32>
        %squeeze3A_504 = vector.extract %slice3A_503[0] : i32 from vector<1xi32>
        %add3A_505 = arith.addi %while3A_473, %squeeze3A_504 : i32
        %min3A_506 = arith.constant 1008 : i32
        %min3A_507 = arith.minsi %add3A_505, %min3A_506 : i32
        %slice3A_508 = vector.extract_strided_slice %all_reduce_population_count3A_498 {offsets = [0], sizes = [1], strides = [1]} : vector<16xi32> to vector<1xi32>
        %squeeze3A_509 = vector.extract %slice3A_508[0] : i32 from vector<1xi32>
        %add3A_510 = arith.addi %while3A_474, %squeeze3A_509 : i32
        %min3A_511 = arith.constant 1008 : i32
        %min3A_512 = arith.minsi %add3A_510, %min3A_511 : i32
        scf.yield %add3A_499, %add3A_502, %min3A_507, %min3A_512 : i32, i32, i32, i32
      }
      %while3A_277 = arith.constant 1 : i32
      %while3A_278:4 = scf.for %while3A_470 = %while3A_274 to %while3A_270 step %while3A_277 iter_args(%while3A_471 = %while3A_276#0, %while3A_472 = %while3A_276#1, %while3A_473 = %while3A_276#2, %while3A_474 = %while3A_276#3) -> (i32, i32, i32, i32)  : i32 {
        %mul3A_475 = arith.constant 16 : i32
        %mul3A_476 = arith.muli %while3A_470, %mul3A_475 : i32
        %get3A = arith.index_cast %mul3A_476 : i32 to index
        %get3A_477 = tpu.vector_load %arg11[%get3A] {strides = array<i32>} : memref<16384xi32, #tpu.memory_space<vmem>>, vector<16xi32>,
        %mul3A_478 = arith.constant 16 : i32
        %mul3A_479 = arith.muli %while3A_470, %mul3A_478 : i32
        %get3A_480 = arith.index_cast %mul3A_479 : i32 to index
        %get3A_481 = tpu.vector_load %arg12[%get3A_480] {strides = array<i32>} : memref<16384xi32, #tpu.memory_space<vmem>>, vector<16xi32>,
        %gt3A = vector.broadcast %while3A_237#1 : i32 to vector<16xi32>
        %gt3A_482 = arith.cmpi sgt, %get3A_477, %gt3A : vector<16xi32>
        %eq3A_483 = vector.broadcast %while3A_237#1 : i32 to vector<16xi32>
        %eq3A_484 = arith.cmpi eq, %get3A_477, %eq3A_483 : vector<16xi32>
        %shift_right_arithmetic3A = arith.constant 7 : i32
        %shift_right_arithmetic3A_485 = vector.broadcast %shift_right_arithmetic3A : i32 to vector<16xi32>
        %shift_right_arithmetic3A_486 = arith.shrsi %get3A_481, %shift_right_arithmetic3A_485 : vector<16xi32>
        %and3A_487 = arith.constant 127 : i32
        %and3A_488 = vector.broadcast %and3A_487 : i32 to vector<16xi32>
        %and3A_489 = arith.andi %get3A_481, %and3A_488 : vector<16xi32>
        %swap3A_490 = arith.index_cast %while3A_473 : i32 to index
        %swap3A_491 = tpu.vector_load %arg13[%swap3A_490] masked %gt3A_482 {strides = array<i32>} : memref<1024xi32, #tpu.memory_space<vmem>>, vector<16xi32>, vector<16xi1>
        tpu.vector_store %arg13[%swap3A_490], %shift_right_arithmetic3A_486 masked %gt3A_482 {strides = array<i32>} : memref<1024xi32, #tpu.memory_space<vmem>>, vector<16xi32>, vector<16xi1>
        %swap3A_492 = arith.index_cast %while3A_473 : i32 to index
        %swap3A_493 = tpu.vector_load %arg14[%swap3A_492] masked %gt3A_482 {strides = array<i32>} : memref<1024xi32, #tpu.memory_space<vmem>>, vector<16xi32>, vector<16xi1>
        tpu.vector_store %arg14[%swap3A_492], %and3A_489 masked %gt3A_482 {strides = array<i32>} : memref<1024xi32, #tpu.memory_space<vmem>>, vector<16xi32>, vector<16xi1>
        %swap3A_494 = arith.index_cast %while3A_474 : i32 to index
        %swap3A_495 = tpu.vector_load %arg15[%swap3A_494] masked %eq3A_484 {strides = array<i32>} : memref<1024xi32, #tpu.memory_space<vmem>>, vector<16xi32>, vector<16xi1>
        tpu.vector_store %arg15[%swap3A_494], %shift_right_arithmetic3A_486 masked %eq3A_484 {strides = array<i32>} : memref<1024xi32, #tpu.memory_space<vmem>>, vector<16xi32>, vector<16xi1>
        %swap3A_496 = arith.index_cast %while3A_474 : i32 to index
        %swap3A_497 = tpu.vector_load %arg16[%swap3A_496] masked %eq3A_484 {strides = array<i32>} : memref<1024xi32, #tpu.memory_space<vmem>>, vector<16xi32>, vector<16xi1>
        tpu.vector_store %arg16[%swap3A_496], %and3A_489 masked %eq3A_484 {strides = array<i32>} : memref<1024xi32, #tpu.memory_space<vmem>>, vector<16xi32>, vector<16xi1>
        %all_reduce_population_count3A = tpu.all_reduce %gt3A_482 {dim = 0 : i64, kind = #tpu.reduction_kind<sum>} : vector<16xi1> -> vector<16xi32>
        %all_reduce_population_count3A_498 = tpu.all_reduce %eq3A_484 {dim = 0 : i64, kind = #tpu.reduction_kind<sum>} : vector<16xi1> -> vector<16xi32>
        %slice3A = vector.extract_strided_slice %all_reduce_population_count3A {offsets = [0], sizes = [1], strides = [1]} : vector<16xi32> to vector<1xi32>
        %squeeze3A = vector.extract %slice3A[0] : i32 from vector<1xi32>
        %add3A_499 = arith.addi %while3A_471, %squeeze3A : i32
        %slice3A_500 = vector.extract_strided_slice %all_reduce_population_count3A_498 {offsets = [0], sizes = [1], strides = [1]} : vector<16xi32> to vector<1xi32>
        %squeeze3A_501 = vector.extract %slice3A_500[0] : i32 from vector<1xi32>
        %add3A_502 = arith.addi %while3A_472, %squeeze3A_501 : i32
        %slice3A_503 = vector.extract_strided_slice %all_reduce_population_count3A {offsets = [0], sizes = [1], strides = [1]} : vector<16xi32> to vector<1xi32>
        %squeeze3A_504 = vector.extract %slice3A_503[0] : i32 from vector<1xi32>
        %add3A_505 = arith.addi %while3A_473, %squeeze3A_504 : i32
        %min3A_506 = arith.constant 1008 : i32
        %min3A_507 = arith.minsi %add3A_505, %min3A_506 : i32
        %slice3A_508 = vector.extract_strided_slice %all_reduce_population_count3A_498 {offsets = [0], sizes = [1], strides = [1]} : vector<16xi32> to vector<1xi32>
        %squeeze3A_509 = vector.extract %slice3A_508[0] : i32 from vector<1xi32>
        %add3A_510 = arith.addi %while3A_474, %squeeze3A_509 : i32
        %min3A_511 = arith.constant 1008 : i32
        %min3A_512 = arith.minsi %add3A_510, %min3A_511 : i32
        scf.yield %add3A_499, %add3A_502, %min3A_507, %min3A_512 : i32, i32, i32, i32
      }
      %dma_start3A_279 = arith.constant 0 : i32
      %dma_start3A_280 = arith.constant 0 : i32
      %dma_start3A_281 = tpu.memref_slice %arg10[%dma_start3A_279, %dma_start3A_280] : memref<512x128xf32, #tpu.memory_space<vmem>> -> memref<128x128xf32, #tpu.memory_space<vmem>>
      %dma_start3A_282 = arith.constant 0 : i32
      %dma_start3A_283 = tpu.memref_slice %arg13[%dma_start3A_282] : memref<1024xi32, #tpu.memory_space<vmem>> -> memref<128xi32, #tpu.memory_space<vmem>>
      %dma_start3A_284 = arith.constant 0 : i32
      %dma_start3A_285 = arith.constant 0 : i32
      %dma_start3A_286 = tpu.memref_slice %arg4[%dma_start3A_284, %dma_start3A_285] : memref<16384x128xf32, #tpu.memory_space<hbm>> -> memref<16384x128xf32, #tpu.memory_space<hbm>>
      tpu.enqueue_indirect_dma source(%dma_start3A_286 : memref<16384x128xf32, #tpu.memory_space<hbm>>) target(%dma_start3A_281 : memref<128x128xf32, #tpu.memory_space<vmem>>) offsets(%dma_start3A_283 : memref<128xi32, #tpu.memory_space<vmem>>) semaphore(%arg18 : memref<!tpu.dma_semaphore, #tpu.memory_space<semaphore_mem>>)
      %dma_start3A_287 = arith.constant 128 : i32
      %dma_start3A_288 = arith.constant 0 : i32
      %dma_start3A_289 = tpu.memref_slice %arg10[%dma_start3A_287, %dma_start3A_288] : memref<512x128xf32, #tpu.memory_space<vmem>> -> memref<128x128xf32, #tpu.memory_space<vmem>>
      %dma_start3A_290 = arith.constant 128 : i32
      %dma_start3A_291 = tpu.memref_slice %arg13[%dma_start3A_290] : memref<1024xi32, #tpu.memory_space<vmem>> -> memref<128xi32, #tpu.memory_space<vmem>>
      %dma_start3A_292 = arith.constant 0 : i32
      %dma_start3A_293 = arith.constant 0 : i32
      %dma_start3A_294 = tpu.memref_slice %arg4[%dma_start3A_292, %dma_start3A_293] : memref<16384x128xf32, #tpu.memory_space<hbm>> -> memref<16384x128xf32, #tpu.memory_space<hbm>>
      tpu.enqueue_indirect_dma source(%dma_start3A_294 : memref<16384x128xf32, #tpu.memory_space<hbm>>) target(%dma_start3A_289 : memref<128x128xf32, #tpu.memory_space<vmem>>) offsets(%dma_start3A_291 : memref<128xi32, #tpu.memory_space<vmem>>) semaphore(%arg18 : memref<!tpu.dma_semaphore, #tpu.memory_space<semaphore_mem>>)
      %dma_start3A_295 = arith.constant 256 : i32
      %dma_start3A_296 = arith.constant 0 : i32
      %dma_start3A_297 = tpu.memref_slice %arg10[%dma_start3A_295, %dma_start3A_296] : memref<512x128xf32, #tpu.memory_space<vmem>> -> memref<128x128xf32, #tpu.memory_space<vmem>>
      %dma_start3A_298 = arith.constant 256 : i32
      %dma_start3A_299 = tpu.memref_slice %arg13[%dma_start3A_298] : memref<1024xi32, #tpu.memory_space<vmem>> -> memref<128xi32, #tpu.memory_space<vmem>>
      %dma_start3A_300 = arith.constant 0 : i32
      %dma_start3A_301 = arith.constant 0 : i32
      %dma_start3A_302 = tpu.memref_slice %arg4[%dma_start3A_300, %dma_start3A_301] : memref<16384x128xf32, #tpu.memory_space<hbm>> -> memref<16384x128xf32, #tpu.memory_space<hbm>>
      tpu.enqueue_indirect_dma source(%dma_start3A_302 : memref<16384x128xf32, #tpu.memory_space<hbm>>) target(%dma_start3A_297 : memref<128x128xf32, #tpu.memory_space<vmem>>) offsets(%dma_start3A_299 : memref<128xi32, #tpu.memory_space<vmem>>) semaphore(%arg18 : memref<!tpu.dma_semaphore, #tpu.memory_space<semaphore_mem>>)
      %dma_start3A_303 = arith.constant 384 : i32
      %dma_start3A_304 = arith.constant 0 : i32
      %dma_start3A_305 = tpu.memref_slice %arg10[%dma_start3A_303, %dma_start3A_304] : memref<512x128xf32, #tpu.memory_space<vmem>> -> memref<128x128xf32, #tpu.memory_space<vmem>>
      %dma_start3A_306 = arith.constant 384 : i32
      %dma_start3A_307 = tpu.memref_slice %arg13[%dma_start3A_306] : memref<1024xi32, #tpu.memory_space<vmem>> -> memref<128xi32, #tpu.memory_space<vmem>>
      %dma_start3A_308 = arith.constant 0 : i32
      %dma_start3A_309 = arith.constant 0 : i32
      %dma_start3A_310 = tpu.memref_slice %arg4[%dma_start3A_308, %dma_start3A_309] : memref<16384x128xf32, #tpu.memory_space<hbm>> -> memref<16384x128xf32, #tpu.memory_space<hbm>>
      tpu.enqueue_indirect_dma source(%dma_start3A_310 : memref<16384x128xf32, #tpu.memory_space<hbm>>) target(%dma_start3A_305 : memref<128x128xf32, #tpu.memory_space<vmem>>) offsets(%dma_start3A_307 : memref<128xi32, #tpu.memory_space<vmem>>) semaphore(%arg18 : memref<!tpu.dma_semaphore, #tpu.memory_space<semaphore_mem>>)
      %dma_wait3A_311 = arith.constant 0 : i32
      %dma_wait3A_312 = arith.constant 0 : i32
      %dma_wait3A_313 = tpu.memref_slice %arg10[%dma_wait3A_311, %dma_wait3A_312] : memref<512x128xf32, #tpu.memory_space<vmem>> -> memref<128x128xf32, #tpu.memory_space<vmem>>
      %dma_wait3A_314 = arith.constant 0 : i32
      %dma_wait3A_315 = tpu.memref_slice %arg13[%dma_wait3A_314] : memref<1024xi32, #tpu.memory_space<vmem>> -> memref<128xi32, #tpu.memory_space<vmem>>
      %dma_wait3A_316 = arith.constant 0 : i32
      %dma_wait3A_317 = arith.constant 0 : i32
      %dma_wait3A_318 = tpu.memref_slice %arg4[%dma_wait3A_316, %dma_wait3A_317] : memref<16384x128xf32, #tpu.memory_space<hbm>> -> memref<16384x128xf32, #tpu.memory_space<hbm>>
      tpu.wait_indirect_dma semaphore(%arg18 : memref<!tpu.dma_semaphore, #tpu.memory_space<semaphore_mem>>) src(%dma_wait3A_318 : memref<16384x128xf32, #tpu.memory_space<hbm>>) dst(%dma_wait3A_313 : memref<128x128xf32, #tpu.memory_space<vmem>>)
      %dma_wait3A_319 = arith.constant 128 : i32
      %dma_wait3A_320 = arith.constant 0 : i32
      %dma_wait3A_321 = tpu.memref_slice %arg10[%dma_wait3A_319, %dma_wait3A_320] : memref<512x128xf32, #tpu.memory_space<vmem>> -> memref<128x128xf32, #tpu.memory_space<vmem>>
      %dma_wait3A_322 = arith.constant 128 : i32
      %dma_wait3A_323 = tpu.memref_slice %arg13[%dma_wait3A_322] : memref<1024xi32, #tpu.memory_space<vmem>> -> memref<128xi32, #tpu.memory_space<vmem>>
      %dma_wait3A_324 = arith.constant 0 : i32
      %dma_wait3A_325 = arith.constant 0 : i32
      %dma_wait3A_326 = tpu.memref_slice %arg4[%dma_wait3A_324, %dma_wait3A_325] : memref<16384x128xf32, #tpu.memory_space<hbm>> -> memref<16384x128xf32, #tpu.memory_space<hbm>>
      tpu.wait_indirect_dma semaphore(%arg18 : memref<!tpu.dma_semaphore, #tpu.memory_space<semaphore_mem>>) src(%dma_wait3A_326 : memref<16384x128xf32, #tpu.memory_space<hbm>>) dst(%dma_wait3A_321 : memref<128x128xf32, #tpu.memory_space<vmem>>)
      %dma_wait3A_327 = arith.constant 256 : i32
      %dma_wait3A_328 = arith.constant 0 : i32
      %dma_wait3A_329 = tpu.memref_slice %arg10[%dma_wait3A_327, %dma_wait3A_328] : memref<512x128xf32, #tpu.memory_space<vmem>> -> memref<128x128xf32, #tpu.memory_space<vmem>>
      %dma_wait3A_330 = arith.constant 256 : i32
      %dma_wait3A_331 = tpu.memref_slice %arg13[%dma_wait3A_330] : memref<1024xi32, #tpu.memory_space<vmem>> -> memref<128xi32, #tpu.memory_space<vmem>>
      %dma_wait3A_332 = arith.constant 0 : i32
      %dma_wait3A_333 = arith.constant 0 : i32
      %dma_wait3A_334 = tpu.memref_slice %arg4[%dma_wait3A_332, %dma_wait3A_333] : memref<16384x128xf32, #tpu.memory_space<hbm>> -> memref<16384x128xf32, #tpu.memory_space<hbm>>
      tpu.wait_indirect_dma semaphore(%arg18 : memref<!tpu.dma_semaphore, #tpu.memory_space<semaphore_mem>>) src(%dma_wait3A_334 : memref<16384x128xf32, #tpu.memory_space<hbm>>) dst(%dma_wait3A_329 : memref<128x128xf32, #tpu.memory_space<vmem>>)
      %dma_wait3A_335 = arith.constant 384 : i32
      %dma_wait3A_336 = arith.constant 0 : i32
      %dma_wait3A_337 = tpu.memref_slice %arg10[%dma_wait3A_335, %dma_wait3A_336] : memref<512x128xf32, #tpu.memory_space<vmem>> -> memref<128x128xf32, #tpu.memory_space<vmem>>
      %dma_wait3A_338 = arith.constant 384 : i32
      %dma_wait3A_339 = tpu.memref_slice %arg13[%dma_wait3A_338] : memref<1024xi32, #tpu.memory_space<vmem>> -> memref<128xi32, #tpu.memory_space<vmem>>
      %dma_wait3A_340 = arith.constant 0 : i32
      %dma_wait3A_341 = arith.constant 0 : i32
      %dma_wait3A_342 = tpu.memref_slice %arg4[%dma_wait3A_340, %dma_wait3A_341] : memref<16384x128xf32, #tpu.memory_space<hbm>> -> memref<16384x128xf32, #tpu.memory_space<hbm>>
      tpu.wait_indirect_dma semaphore(%arg18 : memref<!tpu.dma_semaphore, #tpu.memory_space<semaphore_mem>>) src(%dma_wait3A_342 : memref<16384x128xf32, #tpu.memory_space<hbm>>) dst(%dma_wait3A_337 : memref<128x128xf32, #tpu.memory_space<vmem>>)
      %add3A_343 = arith.constant 15 : i32
      %add3A_344 = arith.addi %while3A_278#0, %add3A_343 : i32
      %jit3A_345 = arith.constant 16 : i32
      %div3A_346 = arith.divsi %add3A_344, %jit3A_345 : i32
      %sign3A_347 = arith.constant 0 : i32
      %sign3A_348 = arith.cmpi sgt, %add3A_344, %sign3A_347 : i32
      %sign3A_349 = arith.extui %sign3A_348 : i1 to i32
      %sign3A_350 = arith.constant 0 : i32
      %sign3A_351 = arith.cmpi slt, %add3A_344, %sign3A_350 : i32
      %sign3A_352 = arith.extui %sign3A_351 : i1 to i32
      %sign3A_353 = arith.subi %sign3A_349, %sign3A_352 : i32
      %sign3A_354 = arith.constant 0 : i32
      %sign3A_355 = arith.cmpi sgt, %jit3A_345, %sign3A_354 : i32
      %sign3A_356 = arith.extui %sign3A_355 : i1 to i32
      %sign3A_357 = arith.constant 0 : i32
      %sign3A_358 = arith.cmpi slt, %jit3A_345, %sign3A_357 : i32
      %sign3A_359 = arith.extui %sign3A_358 : i1 to i32
      %sign3A_360 = arith.subi %sign3A_356, %sign3A_359 : i32
      %ne3A_361 = arith.cmpi ne, %sign3A_353, %sign3A_360 : i32
      %rem3A_362 = arith.remsi %add3A_344, %jit3A_345 : i32
      %ne3A_363 = arith.constant 0 : i32
      %ne3A_364 = arith.cmpi ne, %rem3A_362, %ne3A_363 : i32
      %and3A_365 = arith.andi %ne3A_361, %ne3A_364 : i1
      %sub3A_366 = arith.constant 1 : i32
      %sub3A_367 = arith.subi %div3A_346, %sub3A_366 : i32
      %select_n3A_368 = arith.select %and3A_365, %sub3A_367, %div3A_346 : i32
      %broadcast_in_dim3A_369 = arith.constant 0.000000e+00 : f32
      %broadcast_in_dim3A_370 = vector.broadcast %broadcast_in_dim3A_369 : f32 to vector<16xf32>
      %while3A_371 = arith.constant 0 : i32
      %while3A_372 = arith.subi %select_n3A_368, %while3A_371 : i32
      %while3A_373 = arith.addi %while3A_371, %while3A_372 : i32
      %while3A_374 = arith.constant 1 : i32
      %while3A_375 = arith.divsi %while3A_372, %while3A_374 : i32
      %while3A_376 = arith.muli %while3A_375, %while3A_374 : i32
      %while3A_377 = arith.addi %while3A_371, %while3A_376 : i32
      %while3A_378 = arith.constant 1 : i32
      %while3A_379 = scf.for %while3A_470 = %while3A_371 to %while3A_377 step %while3A_378 iter_args(%while3A_471 = %broadcast_in_dim3A_370) -> (vector<16xf32>)  : i32 {
        %mul3A_472 = arith.constant 16 : i32
        %mul3A_473 = arith.muli %while3A_470, %mul3A_472 : i32
        %add3A_474 = vector.broadcast %mul3A_473 : i32 to vector<16xi32>
        %add3A_475 = arith.addi %add3A_474, %iota3A : vector<16xi32>
        %mul3A_476 = arith.constant 16 : i32
        %mul3A_477 = arith.muli %while3A_470, %mul3A_476 : i32
        %get3A = arith.index_cast %mul3A_477 : i32 to index
        %get3A_478 = tpu.vector_load %arg14[%get3A] {strides = array<i32>} : memref<1024xi32, #tpu.memory_space<vmem>>, vector<16xi32>,
        %gather3A = tpu.vector_load_idx %arg10[%add3A_475, %get3A_478] : memref<512x128xf32, #tpu.memory_space<vmem>>[vector<16xi32>, vector<16xi32>], vector<16xf32>,
        %lt3A_479 = vector.broadcast %while3A_278#0 : i32 to vector<16xi32>
        %lt3A_480 = arith.cmpi slt, %add3A_475, %lt3A_479 : vector<16xi32>
        %jit3A_481 = arith.constant 0.000000e+00 : f32
        %broadcast_in_dim3A_482 = vector.broadcast %jit3A_481 : f32 to vector<16xf32>
        %select_n3A_483 = arith.select %lt3A_480, %gather3A, %broadcast_in_dim3A_482 : vector<16xi1>, vector<16xf32>
        %add3A_484 = arith.addf %while3A_471, %select_n3A_483 : vector<16xf32>
        scf.yield %add3A_484 : vector<16xf32>
      }
      %while3A_380 = arith.constant 1 : i32
      %while3A_381 = scf.for %while3A_470 = %while3A_377 to %while3A_373 step %while3A_380 iter_args(%while3A_471 = %while3A_379) -> (vector<16xf32>)  : i32 {
        %mul3A_472 = arith.constant 16 : i32
        %mul3A_473 = arith.muli %while3A_470, %mul3A_472 : i32
        %add3A_474 = vector.broadcast %mul3A_473 : i32 to vector<16xi32>
        %add3A_475 = arith.addi %add3A_474, %iota3A : vector<16xi32>
        %mul3A_476 = arith.constant 16 : i32
        %mul3A_477 = arith.muli %while3A_470, %mul3A_476 : i32
        %get3A = arith.index_cast %mul3A_477 : i32 to index
        %get3A_478 = tpu.vector_load %arg14[%get3A] {strides = array<i32>} : memref<1024xi32, #tpu.memory_space<vmem>>, vector<16xi32>,
        %gather3A = tpu.vector_load_idx %arg10[%add3A_475, %get3A_478] : memref<512x128xf32, #tpu.memory_space<vmem>>[vector<16xi32>, vector<16xi32>], vector<16xf32>,
        %lt3A_479 = vector.broadcast %while3A_278#0 : i32 to vector<16xi32>
        %lt3A_480 = arith.cmpi slt, %add3A_475, %lt3A_479 : vector<16xi32>
        %jit3A_481 = arith.constant 0.000000e+00 : f32
        %broadcast_in_dim3A_482 = vector.broadcast %jit3A_481 : f32 to vector<16xf32>
        %select_n3A_483 = arith.select %lt3A_480, %gather3A, %broadcast_in_dim3A_482 : vector<16xi1>, vector<16xf32>
        %add3A_484 = arith.addf %while3A_471, %select_n3A_483 : vector<16xf32>
        scf.yield %add3A_484 : vector<16xf32>
      }
      %reduce_sum3A = arith.constant true
      %reduce_sum3A_382 = vector.broadcast %reduce_sum3A : i1 to vector<16xi1>
      %reduce_sum3A_383 = tpu.scan <sum>, %while3A_381 masked %reduce_sum3A_382 : vector<16xf32>, vector<16xi1> -> vector<16xf32>
      %reduce_sum3A_384 = vector.extract %reduce_sum3A_383[15] : f32 from vector<16xf32>
      %min3A_385 = arith.constant 128 : i32
      %min3A_386 = arith.minsi %while3A_278#1, %min3A_385 : i32
      %dma_start3A_387 = arith.constant 0 : i32
      %dma_start3A_388 = arith.constant 0 : i32
      %dma_start3A_389 = tpu.memref_slice %arg10[%dma_start3A_387, %dma_start3A_388] : memref<512x128xf32, #tpu.memory_space<vmem>> -> memref<128x128xf32, #tpu.memory_space<vmem>>
      %dma_start3A_390 = arith.constant 0 : i32
      %dma_start3A_391 = tpu.memref_slice %arg15[%dma_start3A_390] : memref<1024xi32, #tpu.memory_space<vmem>> -> memref<128xi32, #tpu.memory_space<vmem>>
      %dma_start3A_392 = arith.constant 0 : i32
      %dma_start3A_393 = arith.constant 0 : i32
      %dma_start3A_394 = tpu.memref_slice %arg4[%dma_start3A_392, %dma_start3A_393] : memref<16384x128xf32, #tpu.memory_space<hbm>> -> memref<16384x128xf32, #tpu.memory_space<hbm>>
      tpu.enqueue_indirect_dma source(%dma_start3A_394 : memref<16384x128xf32, #tpu.memory_space<hbm>>) target(%dma_start3A_389 : memref<128x128xf32, #tpu.memory_space<vmem>>) offsets(%dma_start3A_391 : memref<128xi32, #tpu.memory_space<vmem>>) semaphore(%arg18 : memref<!tpu.dma_semaphore, #tpu.memory_space<semaphore_mem>>)
      %dma_wait3A_395 = arith.constant 0 : i32
      %dma_wait3A_396 = arith.constant 0 : i32
      %dma_wait3A_397 = tpu.memref_slice %arg10[%dma_wait3A_395, %dma_wait3A_396] : memref<512x128xf32, #tpu.memory_space<vmem>> -> memref<128x128xf32, #tpu.memory_space<vmem>>
      %dma_wait3A_398 = arith.constant 0 : i32
      %dma_wait3A_399 = tpu.memref_slice %arg15[%dma_wait3A_398] : memref<1024xi32, #tpu.memory_space<vmem>> -> memref<128xi32, #tpu.memory_space<vmem>>
      %dma_wait3A_400 = arith.constant 0 : i32
      %dma_wait3A_401 = arith.constant 0 : i32
      %dma_wait3A_402 = tpu.memref_slice %arg4[%dma_wait3A_400, %dma_wait3A_401] : memref<16384x128xf32, #tpu.memory_space<hbm>> -> memref<16384x128xf32, #tpu.memory_space<hbm>>
      tpu.wait_indirect_dma semaphore(%arg18 : memref<!tpu.dma_semaphore, #tpu.memory_space<semaphore_mem>>) src(%dma_wait3A_402 : memref<16384x128xf32, #tpu.memory_space<hbm>>) dst(%dma_wait3A_397 : memref<128x128xf32, #tpu.memory_space<vmem>>)
      %add3A_403 = arith.constant 15 : i32
      %add3A_404 = arith.addi %min3A_386, %add3A_403 : i32
      %jit3A_405 = arith.constant 16 : i32
      %div3A_406 = arith.divsi %add3A_404, %jit3A_405 : i32
      %sign3A_407 = arith.constant 0 : i32
      %sign3A_408 = arith.cmpi sgt, %add3A_404, %sign3A_407 : i32
      %sign3A_409 = arith.extui %sign3A_408 : i1 to i32
      %sign3A_410 = arith.constant 0 : i32
      %sign3A_411 = arith.cmpi slt, %add3A_404, %sign3A_410 : i32
      %sign3A_412 = arith.extui %sign3A_411 : i1 to i32
      %sign3A_413 = arith.subi %sign3A_409, %sign3A_412 : i32
      %sign3A_414 = arith.constant 0 : i32
      %sign3A_415 = arith.cmpi sgt, %jit3A_405, %sign3A_414 : i32
      %sign3A_416 = arith.extui %sign3A_415 : i1 to i32
      %sign3A_417 = arith.constant 0 : i32
      %sign3A_418 = arith.cmpi slt, %jit3A_405, %sign3A_417 : i32
      %sign3A_419 = arith.extui %sign3A_418 : i1 to i32
      %sign3A_420 = arith.subi %sign3A_416, %sign3A_419 : i32
      %ne3A_421 = arith.cmpi ne, %sign3A_413, %sign3A_420 : i32
      %rem3A_422 = arith.remsi %add3A_404, %jit3A_405 : i32
      %ne3A_423 = arith.constant 0 : i32
      %ne3A_424 = arith.cmpi ne, %rem3A_422, %ne3A_423 : i32
      %and3A_425 = arith.andi %ne3A_421, %ne3A_424 : i1
      %sub3A_426 = arith.constant 1 : i32
      %sub3A_427 = arith.subi %div3A_406, %sub3A_426 : i32
      %select_n3A_428 = arith.select %and3A_425, %sub3A_427, %div3A_406 : i32
      %broadcast_in_dim3A_429 = arith.constant 0.000000e+00 : f32
      %broadcast_in_dim3A_430 = vector.broadcast %broadcast_in_dim3A_429 : f32 to vector<16xf32>
      %while3A_431 = arith.constant 0 : i32
      %while3A_432 = arith.subi %select_n3A_428, %while3A_431 : i32
      %while3A_433 = arith.addi %while3A_431, %while3A_432 : i32
      %while3A_434 = arith.constant 1 : i32
      %while3A_435 = arith.divsi %while3A_432, %while3A_434 : i32
      %while3A_436 = arith.muli %while3A_435, %while3A_434 : i32
      %while3A_437 = arith.addi %while3A_431, %while3A_436 : i32
      %while3A_438 = arith.constant 1 : i32
      %while3A_439 = scf.for %while3A_470 = %while3A_431 to %while3A_437 step %while3A_438 iter_args(%while3A_471 = %broadcast_in_dim3A_430) -> (vector<16xf32>)  : i32 {
        %mul3A_472 = arith.constant 16 : i32
        %mul3A_473 = arith.muli %while3A_470, %mul3A_472 : i32
        %add3A_474 = vector.broadcast %mul3A_473 : i32 to vector<16xi32>
        %add3A_475 = arith.addi %add3A_474, %iota3A : vector<16xi32>
        %mul3A_476 = arith.constant 16 : i32
        %mul3A_477 = arith.muli %while3A_470, %mul3A_476 : i32
        %get3A = arith.index_cast %mul3A_477 : i32 to index
        %get3A_478 = tpu.vector_load %arg16[%get3A] {strides = array<i32>} : memref<1024xi32, #tpu.memory_space<vmem>>, vector<16xi32>,
        %gather3A = tpu.vector_load_idx %arg10[%add3A_475, %get3A_478] : memref<512x128xf32, #tpu.memory_space<vmem>>[vector<16xi32>, vector<16xi32>], vector<16xf32>,
        %lt3A_479 = vector.broadcast %min3A_386 : i32 to vector<16xi32>
        %lt3A_480 = arith.cmpi slt, %add3A_475, %lt3A_479 : vector<16xi32>
        %jit3A_481 = arith.constant 0.000000e+00 : f32
        %broadcast_in_dim3A_482 = vector.broadcast %jit3A_481 : f32 to vector<16xf32>
        %select_n3A_483 = arith.select %lt3A_480, %gather3A, %broadcast_in_dim3A_482 : vector<16xi1>, vector<16xf32>
        %add3A_484 = arith.addf %while3A_471, %select_n3A_483 : vector<16xf32>
        scf.yield %add3A_484 : vector<16xf32>
      }
      %while3A_440 = arith.constant 1 : i32
      %while3A_441 = scf.for %while3A_470 = %while3A_437 to %while3A_433 step %while3A_440 iter_args(%while3A_471 = %while3A_439) -> (vector<16xf32>)  : i32 {
        %mul3A_472 = arith.constant 16 : i32
        %mul3A_473 = arith.muli %while3A_470, %mul3A_472 : i32
        %add3A_474 = vector.broadcast %mul3A_473 : i32 to vector<16xi32>
        %add3A_475 = arith.addi %add3A_474, %iota3A : vector<16xi32>
        %mul3A_476 = arith.constant 16 : i32
        %mul3A_477 = arith.muli %while3A_470, %mul3A_476 : i32
        %get3A = arith.index_cast %mul3A_477 : i32 to index
        %get3A_478 = tpu.vector_load %arg16[%get3A] {strides = array<i32>} : memref<1024xi32, #tpu.memory_space<vmem>>, vector<16xi32>,
        %gather3A = tpu.vector_load_idx %arg10[%add3A_475, %get3A_478] : memref<512x128xf32, #tpu.memory_space<vmem>>[vector<16xi32>, vector<16xi32>], vector<16xf32>,
        %lt3A_479 = vector.broadcast %min3A_386 : i32 to vector<16xi32>
        %lt3A_480 = arith.cmpi slt, %add3A_475, %lt3A_479 : vector<16xi32>
        %jit3A_481 = arith.constant 0.000000e+00 : f32
        %broadcast_in_dim3A_482 = vector.broadcast %jit3A_481 : f32 to vector<16xf32>
        %select_n3A_483 = arith.select %lt3A_480, %gather3A, %broadcast_in_dim3A_482 : vector<16xi1>, vector<16xf32>
        %add3A_484 = arith.addf %while3A_471, %select_n3A_483 : vector<16xf32>
        scf.yield %add3A_484 : vector<16xf32>
      }
      %reduce_sum3A_442 = arith.constant true
      %reduce_sum3A_443 = vector.broadcast %reduce_sum3A_442 : i1 to vector<16xi1>
      %reduce_sum3A_444 = tpu.scan <sum>, %while3A_441 masked %reduce_sum3A_443 : vector<16xf32>, vector<16xi1> -> vector<16xf32>
      %reduce_sum3A_445 = vector.extract %reduce_sum3A_444[15] : f32 from vector<16xf32>
      %eq3A = arith.constant 0 : i32
      %eq3A_446 = vector.broadcast %eq3A : i32 to vector<16xi32>
      %eq3A_447 = arith.cmpi eq, %iota3A, %eq3A_446 : vector<16xi32>
      %jit3A_448 = arith.constant 0.000000e+00 : f32
      %broadcast_in_dim3A_449 = vector.broadcast %reduce_sum3A_384 : f32 to vector<16xf32>
      %broadcast_in_dim3A_450 = vector.broadcast %jit3A_448 : f32 to vector<16xf32>
      %select_n3A_451 = arith.select %eq3A_447, %broadcast_in_dim3A_449, %broadcast_in_dim3A_450 : vector<16xi1>, vector<16xf32>
      %eq3A_452 = arith.constant 1 : i32
      %eq3A_453 = vector.broadcast %eq3A_452 : i32 to vector<16xi32>
      %eq3A_454 = arith.cmpi eq, %iota3A, %eq3A_453 : vector<16xi32>
      %broadcast_in_dim3A_455 = vector.broadcast %reduce_sum3A_445 : f32 to vector<16xf32>
      %select_n3A_456 = arith.select %eq3A_454, %broadcast_in_dim3A_455, %select_n3A_451 : vector<16xi1>, vector<16xf32>
      %eq3A_457 = arith.constant 2 : i32
      %eq3A_458 = vector.broadcast %eq3A_457 : i32 to vector<16xi32>
      %eq3A_459 = arith.cmpi eq, %iota3A, %eq3A_458 : vector<16xi32>
      %convert_element_type3A_460 = arith.sitofp %while3A_278#0 : i32 to f32
      %broadcast_in_dim3A_461 = vector.broadcast %convert_element_type3A_460 : f32 to vector<16xf32>
      %select_n3A_462 = arith.select %eq3A_459, %broadcast_in_dim3A_461, %select_n3A_456 : vector<16xi1>, vector<16xf32>
      %eq3A_463 = arith.constant 3 : i32
      %eq3A_464 = vector.broadcast %eq3A_463 : i32 to vector<16xi32>
      %eq3A_465 = arith.cmpi eq, %iota3A, %eq3A_464 : vector<16xi32>
      %convert_element_type3A_466 = arith.sitofp %min3A_386 : i32 to f32
      %broadcast_in_dim3A_467 = vector.broadcast %convert_element_type3A_466 : f32 to vector<16xf32>
      %select_n3A_468 = arith.select %eq3A_465, %broadcast_in_dim3A_467, %select_n3A_462 : vector<16xi1>, vector<16xf32>
      %swap3A = arith.constant 0 : index
      %swap3A_469 = tpu.vector_load %arg17[%swap3A] {strides = array<i32>} : memref<16xf32, #tpu.memory_space<vmem>>, vector<16xf32>,
      tpu.vector_store %arg17[%swap3A], %select_n3A_468 {strides = array<i32>} : memref<16xf32, #tpu.memory_space<vmem>>, vector<16xf32>,
      "tpu.region"() ({
        %run_scoped3A = tpu.sem_alloc : memref<!tpu.dma_semaphore, #tpu.memory_space<semaphore_mem>>
        %dma_start3A_470 = arith.constant 0 : i32
        %dma_start3A_471 = tpu.memref_slice %arg5[%add3A, %dma_start3A_470] : memref<8x16xf32, #tpu.memory_space<hbm>> -> memref<1x16xf32, #tpu.memory_space<hbm>>
        %dma_start3A_472 = tpu.memref_squeeze %dma_start3A_471 : memref<1x16xf32, #tpu.memory_space<hbm>> -> memref<16xf32, #tpu.memory_space<hbm>>
        %dma_start3A_473 = arith.constant 0 : i32
        %dma_start3A_474 = tpu.memref_slice %arg5[%add3A, %dma_start3A_473] : memref<8x16xf32, #tpu.memory_space<hbm>> -> memref<1x16xf32, #tpu.memory_space<hbm>>
        %dma_start3A_475 = tpu.memref_squeeze %dma_start3A_474 : memref<1x16xf32, #tpu.memory_space<hbm>> -> memref<16xf32, #tpu.memory_space<hbm>>
        tpu.enqueue_dma source(%arg17 : memref<16xf32, #tpu.memory_space<vmem>>) target(%dma_start3A_475 : memref<16xf32, #tpu.memory_space<hbm>>) target_semaphore(%run_scoped3A : memref<!tpu.dma_semaphore, #tpu.memory_space<semaphore_mem>>)
        %dma_wait3A_476 = arith.constant 0 : i32
        %dma_wait3A_477 = tpu.memref_slice %arg5[%add3A, %dma_wait3A_476] : memref<8x16xf32, #tpu.memory_space<hbm>> -> memref<1x16xf32, #tpu.memory_space<hbm>>
        %dma_wait3A_478 = tpu.memref_squeeze %dma_wait3A_477 : memref<1x16xf32, #tpu.memory_space<hbm>> -> memref<16xf32, #tpu.memory_space<hbm>>
        %dma_wait3A_479 = arith.constant 0 : i32
        %dma_wait3A_480 = tpu.memref_slice %arg5[%add3A, %dma_wait3A_479] : memref<8x16xf32, #tpu.memory_space<hbm>> -> memref<1x16xf32, #tpu.memory_space<hbm>>
        %dma_wait3A_481 = tpu.memref_squeeze %dma_wait3A_480 : memref<1x16xf32, #tpu.memory_space<hbm>> -> memref<16xf32, #tpu.memory_space<hbm>>
        tpu.wait_dma2 semaphore(%run_scoped3A : memref<!tpu.dma_semaphore, #tpu.memory_space<semaphore_mem>>) src(%arg17 : memref<16xf32, #tpu.memory_space<vmem>>) dst(%dma_wait3A_481 : memref<16xf32, #tpu.memory_space<hbm>>)
        tpu.yield
      }) : () -> ()
    } else {
    }
    return
  }
}

module attributes {stable_mosaic.version = 14 : i64} {
  func.func @_stage1_body(%arg0: i32, %arg1: i32, %arg2: memref<1x19x256x512xf32, #tpu.memory_space<vmem>>, %arg3: memref<1x256x512xi32, #tpu.memory_space<vmem>>, %arg4: memref<1x256x512xf32, #tpu.memory_space<vmem>>, %arg5: memref<1x256x512xf32, #tpu.memory_space<vmem>>, %arg6: memref<1x256x32xf32, #tpu.memory_space<vmem>>) attributes {dimension_semantics = [#tpu.dimension_semantics<arbitrary>, #tpu.dimension_semantics<arbitrary>], iteration_bounds = array<i64: 8, 2>, scalar_prefetch = 0 : i64, scratch_operands = 0 : i64, tpu.core_type = #tpu.core_type<tc>, window_params = [{transform_indices = @transform_0, window_bounds = array<i64: 1, 19, 256, 512>}, {transform_indices = @transform_1, window_bounds = array<i64: 1, 256, 512>}, {transform_indices = @transform_2, window_bounds = array<i64: 1, 256, 512>}, {transform_indices = @transform_3, window_bounds = array<i64: 1, 256, 512>}, {transform_indices = @transform_4, window_bounds = array<i64: 1, 256, 32>}]} {
    %get3A = arith.constant 0 : index
    %get3A_0 = arith.constant 0 : index
    %get3A_1 = arith.constant 0 : index
    %get3A_2 = vector.load %arg3[%get3A, %get3A_0, %get3A_1] : memref<1x256x512xi32, #tpu.memory_space<vmem>>, vector<1x256x512xi32>
    %get3A_3 = vector.shape_cast %get3A_2 : vector<1x256x512xi32> to vector<256x512xi32>
    %get3A_4 = arith.constant 0 : index
    %get3A_5 = arith.constant 0 : index
    %get3A_6 = arith.constant 0 : index
    %get3A_7 = arith.constant 0 : index
    %get3A_8 = vector.load %arg2[%get3A_4, %get3A_5, %get3A_6, %get3A_7] : memref<1x19x256x512xf32, #tpu.memory_space<vmem>>, vector<1x1x256x512xf32>
    %get3A_9 = vector.shape_cast %get3A_8 : vector<1x1x256x512xf32> to vector<256x512xf32>
    %exp3A = math.exp %get3A_9 : vector<256x512xf32>
    %abs3A = math.absf %get3A_9 : vector<256x512xf32>
    %eq3A = arith.constant 0 : i32
    %eq3A_10 = vector.broadcast %eq3A : i32 to vector<256x512xi32>
    %eq3A_11 = arith.cmpi eq, %get3A_3, %eq3A_10 : vector<256x512xi32>
    %jit3A = arith.constant 0.000000e+00 : f32
    %broadcast_in_dim3A = vector.broadcast %jit3A : f32 to vector<256x512xf32>
    %select_n3A = arith.select %eq3A_11, %get3A_9, %broadcast_in_dim3A : vector<256x512xi1>, vector<256x512xf32>
    %get3A_12 = arith.constant 0 : index
    %get3A_13 = arith.constant 1 : index
    %get3A_14 = arith.constant 0 : index
    %get3A_15 = arith.constant 0 : index
    %get3A_16 = vector.load %arg2[%get3A_12, %get3A_13, %get3A_14, %get3A_15] : memref<1x19x256x512xf32, #tpu.memory_space<vmem>>, vector<1x1x256x512xf32>
    %get3A_17 = vector.shape_cast %get3A_16 : vector<1x1x256x512xf32> to vector<256x512xf32>
    %exp3A_18 = math.exp %get3A_17 : vector<256x512xf32>
    %add3A = arith.addf %exp3A, %exp3A_18 : vector<256x512xf32>
    %abs3A_19 = math.absf %get3A_17 : vector<256x512xf32>
    %add3A_20 = arith.addf %abs3A, %abs3A_19 : vector<256x512xf32>
    %eq3A_21 = arith.constant 1 : i32
    %eq3A_22 = vector.broadcast %eq3A_21 : i32 to vector<256x512xi32>
    %eq3A_23 = arith.cmpi eq, %get3A_3, %eq3A_22 : vector<256x512xi32>
    %select_n3A_24 = arith.select %eq3A_23, %get3A_17, %select_n3A : vector<256x512xi1>, vector<256x512xf32>
    %get3A_25 = arith.constant 0 : index
    %get3A_26 = arith.constant 2 : index
    %get3A_27 = arith.constant 0 : index
    %get3A_28 = arith.constant 0 : index
    %get3A_29 = vector.load %arg2[%get3A_25, %get3A_26, %get3A_27, %get3A_28] : memref<1x19x256x512xf32, #tpu.memory_space<vmem>>, vector<1x1x256x512xf32>
    %get3A_30 = vector.shape_cast %get3A_29 : vector<1x1x256x512xf32> to vector<256x512xf32>
    %exp3A_31 = math.exp %get3A_30 : vector<256x512xf32>
    %add3A_32 = arith.addf %add3A, %exp3A_31 : vector<256x512xf32>
    %abs3A_33 = math.absf %get3A_30 : vector<256x512xf32>
    %add3A_34 = arith.addf %add3A_20, %abs3A_33 : vector<256x512xf32>
    %eq3A_35 = arith.constant 2 : i32
    %eq3A_36 = vector.broadcast %eq3A_35 : i32 to vector<256x512xi32>
    %eq3A_37 = arith.cmpi eq, %get3A_3, %eq3A_36 : vector<256x512xi32>
    %select_n3A_38 = arith.select %eq3A_37, %get3A_30, %select_n3A_24 : vector<256x512xi1>, vector<256x512xf32>
    %get3A_39 = arith.constant 0 : index
    %get3A_40 = arith.constant 3 : index
    %get3A_41 = arith.constant 0 : index
    %get3A_42 = arith.constant 0 : index
    %get3A_43 = vector.load %arg2[%get3A_39, %get3A_40, %get3A_41, %get3A_42] : memref<1x19x256x512xf32, #tpu.memory_space<vmem>>, vector<1x1x256x512xf32>
    %get3A_44 = vector.shape_cast %get3A_43 : vector<1x1x256x512xf32> to vector<256x512xf32>
    %exp3A_45 = math.exp %get3A_44 : vector<256x512xf32>
    %add3A_46 = arith.addf %add3A_32, %exp3A_45 : vector<256x512xf32>
    %abs3A_47 = math.absf %get3A_44 : vector<256x512xf32>
    %add3A_48 = arith.addf %add3A_34, %abs3A_47 : vector<256x512xf32>
    %eq3A_49 = arith.constant 3 : i32
    %eq3A_50 = vector.broadcast %eq3A_49 : i32 to vector<256x512xi32>
    %eq3A_51 = arith.cmpi eq, %get3A_3, %eq3A_50 : vector<256x512xi32>
    %select_n3A_52 = arith.select %eq3A_51, %get3A_44, %select_n3A_38 : vector<256x512xi1>, vector<256x512xf32>
    %get3A_53 = arith.constant 0 : index
    %get3A_54 = arith.constant 4 : index
    %get3A_55 = arith.constant 0 : index
    %get3A_56 = arith.constant 0 : index
    %get3A_57 = vector.load %arg2[%get3A_53, %get3A_54, %get3A_55, %get3A_56] : memref<1x19x256x512xf32, #tpu.memory_space<vmem>>, vector<1x1x256x512xf32>
    %get3A_58 = vector.shape_cast %get3A_57 : vector<1x1x256x512xf32> to vector<256x512xf32>
    %exp3A_59 = math.exp %get3A_58 : vector<256x512xf32>
    %add3A_60 = arith.addf %add3A_46, %exp3A_59 : vector<256x512xf32>
    %abs3A_61 = math.absf %get3A_58 : vector<256x512xf32>
    %add3A_62 = arith.addf %add3A_48, %abs3A_61 : vector<256x512xf32>
    %eq3A_63 = arith.constant 4 : i32
    %eq3A_64 = vector.broadcast %eq3A_63 : i32 to vector<256x512xi32>
    %eq3A_65 = arith.cmpi eq, %get3A_3, %eq3A_64 : vector<256x512xi32>
    %select_n3A_66 = arith.select %eq3A_65, %get3A_58, %select_n3A_52 : vector<256x512xi1>, vector<256x512xf32>
    %get3A_67 = arith.constant 0 : index
    %get3A_68 = arith.constant 5 : index
    %get3A_69 = arith.constant 0 : index
    %get3A_70 = arith.constant 0 : index
    %get3A_71 = vector.load %arg2[%get3A_67, %get3A_68, %get3A_69, %get3A_70] : memref<1x19x256x512xf32, #tpu.memory_space<vmem>>, vector<1x1x256x512xf32>
    %get3A_72 = vector.shape_cast %get3A_71 : vector<1x1x256x512xf32> to vector<256x512xf32>
    %exp3A_73 = math.exp %get3A_72 : vector<256x512xf32>
    %add3A_74 = arith.addf %add3A_60, %exp3A_73 : vector<256x512xf32>
    %abs3A_75 = math.absf %get3A_72 : vector<256x512xf32>
    %add3A_76 = arith.addf %add3A_62, %abs3A_75 : vector<256x512xf32>
    %eq3A_77 = arith.constant 5 : i32
    %eq3A_78 = vector.broadcast %eq3A_77 : i32 to vector<256x512xi32>
    %eq3A_79 = arith.cmpi eq, %get3A_3, %eq3A_78 : vector<256x512xi32>
    %select_n3A_80 = arith.select %eq3A_79, %get3A_72, %select_n3A_66 : vector<256x512xi1>, vector<256x512xf32>
    %get3A_81 = arith.constant 0 : index
    %get3A_82 = arith.constant 6 : index
    %get3A_83 = arith.constant 0 : index
    %get3A_84 = arith.constant 0 : index
    %get3A_85 = vector.load %arg2[%get3A_81, %get3A_82, %get3A_83, %get3A_84] : memref<1x19x256x512xf32, #tpu.memory_space<vmem>>, vector<1x1x256x512xf32>
    %get3A_86 = vector.shape_cast %get3A_85 : vector<1x1x256x512xf32> to vector<256x512xf32>
    %exp3A_87 = math.exp %get3A_86 : vector<256x512xf32>
    %add3A_88 = arith.addf %add3A_74, %exp3A_87 : vector<256x512xf32>
    %abs3A_89 = math.absf %get3A_86 : vector<256x512xf32>
    %add3A_90 = arith.addf %add3A_76, %abs3A_89 : vector<256x512xf32>
    %eq3A_91 = arith.constant 6 : i32
    %eq3A_92 = vector.broadcast %eq3A_91 : i32 to vector<256x512xi32>
    %eq3A_93 = arith.cmpi eq, %get3A_3, %eq3A_92 : vector<256x512xi32>
    %select_n3A_94 = arith.select %eq3A_93, %get3A_86, %select_n3A_80 : vector<256x512xi1>, vector<256x512xf32>
    %get3A_95 = arith.constant 0 : index
    %get3A_96 = arith.constant 7 : index
    %get3A_97 = arith.constant 0 : index
    %get3A_98 = arith.constant 0 : index
    %get3A_99 = vector.load %arg2[%get3A_95, %get3A_96, %get3A_97, %get3A_98] : memref<1x19x256x512xf32, #tpu.memory_space<vmem>>, vector<1x1x256x512xf32>
    %get3A_100 = vector.shape_cast %get3A_99 : vector<1x1x256x512xf32> to vector<256x512xf32>
    %exp3A_101 = math.exp %get3A_100 : vector<256x512xf32>
    %add3A_102 = arith.addf %add3A_88, %exp3A_101 : vector<256x512xf32>
    %abs3A_103 = math.absf %get3A_100 : vector<256x512xf32>
    %add3A_104 = arith.addf %add3A_90, %abs3A_103 : vector<256x512xf32>
    %eq3A_105 = arith.constant 7 : i32
    %eq3A_106 = vector.broadcast %eq3A_105 : i32 to vector<256x512xi32>
    %eq3A_107 = arith.cmpi eq, %get3A_3, %eq3A_106 : vector<256x512xi32>
    %select_n3A_108 = arith.select %eq3A_107, %get3A_100, %select_n3A_94 : vector<256x512xi1>, vector<256x512xf32>
    %get3A_109 = arith.constant 0 : index
    %get3A_110 = arith.constant 8 : index
    %get3A_111 = arith.constant 0 : index
    %get3A_112 = arith.constant 0 : index
    %get3A_113 = vector.load %arg2[%get3A_109, %get3A_110, %get3A_111, %get3A_112] : memref<1x19x256x512xf32, #tpu.memory_space<vmem>>, vector<1x1x256x512xf32>
    %get3A_114 = vector.shape_cast %get3A_113 : vector<1x1x256x512xf32> to vector<256x512xf32>
    %exp3A_115 = math.exp %get3A_114 : vector<256x512xf32>
    %add3A_116 = arith.addf %add3A_102, %exp3A_115 : vector<256x512xf32>
    %abs3A_117 = math.absf %get3A_114 : vector<256x512xf32>
    %add3A_118 = arith.addf %add3A_104, %abs3A_117 : vector<256x512xf32>
    %eq3A_119 = arith.constant 8 : i32
    %eq3A_120 = vector.broadcast %eq3A_119 : i32 to vector<256x512xi32>
    %eq3A_121 = arith.cmpi eq, %get3A_3, %eq3A_120 : vector<256x512xi32>
    %select_n3A_122 = arith.select %eq3A_121, %get3A_114, %select_n3A_108 : vector<256x512xi1>, vector<256x512xf32>
    %get3A_123 = arith.constant 0 : index
    %get3A_124 = arith.constant 9 : index
    %get3A_125 = arith.constant 0 : index
    %get3A_126 = arith.constant 0 : index
    %get3A_127 = vector.load %arg2[%get3A_123, %get3A_124, %get3A_125, %get3A_126] : memref<1x19x256x512xf32, #tpu.memory_space<vmem>>, vector<1x1x256x512xf32>
    %get3A_128 = vector.shape_cast %get3A_127 : vector<1x1x256x512xf32> to vector<256x512xf32>
    %exp3A_129 = math.exp %get3A_128 : vector<256x512xf32>
    %add3A_130 = arith.addf %add3A_116, %exp3A_129 : vector<256x512xf32>
    %abs3A_131 = math.absf %get3A_128 : vector<256x512xf32>
    %add3A_132 = arith.addf %add3A_118, %abs3A_131 : vector<256x512xf32>
    %eq3A_133 = arith.constant 9 : i32
    %eq3A_134 = vector.broadcast %eq3A_133 : i32 to vector<256x512xi32>
    %eq3A_135 = arith.cmpi eq, %get3A_3, %eq3A_134 : vector<256x512xi32>
    %select_n3A_136 = arith.select %eq3A_135, %get3A_128, %select_n3A_122 : vector<256x512xi1>, vector<256x512xf32>
    %get3A_137 = arith.constant 0 : index
    %get3A_138 = arith.constant 10 : index
    %get3A_139 = arith.constant 0 : index
    %get3A_140 = arith.constant 0 : index
    %get3A_141 = vector.load %arg2[%get3A_137, %get3A_138, %get3A_139, %get3A_140] : memref<1x19x256x512xf32, #tpu.memory_space<vmem>>, vector<1x1x256x512xf32>
    %get3A_142 = vector.shape_cast %get3A_141 : vector<1x1x256x512xf32> to vector<256x512xf32>
    %exp3A_143 = math.exp %get3A_142 : vector<256x512xf32>
    %add3A_144 = arith.addf %add3A_130, %exp3A_143 : vector<256x512xf32>
    %abs3A_145 = math.absf %get3A_142 : vector<256x512xf32>
    %add3A_146 = arith.addf %add3A_132, %abs3A_145 : vector<256x512xf32>
    %eq3A_147 = arith.constant 10 : i32
    %eq3A_148 = vector.broadcast %eq3A_147 : i32 to vector<256x512xi32>
    %eq3A_149 = arith.cmpi eq, %get3A_3, %eq3A_148 : vector<256x512xi32>
    %select_n3A_150 = arith.select %eq3A_149, %get3A_142, %select_n3A_136 : vector<256x512xi1>, vector<256x512xf32>
    %get3A_151 = arith.constant 0 : index
    %get3A_152 = arith.constant 11 : index
    %get3A_153 = arith.constant 0 : index
    %get3A_154 = arith.constant 0 : index
    %get3A_155 = vector.load %arg2[%get3A_151, %get3A_152, %get3A_153, %get3A_154] : memref<1x19x256x512xf32, #tpu.memory_space<vmem>>, vector<1x1x256x512xf32>
    %get3A_156 = vector.shape_cast %get3A_155 : vector<1x1x256x512xf32> to vector<256x512xf32>
    %exp3A_157 = math.exp %get3A_156 : vector<256x512xf32>
    %add3A_158 = arith.addf %add3A_144, %exp3A_157 : vector<256x512xf32>
    %abs3A_159 = math.absf %get3A_156 : vector<256x512xf32>
    %add3A_160 = arith.addf %add3A_146, %abs3A_159 : vector<256x512xf32>
    %eq3A_161 = arith.constant 11 : i32
    %eq3A_162 = vector.broadcast %eq3A_161 : i32 to vector<256x512xi32>
    %eq3A_163 = arith.cmpi eq, %get3A_3, %eq3A_162 : vector<256x512xi32>
    %select_n3A_164 = arith.select %eq3A_163, %get3A_156, %select_n3A_150 : vector<256x512xi1>, vector<256x512xf32>
    %get3A_165 = arith.constant 0 : index
    %get3A_166 = arith.constant 12 : index
    %get3A_167 = arith.constant 0 : index
    %get3A_168 = arith.constant 0 : index
    %get3A_169 = vector.load %arg2[%get3A_165, %get3A_166, %get3A_167, %get3A_168] : memref<1x19x256x512xf32, #tpu.memory_space<vmem>>, vector<1x1x256x512xf32>
    %get3A_170 = vector.shape_cast %get3A_169 : vector<1x1x256x512xf32> to vector<256x512xf32>
    %exp3A_171 = math.exp %get3A_170 : vector<256x512xf32>
    %add3A_172 = arith.addf %add3A_158, %exp3A_171 : vector<256x512xf32>
    %abs3A_173 = math.absf %get3A_170 : vector<256x512xf32>
    %add3A_174 = arith.addf %add3A_160, %abs3A_173 : vector<256x512xf32>
    %eq3A_175 = arith.constant 12 : i32
    %eq3A_176 = vector.broadcast %eq3A_175 : i32 to vector<256x512xi32>
    %eq3A_177 = arith.cmpi eq, %get3A_3, %eq3A_176 : vector<256x512xi32>
    %select_n3A_178 = arith.select %eq3A_177, %get3A_170, %select_n3A_164 : vector<256x512xi1>, vector<256x512xf32>
    %get3A_179 = arith.constant 0 : index
    %get3A_180 = arith.constant 13 : index
    %get3A_181 = arith.constant 0 : index
    %get3A_182 = arith.constant 0 : index
    %get3A_183 = vector.load %arg2[%get3A_179, %get3A_180, %get3A_181, %get3A_182] : memref<1x19x256x512xf32, #tpu.memory_space<vmem>>, vector<1x1x256x512xf32>
    %get3A_184 = vector.shape_cast %get3A_183 : vector<1x1x256x512xf32> to vector<256x512xf32>
    %exp3A_185 = math.exp %get3A_184 : vector<256x512xf32>
    %add3A_186 = arith.addf %add3A_172, %exp3A_185 : vector<256x512xf32>
    %abs3A_187 = math.absf %get3A_184 : vector<256x512xf32>
    %add3A_188 = arith.addf %add3A_174, %abs3A_187 : vector<256x512xf32>
    %eq3A_189 = arith.constant 13 : i32
    %eq3A_190 = vector.broadcast %eq3A_189 : i32 to vector<256x512xi32>
    %eq3A_191 = arith.cmpi eq, %get3A_3, %eq3A_190 : vector<256x512xi32>
    %select_n3A_192 = arith.select %eq3A_191, %get3A_184, %select_n3A_178 : vector<256x512xi1>, vector<256x512xf32>
    %get3A_193 = arith.constant 0 : index
    %get3A_194 = arith.constant 14 : index
    %get3A_195 = arith.constant 0 : index
    %get3A_196 = arith.constant 0 : index
    %get3A_197 = vector.load %arg2[%get3A_193, %get3A_194, %get3A_195, %get3A_196] : memref<1x19x256x512xf32, #tpu.memory_space<vmem>>, vector<1x1x256x512xf32>
    %get3A_198 = vector.shape_cast %get3A_197 : vector<1x1x256x512xf32> to vector<256x512xf32>
    %exp3A_199 = math.exp %get3A_198 : vector<256x512xf32>
    %add3A_200 = arith.addf %add3A_186, %exp3A_199 : vector<256x512xf32>
    %abs3A_201 = math.absf %get3A_198 : vector<256x512xf32>
    %add3A_202 = arith.addf %add3A_188, %abs3A_201 : vector<256x512xf32>
    %eq3A_203 = arith.constant 14 : i32
    %eq3A_204 = vector.broadcast %eq3A_203 : i32 to vector<256x512xi32>
    %eq3A_205 = arith.cmpi eq, %get3A_3, %eq3A_204 : vector<256x512xi32>
    %select_n3A_206 = arith.select %eq3A_205, %get3A_198, %select_n3A_192 : vector<256x512xi1>, vector<256x512xf32>
    %get3A_207 = arith.constant 0 : index
    %get3A_208 = arith.constant 15 : index
    %get3A_209 = arith.constant 0 : index
    %get3A_210 = arith.constant 0 : index
    %get3A_211 = vector.load %arg2[%get3A_207, %get3A_208, %get3A_209, %get3A_210] : memref<1x19x256x512xf32, #tpu.memory_space<vmem>>, vector<1x1x256x512xf32>
    %get3A_212 = vector.shape_cast %get3A_211 : vector<1x1x256x512xf32> to vector<256x512xf32>
    %exp3A_213 = math.exp %get3A_212 : vector<256x512xf32>
    %add3A_214 = arith.addf %add3A_200, %exp3A_213 : vector<256x512xf32>
    %abs3A_215 = math.absf %get3A_212 : vector<256x512xf32>
    %add3A_216 = arith.addf %add3A_202, %abs3A_215 : vector<256x512xf32>
    %eq3A_217 = arith.constant 15 : i32
    %eq3A_218 = vector.broadcast %eq3A_217 : i32 to vector<256x512xi32>
    %eq3A_219 = arith.cmpi eq, %get3A_3, %eq3A_218 : vector<256x512xi32>
    %select_n3A_220 = arith.select %eq3A_219, %get3A_212, %select_n3A_206 : vector<256x512xi1>, vector<256x512xf32>
    %get3A_221 = arith.constant 0 : index
    %get3A_222 = arith.constant 16 : index
    %get3A_223 = arith.constant 0 : index
    %get3A_224 = arith.constant 0 : index
    %get3A_225 = vector.load %arg2[%get3A_221, %get3A_222, %get3A_223, %get3A_224] : memref<1x19x256x512xf32, #tpu.memory_space<vmem>>, vector<1x1x256x512xf32>
    %get3A_226 = vector.shape_cast %get3A_225 : vector<1x1x256x512xf32> to vector<256x512xf32>
    %exp3A_227 = math.exp %get3A_226 : vector<256x512xf32>
    %add3A_228 = arith.addf %add3A_214, %exp3A_227 : vector<256x512xf32>
    %abs3A_229 = math.absf %get3A_226 : vector<256x512xf32>
    %add3A_230 = arith.addf %add3A_216, %abs3A_229 : vector<256x512xf32>
    %eq3A_231 = arith.constant 16 : i32
    %eq3A_232 = vector.broadcast %eq3A_231 : i32 to vector<256x512xi32>
    %eq3A_233 = arith.cmpi eq, %get3A_3, %eq3A_232 : vector<256x512xi32>
    %select_n3A_234 = arith.select %eq3A_233, %get3A_226, %select_n3A_220 : vector<256x512xi1>, vector<256x512xf32>
    %get3A_235 = arith.constant 0 : index
    %get3A_236 = arith.constant 17 : index
    %get3A_237 = arith.constant 0 : index
    %get3A_238 = arith.constant 0 : index
    %get3A_239 = vector.load %arg2[%get3A_235, %get3A_236, %get3A_237, %get3A_238] : memref<1x19x256x512xf32, #tpu.memory_space<vmem>>, vector<1x1x256x512xf32>
    %get3A_240 = vector.shape_cast %get3A_239 : vector<1x1x256x512xf32> to vector<256x512xf32>
    %exp3A_241 = math.exp %get3A_240 : vector<256x512xf32>
    %add3A_242 = arith.addf %add3A_228, %exp3A_241 : vector<256x512xf32>
    %abs3A_243 = math.absf %get3A_240 : vector<256x512xf32>
    %add3A_244 = arith.addf %add3A_230, %abs3A_243 : vector<256x512xf32>
    %eq3A_245 = arith.constant 17 : i32
    %eq3A_246 = vector.broadcast %eq3A_245 : i32 to vector<256x512xi32>
    %eq3A_247 = arith.cmpi eq, %get3A_3, %eq3A_246 : vector<256x512xi32>
    %select_n3A_248 = arith.select %eq3A_247, %get3A_240, %select_n3A_234 : vector<256x512xi1>, vector<256x512xf32>
    %get3A_249 = arith.constant 0 : index
    %get3A_250 = arith.constant 18 : index
    %get3A_251 = arith.constant 0 : index
    %get3A_252 = arith.constant 0 : index
    %get3A_253 = vector.load %arg2[%get3A_249, %get3A_250, %get3A_251, %get3A_252] : memref<1x19x256x512xf32, #tpu.memory_space<vmem>>, vector<1x1x256x512xf32>
    %get3A_254 = vector.shape_cast %get3A_253 : vector<1x1x256x512xf32> to vector<256x512xf32>
    %exp3A_255 = math.exp %get3A_254 : vector<256x512xf32>
    %add3A_256 = arith.addf %add3A_242, %exp3A_255 : vector<256x512xf32>
    %abs3A_257 = math.absf %get3A_254 : vector<256x512xf32>
    %add3A_258 = arith.addf %add3A_244, %abs3A_257 : vector<256x512xf32>
    %eq3A_259 = arith.constant 18 : i32
    %eq3A_260 = vector.broadcast %eq3A_259 : i32 to vector<256x512xi32>
    %eq3A_261 = arith.cmpi eq, %get3A_3, %eq3A_260 : vector<256x512xi32>
    %select_n3A_262 = arith.select %eq3A_261, %get3A_254, %select_n3A_248 : vector<256x512xi1>, vector<256x512xf32>
    %abs3A_263 = math.absf %select_n3A_262 : vector<256x512xf32>
    %sub3A = arith.subf %add3A_258, %abs3A_263 : vector<256x512xf32>
    %sub3A_264 = arith.constant 1.000000e+00 : f32
    %sub3A_265 = vector.broadcast %sub3A_264 : f32 to vector<256x512xf32>
    %sub3A_266 = arith.subf %select_n3A_262, %sub3A_265 : vector<256x512xf32>
    %abs3A_267 = math.absf %sub3A_266 : vector<256x512xf32>
    %add3A_268 = arith.addf %sub3A, %abs3A_267 : vector<256x512xf32>
    %swap3A = arith.constant 0 : index
    %swap3A_269 = arith.constant 0 : index
    %swap3A_270 = arith.constant 0 : index
    %swap3A_271 = vector.load %arg4[%swap3A, %swap3A_269, %swap3A_270] : memref<1x256x512xf32, #tpu.memory_space<vmem>>, vector<1x256x512xf32>
    %swap3A_272 = vector.shape_cast %swap3A_271 : vector<1x256x512xf32> to vector<256x512xf32>
    %swap3A_273 = vector.shape_cast %add3A_268 : vector<256x512xf32> to vector<1x256x512xf32>
    tpu.vector_store %arg4[%swap3A, %swap3A_269, %swap3A_270], %swap3A_273 {strides = array<i32>} : memref<1x256x512xf32, #tpu.memory_space<vmem>>, vector<1x256x512xf32>,
    %log3A = math.log %add3A_256 : vector<256x512xf32>
    %sub3A_274 = arith.subf %log3A, %select_n3A_262 : vector<256x512xf32>
    %swap3A_275 = arith.constant 0 : index
    %swap3A_276 = arith.constant 0 : index
    %swap3A_277 = arith.constant 0 : index
    %swap3A_278 = vector.load %arg5[%swap3A_275, %swap3A_276, %swap3A_277] : memref<1x256x512xf32, #tpu.memory_space<vmem>>, vector<1x256x512xf32>
    %swap3A_279 = vector.shape_cast %swap3A_278 : vector<1x256x512xf32> to vector<256x512xf32>
    %swap3A_280 = vector.shape_cast %sub3A_274 : vector<256x512xf32> to vector<1x256x512xf32>
    tpu.vector_store %arg5[%swap3A_275, %swap3A_276, %swap3A_277], %swap3A_280 {strides = array<i32>} : memref<1x256x512xf32, #tpu.memory_space<vmem>>, vector<1x256x512xf32>,
    %reshape3A = vector.shape_cast %add3A_268 : vector<256x512xf32> to vector<256x32x16xf32>
    %reduce_max3A = arith.constant dense<0xFF800000> : vector<256x32xf32>
    %reduce_max3A_281 = vector.multi_reduction <maximumf>, %reshape3A, %reduce_max3A [2] : vector<256x32x16xf32> to vector<256x32xf32>
    %swap3A_282 = arith.constant 0 : index
    %swap3A_283 = arith.constant 0 : index
    %swap3A_284 = arith.constant 0 : index
    %swap3A_285 = vector.load %arg6[%swap3A_282, %swap3A_283, %swap3A_284] : memref<1x256x32xf32, #tpu.memory_space<vmem>>, vector<1x256x32xf32>
    %swap3A_286 = vector.shape_cast %swap3A_285 : vector<1x256x32xf32> to vector<256x32xf32>
    %swap3A_287 = vector.shape_cast %reduce_max3A_281 : vector<256x32xf32> to vector<1x256x32xf32>
    tpu.vector_store %arg6[%swap3A_282, %swap3A_283, %swap3A_284], %swap3A_287 {strides = array<i32>} : memref<1x256x32xf32, #tpu.memory_space<vmem>>, vector<1x256x32xf32>,
    return
  }
  func.func @transform_0(%arg0: i32, %arg1: i32) -> (i32, i32, i32, i32) {
    %c0_i32 = arith.constant 0 : i32
    %c0_i32_0 = arith.constant 0 : i32
    %c0_i32_1 = arith.constant 0 : i32
    return %arg0, %c0_i32, %arg1, %c0_i32_0 : i32, i32, i32, i32
  }
  func.func @transform_1(%arg0: i32, %arg1: i32) -> (i32, i32, i32) {
    %c0_i32 = arith.constant 0 : i32
    %c0_i32_0 = arith.constant 0 : i32
    return %arg0, %arg1, %c0_i32 : i32, i32, i32
  }
  func.func @transform_2(%arg0: i32, %arg1: i32) -> (i32, i32, i32) {
    %c0_i32 = arith.constant 0 : i32
    %c0_i32_0 = arith.constant 0 : i32
    return %arg0, %arg1, %c0_i32 : i32, i32, i32
  }
  func.func @transform_3(%arg0: i32, %arg1: i32) -> (i32, i32, i32) {
    %c0_i32 = arith.constant 0 : i32
    %c0_i32_0 = arith.constant 0 : i32
    return %arg0, %arg1, %c0_i32 : i32, i32, i32
  }
  func.func @transform_4(%arg0: i32, %arg1: i32) -> (i32, i32, i32) {
    %c0_i32 = arith.constant 0 : i32
    %c0_i32_0 = arith.constant 0 : i32
    return %arg0, %arg1, %c0_i32 : i32, i32, i32
  }
}

</mosaic_0001>

<sc_bundles>
// kernel: kernel.4.cloned.1.call-start
scs
__scs_entry_jumppad:
0x0: {  	(pc) =	sbr.rel $0x88, $3  }
0x1: {  	(tag) =	ssettag $0x0;
	lr =	simm.s32 $0x1  }
0x2: {  	[smem:$0x3F9F] =	sst lr;
	_ =	strace $0xD0000000  }
0x3: {  	_ = 	snop  }
0x4: {  	_ = 	snop  }
0x5: {  	_ = 	snop  }
0x6: {  	_ = 	snop  }
0x7: {  	_ = 	snop  }
__scs_overlays_trampoline_lowered:
0x8: {  	[smem:$0x3FAE] =	sst s0  }
0x9: {  	[smem:$0x3FAF] =	sst s1  }
0xa: {  	[smem:$0x3FB0] =	sst s2  }
0xb: {  	[smem:$0x3FB1] =	sst s3  }
0xc: {  	[smem:$0x3FB2] =	sst s4  }
0xd: {  	[smem:$0x3FB3] =	sst s5  }
0xe: {  	[smem:$0x3FB4] =	sst s6  }
0xf: {  	[smem:$0x3FB5] =	sst s7  }
0x10: {  	[smem:$0x3FB6] =	sst s8  }
0x11: {  	[smem:$0x3FB7] =	sst s9;
	s0 =	simm.s32 @!p0 $0x0  }
0x12: {  	s1 =	sld [smem:$0x3F9D];
	s0 =	simm.s32 @p0 $0x1  }
0x13: {  	[smem:$0x3FB8] =	sst s0;
	s0 =	simm.s32 @!p1 $0x0  }
0x14: {  	s2 =	sld [smem:$0x3F9C];
	s0 =	simm.s32 @p1 $0x1  }
0x15: {  	[smem:$0x3FB9] =	sst s0;
	s0 =	simm.s32 @!p2 $0x0  }
0x16: {  	s3 =	sld [smem:$0x3FDB];
	s0 =	simm.s32 @p2 $0x1  }
0x17: {  	s4 =	simm.s32 $0x1BF5;
	[smem:$0x3FBB] =	sst s0  }
0x18: {  	s0 =	sld [smem:$0x3F9E];
	_ =	swait.ge [sflag:s4], $0x0  }
0x19: {  	s7 =	sld [smem:$0x3F9F]  }
0x1a: {  	s8 =	sadd.s32 $0xFFFFE003, lr  }
0x1b: {  	s9 =	sadd.s32 $0xFFFFFEF7, lr;
	s5 =	simm.s32 $0xFFFFFFFF;
	p2 =	slt.u32 s8, $0xFFFFF086  }
0x1c: {  	p1 =	slt.u32 s9, $0xF7A;
	s5 =	simm.s32 @!p2 $0x0  }
0x1d: {  	s5 =	simm.s32 @p1 $0x1;
	p0 =	seq.s32 s7, s2  }
0x1e: {  	s7 =	smul.u32 @!p0 $0xF7A, s2;
	p2 =	seq.s32 @!p0 s5, $0x0  }
0x1f: {  	s9 =	smul.u32 $0xF7A, s1;
	s8 =	simm.s32 @!p0 $0x1BF5;
	p2 =	por !p2, p0  }
0x20: {  	[sflag:s8] =	ssyncset.s32 @!p0 $0xFFFFF086;
	s6 =	sadd.s32 @!p0 s3, s7;
	s7 =	simm.s32 @!p0 $0x108  }
0x21: {  	s3 =	sadd.s32 s3, s9;
	s6 =	sadd.s32 @!p0 $0x88, s6;
	s7 =	simm.s32 @p2 $0x1082  }
0x22: {  	[simem:s7], [sflag:s8] =	dma.local @!p0 [hbm:s6], $0xF7A  }
0x23: {  	s9 =	sor.u32 $0xD0000000, s2;
	s6 =	simm.s32 $0x108;
	_ =	swait.ge @!p0 [sflag:s8], $0x0  }
0x24: {  	s3 =	sadd.s32 $0x88, s3;
	s6 =	simm.s32 @!p1 $0x1082;
	[sflag:s4] =	ssyncset.s32 $0xFFFFF086  }
0x25: {  	[simem:s6], [sflag:s4] =	dma.local [hbm:s3], $0xF7A  }
0x26: {  	[smem:$0x3F9F] =	sst s1;
	(tag) =	ssettag s2;
	_ =	strace s9  }
0x27: {  	s1 =	sld [smem:$0x3FAF]  }
0x28: {  	s2 =	sld [smem:$0x3FB0]  }
0x29: {  	s4 =	sld [smem:$0x3FB2]  }
0x2a: {  	p0 =	seq.s32 s5, $0x0;
	s5 =	sld [smem:$0x3FB3]  }
0x2b: {  	s6 =	sld [smem:$0x3FB4]  }
0x2c: {  	s7 =	sld [smem:$0x3FB5]  }
0x2d: {  	s3 =	simm.s32 $0x108;
	s8 =	sld [smem:$0x3FB6]  }
0x2e: {  	s3 =	simm.s32 @!p0 $0x1082;
	s9 =	sld [smem:$0x3FB7]  }
0x2f: {  	lr =	sadd.s32 s0, s3;
	s0 =	sld [smem:$0x3FAE]  }
0x30: {  	s3 =	sld [smem:$0x3FB1]  }
0x31: {  	[smem:$0x3FBA] =	sst s10  }
0x32: {  	s10 =	sld [smem:$0x3FB8];
	_ =	sdelay $0x3  }
0x33: {  	p0 =	seq.s32 s10, $0x1;
	s10 =	sld [smem:$0x3FBA];
	_ =	sdelay $0x3  }
0x34: {  	[smem:$0x3FBA] =	sst s10  }
0x35: {  	s10 =	sld [smem:$0x3FB9];
	_ =	sdelay $0x3  }
0x36: {  	p1 =	seq.s32 s10, $0x1;
	s10 =	sld [smem:$0x3FBA];
	_ =	sdelay $0x3  }
0x37: {  	[smem:$0x3FBA] =	sst s10  }
0x38: {  	s10 =	sld [smem:$0x3FBB]  }
0x39: {  	_ = 	snop;
	(pc) =	sbr.ind lr, $3  }
0x3a: {  	_ = 	snop  }
0x3b: {  	_ = 	snop  }
0x3c: {  	p2 =	seq.s32 s10, $0x1;
	s10 =	sld [smem:$0x3FBA]  }
0x3d: {  	_ =	shalt  }
0x3e: {  	_ =	shalt  }
0x3f: {  	_ =	shalt  }
0x40: {  	_ =	shalt  }
0x41: {  	_ =	shalt  }
0x42: {  	_ =	shalt  }
0x43: {  	_ =	shalt  }
0x44: {  	_ =	shalt  }
0x45: {  	_ =	shalt  }
0x46: {  	_ =	shalt  }
0x47: {  	_ =	shalt  }
0x48: {  	_ =	shalt  }
0x49: {  	_ =	shalt  }
0x4a: {  	_ =	shalt  }
0x4b: {  	_ =	shalt  }
0x4c: {  	_ =	shalt  }
0x4d: {  	_ =	shalt  }
0x4e: {  	_ =	shalt  }
0x4f: {  	_ =	shalt  }
0x50: {  	_ =	shalt  }
0x51: {  	_ =	shalt  }
0x52: {  	_ =	shalt  }
0x53: {  	_ =	shalt  }
0x54: {  	_ =	shalt  }
0x55: {  	_ =	shalt  }
0x56: {  	_ =	shalt  }
0x57: {  	_ =	shalt  }
0x58: {  	_ =	shalt  }
0x59: {  	_ =	shalt  }
0x5a: {  	_ =	shalt  }
0x5b: {  	_ =	shalt  }
0x5c: {  	_ =	shalt  }
0x5d: {  	_ =	shalt  }
0x5e: {  	_ =	shalt  }
0x5f: {  	_ =	shalt  }
0x60: {  	_ =	shalt  }
0x61: {  	_ =	shalt  }
0x62: {  	_ =	shalt  }
0x63: {  	_ =	shalt  }
0x64: {  	_ =	shalt  }
0x65: {  	_ =	shalt  }
0x66: {  	_ =	shalt  }
0x67: {  	_ =	shalt  }
0x68: {  	_ =	shalt  }
0x69: {  	_ =	shalt  }
0x6a: {  	_ =	shalt  }
0x6b: {  	_ =	shalt  }
0x6c: {  	_ =	shalt  }
0x6d: {  	_ =	shalt  }
0x6e: {  	_ =	shalt  }
0x6f: {  	_ =	shalt  }
0x70: {  	_ =	shalt  }
0x71: {  	_ =	shalt  }
0x72: {  	_ =	shalt  }
0x73: {  	_ =	shalt  }
0x74: {  	_ =	shalt  }
0x75: {  	_ =	shalt  }
0x76: {  	_ =	shalt  }
0x77: {  	_ =	shalt  }
0x78: {  	_ =	shalt  }
0x79: {  	_ =	shalt  }
0x7a: {  	_ =	shalt  }
0x7b: {  	_ =	shalt  }
0x7c: {  	_ =	shalt  }
0x7d: {  	_ =	shalt  }
0x7e: {  	_ =	shalt  }
0x7f: {  	_ =	shalt  }
0x80: {  	_ =	shalt  }
0x81: {  	_ =	shalt  }
0x82: {  	_ =	shalt  }
0x83: {  	_ =	shalt  }
0x84: {  	_ =	shalt  }
0x85: {  	_ =	shalt  }
0x86: {  	_ =	shalt  }
0x87: {  	_ =	shalt  }
.Lfunc_end0:
.L_simem_size_0:
called_computation_lowered:
.L_overlay_start_0:
0x88: {  	s2 =	sld [smem:$0x3FD9]  }
0x89: {  	s3 =	sld [smem:$0x3FFE];
	_ =	sdelay $0x1  }
0x8a: {  	s1 =	srdreg.scid  }
0x8b: {  	s0 =	sand.u32 $0x1, s1  }
0x8c: {  	s16 =	sshll.u32 s0, $0xA;
	s2 =	sadd.s32 s3, s2  }
0x8d: {  	s2 =	sadd.s32 s2, s16  }
0x8e: {  	[smem:$0x3FC6] =	sst s2  }
0x8f: {  	_ = 	snop  }
0x90: {  	(tm) =	ssettm $0x1  }
0x91: {  	s17 =	sld [smem:$0x3FFB];
	_ =	sdelay $0x3  }
0x92: {  	_ =	strace s17  }
0x93: {  	s2 =	sld [smem:$0x3FFC];
	_ =	sdelay $0x3  }
0x94: {  	_ =	strace s2  }
0x95: {  	s2 =	sld [smem:$0x3FFD];
	_ =	sdelay $0x3  }
0x96: {  	_ =	strace s2  }
0x97: {  	_ =	strace $0x8FFFFFFF  }
0x98: {  	s18 =	sld [smem:$0x3FDB];
	_ =	sdelay $0x1  }
0x99: {  	s19 =	simm.s32 $_scs_section_size  }
0x9a: {  	s4 =	simm.s32 $_size__tile_overlayer_lowered;
	s5 =	simm.s32 $_tile_overlayer_lowered  }
0x9b: {  	s22 =	simm.s32 $0x1BFF;
	s21 =	sshll.u32 s5, $0x1;
	s2 =	sadd.s32 s19, s18  }
0x9c: {  	s6 =	simm.s32 $0x0;
	s20 =	sshll.u32 s4, $0x1;
	s4 =	sadd.s32 s21, s2  }
0x9d: {  	[timem:s6], [sflag:s22] =	dma.local [hbm:s4], s20  }
0x9e: {  	_ =	swait.ge [sflag:s22], s20  }
0x9f: {  	s3 =	ssub.s32 $0x0, s20;
	[sflag:s22] =	ssyncset.done $0x0  }
0xa0: {  	[sflag:s22] =	ssyncadd.s32 s3;
	_ =	sdelay $0x1  }
0xa1: {  	s23 =	simm.s32 $0x1B8B  }
0xa2: {  	_ =	swait.ge [sflag:s23], $0x1  }
0xa3: {  	[sflag:s23] =	ssyncset.done $0x0  }
0xa4: {  	s25 =	simm.s32 $0x1B8E;
	s24 =	sld [smem:$0x3FFE];
	[sflag:s23] =	ssyncadd.s32 $0xFFFFFFFF  }
0xa5: {  	s26 =	simm.s32 $execute0_lowered;
	[smem:$0x3FD2] =	sst s25  }
0xa6: {  	s4 =	sshll.u32 s26, $0x1;
	_ =	strace $0x80000046;
	[dreg:$0x1] =	wrdreg $0xFFFFFFFF  }
0xa7: {  	s28 =	simm.s32 $_size_execute0_lowered;
	s2 =	sadd.s32 s2, s4;
	[dreg:$0x0] =	wrdreg $0x0  }
0xa8: {  	s4 =	sshll.u32 s28, $0x1;
	[dreg:$0x2] =	wrdreg s2  }
0xa9: {  	[dreg:$0x3] =	wrdreg s4  }
0xaa: {  	[dreg:$0x4] =	wrdreg $0xC0  }
0xab: {  	_ =	task [dreg:s6], $0x5FFFF  }
0xac: {  	[dreg:$0x1] =	wrdreg $0xFFFFFFFF  }
0xad: {  	[dreg:$0x0] =	wrdreg $0x60  }
0xae: {  	[dreg:$0x2] =	wrdreg s24  }
0xaf: {  	[dreg:$0x3] =	wrdreg $0x9  }
0xb0: {  	_ =	task.clear_ibuf [dreg:s6], $0x4FFFF;
	_ =	strace $0x90000046  }
0xb1: {  	s29 =	simm.s32 $0x9;
	_ =	strace $0x80000048  }
0xb2: {  	_ =	swait.ge [sflag:s29], $0x1  }
0xb3: {  	[sflag:s29] =	ssyncadd.s32 $0xFFFFFFFF  }
0xb4: {  	_ =	strace $0x90000048  }
0xb5: {  	_ =	sfence  }
0xb6: {  	s30 =	sld [smem:$0x0];
	_ =	sdelay $0x2  }
0xb7: {  	s31 =	sshll.u32 s1, $0xD;
	s1 =	sshrl.u32 s1, $0x2  }
0xb8: {  	s3 =	sand.u32 $0x4000, s31;
	s1 =	sadd.s32 s1, s30  }
0xb9: {  	s0 =	sor.u32 s3, s0;
	s1 =	sshll.u32 s1, $0x11  }
0xba: {  	s0 =	sor.u32 s1, s0  }
0xbb: {  	s0 =	sadd.s32 $0x8F2B, s0  }
0xbc: {  	[sflag:s0] =	ssyncadd.remote.s32 $0x1  }
0xbd: {  	_ =	sfence.sel $0xFFFF  }
0xbe: {  	[dreg:$0x0] =	wrdreg $0xFFFFFFFF;
	(pc) =	sbr.abs _section_cstart, $3  }
0xbf: {  	[dreg:$0x1] =	wrdreg $0xFFFFFFFF  }
0xc0: {  	_ =	task.clear_ibuf [dreg:s6], $0x2FFFF;
	_ =	strace $0x9FFFFFFF  }
0xc1: {  	(tm) =	ssettm $0x7FFFFFFF  }
tec
execute0_lowered:
.L_overlay_start_1:
0x0: {  	(tag) =	ssettag $0x1  }
0x1: {  	s1 =	stileid.u32  }
0x2: {  	p0 =	sgt.u32 s1, $0x3  }
.Ltmp0:
0x3: {  	_ = 	snop;
	(pc) =	sbr.rel @p0 .LBB2_69-.Ltmp0, $4  }
0x4: {  	_ = 	snop  }
0x5: {  	s2 =	simm.s32 $0x0  }
0x6: {  	[smem:$0x7FF] =	sst s2  }
0x7: {  	s0 =	rddreg [dreg:$0x0];
	_ =	strace $0x80000047  }
0x8: {  	s1 =	srdreg.scid;
	s7 =	sadd.s32 $0x200, s0;
	s3 =	sadd.s32 $0x4200, s0  }
0x9: {  	s5 =	stileid.u32;
	s11 =	simm.s32 $0x2;
	s12 =	simm.s32 $0x1  }
0xa: {  	v0 =	vlaneseq.u32;
	s14 =	simm.s32 $0x4C00;
	s16 =	simm.s32 $0x8C00;
	s18 =	simm.s32 $0xCC00  }
0xb: {  	s20 =	simm.s32 $0x10C00;
	s21 =	simm.s32 $0x4400;
	s22 =	simm.s32 $0x1CC00;
	v1 =	vmul.u32 $0x10, v0  }
0xc: {  	s23 =	simm.s32 $0x1CC80;
	s24 =	simm.s32 $0x1CD00;
	s25 =	simm.s32 $0x1CD80;
	vm0 =	vmxor vm0, vm0;
	vm1 =	vcmask $0x310;
	v2 =	vand.u32 $0x7, v0  }
0xd: {  	s26 =	simm.s32 $0x1D400;
	s28 =	simm.s32 $0x1DC00;
	s1 =	sand.u32 $0x1, s1;
	v3 =	vmul.u32 $0x10, v2;
	v2 =	vimm.s32 $0x0;
	v4 =	vor.u32 $0x1, v1  }
.Ltmp1:
0xe: {  	s29 =	simm.s32 $0x0;
	s4 =	sshll.u32 s1, $0x2;
	v5 =	vor.u32 $0x2, v1;
	v6 =	vor.u32 $0x3, v1;
	v7 =	vor.u32 $0x4, v1;
	(pc) =	sbr.rel .LBB2_2-.Ltmp1, $4  }
0xf: {  	s1 =	ssub.s32 $0x2, s1;
	s5 =	sadd.s32 s5, s4;
	s4 =	sadd.s32 $0x44200, s0;
	v8 =	vor.u32 $0x5, v1;
	v9 =	vor.u32 $0x6, v1;
	v10 =	vor.u32 $0x7, v1  }
0x10: {  	s9 =	sshrl.u32 s1, $0x1;
	v11 =	vor.u32 $0x8, v1;
	v12 =	vor.u32 $0x9, v1;
	v13 =	vor.u32 $0xA, v1;
	s8 =	sshll.u32 s5, $0x4;
	s5 =	sshll.u32 s5, $0xE  }
0x11: {  	v14 =	vor.u32 $0xB, v1;
	v15 =	vor.u32 $0xC, v1;
	v16 =	vor.u32 $0xD, v1;
	s31 =	ssub.s32 s1, s9;
	s9 =	simm.s32 $0x80;
	s30 =	sadd.s32 s8, s0  }
0x12: {  	v17 =	vor.u32 $0xE, v1;
	v18 =	vor.u32 $0xF, v1;
	v3 =	vor.u32 $0xFFFFFF80, v3;
	s7 =	sadd.s32 s7, s8;
	s8 =	smax.u32 s31, $0x1;
	s6 =	sadd.s32 $0x84200, s30  }
.LBB2_60:
0x13: {  	v26 =	vmov v22;
	v28 =	vimm.f32 $0.0e+00  }
.LBB2_67:
0x14: {  	_ = 	snop  }
0x15: {  	v27 =	vand.u32 $0xFFFFFF80, v25;
	v30 =	vshll.u32 v26, $0x7  }
0x16: {  	v63 =	vand.u32 $0x7F, v25;
	v27 =	vadd.s32 v30, v27  }
0x17: {  	v25 =	vor.u32 v63, v27  }
0x18: {  	v23 =	vld.idx.msk @p0 [tilespmem:v23+s14+$0x0], $0xffff;
	_ =	sdelay $0x1  }
0x19: {  	vm2 =	vlt.s32 @p1 v29, v19  }
0x1a: {  	v24 =	vnsel @p1 vm2, $0x0, v24  }
0x1b: {  	v22 =	vpsel p0, v22, v0;
	v24 =	vadd.f32 @p1 v24, v28;
	v25 =	vld.idx.msk [tilespmem:v25+s14+$0x0], $0xffff  }
0x1c: {  	vm2 =	vlt.s32 @p0 v22, v19;
	v23 =	vpsel p0, v23, v0  }
0x1d: {  	v22 =	vpsel p1, v24, v21;
	v23 =	vnsel @p0 vm2, $0x0, v23  }
0x1e: {  	v22 =	vadd.f32 @p0 v23, v22  }
0x1f: {  	vm2 =	vlt.s32 v26, v19  }
0x20: {  	v19 =	vpsel p0, v22, v21;
	v21 =	vnsel vm2, $0x0, v25  }
0x21: {  	v19 =	vadd.f32 v21, v19  }
.LBB2_68:
0x22: {  	_ = 	snop  }
0x23: {  	(xrf2) =	vadd.scan.msk.f32 $0xffff, v19;
	_ =	sdelay $0x9  }
0x24: {  	v20 =	vbroadcast v20, $0xF;
	v19, _, _ =	vpop (xrf2)  }
0x25: {  	vm2 =	vmmov $0x1;
	v19 =	vbroadcast v19, $0xF  }
0x26: {  	s0 =	scvt.s32.f32 s0;
	v20 =	vnsel vm2, $0x0, v20  }
0x27: {  	s1 =	scvt.s32.f32 s10;
	vm2 =	veq.s32 v0, $0x2;
	v19 =	vsel vm1, v20, v19  }
0x28: {  	s29 =	sadd.s32 $0x1, s29;
	v19 =	vsel vm2, s0, v19;
	vm2 =	veq.s32 v0, $0x3  }
0x29: {  	p0 =	sne.s32 s29, s8;
	v19 =	vsel vm2, s1, v19  }
.Ltmp2:
0x2a: {  	[tilespmem:$0x1DC00] =	vst v19;
	(pc) =	sbr.rel @!p0 .LBB2_69-.Ltmp2, $4  }
0x2b: {  	[hbm4b:s6+s2] =	stream.linear.scatter [tilespmem:s28], [sflag:$0x2], $0x80, $0x38;
	[tilespmem:$0x1DC80] =	vst v63  }
0x2c: {  	_ =	swait.ge [sflag:s11], $0x80  }
0x2d: {  	[sflag:s11] =	ssyncset.done $0x0  }
0x2e: {  	[sflag:s11] =	ssyncadd.s32 $0xFFFFFF80  }
.LBB2_2:
0x2f: {  	s0 =	simm.s32 $0x0;
	s1 =	simm.s32 $0x200  }
.LBB2_3:
0x30: {  	p0 =	sne.s32 s1, $0xFE00;
	[tilespmem:s0+$0x14C70] =	vst v2  }
0x31: {  	[tilespmem:s0+$0x14C00] =	vst v2  }
0x32: {  	[tilespmem:s0+$0x14C10] =	vst v2  }
.Ltmp3:
0x33: {  	[tilespmem:s0+$0x14C20] =	vst v2;
	(pc) =	sbr.rel @p0 .LBB2_3-.Ltmp3, $4  }
0x34: {  	[tilespmem:s0+$0x14C30] =	vst v2  }
0x35: {  	[tilespmem:s0+$0x14C40] =	vst v2  }
0x36: {  	[tilespmem:s0+$0x14C50] =	vst v2  }
0x37: {  	[tilespmem:s0+$0x14C60] =	vst v2;
	s0 =	sshra.s32 s1, $0x2;
	s1 =	sadd.s32 $0x200, s1  }
0x38: {  	[tilespmem:s0+$0x14C70] =	vst v2  }
0x39: {  	[tilespmem:s0+$0x14C00] =	vst v2  }
0x3a: {  	[tilespmem:s0+$0x14C10] =	vst v2  }
0x3b: {  	[tilespmem:s0+$0x14C20] =	vst v2  }
0x3c: {  	[tilespmem:s0+$0x14C30] =	vst v2  }
0x3d: {  	[tilespmem:s0+$0x14C40] =	vst v2  }
0x3e: {  	[tilespmem:s0+$0x14C50] =	vst v2  }
0x3f: {  	[tilespmem:s0+$0x14C60] =	vst v2  }
0x40: {  	[tilespmem:$0x4400] =	vst v2  }
0x41: {  	[tilespmem:$0x4410] =	vst v2  }
0x42: {  	[tilespmem:$0x4420] =	vst v2  }
0x43: {  	[tilespmem:$0x4430] =	vst v2  }
0x44: {  	[tilespmem:$0x4440] =	vst v2  }
0x45: {  	[tilespmem:$0x4450] =	vst v2  }
0x46: {  	[tilespmem:$0x4460] =	vst v2  }
0x47: {  	[tilespmem:$0x4470] =	vst v2  }
0x48: {  	[tilespmem:$0x4480] =	vst v2  }
0x49: {  	[tilespmem:$0x4490] =	vst v2  }
0x4a: {  	[tilespmem:$0x44A0] =	vst v2  }
0x4b: {  	[tilespmem:$0x44B0] =	vst v2  }
0x4c: {  	[tilespmem:$0x44C0] =	vst v2  }
0x4d: {  	[tilespmem:$0x44D0] =	vst v2  }
0x4e: {  	[tilespmem:$0x44E0] =	vst v2  }
0x4f: {  	[tilespmem:$0x44F0] =	vst v2  }
0x50: {  	[tilespmem:$0x4500] =	vst v2  }
0x51: {  	[tilespmem:$0x4510] =	vst v2  }
0x52: {  	[tilespmem:$0x4520] =	vst v2  }
0x53: {  	[tilespmem:$0x4530] =	vst v2  }
0x54: {  	[tilespmem:$0x4540] =	vst v2  }
0x55: {  	[tilespmem:$0x4550] =	vst v2  }
0x56: {  	[tilespmem:$0x4560] =	vst v2  }
0x57: {  	[tilespmem:$0x4570] =	vst v2  }
0x58: {  	[tilespmem:$0x4580] =	vst v2  }
0x59: {  	[tilespmem:$0x4590] =	vst v2  }
0x5a: {  	[tilespmem:$0x45A0] =	vst v2  }
0x5b: {  	[tilespmem:$0x45B0] =	vst v2  }
0x5c: {  	[tilespmem:$0x45C0] =	vst v2  }
0x5d: {  	[tilespmem:$0x45D0] =	vst v2  }
0x5e: {  	[tilespmem:$0x45E0] =	vst v2  }
0x5f: {  	[tilespmem:$0x45F0] =	vst v2  }
0x60: {  	[tilespmem:$0x4600] =	vst v2  }
0x61: {  	[tilespmem:$0x4610] =	vst v2  }
0x62: {  	[tilespmem:$0x4620] =	vst v2  }
0x63: {  	[tilespmem:$0x4630] =	vst v2  }
0x64: {  	[tilespmem:$0x4640] =	vst v2  }
0x65: {  	[tilespmem:$0x4650] =	vst v2  }
0x66: {  	[tilespmem:$0x4660] =	vst v2  }
0x67: {  	[tilespmem:$0x4670] =	vst v2  }
0x68: {  	[tilespmem:$0x4680] =	vst v2  }
0x69: {  	[tilespmem:$0x4690] =	vst v2  }
0x6a: {  	[tilespmem:$0x46A0] =	vst v2  }
0x6b: {  	[tilespmem:$0x46B0] =	vst v2  }
0x6c: {  	[tilespmem:$0x46C0] =	vst v2  }
0x6d: {  	[tilespmem:$0x46D0] =	vst v2  }
0x6e: {  	[tilespmem:$0x46E0] =	vst v2  }
0x6f: {  	[tilespmem:$0x46F0] =	vst v2  }
0x70: {  	[tilespmem:$0x4700] =	vst v2  }
0x71: {  	[tilespmem:$0x4710] =	vst v2  }
0x72: {  	[tilespmem:$0x4720] =	vst v2  }
0x73: {  	[tilespmem:$0x4730] =	vst v2  }
0x74: {  	[tilespmem:$0x4740] =	vst v2  }
0x75: {  	[tilespmem:$0x4750] =	vst v2  }
0x76: {  	[tilespmem:$0x4760] =	vst v2  }
0x77: {  	[tilespmem:$0x4770] =	vst v2  }
0x78: {  	[tilespmem:$0x4780] =	vst v2  }
0x79: {  	[tilespmem:$0x4790] =	vst v2  }
0x7a: {  	[tilespmem:$0x47A0] =	vst v2  }
0x7b: {  	[tilespmem:$0x47B0] =	vst v2  }
0x7c: {  	[tilespmem:$0x47C0] =	vst v2  }
0x7d: {  	[tilespmem:$0x47D0] =	vst v2  }
0x7e: {  	[tilespmem:$0x47E0] =	vst v2  }
0x7f: {  	[tilespmem:$0x47F0] =	vst v2  }
0x80: {  	[tilespmem:$0x4800] =	vst v2  }
0x81: {  	[tilespmem:$0x4810] =	vst v2  }
0x82: {  	[tilespmem:$0x4820] =	vst v2  }
0x83: {  	[tilespmem:$0x4830] =	vst v2  }
0x84: {  	[tilespmem:$0x4840] =	vst v2  }
0x85: {  	[tilespmem:$0x4850] =	vst v2  }
0x86: {  	[tilespmem:$0x4860] =	vst v2  }
0x87: {  	[tilespmem:$0x4870] =	vst v2  }
0x88: {  	[tilespmem:$0x4880] =	vst v2  }
0x89: {  	[tilespmem:$0x4890] =	vst v2  }
0x8a: {  	[tilespmem:$0x48A0] =	vst v2  }
0x8b: {  	[tilespmem:$0x48B0] =	vst v2  }
0x8c: {  	[tilespmem:$0x48C0] =	vst v2  }
0x8d: {  	[tilespmem:$0x48D0] =	vst v2  }
0x8e: {  	[tilespmem:$0x48E0] =	vst v2  }
0x8f: {  	[tilespmem:$0x48F0] =	vst v2  }
0x90: {  	[tilespmem:$0x4900] =	vst v2  }
0x91: {  	[tilespmem:$0x4910] =	vst v2  }
0x92: {  	[tilespmem:$0x4920] =	vst v2  }
0x93: {  	[tilespmem:$0x4930] =	vst v2  }
0x94: {  	[tilespmem:$0x4940] =	vst v2  }
0x95: {  	[tilespmem:$0x4950] =	vst v2  }
0x96: {  	[tilespmem:$0x4960] =	vst v2  }
0x97: {  	[tilespmem:$0x4970] =	vst v2  }
0x98: {  	[tilespmem:$0x4980] =	vst v2  }
0x99: {  	[tilespmem:$0x4990] =	vst v2  }
0x9a: {  	[tilespmem:$0x49A0] =	vst v2  }
0x9b: {  	[tilespmem:$0x49B0] =	vst v2  }
0x9c: {  	[tilespmem:$0x49C0] =	vst v2  }
0x9d: {  	[tilespmem:$0x49D0] =	vst v2  }
0x9e: {  	[tilespmem:$0x49E0] =	vst v2  }
0x9f: {  	[tilespmem:$0x49F0] =	vst v2  }
0xa0: {  	[tilespmem:$0x4A00] =	vst v2  }
0xa1: {  	[tilespmem:$0x4A10] =	vst v2  }
0xa2: {  	[tilespmem:$0x4A20] =	vst v2  }
0xa3: {  	[tilespmem:$0x4A30] =	vst v2  }
0xa4: {  	[tilespmem:$0x4A40] =	vst v2  }
0xa5: {  	[tilespmem:$0x4A50] =	vst v2  }
0xa6: {  	[tilespmem:$0x4A60] =	vst v2  }
0xa7: {  	[tilespmem:$0x4A70] =	vst v2  }
0xa8: {  	[tilespmem:$0x4A80] =	vst v2  }
0xa9: {  	[tilespmem:$0x4A90] =	vst v2  }
0xaa: {  	[tilespmem:$0x4AA0] =	vst v2  }
0xab: {  	[tilespmem:$0x4AB0] =	vst v2  }
0xac: {  	[tilespmem:$0x4AC0] =	vst v2  }
0xad: {  	[tilespmem:$0x4AD0] =	vst v2  }
0xae: {  	[tilespmem:$0x4AE0] =	vst v2  }
0xaf: {  	[tilespmem:$0x4AF0] =	vst v2  }
0xb0: {  	[tilespmem:$0x4B00] =	vst v2  }
0xb1: {  	[tilespmem:$0x4B10] =	vst v2  }
0xb2: {  	[tilespmem:$0x4B20] =	vst v2  }
0xb3: {  	[tilespmem:$0x4B30] =	vst v2  }
0xb4: {  	[tilespmem:$0x4B40] =	vst v2  }
0xb5: {  	[tilespmem:$0x4B50] =	vst v2  }
0xb6: {  	[tilespmem:$0x4B60] =	vst v2  }
0xb7: {  	[tilespmem:$0x4B70] =	vst v2  }
0xb8: {  	[tilespmem:$0x4B80] =	vst v2  }
0xb9: {  	[tilespmem:$0x4B90] =	vst v2  }
0xba: {  	[tilespmem:$0x4BA0] =	vst v2  }
0xbb: {  	[tilespmem:$0x4BB0] =	vst v2  }
0xbc: {  	[tilespmem:$0x4BC0] =	vst v2  }
0xbd: {  	[tilespmem:$0x4BD0] =	vst v2  }
0xbe: {  	[tilespmem:$0x4BE0] =	vst v2  }
0xbf: {  	[tilespmem:$0x4BF0] =	vst v2  }
0xc0: {  	[tilespmem:$0x1CC00] =	vst v2  }
0xc1: {  	[tilespmem:$0x1CC10] =	vst v2  }
0xc2: {  	[tilespmem:$0x1CC20] =	vst v2  }
0xc3: {  	[tilespmem:$0x1CC30] =	vst v2  }
0xc4: {  	[tilespmem:$0x1CC40] =	vst v2  }
0xc5: {  	[tilespmem:$0x1CC50] =	vst v2  }
0xc6: {  	[tilespmem:$0x1CC60] =	vst v2  }
0xc7: {  	[tilespmem:$0x1CC70] =	vst v2  }
0xc8: {  	[tilespmem:$0x1CC80] =	vst v2  }
0xc9: {  	[tilespmem:$0x1CC90] =	vst v2  }
0xca: {  	[tilespmem:$0x1CCA0] =	vst v2  }
0xcb: {  	[tilespmem:$0x1CCB0] =	vst v2  }
0xcc: {  	[tilespmem:$0x1CCC0] =	vst v2  }
0xcd: {  	[tilespmem:$0x1CCD0] =	vst v2  }
0xce: {  	[tilespmem:$0x1CCE0] =	vst v2  }
0xcf: {  	[tilespmem:$0x1CCF0] =	vst v2  }
0xd0: {  	[tilespmem:$0x1CD00] =	vst v2  }
0xd1: {  	[tilespmem:$0x1CD10] =	vst v2  }
0xd2: {  	[tilespmem:$0x1CD20] =	vst v2  }
0xd3: {  	[tilespmem:$0x1CD30] =	vst v2  }
0xd4: {  	[tilespmem:$0x1CD40] =	vst v2  }
0xd5: {  	[tilespmem:$0x1CD50] =	vst v2  }
0xd6: {  	[tilespmem:$0x1CD60] =	vst v2  }
0xd7: {  	[tilespmem:$0x1CD70] =	vst v2  }
0xd8: {  	[tilespmem:$0x1CD80] =	vst v2  }
0xd9: {  	[tilespmem:$0x1CD90] =	vst v2  }
0xda: {  	[tilespmem:$0x1CDA0] =	vst v2  }
0xdb: {  	[tilespmem:$0x1CDB0] =	vst v2  }
0xdc: {  	[tilespmem:$0x1CDC0] =	vst v2  }
0xdd: {  	[tilespmem:$0x1CDD0] =	vst v2  }
0xde: {  	[tilespmem:$0x1CDE0] =	vst v2  }
0xdf: {  	[tilespmem:$0x1CDF0] =	vst v2  }
0xe0: {  	[tilespmem:$0x1CE00] =	vst v2  }
0xe1: {  	[tilespmem:$0x1CE10] =	vst v2  }
0xe2: {  	[tilespmem:$0x1CE20] =	vst v2  }
0xe3: {  	[tilespmem:$0x1CE30] =	vst v2  }
0xe4: {  	[tilespmem:$0x1CE40] =	vst v2  }
0xe5: {  	[tilespmem:$0x1CE50] =	vst v2  }
0xe6: {  	[tilespmem:$0x1CE60] =	vst v2  }
0xe7: {  	[tilespmem:$0x1CE70] =	vst v2  }
0xe8: {  	[tilespmem:$0x1CE80] =	vst v2  }
0xe9: {  	[tilespmem:$0x1CE90] =	vst v2  }
0xea: {  	[tilespmem:$0x1CEA0] =	vst v2  }
0xeb: {  	[tilespmem:$0x1CEB0] =	vst v2  }
0xec: {  	[tilespmem:$0x1CEC0] =	vst v2  }
0xed: {  	[tilespmem:$0x1CED0] =	vst v2  }
0xee: {  	[tilespmem:$0x1CEE0] =	vst v2  }
0xef: {  	[tilespmem:$0x1CEF0] =	vst v2  }
0xf0: {  	[tilespmem:$0x1CF00] =	vst v2  }
0xf1: {  	[tilespmem:$0x1CF10] =	vst v2  }
0xf2: {  	[tilespmem:$0x1CF20] =	vst v2  }
0xf3: {  	[tilespmem:$0x1CF30] =	vst v2  }
0xf4: {  	[tilespmem:$0x1CF40] =	vst v2  }
0xf5: {  	[tilespmem:$0x1CF50] =	vst v2  }
0xf6: {  	[tilespmem:$0x1CF60] =	vst v2  }
0xf7: {  	[tilespmem:$0x1CF70] =	vst v2  }
0xf8: {  	[tilespmem:$0x1CF80] =	vst v2  }
0xf9: {  	[tilespmem:$0x1CF90] =	vst v2  }
0xfa: {  	[tilespmem:$0x1CFA0] =	vst v2  }
0xfb: {  	[tilespmem:$0x1CFB0] =	vst v2  }
0xfc: {  	[tilespmem:$0x1CFC0] =	vst v2  }
0xfd: {  	[tilespmem:$0x1CFD0] =	vst v2  }
0xfe: {  	[tilespmem:$0x1CFE0] =	vst v2  }
0xff: {  	[tilespmem:$0x1CFF0] =	vst v2  }
0x100: {  	[tilespmem:$0x1D000] =	vst v2  }
0x101: {  	[tilespmem:$0x1D010] =	vst v2  }
0x102: {  	[tilespmem:$0x1D020] =	vst v2  }
0x103: {  	[tilespmem:$0x1D030] =	vst v2  }
0x104: {  	[tilespmem:$0x1D040] =	vst v2  }
0x105: {  	[tilespmem:$0x1D050] =	vst v2  }
0x106: {  	[tilespmem:$0x1D060] =	vst v2  }
0x107: {  	[tilespmem:$0x1D070] =	vst v2  }
0x108: {  	[tilespmem:$0x1D080] =	vst v2  }
0x109: {  	[tilespmem:$0x1D090] =	vst v2  }
0x10a: {  	[tilespmem:$0x1D0A0] =	vst v2  }
0x10b: {  	[tilespmem:$0x1D0B0] =	vst v2  }
0x10c: {  	[tilespmem:$0x1D0C0] =	vst v2  }
0x10d: {  	[tilespmem:$0x1D0D0] =	vst v2  }
0x10e: {  	[tilespmem:$0x1D0E0] =	vst v2  }
0x10f: {  	[tilespmem:$0x1D0F0] =	vst v2  }
0x110: {  	[tilespmem:$0x1D100] =	vst v2  }
0x111: {  	[tilespmem:$0x1D110] =	vst v2  }
0x112: {  	[tilespmem:$0x1D120] =	vst v2  }
0x113: {  	[tilespmem:$0x1D130] =	vst v2  }
0x114: {  	[tilespmem:$0x1D140] =	vst v2  }
0x115: {  	[tilespmem:$0x1D150] =	vst v2  }
0x116: {  	[tilespmem:$0x1D160] =	vst v2  }
0x117: {  	[tilespmem:$0x1D170] =	vst v2  }
0x118: {  	[tilespmem:$0x1D180] =	vst v2  }
0x119: {  	[tilespmem:$0x1D190] =	vst v2  }
0x11a: {  	[tilespmem:$0x1D1A0] =	vst v2  }
0x11b: {  	[tilespmem:$0x1D1B0] =	vst v2  }
0x11c: {  	[tilespmem:$0x1D1C0] =	vst v2  }
0x11d: {  	[tilespmem:$0x1D1D0] =	vst v2  }
0x11e: {  	[tilespmem:$0x1D1E0] =	vst v2  }
0x11f: {  	[tilespmem:$0x1D1F0] =	vst v2  }
0x120: {  	[tilespmem:$0x1D200] =	vst v2  }
0x121: {  	[tilespmem:$0x1D210] =	vst v2  }
0x122: {  	[tilespmem:$0x1D220] =	vst v2  }
0x123: {  	[tilespmem:$0x1D230] =	vst v2  }
0x124: {  	[tilespmem:$0x1D240] =	vst v2  }
0x125: {  	[tilespmem:$0x1D250] =	vst v2  }
0x126: {  	[tilespmem:$0x1D260] =	vst v2  }
0x127: {  	[tilespmem:$0x1D270] =	vst v2  }
0x128: {  	[tilespmem:$0x1D280] =	vst v2  }
0x129: {  	[tilespmem:$0x1D290] =	vst v2  }
0x12a: {  	[tilespmem:$0x1D2A0] =	vst v2  }
0x12b: {  	[tilespmem:$0x1D2B0] =	vst v2  }
0x12c: {  	[tilespmem:$0x1D2C0] =	vst v2  }
0x12d: {  	[tilespmem:$0x1D2D0] =	vst v2  }
0x12e: {  	[tilespmem:$0x1D2E0] =	vst v2  }
0x12f: {  	[tilespmem:$0x1D2F0] =	vst v2  }
0x130: {  	[tilespmem:$0x1D300] =	vst v2  }
0x131: {  	[tilespmem:$0x1D310] =	vst v2  }
0x132: {  	[tilespmem:$0x1D320] =	vst v2  }
0x133: {  	[tilespmem:$0x1D330] =	vst v2  }
0x134: {  	[tilespmem:$0x1D340] =	vst v2  }
0x135: {  	[tilespmem:$0x1D350] =	vst v2  }
0x136: {  	[tilespmem:$0x1D360] =	vst v2  }
0x137: {  	[tilespmem:$0x1D370] =	vst v2  }
0x138: {  	[tilespmem:$0x1D380] =	vst v2  }
0x139: {  	[tilespmem:$0x1D390] =	vst v2  }
0x13a: {  	[tilespmem:$0x1D3A0] =	vst v2  }
0x13b: {  	[tilespmem:$0x1D3B0] =	vst v2  }
0x13c: {  	[tilespmem:$0x1D3C0] =	vst v2  }
0x13d: {  	[tilespmem:$0x1D3D0] =	vst v2  }
0x13e: {  	[tilespmem:$0x1D3E0] =	vst v2  }
0x13f: {  	[tilespmem:$0x1DBE0] =	vst v2  }
0x140: {  	[tilespmem:$0x1DBC0] =	vst v2  }
0x141: {  	[tilespmem:$0x1D3F0] =	vst v2  }
0x142: {  	[tilespmem:$0x1D400] =	vst v2  }
0x143: {  	[tilespmem:$0x1D420] =	vst v2  }
0x144: {  	[tilespmem:$0x1D430] =	vst v2  }
0x145: {  	[tilespmem:$0x1D440] =	vst v2  }
0x146: {  	[tilespmem:$0x1D450] =	vst v2  }
0x147: {  	[tilespmem:$0x1D460] =	vst v2  }
0x148: {  	[tilespmem:$0x1D470] =	vst v2  }
0x149: {  	[tilespmem:$0x1D480] =	vst v2  }
0x14a: {  	[tilespmem:$0x1D490] =	vst v2  }
0x14b: {  	[tilespmem:$0x1D4A0] =	vst v2  }
0x14c: {  	[tilespmem:$0x1D4B0] =	vst v2  }
0x14d: {  	[tilespmem:$0x1D4C0] =	vst v2  }
0x14e: {  	[tilespmem:$0x1D4D0] =	vst v2  }
0x14f: {  	[tilespmem:$0x1D4E0] =	vst v2  }
0x150: {  	[tilespmem:$0x1D4F0] =	vst v2  }
0x151: {  	[tilespmem:$0x1D500] =	vst v2  }
0x152: {  	[tilespmem:$0x1D510] =	vst v2  }
0x153: {  	[tilespmem:$0x1D520] =	vst v2  }
0x154: {  	[tilespmem:$0x1D530] =	vst v2  }
0x155: {  	[tilespmem:$0x1D540] =	vst v2  }
0x156: {  	[tilespmem:$0x1D550] =	vst v2  }
0x157: {  	[tilespmem:$0x1D560] =	vst v2  }
0x158: {  	[tilespmem:$0x1D570] =	vst v2  }
0x159: {  	[tilespmem:$0x1D580] =	vst v2  }
0x15a: {  	[tilespmem:$0x1D590] =	vst v2  }
0x15b: {  	[tilespmem:$0x1D5A0] =	vst v2  }
0x15c: {  	[tilespmem:$0x1D5B0] =	vst v2  }
0x15d: {  	[tilespmem:$0x1D5C0] =	vst v2  }
0x15e: {  	[tilespmem:$0x1D5D0] =	vst v2  }
0x15f: {  	[tilespmem:$0x1D5E0] =	vst v2  }
0x160: {  	[tilespmem:$0x1D5F0] =	vst v2  }
0x161: {  	[tilespmem:$0x1D600] =	vst v2  }
0x162: {  	[tilespmem:$0x1D610] =	vst v2  }
0x163: {  	[tilespmem:$0x1D620] =	vst v2  }
0x164: {  	[tilespmem:$0x1D630] =	vst v2  }
0x165: {  	[tilespmem:$0x1D640] =	vst v2  }
0x166: {  	[tilespmem:$0x1D650] =	vst v2  }
0x167: {  	[tilespmem:$0x1D660] =	vst v2  }
0x168: {  	[tilespmem:$0x1D670] =	vst v2  }
0x169: {  	[tilespmem:$0x1D680] =	vst v2  }
0x16a: {  	[tilespmem:$0x1D690] =	vst v2  }
0x16b: {  	[tilespmem:$0x1D6A0] =	vst v2  }
0x16c: {  	[tilespmem:$0x1D6B0] =	vst v2  }
0x16d: {  	[tilespmem:$0x1D6C0] =	vst v2  }
0x16e: {  	[tilespmem:$0x1D6D0] =	vst v2  }
0x16f: {  	[tilespmem:$0x1D6E0] =	vst v2  }
0x170: {  	[tilespmem:$0x1D6F0] =	vst v2  }
0x171: {  	[tilespmem:$0x1D700] =	vst v2  }
0x172: {  	[tilespmem:$0x1D710] =	vst v2  }
0x173: {  	[tilespmem:$0x1D720] =	vst v2  }
0x174: {  	[tilespmem:$0x1D730] =	vst v2  }
0x175: {  	[tilespmem:$0x1D740] =	vst v2  }
0x176: {  	[tilespmem:$0x1D750] =	vst v2  }
0x177: {  	[tilespmem:$0x1D760] =	vst v2  }
0x178: {  	[tilespmem:$0x1D770] =	vst v2  }
0x179: {  	[tilespmem:$0x1D780] =	vst v2  }
0x17a: {  	[tilespmem:$0x1D790] =	vst v2  }
0x17b: {  	[tilespmem:$0x1D7A0] =	vst v2  }
0x17c: {  	[tilespmem:$0x1D7B0] =	vst v2  }
0x17d: {  	[tilespmem:$0x1D7C0] =	vst v2  }
0x17e: {  	[tilespmem:$0x1D7D0] =	vst v2  }
0x17f: {  	[tilespmem:$0x1D7E0] =	vst v2  }
0x180: {  	[tilespmem:$0x1D7F0] =	vst v2  }
0x181: {  	[tilespmem:$0x1D800] =	vst v2  }
0x182: {  	[tilespmem:$0x1D810] =	vst v2  }
0x183: {  	[tilespmem:$0x1D820] =	vst v2  }
0x184: {  	[tilespmem:$0x1D830] =	vst v2  }
0x185: {  	[tilespmem:$0x1D840] =	vst v2  }
0x186: {  	[tilespmem:$0x1D850] =	vst v2  }
0x187: {  	[tilespmem:$0x1D860] =	vst v2  }
0x188: {  	[tilespmem:$0x1D870] =	vst v2  }
0x189: {  	[tilespmem:$0x1D880] =	vst v2  }
0x18a: {  	[tilespmem:$0x1D890] =	vst v2  }
0x18b: {  	[tilespmem:$0x1D8A0] =	vst v2  }
0x18c: {  	[tilespmem:$0x1D8B0] =	vst v2  }
0x18d: {  	[tilespmem:$0x1D8C0] =	vst v2  }
0x18e: {  	[tilespmem:$0x1D8D0] =	vst v2  }
0x18f: {  	[tilespmem:$0x1D8E0] =	vst v2  }
0x190: {  	[tilespmem:$0x1D8F0] =	vst v2  }
0x191: {  	[tilespmem:$0x1D900] =	vst v2  }
0x192: {  	[tilespmem:$0x1D910] =	vst v2  }
0x193: {  	[tilespmem:$0x1D920] =	vst v2  }
0x194: {  	[tilespmem:$0x1D930] =	vst v2  }
0x195: {  	[tilespmem:$0x1D940] =	vst v2  }
0x196: {  	[tilespmem:$0x1D950] =	vst v2  }
0x197: {  	[tilespmem:$0x1D960] =	vst v2  }
0x198: {  	[tilespmem:$0x1D970] =	vst v2  }
0x199: {  	[tilespmem:$0x1D980] =	vst v2  }
0x19a: {  	[tilespmem:$0x1D990] =	vst v2  }
0x19b: {  	[tilespmem:$0x1D9A0] =	vst v2  }
0x19c: {  	[tilespmem:$0x1D9B0] =	vst v2  }
0x19d: {  	[tilespmem:$0x1D9C0] =	vst v2  }
0x19e: {  	[tilespmem:$0x1D9D0] =	vst v2  }
0x19f: {  	[tilespmem:$0x1D9E0] =	vst v2  }
0x1a0: {  	[tilespmem:$0x1D9F0] =	vst v2  }
0x1a1: {  	[tilespmem:$0x1DA00] =	vst v2  }
0x1a2: {  	[tilespmem:$0x1DA10] =	vst v2  }
0x1a3: {  	[tilespmem:$0x1DA20] =	vst v2  }
0x1a4: {  	[tilespmem:$0x1DA30] =	vst v2  }
0x1a5: {  	[tilespmem:$0x1DA40] =	vst v2  }
0x1a6: {  	[tilespmem:$0x1DA50] =	vst v2  }
0x1a7: {  	[tilespmem:$0x1DA60] =	vst v2  }
0x1a8: {  	[tilespmem:$0x1DA70] =	vst v2  }
0x1a9: {  	[tilespmem:$0x1DA80] =	vst v2  }
0x1aa: {  	[tilespmem:$0x1DA90] =	vst v2  }
0x1ab: {  	[tilespmem:$0x1DAA0] =	vst v2  }
0x1ac: {  	[tilespmem:$0x1DAB0] =	vst v2  }
0x1ad: {  	[tilespmem:$0x1DAC0] =	vst v2  }
0x1ae: {  	[tilespmem:$0x1DAD0] =	vst v2  }
0x1af: {  	[tilespmem:$0x1DAE0] =	vst v2  }
0x1b0: {  	[tilespmem:$0x1DAF0] =	vst v2  }
0x1b1: {  	[tilespmem:$0x1DB00] =	vst v2  }
0x1b2: {  	[tilespmem:$0x1DB10] =	vst v2  }
0x1b3: {  	[tilespmem:$0x1DB20] =	vst v2  }
0x1b4: {  	[tilespmem:$0x1DB30] =	vst v2  }
0x1b5: {  	[tilespmem:$0x1DB40] =	vst v2  }
0x1b6: {  	[tilespmem:$0x1DB50] =	vst v2  }
0x1b7: {  	[tilespmem:$0x1DB60] =	vst v2  }
0x1b8: {  	[tilespmem:$0x1DB70] =	vst v2  }
0x1b9: {  	[tilespmem:$0x1DB80] =	vst v2  }
0x1ba: {  	[tilespmem:$0x1DB90] =	vst v2  }
0x1bb: {  	[tilespmem:$0x1DBA0] =	vst v2  }
0x1bc: {  	[tilespmem:$0x1DBB0] =	vst v2  }
0x1bd: {  	[tilespmem:$0x1DBD0] =	vst v2  }
0x1be: {  	s0 =	simm.s32 $0x0;
	[tilespmem:$0x1DBF0] =	vst v2  }
0x1bf: {  	s1 =	simm.s32 $0x400;
	v19 =	vor.u32 s0, v1;
	[tilespmem:$0x1D410] =	vst v2;
	v20 =	vor.u32 s0, v4  }
0x1c0: {  	[tilespmem:s0], [sflag:$0x2] =	stream.strided.gather [hbm4b:s7+s9], $0x4000, s1, s9, $0x38;
	v19 =	vand.u32 v3, v19;
	[tilespmem:$0x1DC80] =	vst v63  }
0x1c1: {  	v21 =	vor.u32 s0, v5;
	_ =	swait.ge [sflag:s11], $0x4000  }
0x1c2: {  	v22 =	vor.u32 s0, v6;
	[sflag:s11] =	ssyncset.done $0x0  }
0x1c3: {  	v23 =	vor.u32 s0, v7;
	[sflag:s11] =	ssyncadd.s32 $0xFFFFC000  }
0x1c4: {  	v24 =	vor.u32 s0, v8;
	v20 =	vld.idx.msk [tilespmem:v20+s0+$0x0], $0xffff  }
0x1c5: {  	v25 =	vor.u32 s0, v9;
	v19 =	vld.idx.msk [tilespmem:v19+s0+$0x0], $0xffff  }
0x1c6: {  	v26 =	vor.u32 s0, v10;
	v21 =	vld.idx.msk [tilespmem:v21+s0+$0x0], $0xffff  }
0x1c7: {  	v27 =	vor.u32 s0, v11;
	v22 =	vld.idx.msk [tilespmem:v22+s0+$0x0], $0xffff  }
0x1c8: {  	v28 =	vor.u32 s0, v12;
	v23 =	vld.idx.msk [tilespmem:v23+s0+$0x0], $0xffff  }
0x1c9: {  	v29 =	vor.u32 s0, v13;
	v24 =	vld.idx.msk [tilespmem:v24+s0+$0x0], $0xffff  }
0x1ca: {  	v30 =	vor.u32 s0, v14;
	v25 =	vld.idx.msk [tilespmem:v25+s0+$0x0], $0xffff;
	v19 =	vmax.f32 v19, v20  }
0x1cb: {  	v20 =	vld.idx.msk [tilespmem:v26+s0+$0x0], $0xffff;
	v26 =	vor.u32 s0, v15;
	v19 =	vmax.f32 v19, v21  }
0x1cc: {  	v21 =	vld.idx.msk [tilespmem:v27+s0+$0x0], $0xffff;
	v27 =	vor.u32 s0, v16;
	v19 =	vmax.f32 v19, v22  }
0x1cd: {  	v58 =	vor.u32 s0, v17;
	v22 =	vld.idx.msk [tilespmem:v28+s0+$0x0], $0xffff;
	v19 =	vmax.f32 v19, v23  }
0x1ce: {  	v59 =	vor.u32 s0, v18;
	v23 =	vld.idx.msk [tilespmem:v29+s0+$0x0], $0xffff;
	v19 =	vmax.f32 v19, v24  }
0x1cf: {  	v24 =	vld.idx.msk [tilespmem:v30+s0+$0x0], $0xffff;
	v19 =	vmax.f32 v19, v25  }
0x1d0: {  	v25 =	vld.idx.msk [tilespmem:v26+s0+$0x0], $0xffff;
	v19 =	vmax.f32 v19, v20  }
0x1d1: {  	v20 =	vld.idx.msk [tilespmem:v27+s0+$0x0], $0xffff;
	v19 =	vmax.f32 v19, v21  }
0x1d2: {  	v21 =	vld.idx.msk [tilespmem:v58+s0+$0x0], $0xffff;
	v19 =	vmax.f32 v19, v22  }
0x1d3: {  	v22 =	vld.idx.msk [tilespmem:v59+s0+$0x0], $0xffff;
	v19 =	vmax.f32 v19, v23  }
0x1d4: {  	s10 =	simm.s32 $0x100;
	v19 =	vmax.f32 v19, v24  }
0x1d5: {  	v23 =	vor.u32 s10, v1;
	v24 =	vor.u32 s10, v4;
	v19 =	vmax.f32 v19, v25  }
0x1d6: {  	v23 =	vand.u32 v3, v23;
	v19 =	vmax.f32 v19, v20  }
0x1d7: {  	v20 =	vor.u32 s10, v5;
	v19 =	vmax.f32 v19, v21  }
0x1d8: {  	s1 =	simm.s32 $0x4000;
	v21 =	vor.u32 s10, v6;
	v19 =	vmax.f32 v19, v22  }
0x1d9: {  	v22 =	vor.u32 s10, v7;
	[tilespmem:s1+$0x0] =	vst v19  }
0x1da: {  	v19 =	vld.idx.msk [tilespmem:v24+s0+$0x0], $0xffff;
	v24 =	vor.u32 s10, v8  }
0x1db: {  	v25 =	vor.u32 s10, v9;
	v23 =	vld.idx.msk [tilespmem:v23+s0+$0x0], $0xffff  }
0x1dc: {  	v26 =	vor.u32 s10, v10;
	v20 =	vld.idx.msk [tilespmem:v20+s0+$0x0], $0xffff  }
0x1dd: {  	v27 =	vor.u32 s10, v11;
	v21 =	vld.idx.msk [tilespmem:v21+s0+$0x0], $0xffff  }
0x1de: {  	v60 =	vor.u32 s10, v12;
	v22 =	vld.idx.msk [tilespmem:v22+s0+$0x0], $0xffff  }
0x1df: {  	v24 =	vld.idx.msk [tilespmem:v24+s0+$0x0], $0xffff  }
0x1e0: {  	v61 =	vor.u32 s10, v13;
	v25 =	vld.idx.msk [tilespmem:v25+s0+$0x0], $0xffff;
	v19 =	vmax.f32 v23, v19  }
0x1e1: {  	v62 =	vor.u32 s10, v14;
	v23 =	vld.idx.msk [tilespmem:v26+s0+$0x0], $0xffff;
	v19 =	vmax.f32 v19, v20  }
0x1e2: {  	v26 =	vor.u32 s10, v15;
	v20 =	vld.idx.msk [tilespmem:v27+s0+$0x0], $0xffff;
	v19 =	vmax.f32 v19, v21  }
0x1e3: {  	v21 =	vld.idx.msk [tilespmem:v60+s0+$0x0], $0xffff;
	v19 =	vmax.f32 v19, v22;
	v22 =	vor.u32 s10, v16  }
0x1e4: {  	v19 =	vmax.f32 v19, v24;
	v24 =	vor.u32 s10, v17  }
0x1e5: {  	v27 =	vld.idx.msk [tilespmem:v61+s0+$0x0], $0xffff;
	v19 =	vmax.f32 v19, v25;
	v25 =	vor.u32 s10, v18  }
0x1e6: {  	v63 =	vld.idx.msk [tilespmem:v62+s0+$0x0], $0xffff;
	v19 =	vmax.f32 v19, v23  }
0x1e7: {  	v26 =	vld.idx.msk [tilespmem:v26+s0+$0x0], $0xffff;
	v19 =	vmax.f32 v19, v20  }
0x1e8: {  	v20 =	vmax.f32 v19, v21;
	v19 =	vld.idx.msk [tilespmem:v22+s0+$0x0], $0xffff  }
0x1e9: {  	v21 =	vld.idx.msk [tilespmem:v24+s0+$0x0], $0xffff  }
0x1ea: {  	v20 =	vmax.f32 v20, v27;
	v22 =	vld.idx.msk [tilespmem:v25+s0+$0x0], $0xffff  }
0x1eb: {  	s10 =	simm.s32 $0x200;
	v24 =	vmax.f32 v20, v63  }
0x1ec: {  	s13 =	simm.s32 $0x300;
	v23 =	vor.u32 s10, v1;
	v20 =	vor.u32 s10, v4;
	v24 =	vmax.f32 v24, v26  }
.LBB2_5:
0x1ed: {  	p0 =	sne.s32 s13, $0x3F00;
	v23 =	vand.u32 v3, v23;
	v19 =	vmax.f32 v24, v19  }
0x1ee: {  	v24 =	vor.u32 s10, v5;
	v19 =	vmax.f32 v19, v21  }
0x1ef: {  	s1 =	sadd.s32 $0x10, s1;
	v21 =	vor.u32 s10, v6;
	v19 =	vmax.f32 v19, v22  }
0x1f0: {  	v22 =	vor.u32 s10, v7;
	[tilespmem:s1+$0x0] =	vst v19  }
0x1f1: {  	v19 =	vld.idx.msk [tilespmem:v20+s0+$0x0], $0xffff;
	v20 =	vor.u32 s10, v8  }
0x1f2: {  	v25 =	vor.u32 s10, v9;
	v23 =	vld.idx.msk [tilespmem:v23+s0+$0x0], $0xffff  }
0x1f3: {  	v26 =	vor.u32 s10, v10;
	v24 =	vld.idx.msk [tilespmem:v24+s0+$0x0], $0xffff  }
0x1f4: {  	v27 =	vor.u32 s10, v11;
	v21 =	vld.idx.msk [tilespmem:v21+s0+$0x0], $0xffff  }
0x1f5: {  	v28 =	vor.u32 s10, v12;
	v22 =	vld.idx.msk [tilespmem:v22+s0+$0x0], $0xffff  }
0x1f6: {  	v29 =	vor.u32 s10, v13;
	v20 =	vld.idx.msk [tilespmem:v20+s0+$0x0], $0xffff  }
0x1f7: {  	v30 =	vor.u32 s10, v14;
	v25 =	vld.idx.msk [tilespmem:v25+s0+$0x0], $0xffff  }
0x1f8: {  	v19 =	vmax.f32 v23, v19;
	v23 =	vld.idx.msk [tilespmem:v26+s0+$0x0], $0xffff;
	v26 =	vor.u32 s10, v15  }
0x1f9: {  	v19 =	vmax.f32 v19, v24;
	v24 =	vld.idx.msk [tilespmem:v27+s0+$0x0], $0xffff;
	v27 =	vor.u32 s10, v16  }
0x1fa: {  	v19 =	vmax.f32 v19, v21;
	v21 =	vor.u32 s10, v17;
	v28 =	vld.idx.msk [tilespmem:v28+s0+$0x0], $0xffff  }
0x1fb: {  	v19 =	vmax.f32 v19, v22;
	v22 =	vor.u32 s10, v18;
	s10 =	smov.u32 s13;
	v29 =	vld.idx.msk [tilespmem:v29+s0+$0x0], $0xffff  }
0x1fc: {  	v19 =	vmax.f32 v19, v20;
	v20 =	vld.idx.msk [tilespmem:v30+s0+$0x0], $0xffff  }
0x1fd: {  	v19 =	vmax.f32 v19, v25;
	v25 =	vld.idx.msk [tilespmem:v26+s0+$0x0], $0xffff  }
0x1fe: {  	v23 =	vmax.f32 v19, v23;
	v19 =	vld.idx.msk [tilespmem:v27+s0+$0x0], $0xffff  }
.Ltmp4:
0x1ff: {  	v23 =	vmax.f32 v23, v24;
	v21 =	vld.idx.msk [tilespmem:v21+s0+$0x0], $0xffff;
	(pc) =	sbr.rel @p0 .LBB2_5-.Ltmp4, $4  }
0x200: {  	v23 =	vmax.f32 v23, v28;
	v22 =	vld.idx.msk [tilespmem:v22+s0+$0x0], $0xffff  }
0x201: {  	v23 =	vmax.f32 v23, v29  }
0x202: {  	v24 =	vmax.f32 v23, v20  }
0x203: {  	s13 =	sadd.s32 $0x100, s13;
	v23 =	vor.u32 s10, v1;
	v20 =	vor.u32 s10, v4;
	v24 =	vmax.f32 v24, v25  }
0x204: {  	v23 =	vand.u32 v3, v23;
	v19 =	vmax.f32 v24, v19  }
0x205: {  	v56 =	vor.u32 s10, v5;
	v19 =	vmax.f32 v19, v21  }
0x206: {  	s1 =	sadd.s32 $0x10, s1;
	v21 =	vor.u32 s10, v6;
	v19 =	vmax.f32 v19, v22  }
0x207: {  	v22 =	vor.u32 s10, v7;
	[tilespmem:s1+$0x0] =	vst v19  }
0x208: {  	v19 =	vld.idx.msk [tilespmem:v20+s0+$0x0], $0xffff;
	v20 =	vor.u32 s10, v8  }
0x209: {  	v25 =	vor.u32 s10, v9;
	v23 =	vld.idx.msk [tilespmem:v23+s0+$0x0], $0xffff  }
0x20a: {  	v26 =	vor.u32 s10, v10;
	v24 =	vld.idx.msk [tilespmem:v56+s0+$0x0], $0xffff  }
0x20b: {  	v27 =	vor.u32 s10, v11;
	v21 =	vld.idx.msk [tilespmem:v21+s0+$0x0], $0xffff  }
0x20c: {  	v28 =	vor.u32 s10, v12;
	v22 =	vld.idx.msk [tilespmem:v22+s0+$0x0], $0xffff  }
0x20d: {  	v29 =	vor.u32 s10, v13;
	v20 =	vld.idx.msk [tilespmem:v20+s0+$0x0], $0xffff  }
0x20e: {  	v30 =	vor.u32 s10, v14;
	v25 =	vld.idx.msk [tilespmem:v25+s0+$0x0], $0xffff;
	v19 =	vmax.f32 v23, v19  }
0x20f: {  	v57 =	vor.u32 s10, v15;
	v23 =	vld.idx.msk [tilespmem:v26+s0+$0x0], $0xffff;
	v19 =	vmax.f32 v19, v24  }
0x210: {  	v59 =	vor.u32 s10, v16;
	v58 =	vld.idx.msk [tilespmem:v27+s0+$0x0], $0xffff;
	v19 =	vmax.f32 v19, v21  }
0x211: {  	v60 =	vor.u32 s10, v17;
	v21 =	vld.idx.msk [tilespmem:v28+s0+$0x0], $0xffff;
	v19 =	vmax.f32 v19, v22  }
0x212: {  	v61 =	vor.u32 s10, v18;
	v22 =	vld.idx.msk [tilespmem:v29+s0+$0x0], $0xffff;
	v19 =	vmax.f32 v19, v20  }
0x213: {  	v20 =	vld.idx.msk [tilespmem:v30+s0+$0x0], $0xffff;
	v19 =	vmax.f32 v19, v25  }
0x214: {  	v62 =	vld.idx.msk [tilespmem:v57+s0+$0x0], $0xffff;
	v19 =	vmax.f32 v19, v23  }
0x215: {  	v23 =	vld.idx.msk [tilespmem:v59+s0+$0x0], $0xffff;
	v19 =	vmax.f32 v19, v58  }
0x216: {  	v63 =	vld.idx.msk [tilespmem:v60+s0+$0x0], $0xffff;
	v19 =	vmax.f32 v19, v21  }
0x217: {  	v21 =	vld.idx.msk [tilespmem:v61+s0+$0x0], $0xffff;
	v19 =	vmax.f32 v19, v22  }
0x218: {  	v19 =	vmax.f32 v19, v20  }
0x219: {  	v19 =	vmax.f32 v19, v62  }
0x21a: {  	v19 =	vmax.f32 v19, v23  }
0x21b: {  	v19 =	vmax.f32 v19, v63  }
0x21c: {  	s30 =	sadd.s32 $0x10, s1;
	v19 =	vmax.f32 v19, v21  }
0x21d: {  	s31 =	simm.s32 $0x0;
	[tilespmem:s30+$0x0] =	vst v19  }
0x21e: {  	s0 =	simm.s32 $0x40;
	v19 =	vimm.f32 $0.0e+00;
	v20 =	vld [tilespmem:s31+$0x4000]  }
.LBB2_7:
0x21f: {  	p0 =	sne.s32 s0, $0xFC0  }
.Ltmp5:
0x220: {  	_ = 	snop;
	(pc) =	sbr.rel @p0 .LBB2_7-.Ltmp5, $3  }
0x221: {  	_ =	sdelay $0x1  }
0x222: {  	s1 =	sshra.s32 s0, $0x2;
	s0 =	sadd.s32 $0x40, s0;
	v19 =	vmax.f32 v19, v20  }
0x223: {  	v20 =	vld [tilespmem:s1+$0x4000]  }
0x224: {  	_ =	sdelay $0x3  }
0x225: {  	v19 =	vmax.f32 v19, v20  }
0x226: {  	v19 =	vxor.u32 $0x80000000, v19  }
0x227: {  	(xrf0) =	vmax.scan.msk.u32 $0xffff, v19;
	_ =	sdelay $0x5  }
0x228: {  	v19, _, _ =	vpop (xrf0)  }
0x229: {  	(v2sf) =	vpush v19, $0xF;
	_ =	sdelay $0xe  }
0x22a: {  	s1 =	spop (v2sf)  }
0x22b: {  	p0 =	sgt.s32 s1, $0xFFFFFFFD  }
.Ltmp6:
0x22c: {  	_ = 	snop;
	(pc) =	sbr.rel @p0 .LBB2_13-.Ltmp6, $3  }
0x22d: {  	_ =	sdelay $0x1  }
0x22e: {  	s30 =	sadd.s32 $0x80000001, s1  }
0x22f: {  	s0 =	smov.u32 s30  }
0x230: {  	s10 =	sadd.s32 $0x80000002, s1;
	s1 =	simm.s32 $0xFFFFFFFF;
	s0 =	smov.u32 s30  }
.LBB2_10:
0x231: {  	s17 =	simm.s32 $0x0  }
0x232: {  	v20 =	vld [tilespmem:s17+$0x4000]  }
0x233: {  	v22 =	vld [tilespmem:s17+$0x4010]  }
0x234: {  	s10 =	sshrl.u32 s10, $0x1;
	v24 =	vld [tilespmem:s17+$0x4020]  }
0x235: {  	s10 =	sadd.s32 s1, s10;
	v23 =	vld [tilespmem:s17+$0x4030]  }
0x236: {  	v21 =	vld [tilespmem:s17+$0x4040];
	v19 =	vmov s10  }
0x237: {  	vm2 =	vgt.s32 v20, v19;
	v20 =	vld [tilespmem:s17+$0x4050]  }
0x238: {  	v25 =	vimm.s32 $0x0;
	v26 =	vsel vm2, $0x1, v2;
	vm2 =	vgt.s32 v22, v19;
	v22 =	vld [tilespmem:s17+$0x4060]  }
0x239: {  	s13 =	simm.s32 $0x80;
	s15 =	simm.s32 $0x400;
	v25 =	vadd.s32 v26, v25;
	v26 =	vsel vm2, $0x1, v2;
	vm2 =	vgt.s32 v24, v19;
	v24 =	vld [tilespmem:s17+$0x4070]  }
.LBB2_11:
0x23a: {  	p0 =	sne.s32 s15, $0xE00;
	v27 =	vld [tilespmem:s13+$0x4000];
	v25 =	vadd.s32 v26, v25;
	v26 =	vsel vm2, $0x1, v2;
	vm2 =	vgt.s32 v23, v19  }
0x23b: {  	v28 =	vld [tilespmem:s13+$0x4010];
	v23 =	vadd.s32 v26, v25;
	v25 =	vsel vm2, $0x1, v2;
	vm2 =	vgt.s32 v21, v19  }
0x23c: {  	v29 =	vld [tilespmem:s13+$0x4020];
	v21 =	vadd.s32 v25, v23;
	v25 =	vsel vm2, $0x1, v2;
	vm2 =	vgt.s32 v20, v19  }
.Ltmp7:
0x23d: {  	v23 =	vld [tilespmem:s13+$0x4030];
	v20 =	vadd.s32 v25, v21;
	v25 =	vsel vm2, $0x1, v2;
	vm2 =	vgt.s32 v22, v19;
	(pc) =	sbr.rel @p0 .LBB2_11-.Ltmp7, $4  }
0x23e: {  	v21 =	vld [tilespmem:s13+$0x4040];
	v22 =	vadd.s32 v25, v20;
	v25 =	vsel vm2, $0x1, v2;
	vm2 =	vgt.s32 v24, v19  }
0x23f: {  	vm3 =	vgt.s32 v27, v19;
	v20 =	vld [tilespmem:s13+$0x4050];
	v24 =	vadd.s32 v25, v22;
	v25 =	vsel vm2, $0x1, v2  }
0x240: {  	v26 =	vsel vm3, $0x1, v2;
	vm2 =	vgt.s32 v28, v19;
	v22 =	vld [tilespmem:s13+$0x4060];
	v24 =	vadd.s32 v25, v24  }
0x241: {  	v25 =	vadd.s32 v26, v24;
	v26 =	vsel vm2, $0x1, v2;
	vm2 =	vgt.s32 v29, v19;
	v24 =	vld [tilespmem:s13+$0x4070];
	s13 =	sshra.s32 s15, $0x2;
	s15 =	sadd.s32 $0x200, s15  }
0x242: {  	v27 =	vld [tilespmem:s13+$0x4000];
	v25 =	vadd.s32 v26, v25;
	v47 =	vsel vm2, $0x1, v2;
	vm2 =	vgt.s32 v23, v19  }
0x243: {  	v48 =	vld [tilespmem:s13+$0x4010];
	v25 =	vadd.s32 v47, v25;
	v49 =	vsel vm2, $0x1, v2;
	vm2 =	vgt.s32 v21, v19  }
0x244: {  	v50 =	vld [tilespmem:s13+$0x4020];
	v25 =	vadd.s32 v49, v25;
	v51 =	vsel vm2, $0x1, v2;
	vm2 =	vgt.s32 v20, v19  }
0x245: {  	v20 =	vld [tilespmem:s13+$0x4030];
	v25 =	vadd.s32 v51, v25;
	v52 =	vsel vm2, $0x1, v2;
	vm2 =	vgt.s32 v22, v19  }
0x246: {  	v53 =	vld [tilespmem:s13+$0x4040];
	v25 =	vadd.s32 v52, v25;
	v54 =	vsel vm2, $0x1, v2;
	vm2 =	vgt.s32 v24, v19  }
0x247: {  	v55 =	vld [tilespmem:s13+$0x4050];
	vm3 =	vgt.s32 v27, v19;
	v25 =	vadd.s32 v54, v25;
	v56 =	vsel vm2, $0x1, v2  }
0x248: {  	v57 =	vld [tilespmem:s13+$0x4060];
	vm2 =	vgt.s32 v48, v19;
	v27 =	vsel vm3, $0x1, v2;
	v25 =	vadd.s32 v56, v25  }
0x249: {  	v59 =	vld [tilespmem:s13+$0x4070];
	v58 =	vsel vm2, $0x1, v2;
	vm2 =	vgt.s32 v50, v19;
	v25 =	vadd.s32 v27, v25  }
0x24a: {  	v60 =	vsel vm2, $0x1, v2;
	vm2 =	vgt.s32 v20, v19;
	v25 =	vadd.s32 v58, v25  }
0x24b: {  	v61 =	vsel vm2, $0x1, v2;
	vm2 =	vgt.s32 v53, v19;
	v20 =	vadd.s32 v60, v25  }
0x24c: {  	v22 =	vsel vm2, $0x1, v2;
	vm2 =	vgt.s32 v55, v19;
	v20 =	vadd.s32 v61, v20  }
0x24d: {  	v62 =	vsel vm2, $0x1, v2;
	vm2 =	vgt.s32 v57, v19;
	v20 =	vadd.s32 v22, v20  }
0x24e: {  	v63 =	vsel vm2, $0x1, v2;
	vm2 =	vgt.s32 v59, v19;
	v20 =	vadd.s32 v62, v20  }
0x24f: {  	v19 =	vadd.s32 v63, v20;
	v20 =	vsel vm2, $0x1, v2  }
0x250: {  	v19 =	vadd.s32 v20, v19  }
0x251: {  	(xrf0) =	vadd.scan.msk.s32 $0xffff, v19;
	_ =	sdelay $0x5  }
0x252: {  	v19, _, _ =	vpop (xrf0)  }
0x253: {  	(v2sf) =	vpush v19, $0xF;
	_ =	sdelay $0xe  }
0x254: {  	s31 =	spop (v2sf)  }
0x255: {  	s13 =	smov.u32 s10;
	p0 =	slt.s32 s31, $0x200  }
0x256: {  	s13 =	smov.u32 @p0 s1;
	s0 =	smov.u32 @p0 s10  }
0x257: {  	s10 =	ssub.s32 s0, s13  }
0x258: {  	p0 =	sgt.s32 s10, $0x1  }
.Ltmp8:
0x259: {  	_ = 	snop;
	(pc) =	sbr.rel @p0 .LBB2_10-.Ltmp8, $2  }
0x25a: {  	_ =	sdelay $0x2  }
0x25b: {  	s1 =	smov.u32 s13  }
.LBB2_13:
0x25c: {  	s10 =	simm.s32 $0x0  }
0x25d: {  	v20 =	vld [tilespmem:s10+$0x0];
	_ =	sdelay $0x3  }
0x25e: {  	v19 =	vmov s0  }
0x25f: {  	s1 =	simm.s32 $0x0;
	vm2 =	vge.s32 v20, v19  }
0x260: {  	[tilespmem:s1+$0x14C00] =	vst.msk vm2, v20;
	v20 =	vmpcnt.ones.xlane vm2  }
0x261: {  	v21 =	vld [tilespmem:s10+$0x10]  }
0x262: {  	(v2sf) =	vpush v20, $0x0;
	_ =	sdelay $0x3  }
0x263: {  	vm2 =	vge.s32 v21, v19  }
0x264: {  	v20 =	vmpcnt.ones.xlane vm2;
	_ =	sdelay $0x1  }
0x265: {  	(v2sf) =	vpush v20, $0x0;
	_ =	sdelay $0x7  }
0x266: {  	s17 =	spop (v2sf)  }
0x267: {  	s1 =	sadd.s32 $0x0, s17  }
0x268: {  	p0 =	slt.s32 s1, $0x3FF0  }
0x269: {  	s1 =	simm.s32 @!p0 $0x3FF0  }
0x26a: {  	[tilespmem:s1+$0x14C00] =	vst.msk vm2, v21  }
0x26b: {  	v20 =	vld [tilespmem:s10+$0x20];
	_ =	sdelay $0x1  }
0x26c: {  	s13 =	spop (v2sf)  }
0x26d: {  	s1 =	sadd.s32 s1, s13  }
0x26e: {  	p0 =	slt.s32 s1, $0x3FF0  }
0x26f: {  	s1 =	simm.s32 @!p0 $0x3FF0;
	vm2 =	vge.s32 v20, v19  }
0x270: {  	[tilespmem:s1+$0x14C00] =	vst.msk vm2, v20  }
0x271: {  	v21 =	vmpcnt.ones.xlane vm2;
	v20 =	vld [tilespmem:s10+$0x30];
	_ =	sdelay $0x1  }
0x272: {  	(v2sf) =	vpush v21, $0x0;
	_ =	sdelay $0x2  }
0x273: {  	vm2 =	vge.s32 v20, v19  }
0x274: {  	v21 =	vmpcnt.ones.xlane vm2;
	_ =	sdelay $0x1  }
0x275: {  	(v2sf) =	vpush v21, $0x0;
	_ =	sdelay $0x8  }
0x276: {  	s19 =	spop (v2sf)  }
0x277: {  	s1 =	sadd.s32 s1, s19  }
0x278: {  	p0 =	slt.s32 s1, $0x3FF0  }
0x279: {  	s1 =	simm.s32 @!p0 $0x3FF0  }
0x27a: {  	s10 =	simm.s32 $0x40;
	[tilespmem:s1+$0x14C00] =	vst.msk vm2, v20  }
0x27b: {  	v20 =	vld [tilespmem:s10+$0x0]  }
0x27c: {  	s31 =	spop (v2sf)  }
0x27d: {  	s15 =	sadd.s32 s1, s31  }
0x27e: {  	s1 =	simm.s32 $0x200;
	p1 =	slt.s32 s15, $0x3FF0  }
.LBB2_14:
0x27f: {  	p0 =	sne.s32 s1, $0xFF00  }
0x280: {  	vm2 =	vge.s32 v20, v19;
	s15 =	simm.s32 @!p1 $0x3FF0;
	s13 =	smov.u32 s1;
	s1 =	sadd.s32 $0x100, s1  }
0x281: {  	[tilespmem:s15+$0x14C00] =	vst.msk vm2, v20;
	v20 =	vmpcnt.ones.xlane vm2  }
0x282: {  	v21 =	vld [tilespmem:s10+$0x10]  }
0x283: {  	(v2sf) =	vpush v20, $0x0;
	_ =	sdelay $0x3  }
0x284: {  	vm2 =	vge.s32 v21, v19  }
0x285: {  	v20 =	vmpcnt.ones.xlane vm2;
	_ =	sdelay $0x1  }
0x286: {  	(v2sf) =	vpush v20, $0x0;
	_ =	sdelay $0x7  }
0x287: {  	s17 =	spop (v2sf)  }
0x288: {  	s15 =	sadd.s32 s15, s17  }
0x289: {  	p1 =	slt.s32 s15, $0x3FF0  }
0x28a: {  	s15 =	simm.s32 @!p1 $0x3FF0  }
0x28b: {  	[tilespmem:s15+$0x14C00] =	vst.msk vm2, v21  }
0x28c: {  	v20 =	vld [tilespmem:s10+$0x20];
	_ =	sdelay $0x1  }
0x28d: {  	s17 =	spop (v2sf)  }
0x28e: {  	s15 =	sadd.s32 s15, s17  }
0x28f: {  	p1 =	slt.s32 s15, $0x3FF0  }
0x290: {  	s15 =	simm.s32 @!p1 $0x3FF0;
	vm2 =	vge.s32 v20, v19  }
0x291: {  	[tilespmem:s15+$0x14C00] =	vst.msk vm2, v20;
	v20 =	vmpcnt.ones.xlane vm2  }
0x292: {  	v21 =	vld [tilespmem:s10+$0x30]  }
0x293: {  	(v2sf) =	vpush v20, $0x0;
	_ =	sdelay $0x3  }
0x294: {  	vm2 =	vge.s32 v21, v19  }
0x295: {  	v20 =	vmpcnt.ones.xlane vm2;
	_ =	sdelay $0x1  }
0x296: {  	(v2sf) =	vpush v20, $0x0;
	_ =	sdelay $0x7  }
0x297: {  	s10 =	spop (v2sf)  }
0x298: {  	s15 =	sadd.s32 s15, s10  }
0x299: {  	p1 =	slt.s32 s15, $0x3FF0  }
0x29a: {  	s15 =	simm.s32 @!p1 $0x3FF0  }
0x29b: {  	s10 =	sshra.s32 s13, $0x2;
	[tilespmem:s15+$0x14C00] =	vst.msk vm2, v21  }
.Ltmp9:
0x29c: {  	v20 =	vld [tilespmem:s10+$0x0];
	(pc) =	sbr.rel @p0 .LBB2_14-.Ltmp9, $4  }
0x29d: {  	_ = 	snop  }
0x29e: {  	s13 =	spop (v2sf)  }
0x29f: {  	s15 =	sadd.s32 s15, s13  }
0x2a0: {  	p1 =	slt.s32 s15, $0x3FF0  }
0x2a1: {  	vm2 =	vge.s32 v20, v19;
	s15 =	simm.s32 @!p1 $0x3FF0  }
0x2a2: {  	[tilespmem:s15+$0x14C00] =	vst.msk vm2, v20;
	v20 =	vmpcnt.ones.xlane vm2  }
0x2a3: {  	v21 =	vld [tilespmem:s10+$0x10]  }
0x2a4: {  	(v2sf) =	vpush v20, $0x0;
	_ =	sdelay $0x3  }
0x2a5: {  	vm2 =	vge.s32 v21, v19  }
0x2a6: {  	v20 =	vmpcnt.ones.xlane vm2;
	_ =	sdelay $0x1  }
0x2a7: {  	(v2sf) =	vpush v20, $0x0;
	_ =	sdelay $0x7  }
0x2a8: {  	s1 =	spop (v2sf)  }
0x2a9: {  	s1 =	sadd.s32 s15, s1  }
0x2aa: {  	p0 =	slt.s32 s1, $0x3FF0  }
0x2ab: {  	s1 =	simm.s32 @!p0 $0x3FF0  }
0x2ac: {  	[tilespmem:s1+$0x14C00] =	vst.msk vm2, v21  }
0x2ad: {  	v20 =	vld [tilespmem:s10+$0x20];
	_ =	sdelay $0x1  }
0x2ae: {  	s13 =	spop (v2sf)  }
0x2af: {  	s1 =	sadd.s32 s1, s13  }
0x2b0: {  	p0 =	slt.s32 s1, $0x3FF0  }
0x2b1: {  	s1 =	simm.s32 @!p0 $0x3FF0;
	vm2 =	vge.s32 v20, v19  }
0x2b2: {  	[tilespmem:s1+$0x14C00] =	vst.msk vm2, v20  }
0x2b3: {  	v20 =	vld [tilespmem:s10+$0x30];
	_ =	sdelay $0x2  }
0x2b4: {  	v63 =	vmpcnt.ones.xlane vm2;
	_ =	sdelay $0x1  }
0x2b5: {  	(v2sf) =	vpush v63, $0x0;
	vm2 =	vge.s32 v20, v19  }
0x2b6: {  	v19 =	vmpcnt.ones.xlane vm2;
	_ =	sdelay $0x1  }
0x2b7: {  	(v2sf) =	vpush v19, $0x0;
	_ =	sdelay $0xa  }
0x2b8: {  	s0 =	sadd.s32 $0xFFFFFFFF, s0  }
0x2b9: {  	s10 =	ssub.s32 s30, s0;
	s17 =	spop (v2sf)  }
0x2ba: {  	p1 =	sgt.s32 s10, $0x1;
	s15 =	sadd.s32 s1, s17  }
.Ltmp10:
0x2bb: {  	p0 =	slt.s32 s15, $0x3FF0;
	(pc) =	sbr.rel @!p1 .LBB2_25-.Ltmp10, $4  }
0x2bc: {  	s15 =	simm.s32 @!p0 $0x3FF0;
	s19 =	spop (v2sf)  }
0x2bd: {  	s1 =	sadd.s32 s15, s19  }
0x2be: {  	p0 =	slt.s32 s1, $0x3FF0;
	s13 =	smov.u32 s1  }
0x2bf: {  	s31 =	smov.u32 s30;
	[tilespmem:s15+$0x14C00] =	vst.msk vm2, v20;
	s13 =	simm.s32 @!p0 $0x3FF0  }
0x2c0: {  	s13 =	sadd.s32 $0x7F, s13  }
0x2c1: {  	p0 =	slt.s32 s1, $0xFFFFFF82;
	s15 =	sand.u32 $0x7F, s13  }
.Ltmp11:
0x2c2: {  	s17 =	sshra.s32 s13, $0x1F;
	p1 =	sne.s32 s15, $0x0;
	(pc) =	sbr.rel .LBB2_17-.Ltmp11, $4  }
0x2c3: {  	s19 =	sshrl.u32 s17, $0x19;
	p0 =	por !p0, !p1  }
0x2c4: {  	s1 =	sadd.s32 s19, s13;
	s13 =	simm.s32 $0x1;
	p0 =	por !p0, !p0  }
0x2c5: {  	s1 =	sshra.s32 s1, $0x7;
	s13 =	simm.s32 @!p0 $0x0  }
0x2c6: {  	s31 =	smov.u32 s30;
	s1 =	ssub.s32 s1, s13  }
.LBB2_18:
0x2c7: {  	v19 =	vimm.s32 $0x0  }
.LBB2_24:
0x2c8: {  	(xrf0) =	vadd.scan.msk.s32 $0xffff, v19;
	_ =	sdelay $0x5  }
0x2c9: {  	v19, _, _ =	vpop (xrf0)  }
0x2ca: {  	(v2sf) =	vpush v19, $0xF;
	_ =	sdelay $0xe  }
0x2cb: {  	s13 =	spop (v2sf)  }
0x2cc: {  	p0 =	slt.s32 s13, $0x200;
	s13 =	smov.u32 s10  }
0x2cd: {  	s13 =	smov.u32 @p0 s0;
	s31 =	smov.u32 @p0 s10  }
0x2ce: {  	s10 =	ssub.s32 s31, s13  }
0x2cf: {  	p0 =	sgt.s32 s10, $0x1  }
.Ltmp12:
0x2d0: {  	_ = 	snop;
	(pc) =	sbr.rel @!p0 .LBB2_25-.Ltmp12, $2  }
0x2d1: {  	_ =	sdelay $0x2  }
0x2d2: {  	s0 =	smov.u32 s13  }
.LBB2_17:
0x2d3: {  	p0 =	slt.s32 s1, $0x1  }
.Ltmp13:
0x2d4: {  	_ = 	snop;
	(pc) =	sbr.rel @p0 .LBB2_18-.Ltmp13, $3  }
0x2d5: {  	_ =	sdelay $0x1  }
0x2d6: {  	s10 =	sshrl.u32 s10, $0x1  }
0x2d7: {  	s10 =	sadd.s32 s0, s10  }
0x2d8: {  	p1 =	sne.s32 s1, $0x1  }
.Ltmp14:
0x2d9: {  	_ = 	snop;
	(pc) =	sbr.rel @!p1 .LBB2_20-.Ltmp14, $3  }
0x2da: {  	_ =	sdelay $0x1  }
0x2db: {  	s13 =	simm.s32 $0x14C40  }
0x2dc: {  	v19 =	vmov s10;
	v20 =	vimm.s32 $0x0;
	s15 =	sadd.s32 $0xFFFFFFFF, s1;
	p0 =	por $0x0, $0x0;
	v21 =	vld [tilespmem:s13+$0xFFFFFFC0]  }
0x2dd: {  	v25 =	vld [tilespmem:s13+$0xFFFFFFD0]  }
0x2de: {  	v26 =	vld [tilespmem:s13+$0xFFFFFFE0]  }
0x2df: {  	v28 =	vld [tilespmem:s13+$0xFFFFFFF0];
	p1 =	sne.s32 s15, $0x1  }
.Ltmp15:
0x2e0: {  	v24 =	vld [tilespmem:s13+$0x0];
	(pc) =	sbr.rel @!p1 .LBB2_23-.Ltmp15, $4  }
0x2e1: {  	v22 =	vld [tilespmem:s13+$0x10];
	vm2 =	vgt.s32 v21, v19  }
0x2e2: {  	v23 =	vld [tilespmem:s13+$0x20];
	v21 =	vsel vm2, $0x1, v2;
	vm2 =	vgt.s32 v25, v19  }
0x2e3: {  	v25 =	vld [tilespmem:s13+$0x30];
	s13 =	simm.s32 $0x14CC0;
	v27 =	vadd.s32 v21, v20;
	v29 =	vsel vm2, $0x1, v2;
	vm2 =	vgt.s32 v26, v19  }
0x2e4: {  	s15 =	sadd.s32 $0xFFFFFFFF, s15;
	p0 =	por $0x1, $0x1;
	v21 =	vld [tilespmem:s13+$0xFFFFFFC0];
	v26 =	vadd.s32 v29, v27;
	v27 =	vsel vm2, $0x1, v2;
	vm2 =	vgt.s32 v28, v19  }
.LBB2_22:
0x2e5: {  	p1 =	sne.s32 s15, $0x1;
	v28 =	vld [tilespmem:s13+$0xFFFFFFD0];
	v26 =	vadd.s32 v27, v26;
	v27 =	vsel vm2, $0x1, v2;
	vm2 =	vgt.s32 v24, v19  }
0x2e6: {  	v29 =	vld [tilespmem:s13+$0xFFFFFFE0];
	v24 =	vadd.s32 v27, v26;
	v26 =	vsel vm2, $0x1, v2;
	vm2 =	vgt.s32 v22, v19  }
0x2e7: {  	v30 =	vld [tilespmem:s13+$0xFFFFFFF0];
	v22 =	vadd.s32 v26, v24;
	v26 =	vsel vm2, $0x1, v2;
	vm2 =	vgt.s32 v23, v19  }
.Ltmp16:
0x2e8: {  	v24 =	vld [tilespmem:s13+$0x0];
	v23 =	vadd.s32 v26, v22;
	v26 =	vsel vm2, $0x1, v2;
	vm2 =	vgt.s32 v25, v19;
	(pc) =	sbr.rel @p1 .LBB2_22-.Ltmp16, $4  }
0x2e9: {  	vm3 =	vgt.s32 v21, v19;
	v22 =	vld [tilespmem:s13+$0x10];
	v21 =	vadd.s32 v26, v23;
	v25 =	vsel vm2, $0x1, v2  }
0x2ea: {  	v26 =	vsel vm3, $0x1, v2;
	vm2 =	vgt.s32 v28, v19;
	v23 =	vld [tilespmem:s13+$0x20];
	v21 =	vadd.s32 v25, v21  }
0x2eb: {  	v26 =	vadd.s32 v26, v21;
	v27 =	vsel vm2, $0x1, v2;
	vm2 =	vgt.s32 v29, v19;
	v25 =	vld [tilespmem:s13+$0x30];
	s13 =	sadd.s32 $0x80, s13  }
0x2ec: {  	s15 =	sadd.s32 $0xFFFFFFFF, s15;
	v21 =	vld [tilespmem:s13+$0xFFFFFFC0];
	v26 =	vadd.s32 v27, v26;
	v27 =	vsel vm2, $0x1, v2;
	vm2 =	vgt.s32 v30, v19  }
.LBB2_23:
0x2ed: {  	v26 =	vadd.s32 @p0 v27, v26;
	v27 =	vsel @p0 vm2, $0x1, v2;
	vm2 =	vgt.s32 @p0 v24, v19  }
0x2ee: {  	v52 =	vld [tilespmem:s13+$0xFFFFFFD0];
	v26 =	vadd.s32 @p0 v27, v26;
	v27 =	vsel @p0 vm2, $0x1, v2;
	vm2 =	vgt.s32 @p0 v22, v19  }
0x2ef: {  	v53 =	vld [tilespmem:s13+$0xFFFFFFE0];
	v26 =	vadd.s32 @p0 v27, v26;
	v27 =	vsel @p0 vm2, $0x1, v2;
	vm2 =	vgt.s32 @p0 v23, v19  }
0x2f0: {  	v54 =	vld [tilespmem:s13+$0xFFFFFFF0];
	v26 =	vadd.s32 @p0 v27, v26;
	v27 =	vsel @p0 vm2, $0x1, v2;
	vm2 =	vgt.s32 @p0 v25, v19  }
0x2f1: {  	v55 =	vld [tilespmem:s13+$0x0];
	v26 =	vadd.s32 @p0 v27, v26;
	v27 =	vsel @p0 vm2, $0x1, v2  }
0x2f2: {  	v56 =	vld [tilespmem:s13+$0x10];
	vm2 =	vgt.s32 v21, v19;
	v26 =	vadd.s32 @p0 v27, v26  }
0x2f3: {  	v58 =	vld [tilespmem:s13+$0x20];
	v57 =	vsel vm2, $0x1, v2;
	vm2 =	vgt.s32 v52, v19;
	v20 =	vpsel p0, v26, v20  }
0x2f4: {  	v60 =	vld [tilespmem:s13+$0x30];
	v59 =	vsel vm2, $0x1, v2;
	vm2 =	vgt.s32 v53, v19;
	v20 =	vadd.s32 v57, v20  }
0x2f5: {  	v61 =	vsel vm2, $0x1, v2;
	vm2 =	vgt.s32 v54, v19;
	v20 =	vadd.s32 v59, v20  }
0x2f6: {  	v23 =	vsel vm2, $0x1, v2;
	vm2 =	vgt.s32 v55, v19;
	v20 =	vadd.s32 v61, v20  }
.Ltmp17:
0x2f7: {  	v62 =	vsel vm2, $0x1, v2;
	vm2 =	vgt.s32 v56, v19;
	v20 =	vadd.s32 v23, v20;
	(pc) =	sbr.rel .LBB2_24-.Ltmp17, $4  }
0x2f8: {  	v21 =	vsel vm2, $0x1, v2;
	vm2 =	vgt.s32 v58, v19;
	v20 =	vadd.s32 v62, v20  }
0x2f9: {  	v63 =	vsel vm2, $0x1, v2;
	vm2 =	vgt.s32 v60, v19;
	v20 =	vadd.s32 v21, v20  }
0x2fa: {  	v19 =	vadd.s32 v63, v20;
	v20 =	vsel vm2, $0x1, v2  }
0x2fb: {  	v19 =	vadd.s32 v20, v19  }
.LBB2_20:
.Ltmp18:
0x2fc: {  	(pc) =	sbr.rel .LBB2_23-.Ltmp18, $2  }
0x2fd: {  	_ =	sdelay $0x2  }
0x2fe: {  	_ = 	snop  }
.LBB2_25:
0x2ff: {  	s0 =	simm.s32 $0x0;
	s1 =	simm.s32 $0x200  }
.LBB2_26:
0x300: {  	p0 =	sne.s32 s1, $0xFE00;
	[tilespmem:s0+$0x14C70] =	vst v2  }
0x301: {  	[tilespmem:s0+$0x14C00] =	vst v2  }
0x302: {  	[tilespmem:s0+$0x14C10] =	vst v2  }
.Ltmp19:
0x303: {  	[tilespmem:s0+$0x14C20] =	vst v2;
	(pc) =	sbr.rel @p0 .LBB2_26-.Ltmp19, $4  }
0x304: {  	[tilespmem:s0+$0x14C30] =	vst v2  }
0x305: {  	[tilespmem:s0+$0x14C40] =	vst v2  }
0x306: {  	[tilespmem:s0+$0x14C50] =	vst v2  }
0x307: {  	[tilespmem:s0+$0x14C60] =	vst v2;
	s0 =	sshra.s32 s1, $0x2;
	s1 =	sadd.s32 $0x200, s1  }
0x308: {  	[tilespmem:s0+$0x14C70] =	vst v2  }
0x309: {  	[tilespmem:s0+$0x14C00] =	vst v2  }
0x30a: {  	[tilespmem:s0+$0x14C10] =	vst v2  }
0x30b: {  	[tilespmem:s0+$0x14C20] =	vst v2  }
0x30c: {  	[tilespmem:s0+$0x14C30] =	vst v2  }
0x30d: {  	[tilespmem:s0+$0x14C40] =	vst v2  }
0x30e: {  	[tilespmem:s0+$0x14C50] =	vst v2  }
0x30f: {  	[tilespmem:s0+$0x14C60] =	vst v2;
	s0 =	simm.s32 $0x20  }
0x310: {  	v20 =	vld [tilespmem:s0+$0xFFFFFFE0];
	_ =	sdelay $0x3  }
0x311: {  	v19 =	vmov s31;
	s1 =	sadd.s32 $0x0, s5  }
0x312: {  	s10 =	simm.s32 $0x0;
	vm2 =	vge.s32 v20, v19;
	v20 =	vor.u32 s1, v0  }
0x313: {  	[tilespmem:s10+$0x4400] =	vst.msk vm2, v20;
	v20 =	vshrl.u32 v20, $0x3;
	v21 =	vmpcnt.ones.xlane vm2  }
0x314: {  	[tilespmem:s10+$0x4800] =	vst.msk vm2, v20  }
0x315: {  	v20 =	vld [tilespmem:s0+$0xFFFFFFF0];
	(v2sf) =	vpush v21, $0x0;
	_ =	sdelay $0x4  }
0x316: {  	vm2 =	vge.s32 v20, v19  }
0x317: {  	v20 =	vmpcnt.ones.xlane vm2;
	_ =	sdelay $0x1  }
0x318: {  	(v2sf) =	vpush v20, $0x0;
	_ =	sdelay $0x6  }
0x319: {  	s15 =	spop (v2sf)  }
0x31a: {  	s10 =	sadd.s32 $0x0, s15  }
0x31b: {  	s13 =	sadd.s32 $0x10, s1;
	p0 =	slt.s32 s10, $0x3F0  }
0x31c: {  	v20 =	vor.u32 s13, v0;
	s10 =	simm.s32 @!p0 $0x3F0  }
0x31d: {  	[tilespmem:s10+$0x4400] =	vst.msk vm2, v20;
	v20 =	vshrl.u32 v20, $0x3  }
0x31e: {  	[tilespmem:s10+$0x4800] =	vst.msk vm2, v20  }
0x31f: {  	v20 =	vld [tilespmem:s0+$0x0];
	_ =	sdelay $0x1  }
0x320: {  	s17 =	spop (v2sf)  }
0x321: {  	s10 =	sadd.s32 s10, s17  }
0x322: {  	s19 =	sadd.s32 $0x20, s1;
	p0 =	slt.s32 s10, $0x3F0  }
0x323: {  	s10 =	simm.s32 @!p0 $0x3F0;
	vm2 =	vge.s32 v20, v19;
	v20 =	vor.u32 s19, v0  }
0x324: {  	[tilespmem:s10+$0x4400] =	vst.msk vm2, v20;
	v20 =	vshrl.u32 v20, $0x3  }
0x325: {  	v21 =	vmpcnt.ones.xlane vm2;
	[tilespmem:s10+$0x4800] =	vst.msk vm2, v20  }
0x326: {  	v20 =	vld [tilespmem:s0+$0x10]  }
0x327: {  	(v2sf) =	vpush v21, $0x0;
	_ =	sdelay $0x3  }
0x328: {  	vm2 =	vge.s32 v20, v19  }
0x329: {  	v20 =	vmpcnt.ones.xlane vm2;
	_ =	sdelay $0x1  }
0x32a: {  	(v2sf) =	vpush v20, $0x0;
	_ =	sdelay $0x7  }
0x32b: {  	s15 =	spop (v2sf)  }
0x32c: {  	s10 =	sadd.s32 s10, s15  }
0x32d: {  	s17 =	sadd.s32 $0x30, s1;
	p0 =	slt.s32 s10, $0x3F0  }
0x32e: {  	v20 =	vor.u32 s17, v0;
	s10 =	simm.s32 @!p0 $0x3F0  }
0x32f: {  	[tilespmem:s10+$0x4400] =	vst.msk vm2, v20;
	v20 =	vshrl.u32 v20, $0x3  }
0x330: {  	s0 =	simm.s32 $0x60;
	[tilespmem:s10+$0x4800] =	vst.msk vm2, v20  }
0x331: {  	v20 =	vld [tilespmem:s0+$0xFFFFFFE0]  }
0x332: {  	s19 =	spop (v2sf)  }
0x333: {  	s15 =	sadd.s32 s10, s19  }
0x334: {  	s1 =	sadd.s32 $0x40, s5;
	s10 =	simm.s32 $0x80;
	p1 =	slt.s32 s15, $0x3F0  }
.LBB2_28:
0x335: {  	p0 =	sne.s32 s10, $0x3FC0  }
0x336: {  	vm2 =	vge.s32 v20, v19;
	v20 =	vor.u32 s1, v0;
	s15 =	simm.s32 @!p1 $0x3F0;
	s13 =	smov.u32 s10;
	s10 =	sadd.s32 $0x40, s10  }
0x337: {  	[tilespmem:s15+$0x4400] =	vst.msk vm2, v20;
	v20 =	vshrl.u32 v20, $0x3;
	v21 =	vmpcnt.ones.xlane vm2  }
0x338: {  	[tilespmem:s15+$0x4800] =	vst.msk vm2, v20  }
0x339: {  	v20 =	vld [tilespmem:s0+$0xFFFFFFF0];
	(v2sf) =	vpush v21, $0x0;
	_ =	sdelay $0x4  }
0x33a: {  	vm2 =	vge.s32 v20, v19  }
0x33b: {  	v20 =	vmpcnt.ones.xlane vm2;
	_ =	sdelay $0x1  }
0x33c: {  	(v2sf) =	vpush v20, $0x0;
	_ =	sdelay $0x6  }
0x33d: {  	s17 =	spop (v2sf)  }
0x33e: {  	s15 =	sadd.s32 s15, s17  }
0x33f: {  	s17 =	sadd.s32 $0x10, s1;
	p1 =	slt.s32 s15, $0x3F0  }
0x340: {  	v20 =	vor.u32 s17, v0;
	s15 =	simm.s32 @!p1 $0x3F0  }
0x341: {  	[tilespmem:s15+$0x4400] =	vst.msk vm2, v20;
	v20 =	vshrl.u32 v20, $0x3  }
0x342: {  	[tilespmem:s15+$0x4800] =	vst.msk vm2, v20  }
0x343: {  	v20 =	vld [tilespmem:s0+$0x0];
	_ =	sdelay $0x1  }
0x344: {  	s17 =	spop (v2sf)  }
0x345: {  	s15 =	sadd.s32 s15, s17  }
0x346: {  	s17 =	sadd.s32 $0x20, s1;
	p1 =	slt.s32 s15, $0x3F0  }
0x347: {  	s15 =	simm.s32 @!p1 $0x3F0;
	vm2 =	vge.s32 v20, v19;
	v20 =	vor.u32 s17, v0  }
0x348: {  	[tilespmem:s15+$0x4400] =	vst.msk vm2, v20;
	v20 =	vshrl.u32 v20, $0x3;
	v21 =	vmpcnt.ones.xlane vm2  }
0x349: {  	[tilespmem:s15+$0x4800] =	vst.msk vm2, v20  }
0x34a: {  	v20 =	vld [tilespmem:s0+$0x10];
	(v2sf) =	vpush v21, $0x0;
	_ =	sdelay $0x4  }
0x34b: {  	vm2 =	vge.s32 v20, v19  }
0x34c: {  	v20 =	vmpcnt.ones.xlane vm2;
	_ =	sdelay $0x1  }
0x34d: {  	(v2sf) =	vpush v20, $0x0;
	_ =	sdelay $0x6  }
0x34e: {  	s17 =	spop (v2sf)  }
0x34f: {  	s15 =	sadd.s32 s15, s17  }
0x350: {  	s1 =	sadd.s32 $0x30, s1;
	p1 =	slt.s32 s15, $0x3F0  }
0x351: {  	v20 =	vor.u32 s1, v0;
	s15 =	simm.s32 @!p1 $0x3F0  }
0x352: {  	[tilespmem:s15+$0x4400] =	vst.msk vm2, v20;
	v20 =	vshrl.u32 v20, $0x3  }
0x353: {  	s0 =	sadd.s32 $0x40, s0;
	[tilespmem:s15+$0x4800] =	vst.msk vm2, v20  }
.Ltmp20:
0x354: {  	v20 =	vld [tilespmem:s0+$0xFFFFFFE0];
	(pc) =	sbr.rel @p0 .LBB2_28-.Ltmp20, $4  }
0x355: {  	_ = 	snop  }
0x356: {  	s1 =	spop (v2sf)  }
0x357: {  	s15 =	sadd.s32 s15, s1  }
0x358: {  	s1 =	sadd.s32 s13, s5;
	p1 =	slt.s32 s15, $0x3F0  }
0x359: {  	vm2 =	vge.s32 v20, v19  }
0x35a: {  	v20 =	vmpcnt.ones.xlane vm2;
	_ =	sdelay $0x1  }
0x35b: {  	v21 =	vor.u32 s1, v0;
	s15 =	simm.s32 @!p1 $0x3F0;
	(v2sf) =	vpush v20, $0x0  }
0x35c: {  	[tilespmem:s15+$0x4400] =	vst.msk vm2, v21;
	v20 =	vshrl.u32 v21, $0x3  }
0x35d: {  	[tilespmem:s15+$0x4800] =	vst.msk vm2, v20  }
0x35e: {  	v20 =	vld [tilespmem:s0+$0xFFFFFFF0];
	_ =	sdelay $0x4  }
0x35f: {  	vm2 =	vge.s32 v20, v19  }
0x360: {  	v20 =	vmpcnt.ones.xlane vm2;
	_ =	sdelay $0x1  }
0x361: {  	(v2sf) =	vpush v20, $0x0;
	_ =	sdelay $0x3  }
0x362: {  	s10 =	spop (v2sf)  }
0x363: {  	s10 =	sadd.s32 s15, s10  }
0x364: {  	s13 =	sadd.s32 $0x10, s1;
	p0 =	slt.s32 s10, $0x3F0  }
0x365: {  	v20 =	vor.u32 s13, v0;
	s10 =	simm.s32 @!p0 $0x3F0  }
0x366: {  	[tilespmem:s10+$0x4400] =	vst.msk vm2, v20;
	v20 =	vshrl.u32 v20, $0x3  }
0x367: {  	[tilespmem:s10+$0x4800] =	vst.msk vm2, v20  }
0x368: {  	v20 =	vld [tilespmem:s0+$0x0];
	_ =	sdelay $0x4  }
0x369: {  	s15 =	spop (v2sf);
	vm2 =	vge.s32 v20, v19  }
0x36a: {  	s10 =	sadd.s32 s10, s15;
	v20 =	vmpcnt.ones.xlane vm2  }
0x36b: {  	s17 =	sadd.s32 $0x20, s1;
	p0 =	slt.s32 s10, $0x3F0  }
0x36c: {  	v63 =	vor.u32 s17, v0;
	s10 =	simm.s32 @!p0 $0x3F0;
	(v2sf) =	vpush v20, $0x0  }
0x36d: {  	[tilespmem:s10+$0x4400] =	vst.msk vm2, v63;
	v20 =	vshrl.u32 v63, $0x3  }
0x36e: {  	[tilespmem:s10+$0x4800] =	vst.msk vm2, v20  }
0x36f: {  	v20 =	vld [tilespmem:s0+$0x10];
	_ =	sdelay $0x4  }
0x370: {  	vm2 =	vge.s32 v20, v19  }
0x371: {  	v20 =	vmpcnt.ones.xlane vm2;
	_ =	sdelay $0x1  }
0x372: {  	(v2sf) =	vpush v20, $0x0;
	_ =	sdelay $0x3  }
0x373: {  	s19 =	spop (v2sf)  }
0x374: {  	s0 =	sadd.s32 s10, s19  }
0x375: {  	s10 =	sadd.s32 $0x30, s1;
	p0 =	slt.s32 s0, $0x3F0  }
0x376: {  	v20 =	vor.u32 s10, v0;
	s0 =	simm.s32 @!p0 $0x3F0  }
0x377: {  	[tilespmem:s0+$0x4400] =	vst.msk vm2, v20;
	v20 =	vshrl.u32 v20, $0x3  }
0x378: {  	s13 =	simm.s32 $0x4800;
	[tilespmem:s0+$0x4800] =	vst.msk vm2, v20  }
0x379: {  	[tilespmem:s14], [sflag:$0x1] =	stream.indirect.gather [hbm4b:s3+s9], $0x80, s13, s9, $0xb8;
	[tilespmem:$0x1DC80] =	vst v63  }
0x37a: {  	s15 =	simm.s32 $0x4880  }
0x37b: {  	[tilespmem:s16], [sflag:$0x1] =	stream.indirect.gather [hbm4b:s3+s9], $0x80, s15, s9, $0xb8;
	[tilespmem:$0x1DC80] =	vst v63  }
0x37c: {  	s17 =	simm.s32 $0x4900  }
0x37d: {  	[tilespmem:s18], [sflag:$0x1] =	stream.indirect.gather [hbm4b:s3+s9], $0x80, s17, s9, $0xb8;
	[tilespmem:$0x1DC80] =	vst v63  }
0x37e: {  	s19 =	spop (v2sf)  }
0x37f: {  	s13 =	simm.s32 $0x4980;
	s0 =	sadd.s32 s0, s19  }
0x380: {  	[tilespmem:s20], [sflag:$0x1] =	stream.indirect.gather [hbm4b:s3+s9], $0x80, s13, s9, $0xb8;
	[tilespmem:$0x1DC80] =	vst v63  }
0x381: {  	p0 =	slt.s32 s0, $0x200  }
0x382: {  	p5 =	slt.s32 s0, $0xFFFFFFF2;
	s0 =	simm.s32 @!p0 $0x200  }
0x383: {  	s1 =	sadd.s32 $0xF, s0  }
0x384: {  	s10 =	simm.s32 $0x1;
	_ =	swait.ge [sflag:s12], $0x4000;
	s15 =	sand.u32 $0xF, s1  }
0x385: {  	[sflag:s12] =	ssyncset.done $0x0;
	s17 =	sshra.s32 s1, $0x1F;
	p6 =	sne.s32 s15, $0x0  }
0x386: {  	[sflag:s12] =	ssyncadd.s32 $0xFFFFC000;
	s19 =	sshrl.u32 s17, $0x1C;
	p0 =	por !p5, !p6  }
0x387: {  	_ =	swait.ge [sflag:s12], $0x4000;
	s1 =	sadd.s32 s19, s1;
	p0 =	por !p0, !p0  }
0x388: {  	[sflag:s12] =	ssyncset.done $0x0;
	s1 =	sshra.s32 s1, $0x4;
	s10 =	simm.s32 @!p0 $0x0  }
0x389: {  	[sflag:s12] =	ssyncadd.s32 $0xFFFFC000;
	s1 =	ssub.s32 s1, s10  }
0x38a: {  	_ =	swait.ge [sflag:s12], $0x4000;
	p0 =	slt.s32 s1, $0x1  }
.Ltmp21:
0x38b: {  	[sflag:s12] =	ssyncset.done $0x0;
	(pc) =	sbr.rel @p0 .LBB2_31-.Ltmp21, $4  }
0x38c: {  	[sflag:s12] =	ssyncadd.s32 $0xFFFFC000  }
0x38d: {  	_ =	swait.ge [sflag:s12], $0x4000  }
0x38e: {  	[sflag:s12] =	ssyncset.done $0x0  }
0x38f: {  	s13 =	simm.s32 $0x0;
	s10 =	simm.s32 $0xF;
	[sflag:s12] =	ssyncadd.s32 $0xFFFFC000  }
.LBB2_30:
0x390: {  	s15 =	sadd.s32 $0xFFFFFFF1, s10  }
0x391: {  	v20 =	vmov s15;
	_ =	sdelay $0x4  }
0x392: {  	v21 =	vld.idx.msk [tilespmem:v20+s21+$0x0], $0xffff;
	_ =	sdelay $0x4  }
0x393: {  	v21 =	vshll.u32 v21, $0x4  }
0x394: {  	v20 =	vshll.u32 v20, $0x7;
	v22 =	vand.u32 $0x70, v21  }
0x395: {  	v20 =	vor.u32 v20, v22  }
0x396: {  	v20 =	vor.u32 v0, v20;
	_ =	sdelay $0x4  }
0x397: {  	v20 =	vld.idx.msk [tilespmem:v20+s14+$0x0], $0xffff;
	_ =	sdelay $0x2  }
0x398: {  	s17 =	sadd.s32 $0xFFFFFFF2, s10  }
0x399: {  	vm2 =	vmmov vm0;
	p0 =	slt.s32 s15, s0;
	v45 =	vmov s17  }
0x39a: {  	vm2 =	vmneg @p0 vm2;
	vm3 =	vle.s32 v19, v20  }
0x39b: {  	vm2 =	vmand vm2, vm3  }
0x39c: {  	[tilespmem:s13+$0x14C00] =	vst.msk vm2, v20;
	v20 =	vor.u32 v0, v21  }
0x39d: {  	[tilespmem:s13+$0x18C00] =	vst.msk vm2, v20;
	v20 =	vmpcnt.ones.xlane vm2  }
0x39e: {  	v46 =	vld.idx.msk [tilespmem:v45+s21+$0x0], $0xffff  }
0x39f: {  	(v2sf) =	vpush v20, $0x0;
	_ =	sdelay $0x3  }
0x3a0: {  	v20 =	vshll.u32 v46, $0x4  }
0x3a1: {  	v22 =	vshll.u32 v45, $0x7;
	v21 =	vand.u32 $0x70, v20  }
0x3a2: {  	v21 =	vor.u32 v22, v21  }
0x3a3: {  	v21 =	vor.u32 v0, v21;
	_ =	sdelay $0x4  }
0x3a4: {  	v21 =	vld.idx.msk [tilespmem:v21+s14+$0x0], $0xffff;
	_ =	sdelay $0x2  }
0x3a5: {  	s19 =	sadd.s32 $0xFFFFFFF3, s10;
	s15 =	spop (v2sf)  }
0x3a6: {  	v47 =	vmov s19;
	p0 =	slt.s32 s17, s0;
	vm2 =	vmmov vm0;
	s13 =	sadd.s32 s13, s15  }
0x3a7: {  	vm2 =	vmneg @p0 vm2;
	p1 =	slt.s32 s13, $0x3FF0;
	vm3 =	vle.s32 v19, v21  }
0x3a8: {  	s13 =	simm.s32 @!p1 $0x3FF0;
	vm2 =	vmand vm2, vm3  }
0x3a9: {  	v20 =	vor.u32 v0, v20;
	[tilespmem:s13+$0x14C00] =	vst.msk vm2, v21  }
0x3aa: {  	[tilespmem:s13+$0x18C00] =	vst.msk vm2, v20;
	v20 =	vmpcnt.ones.xlane vm2  }
0x3ab: {  	v21 =	vld.idx.msk [tilespmem:v47+s21+$0x0], $0xffff  }
0x3ac: {  	(v2sf) =	vpush v20, $0x0;
	_ =	sdelay $0x3  }
0x3ad: {  	v20 =	vshll.u32 v21, $0x4  }
0x3ae: {  	v22 =	vshll.u32 v47, $0x7;
	v21 =	vand.u32 $0x70, v20  }
0x3af: {  	v21 =	vor.u32 v22, v21  }
0x3b0: {  	v21 =	vor.u32 v0, v21;
	_ =	sdelay $0x4  }
0x3b1: {  	v21 =	vld.idx.msk [tilespmem:v21+s14+$0x0], $0xffff;
	_ =	sdelay $0x2  }
0x3b2: {  	s17 =	sadd.s32 $0xFFFFFFF4, s10;
	s15 =	spop (v2sf)  }
0x3b3: {  	v48 =	vmov s17;
	p0 =	slt.s32 s19, s0;
	vm2 =	vmmov vm0;
	s13 =	sadd.s32 s13, s15  }
0x3b4: {  	vm2 =	vmneg @p0 vm2;
	p1 =	slt.s32 s13, $0x3FF0;
	vm3 =	vle.s32 v19, v21  }
0x3b5: {  	s13 =	simm.s32 @!p1 $0x3FF0;
	vm2 =	vmand vm2, vm3  }
0x3b6: {  	v20 =	vor.u32 v0, v20;
	[tilespmem:s13+$0x14C00] =	vst.msk vm2, v21  }
0x3b7: {  	[tilespmem:s13+$0x18C00] =	vst.msk vm2, v20;
	v20 =	vmpcnt.ones.xlane vm2  }
0x3b8: {  	v21 =	vld.idx.msk [tilespmem:v48+s21+$0x0], $0xffff  }
0x3b9: {  	(v2sf) =	vpush v20, $0x0;
	_ =	sdelay $0x3  }
0x3ba: {  	v20 =	vshll.u32 v21, $0x4  }
0x3bb: {  	v22 =	vshll.u32 v48, $0x7;
	v21 =	vand.u32 $0x70, v20  }
0x3bc: {  	v21 =	vor.u32 v22, v21  }
0x3bd: {  	v21 =	vor.u32 v0, v21;
	_ =	sdelay $0x4  }
0x3be: {  	v21 =	vld.idx.msk [tilespmem:v21+s14+$0x0], $0xffff;
	_ =	sdelay $0x2  }
0x3bf: {  	s19 =	sadd.s32 $0xFFFFFFF5, s10;
	s15 =	spop (v2sf)  }
0x3c0: {  	v49 =	vmov s19;
	p0 =	slt.s32 s17, s0;
	vm2 =	vmmov vm0;
	s13 =	sadd.s32 s13, s15  }
0x3c1: {  	vm2 =	vmneg @p0 vm2;
	p1 =	slt.s32 s13, $0x3FF0;
	vm3 =	vle.s32 v19, v21  }
0x3c2: {  	s13 =	simm.s32 @!p1 $0x3FF0;
	vm2 =	vmand vm2, vm3  }
0x3c3: {  	v20 =	vor.u32 v0, v20;
	[tilespmem:s13+$0x14C00] =	vst.msk vm2, v21  }
0x3c4: {  	[tilespmem:s13+$0x18C00] =	vst.msk vm2, v20;
	v20 =	vmpcnt.ones.xlane vm2  }
0x3c5: {  	v21 =	vld.idx.msk [tilespmem:v49+s21+$0x0], $0xffff  }
0x3c6: {  	(v2sf) =	vpush v20, $0x0;
	_ =	sdelay $0x3  }
0x3c7: {  	v20 =	vshll.u32 v21, $0x4  }
0x3c8: {  	v22 =	vshll.u32 v49, $0x7;
	v21 =	vand.u32 $0x70, v20  }
0x3c9: {  	v21 =	vor.u32 v22, v21  }
0x3ca: {  	v21 =	vor.u32 v0, v21;
	_ =	sdelay $0x4  }
0x3cb: {  	v21 =	vld.idx.msk [tilespmem:v21+s14+$0x0], $0xffff;
	_ =	sdelay $0x2  }
0x3cc: {  	s17 =	sadd.s32 $0xFFFFFFF6, s10;
	s15 =	spop (v2sf)  }
0x3cd: {  	v50 =	vmov s17;
	p0 =	slt.s32 s19, s0;
	vm2 =	vmmov vm0;
	s13 =	sadd.s32 s13, s15  }
0x3ce: {  	vm2 =	vmneg @p0 vm2;
	p1 =	slt.s32 s13, $0x3FF0;
	vm3 =	vle.s32 v19, v21  }
0x3cf: {  	s13 =	simm.s32 @!p1 $0x3FF0;
	vm2 =	vmand vm2, vm3  }
0x3d0: {  	v20 =	vor.u32 v0, v20;
	[tilespmem:s13+$0x14C00] =	vst.msk vm2, v21  }
0x3d1: {  	[tilespmem:s13+$0x18C00] =	vst.msk vm2, v20;
	v20 =	vmpcnt.ones.xlane vm2  }
0x3d2: {  	v21 =	vld.idx.msk [tilespmem:v50+s21+$0x0], $0xffff  }
0x3d3: {  	(v2sf) =	vpush v20, $0x0;
	_ =	sdelay $0x3  }
0x3d4: {  	v20 =	vshll.u32 v21, $0x4  }
0x3d5: {  	v22 =	vshll.u32 v50, $0x7;
	v21 =	vand.u32 $0x70, v20  }
0x3d6: {  	v21 =	vor.u32 v22, v21  }
0x3d7: {  	v21 =	vor.u32 v0, v21;
	_ =	sdelay $0x4  }
0x3d8: {  	v21 =	vld.idx.msk [tilespmem:v21+s14+$0x0], $0xffff;
	_ =	sdelay $0x2  }
0x3d9: {  	s19 =	sadd.s32 $0xFFFFFFF7, s10;
	s15 =	spop (v2sf)  }
0x3da: {  	v51 =	vmov s19;
	p0 =	slt.s32 s17, s0;
	vm2 =	vmmov vm0;
	s13 =	sadd.s32 s13, s15  }
0x3db: {  	vm2 =	vmneg @p0 vm2;
	p1 =	slt.s32 s13, $0x3FF0;
	vm3 =	vle.s32 v19, v21  }
0x3dc: {  	s13 =	simm.s32 @!p1 $0x3FF0;
	vm2 =	vmand vm2, vm3  }
0x3dd: {  	v20 =	vor.u32 v0, v20;
	[tilespmem:s13+$0x14C00] =	vst.msk vm2, v21  }
0x3de: {  	[tilespmem:s13+$0x18C00] =	vst.msk vm2, v20;
	v20 =	vmpcnt.ones.xlane vm2  }
0x3df: {  	v21 =	vld.idx.msk [tilespmem:v51+s21+$0x0], $0xffff  }
0x3e0: {  	(v2sf) =	vpush v20, $0x0;
	_ =	sdelay $0x3  }
0x3e1: {  	v20 =	vshll.u32 v21, $0x4  }
0x3e2: {  	v22 =	vshll.u32 v51, $0x7;
	v21 =	vand.u32 $0x70, v20  }
0x3e3: {  	v21 =	vor.u32 v22, v21  }
0x3e4: {  	v21 =	vor.u32 v0, v21;
	_ =	sdelay $0x4  }
0x3e5: {  	v21 =	vld.idx.msk [tilespmem:v21+s14+$0x0], $0xffff;
	_ =	sdelay $0x2  }
0x3e6: {  	s17 =	sadd.s32 $0xFFFFFFF8, s10;
	s15 =	spop (v2sf)  }
0x3e7: {  	v52 =	vmov s17;
	p0 =	slt.s32 s19, s0;
	vm2 =	vmmov vm0;
	s13 =	sadd.s32 s13, s15  }
0x3e8: {  	vm2 =	vmneg @p0 vm2;
	p1 =	slt.s32 s13, $0x3FF0;
	vm3 =	vle.s32 v19, v21  }
0x3e9: {  	s13 =	simm.s32 @!p1 $0x3FF0;
	vm2 =	vmand vm2, vm3  }
0x3ea: {  	v20 =	vor.u32 v0, v20;
	[tilespmem:s13+$0x14C00] =	vst.msk vm2, v21  }
0x3eb: {  	[tilespmem:s13+$0x18C00] =	vst.msk vm2, v20;
	v20 =	vmpcnt.ones.xlane vm2  }
0x3ec: {  	v21 =	vld.idx.msk [tilespmem:v52+s21+$0x0], $0xffff  }
0x3ed: {  	(v2sf) =	vpush v20, $0x0;
	_ =	sdelay $0x3  }
0x3ee: {  	v20 =	vshll.u32 v21, $0x4  }
0x3ef: {  	v22 =	vshll.u32 v52, $0x7;
	v21 =	vand.u32 $0x70, v20  }
0x3f0: {  	v21 =	vor.u32 v22, v21  }
0x3f1: {  	v21 =	vor.u32 v0, v21;
	_ =	sdelay $0x4  }
0x3f2: {  	v21 =	vld.idx.msk [tilespmem:v21+s14+$0x0], $0xffff;
	_ =	sdelay $0x2  }
0x3f3: {  	s19 =	sadd.s32 $0xFFFFFFF9, s10;
	s15 =	spop (v2sf)  }
0x3f4: {  	v53 =	vmov s19;
	p0 =	slt.s32 s17, s0;
	vm2 =	vmmov vm0;
	s13 =	sadd.s32 s13, s15  }
0x3f5: {  	vm2 =	vmneg @p0 vm2;
	p1 =	slt.s32 s13, $0x3FF0;
	vm3 =	vle.s32 v19, v21  }
0x3f6: {  	s13 =	simm.s32 @!p1 $0x3FF0;
	vm2 =	vmand vm2, vm3  }
0x3f7: {  	v20 =	vor.u32 v0, v20;
	[tilespmem:s13+$0x14C00] =	vst.msk vm2, v21  }
0x3f8: {  	[tilespmem:s13+$0x18C00] =	vst.msk vm2, v20;
	v20 =	vmpcnt.ones.xlane vm2  }
0x3f9: {  	v21 =	vld.idx.msk [tilespmem:v53+s21+$0x0], $0xffff  }
0x3fa: {  	(v2sf) =	vpush v20, $0x0;
	_ =	sdelay $0x3  }
0x3fb: {  	v20 =	vshll.u32 v21, $0x4  }
0x3fc: {  	v22 =	vshll.u32 v53, $0x7;
	v21 =	vand.u32 $0x70, v20  }
0x3fd: {  	v21 =	vor.u32 v22, v21  }
0x3fe: {  	v21 =	vor.u32 v0, v21;
	_ =	sdelay $0x4  }
0x3ff: {  	v21 =	vld.idx.msk [tilespmem:v21+s14+$0x0], $0xffff;
	_ =	sdelay $0x2  }
0x400: {  	s17 =	sadd.s32 $0xFFFFFFFA, s10;
	s15 =	spop (v2sf)  }
0x401: {  	v54 =	vmov s17;
	p0 =	slt.s32 s19, s0;
	vm2 =	vmmov vm0;
	s13 =	sadd.s32 s13, s15  }
0x402: {  	vm2 =	vmneg @p0 vm2;
	p1 =	slt.s32 s13, $0x3FF0;
	vm3 =	vle.s32 v19, v21  }
0x403: {  	s13 =	simm.s32 @!p1 $0x3FF0;
	vm2 =	vmand vm2, vm3  }
0x404: {  	v20 =	vor.u32 v0, v20;
	[tilespmem:s13+$0x14C00] =	vst.msk vm2, v21  }
0x405: {  	[tilespmem:s13+$0x18C00] =	vst.msk vm2, v20;
	v20 =	vmpcnt.ones.xlane vm2  }
0x406: {  	v21 =	vld.idx.msk [tilespmem:v54+s21+$0x0], $0xffff  }
0x407: {  	(v2sf) =	vpush v20, $0x0;
	_ =	sdelay $0x3  }
0x408: {  	v20 =	vshll.u32 v21, $0x4  }
0x409: {  	v22 =	vshll.u32 v54, $0x7;
	v21 =	vand.u32 $0x70, v20  }
0x40a: {  	v21 =	vor.u32 v22, v21  }
0x40b: {  	v21 =	vor.u32 v0, v21;
	_ =	sdelay $0x4  }
0x40c: {  	v21 =	vld.idx.msk [tilespmem:v21+s14+$0x0], $0xffff;
	_ =	sdelay $0x2  }
0x40d: {  	s19 =	sadd.s32 $0xFFFFFFFB, s10;
	s15 =	spop (v2sf)  }
0x40e: {  	v55 =	vmov s19;
	p0 =	slt.s32 s17, s0;
	vm2 =	vmmov vm0;
	s13 =	sadd.s32 s13, s15  }
0x40f: {  	vm2 =	vmneg @p0 vm2;
	p1 =	slt.s32 s13, $0x3FF0;
	vm3 =	vle.s32 v19, v21  }
0x410: {  	s13 =	simm.s32 @!p1 $0x3FF0;
	vm2 =	vmand vm2, vm3  }
0x411: {  	v20 =	vor.u32 v0, v20;
	[tilespmem:s13+$0x14C00] =	vst.msk vm2, v21  }
0x412: {  	[tilespmem:s13+$0x18C00] =	vst.msk vm2, v20;
	v20 =	vmpcnt.ones.xlane vm2  }
0x413: {  	v21 =	vld.idx.msk [tilespmem:v55+s21+$0x0], $0xffff  }
0x414: {  	(v2sf) =	vpush v20, $0x0;
	_ =	sdelay $0x3  }
0x415: {  	v20 =	vshll.u32 v21, $0x4  }
0x416: {  	v22 =	vshll.u32 v55, $0x7;
	v21 =	vand.u32 $0x70, v20  }
0x417: {  	v21 =	vor.u32 v22, v21  }
0x418: {  	v21 =	vor.u32 v0, v21;
	_ =	sdelay $0x4  }
0x419: {  	v21 =	vld.idx.msk [tilespmem:v21+s14+$0x0], $0xffff;
	_ =	sdelay $0x2  }
0x41a: {  	s17 =	sadd.s32 $0xFFFFFFFC, s10;
	s15 =	spop (v2sf)  }
0x41b: {  	v56 =	vmov s17;
	p0 =	slt.s32 s19, s0;
	vm2 =	vmmov vm0;
	s13 =	sadd.s32 s13, s15  }
0x41c: {  	vm2 =	vmneg @p0 vm2;
	p1 =	slt.s32 s13, $0x3FF0;
	vm3 =	vle.s32 v19, v21  }
0x41d: {  	s13 =	simm.s32 @!p1 $0x3FF0;
	vm2 =	vmand vm2, vm3  }
0x41e: {  	v20 =	vor.u32 v0, v20;
	[tilespmem:s13+$0x14C00] =	vst.msk vm2, v21  }
0x41f: {  	[tilespmem:s13+$0x18C00] =	vst.msk vm2, v20;
	v20 =	vmpcnt.ones.xlane vm2  }
0x420: {  	v21 =	vld.idx.msk [tilespmem:v56+s21+$0x0], $0xffff  }
0x421: {  	(v2sf) =	vpush v20, $0x0;
	_ =	sdelay $0x3  }
0x422: {  	v20 =	vshll.u32 v21, $0x4  }
0x423: {  	v22 =	vshll.u32 v56, $0x7;
	v21 =	vand.u32 $0x70, v20  }
0x424: {  	v21 =	vor.u32 v22, v21  }
0x425: {  	v21 =	vor.u32 v0, v21;
	_ =	sdelay $0x4  }
0x426: {  	v21 =	vld.idx.msk [tilespmem:v21+s14+$0x0], $0xffff;
	_ =	sdelay $0x2  }
0x427: {  	s19 =	sadd.s32 $0xFFFFFFFD, s10;
	s15 =	spop (v2sf)  }
0x428: {  	v57 =	vmov s19;
	p0 =	slt.s32 s17, s0;
	vm2 =	vmmov vm0;
	s13 =	sadd.s32 s13, s15  }
0x429: {  	vm2 =	vmneg @p0 vm2;
	p1 =	slt.s32 s13, $0x3FF0;
	vm3 =	vle.s32 v19, v21  }
0x42a: {  	s13 =	simm.s32 @!p1 $0x3FF0;
	vm2 =	vmand vm2, vm3  }
0x42b: {  	v20 =	vor.u32 v0, v20;
	[tilespmem:s13+$0x14C00] =	vst.msk vm2, v21  }
0x42c: {  	[tilespmem:s13+$0x18C00] =	vst.msk vm2, v20;
	v20 =	vmpcnt.ones.xlane vm2  }
0x42d: {  	v21 =	vld.idx.msk [tilespmem:v57+s21+$0x0], $0xffff  }
0x42e: {  	(v2sf) =	vpush v20, $0x0;
	_ =	sdelay $0x3  }
0x42f: {  	v20 =	vshll.u32 v21, $0x4  }
0x430: {  	v22 =	vshll.u32 v57, $0x7;
	v21 =	vand.u32 $0x70, v20  }
0x431: {  	v21 =	vor.u32 v22, v21  }
0x432: {  	v21 =	vor.u32 v0, v21;
	_ =	sdelay $0x4  }
0x433: {  	v21 =	vld.idx.msk [tilespmem:v21+s14+$0x0], $0xffff;
	_ =	sdelay $0x2  }
0x434: {  	s17 =	sadd.s32 $0xFFFFFFFE, s10;
	s15 =	spop (v2sf)  }
0x435: {  	v58 =	vmov s17;
	p0 =	slt.s32 s19, s0;
	vm2 =	vmmov vm0;
	s13 =	sadd.s32 s13, s15  }
0x436: {  	vm2 =	vmneg @p0 vm2;
	p1 =	slt.s32 s13, $0x3FF0;
	vm3 =	vle.s32 v19, v21  }
0x437: {  	s13 =	simm.s32 @!p1 $0x3FF0;
	vm2 =	vmand vm2, vm3  }
0x438: {  	v20 =	vor.u32 v0, v20;
	[tilespmem:s13+$0x14C00] =	vst.msk vm2, v21  }
0x439: {  	[tilespmem:s13+$0x18C00] =	vst.msk vm2, v20;
	v20 =	vmpcnt.ones.xlane vm2  }
0x43a: {  	v21 =	vld.idx.msk [tilespmem:v58+s21+$0x0], $0xffff  }
0x43b: {  	(v2sf) =	vpush v20, $0x0;
	_ =	sdelay $0x3  }
0x43c: {  	v20 =	vshll.u32 v21, $0x4  }
0x43d: {  	v22 =	vshll.u32 v58, $0x7;
	v21 =	vand.u32 $0x70, v20  }
0x43e: {  	v21 =	vor.u32 v22, v21  }
0x43f: {  	v21 =	vor.u32 v0, v21;
	_ =	sdelay $0x4  }
0x440: {  	v21 =	vld.idx.msk [tilespmem:v21+s14+$0x0], $0xffff;
	_ =	sdelay $0x2  }
0x441: {  	s19 =	sadd.s32 $0xFFFFFFFF, s10;
	s15 =	spop (v2sf)  }
0x442: {  	v59 =	vmov s19;
	p0 =	slt.s32 s17, s0;
	vm2 =	vmmov vm0;
	s13 =	sadd.s32 s13, s15  }
0x443: {  	vm2 =	vmneg @p0 vm2;
	p1 =	slt.s32 s13, $0x3FF0;
	vm3 =	vle.s32 v19, v21  }
0x444: {  	s13 =	simm.s32 @!p1 $0x3FF0;
	vm2 =	vmand vm2, vm3  }
0x445: {  	v20 =	vor.u32 v0, v20;
	[tilespmem:s13+$0x14C00] =	vst.msk vm2, v21  }
0x446: {  	[tilespmem:s13+$0x18C00] =	vst.msk vm2, v20;
	v20 =	vmpcnt.ones.xlane vm2  }
0x447: {  	v21 =	vld.idx.msk [tilespmem:v59+s21+$0x0], $0xffff  }
0x448: {  	(v2sf) =	vpush v20, $0x0;
	_ =	sdelay $0x3  }
0x449: {  	v20 =	vshll.u32 v21, $0x4  }
0x44a: {  	v22 =	vshll.u32 v59, $0x7;
	v21 =	vand.u32 $0x70, v20  }
0x44b: {  	v21 =	vor.u32 v22, v21  }
0x44c: {  	v21 =	vor.u32 v0, v21;
	_ =	sdelay $0x4  }
0x44d: {  	v21 =	vld.idx.msk [tilespmem:v21+s14+$0x0], $0xffff;
	_ =	sdelay $0x2  }
0x44e: {  	s17 =	spop (v2sf)  }
0x44f: {  	v60 =	vmov s10;
	p0 =	slt.s32 s19, s0;
	vm2 =	vmmov vm0;
	s13 =	sadd.s32 s13, s17  }
0x450: {  	vm2 =	vmneg @p0 vm2;
	p1 =	slt.s32 s13, $0x3FF0;
	vm3 =	vle.s32 v19, v21  }
0x451: {  	s13 =	simm.s32 @!p1 $0x3FF0;
	vm2 =	vmand vm2, vm3  }
0x452: {  	v20 =	vor.u32 v0, v20;
	[tilespmem:s13+$0x14C00] =	vst.msk vm2, v21  }
0x453: {  	[tilespmem:s13+$0x18C00] =	vst.msk vm2, v20  }
0x454: {  	v20 =	vld.idx.msk [tilespmem:v60+s21+$0x0], $0xffff;
	_ =	sdelay $0x4  }
0x455: {  	v20 =	vshll.u32 v20, $0x4  }
0x456: {  	v22 =	vshll.u32 v60, $0x7;
	v61 =	vand.u32 $0x70, v20  }
0x457: {  	v21 =	vor.u32 v22, v61  }
0x458: {  	v21 =	vor.u32 v0, v21;
	_ =	sdelay $0x4  }
0x459: {  	v21 =	vld.idx.msk [tilespmem:v21+s14+$0x0], $0xffff;
	_ =	sdelay $0x3  }
0x45a: {  	p0 =	slt.s32 s10, s0;
	v62 =	vmpcnt.ones.xlane vm2;
	vm2 =	vmmov vm0  }
0x45b: {  	vm2 =	vmneg @p0 vm2;
	vm3 =	vle.s32 v19, v21  }
0x45c: {  	(v2sf) =	vpush v62, $0x0;
	vm2 =	vmand vm2, vm3  }
0x45d: {  	v63 =	vmpcnt.ones.xlane vm2;
	_ =	sdelay $0x1  }
0x45e: {  	(v2sf) =	vpush v63, $0x0;
	_ =	sdelay $0xb  }
0x45f: {  	s17 =	spop (v2sf)  }
0x460: {  	p1 =	sne.s32 s1, $0x1;
	s15 =	sadd.s32 s13, s17  }
.Ltmp22:
0x461: {  	p0 =	slt.s32 s15, $0x3FF0;
	(pc) =	sbr.rel @p1 .LBB2_30-.Ltmp22, $4  }
0x462: {  	s15 =	simm.s32 @!p0 $0x3FF0;
	s19 =	spop (v2sf)  }
0x463: {  	s13 =	sadd.s32 s15, s19  }
0x464: {  	v20 =	vor.u32 v0, v20;
	[tilespmem:s15+$0x14C00] =	vst.msk vm2, v21;
	p0 =	slt.s32 s13, $0x3FF0  }
0x465: {  	s10 =	sadd.s32 $0x10, s10;
	s1 =	sadd.s32 $0xFFFFFFFF, s1;
	[tilespmem:s15+$0x18C00] =	vst.msk vm2, v20;
	s13 =	simm.s32 @!p0 $0x3FF0  }
.LBB2_31:
0x466: {  	s0 =	sadd.s32 $0xFFFFFFFF, s31  }
0x467: {  	s10 =	ssub.s32 s30, s0  }
0x468: {  	p0 =	slt.s32 s10, $0x2  }
.Ltmp23:
0x469: {  	_ = 	snop;
	(pc) =	sbr.rel @p0 .LBB2_41-.Ltmp23, $1  }
0x46a: {  	_ =	sdelay $0x3  }
0x46b: {  	s1 =	sadd.s32 $0x7F, s13  }
0x46c: {  	p0 =	slt.s32 s13, $0xFFFFFF82;
	s15 =	sand.u32 $0x7F, s1  }
.Ltmp24:
0x46d: {  	s17 =	sshra.s32 s1, $0x1F;
	p1 =	sne.s32 s15, $0x0;
	(pc) =	sbr.rel .LBB2_33-.Ltmp24, $4  }
0x46e: {  	s31 =	sshrl.u32 s17, $0x19;
	p0 =	por !p0, !p1  }
0x46f: {  	s15 =	simm.s32 $0x1;
	s1 =	sadd.s32 s31, s1;
	p0 =	por !p0, !p0  }
0x470: {  	s1 =	sshra.s32 s1, $0x7;
	s15 =	simm.s32 @!p0 $0x0  }
0x471: {  	s1 =	ssub.s32 s1, s15  }
.LBB2_34:
0x472: {  	v19 =	vimm.s32 $0x0  }
.LBB2_40:
0x473: {  	(xrf0) =	vadd.scan.msk.s32 $0xffff, v19;
	_ =	sdelay $0x5  }
0x474: {  	v19, _, _ =	vpop (xrf0)  }
0x475: {  	(v2sf) =	vpush v19, $0xF;
	_ =	sdelay $0xe  }
0x476: {  	s15 =	spop (v2sf)  }
0x477: {  	p0 =	slt.s32 s15, $0x200;
	s15 =	smov.u32 s10  }
0x478: {  	s15 =	smov.u32 @p0 s0;
	s30 =	smov.u32 @p0 s10  }
0x479: {  	s10 =	ssub.s32 s30, s15  }
0x47a: {  	p0 =	sgt.s32 s10, $0x1  }
.Ltmp25:
0x47b: {  	_ = 	snop;
	(pc) =	sbr.rel @!p0 .LBB2_41-.Ltmp25, $2  }
0x47c: {  	_ =	sdelay $0x2  }
0x47d: {  	s0 =	smov.u32 s15  }
.LBB2_33:
0x47e: {  	p0 =	slt.s32 s1, $0x1  }
.Ltmp26:
0x47f: {  	_ = 	snop;
	(pc) =	sbr.rel @p0 .LBB2_34-.Ltmp26, $3  }
0x480: {  	_ =	sdelay $0x1  }
0x481: {  	s10 =	sshrl.u32 s10, $0x1  }
0x482: {  	s10 =	sadd.s32 s0, s10  }
0x483: {  	p1 =	sne.s32 s1, $0x1  }
.Ltmp27:
0x484: {  	_ = 	snop;
	(pc) =	sbr.rel @!p1 .LBB2_36-.Ltmp27, $3  }
0x485: {  	_ =	sdelay $0x1  }
0x486: {  	s31 =	simm.s32 $0x14C40  }
0x487: {  	v19 =	vmov s10;
	v20 =	vimm.s32 $0x0;
	s15 =	sadd.s32 $0xFFFFFFFF, s1;
	p0 =	por $0x0, $0x0;
	v21 =	vld [tilespmem:s31+$0xFFFFFFC0]  }
0x488: {  	v25 =	vld [tilespmem:s31+$0xFFFFFFD0]  }
0x489: {  	v26 =	vld [tilespmem:s31+$0xFFFFFFE0]  }
0x48a: {  	v28 =	vld [tilespmem:s31+$0xFFFFFFF0];
	p1 =	sne.s32 s15, $0x1  }
.Ltmp28:
0x48b: {  	v24 =	vld [tilespmem:s31+$0x0];
	(pc) =	sbr.rel @!p1 .LBB2_39-.Ltmp28, $4  }
0x48c: {  	v22 =	vld [tilespmem:s31+$0x10];
	vm2 =	vgt.s32 v21, v19  }
0x48d: {  	v23 =	vld [tilespmem:s31+$0x20];
	v21 =	vsel vm2, $0x1, v2;
	vm2 =	vgt.s32 v25, v19  }
0x48e: {  	v25 =	vld [tilespmem:s31+$0x30];
	s31 =	simm.s32 $0x14CC0;
	v27 =	vadd.s32 v21, v20;
	v29 =	vsel vm2, $0x1, v2;
	vm2 =	vgt.s32 v26, v19  }
0x48f: {  	s15 =	sadd.s32 $0xFFFFFFFF, s15;
	p0 =	por $0x1, $0x1;
	v21 =	vld [tilespmem:s31+$0xFFFFFFC0];
	v26 =	vadd.s32 v29, v27;
	v27 =	vsel vm2, $0x1, v2;
	vm2 =	vgt.s32 v28, v19  }
.LBB2_38:
0x490: {  	p1 =	sne.s32 s15, $0x1;
	v28 =	vld [tilespmem:s31+$0xFFFFFFD0];
	v26 =	vadd.s32 v27, v26;
	v27 =	vsel vm2, $0x1, v2;
	vm2 =	vgt.s32 v24, v19  }
0x491: {  	v29 =	vld [tilespmem:s31+$0xFFFFFFE0];
	v24 =	vadd.s32 v27, v26;
	v26 =	vsel vm2, $0x1, v2;
	vm2 =	vgt.s32 v22, v19  }
0x492: {  	v30 =	vld [tilespmem:s31+$0xFFFFFFF0];
	v22 =	vadd.s32 v26, v24;
	v26 =	vsel vm2, $0x1, v2;
	vm2 =	vgt.s32 v23, v19  }
.Ltmp29:
0x493: {  	v24 =	vld [tilespmem:s31+$0x0];
	v23 =	vadd.s32 v26, v22;
	v26 =	vsel vm2, $0x1, v2;
	vm2 =	vgt.s32 v25, v19;
	(pc) =	sbr.rel @p1 .LBB2_38-.Ltmp29, $4  }
0x494: {  	vm3 =	vgt.s32 v21, v19;
	v22 =	vld [tilespmem:s31+$0x10];
	v21 =	vadd.s32 v26, v23;
	v25 =	vsel vm2, $0x1, v2  }
0x495: {  	v26 =	vsel vm3, $0x1, v2;
	vm2 =	vgt.s32 v28, v19;
	v23 =	vld [tilespmem:s31+$0x20];
	v21 =	vadd.s32 v25, v21  }
0x496: {  	v26 =	vadd.s32 v26, v21;
	v27 =	vsel vm2, $0x1, v2;
	vm2 =	vgt.s32 v29, v19;
	v25 =	vld [tilespmem:s31+$0x30];
	s31 =	sadd.s32 $0x80, s31  }
0x497: {  	s15 =	sadd.s32 $0xFFFFFFFF, s15;
	v21 =	vld [tilespmem:s31+$0xFFFFFFC0];
	v26 =	vadd.s32 v27, v26;
	v27 =	vsel vm2, $0x1, v2;
	vm2 =	vgt.s32 v30, v19  }
.LBB2_39:
0x498: {  	v26 =	vadd.s32 @p0 v27, v26;
	v27 =	vsel @p0 vm2, $0x1, v2;
	vm2 =	vgt.s32 @p0 v24, v19  }
0x499: {  	v52 =	vld [tilespmem:s31+$0xFFFFFFD0];
	v26 =	vadd.s32 @p0 v27, v26;
	v27 =	vsel @p0 vm2, $0x1, v2;
	vm2 =	vgt.s32 @p0 v22, v19  }
0x49a: {  	v53 =	vld [tilespmem:s31+$0xFFFFFFE0];
	v26 =	vadd.s32 @p0 v27, v26;
	v27 =	vsel @p0 vm2, $0x1, v2;
	vm2 =	vgt.s32 @p0 v23, v19  }
0x49b: {  	v54 =	vld [tilespmem:s31+$0xFFFFFFF0];
	v26 =	vadd.s32 @p0 v27, v26;
	v27 =	vsel @p0 vm2, $0x1, v2;
	vm2 =	vgt.s32 @p0 v25, v19  }
0x49c: {  	v55 =	vld [tilespmem:s31+$0x0];
	v26 =	vadd.s32 @p0 v27, v26;
	v27 =	vsel @p0 vm2, $0x1, v2  }
0x49d: {  	v56 =	vld [tilespmem:s31+$0x10];
	vm2 =	vgt.s32 v21, v19;
	v26 =	vadd.s32 @p0 v27, v26  }
0x49e: {  	v58 =	vld [tilespmem:s31+$0x20];
	v57 =	vsel vm2, $0x1, v2;
	vm2 =	vgt.s32 v52, v19;
	v20 =	vpsel p0, v26, v20  }
0x49f: {  	v60 =	vld [tilespmem:s31+$0x30];
	v59 =	vsel vm2, $0x1, v2;
	vm2 =	vgt.s32 v53, v19;
	v20 =	vadd.s32 v57, v20  }
0x4a0: {  	v61 =	vsel vm2, $0x1, v2;
	vm2 =	vgt.s32 v54, v19;
	v20 =	vadd.s32 v59, v20  }
0x4a1: {  	v23 =	vsel vm2, $0x1, v2;
	vm2 =	vgt.s32 v55, v19;
	v20 =	vadd.s32 v61, v20  }
.Ltmp30:
0x4a2: {  	v62 =	vsel vm2, $0x1, v2;
	vm2 =	vgt.s32 v56, v19;
	v20 =	vadd.s32 v23, v20;
	(pc) =	sbr.rel .LBB2_40-.Ltmp30, $4  }
0x4a3: {  	v21 =	vsel vm2, $0x1, v2;
	vm2 =	vgt.s32 v58, v19;
	v20 =	vadd.s32 v62, v20  }
0x4a4: {  	v63 =	vsel vm2, $0x1, v2;
	vm2 =	vgt.s32 v60, v19;
	v20 =	vadd.s32 v21, v20  }
0x4a5: {  	v19 =	vadd.s32 v63, v20;
	v20 =	vsel vm2, $0x1, v2  }
0x4a6: {  	v19 =	vadd.s32 v20, v19  }
.LBB2_36:
.Ltmp31:
0x4a7: {  	(pc) =	sbr.rel .LBB2_39-.Ltmp31, $2  }
0x4a8: {  	_ =	sdelay $0x2  }
0x4a9: {  	_ = 	snop  }
.LBB2_41:
0x4aa: {  	s0 =	sadd.s32 $0xF, s13  }
0x4ab: {  	s1 =	sand.u32 $0xF, s0  }
0x4ac: {  	p0 =	slt.s32 s13, $0xFFFFFFF2;
	s10 =	sshra.s32 s0, $0x1F;
	p1 =	sne.s32 s1, $0x0  }
0x4ad: {  	s31 =	sshrl.u32 s10, $0x1C;
	p0 =	por !p0, !p1  }
0x4ae: {  	s1 =	simm.s32 $0x1;
	s0 =	sadd.s32 s31, s0;
	p0 =	por !p0, !p0  }
0x4af: {  	s0 =	sshra.s32 s0, $0x4;
	s1 =	simm.s32 @!p0 $0x0  }
0x4b0: {  	s1 =	ssub.s32 s0, s1  }
0x4b1: {  	p0 =	slt.s32 s1, $0x1  }
.Ltmp32:
0x4b2: {  	_ = 	snop;
	(pc) =	sbr.rel @p0 .LBB2_42-.Ltmp32, $1  }
0x4b3: {  	_ =	sdelay $0x3  }
0x4b4: {  	s0 =	simm.s32 $0x14C00  }
0x4b5: {  	v20 =	vld [tilespmem:s0+$0x0];
	_ =	sdelay $0x3  }
0x4b6: {  	v19 =	vmov s30;
	p1 =	sne.s32 s1, $0x1  }
.Ltmp33:
0x4b7: {  	vm3 =	vgt.s32 v20, v19;
	(pc) =	sbr.rel @!p1 .LBB2_44-.Ltmp33, $4  }
0x4b8: {  	vm2 =	veq.s32 v20, v19;
	v20 =	vmpcnt.ones.xlane vm3  }
0x4b9: {  	v21 =	vmpcnt.ones.xlane vm2  }
0x4ba: {  	s10 =	simm.s32 $0x18C00;
	(v2sf) =	vpush v20, $0x0  }
0x4bb: {  	s1 =	sadd.s32 $0xFFFFFFFF, s1;
	p0 =	por $0x0, $0x0;
	s0 =	simm.s32 $0x0;
	v20 =	vld [tilespmem:s10+$0x0];
	(v2sf) =	vpush v21, $0x0  }
0x4bc: {  	_ =	sdelay $0x3  }
0x4bd: {  	v21 =	vshra.s32 v20, $0x7  }
0x4be: {  	v20 =	vand.u32 $0x7F, v20;
	[tilespmem:s0+$0x1CC00] =	vst.msk vm3, v21  }
0x4bf: {  	[tilespmem:s0+$0x1D000] =	vst.msk vm3, v20  }
0x4c0: {  	[tilespmem:s0+$0x1D400] =	vst.msk vm2, v21  }
0x4c1: {  	s31 =	simm.s32 $0x14C10;
	[tilespmem:s0+$0x1D800] =	vst.msk vm2, v20  }
0x4c2: {  	v20 =	vld [tilespmem:s31+$0x0];
	_ =	sdelay $0x4  }
0x4c3: {  	vm3 =	vgt.s32 v20, v19  }
0x4c4: {  	vm2 =	veq.s32 v20, v19;
	v20 =	vmpcnt.ones.xlane vm3  }
0x4c5: {  	p1 =	sne.s32 s1, $0x1;
	s17 =	simm.s32 $0x18C10  }
.Ltmp34:
0x4c6: {  	s10 =	spop (v2sf);
	(v2sf) =	vpush v20, $0x0;
	v20 =	vld [tilespmem:s17+$0x0];
	(pc) =	sbr.rel @!p1 .LBB2_47-.Ltmp34, $4  }
0x4c7: {  	_ = 	snop  }
0x4c8: {  	s15 =	sadd.s32 $0xFFFFFFFF, s1;
	p0 =	por $0x1, $0x1;
	v21 =	vmpcnt.ones.xlane vm2  }
0x4c9: {  	s19 =	spop (v2sf);
	s1 =	sadd.s32 $0x0, s10;
	s13 =	sadd.s32 $0x0, s10  }
0x4ca: {  	s10 =	sadd.s32 $0x0, s19;
	p2 =	slt.s32 s13, $0x3F0;
	s30 =	sadd.s32 $0x0, s19;
	(v2sf) =	vpush v21, $0x0  }
.LBB2_46:
0x4cb: {  	p1 =	sne.s32 s15, $0x1;
	v21 =	vshra.s32 v20, $0x7;
	s13 =	simm.s32 @!p2 $0x3F0;
	p2 =	slt.s32 s30, $0x3F0  }
0x4cc: {  	s15 =	sadd.s32 $0xFFFFFFFF, s15;
	v20 =	vand.u32 $0x7F, v20;
	[tilespmem:s13+$0x1CC00] =	vst.msk vm3, v21;
	s30 =	simm.s32 @!p2 $0x3F0  }
0x4cd: {  	[tilespmem:s13+$0x1D000] =	vst.msk vm3, v20  }
0x4ce: {  	[tilespmem:s30+$0x1D400] =	vst.msk vm2, v21  }
0x4cf: {  	[tilespmem:s30+$0x1D800] =	vst.msk vm2, v20  }
0x4d0: {  	s31 =	sadd.s32 $0x10, s31  }
0x4d1: {  	v21 =	vld [tilespmem:s31+$0x0];
	_ =	sdelay $0x3  }
0x4d2: {  	s17 =	sadd.s32 $0x10, s17  }
.Ltmp35:
0x4d3: {  	v20 =	vld [tilespmem:s17+$0x0];
	vm3 =	vgt.s32 v21, v19;
	vm2 =	veq.s32 v21, v19;
	(pc) =	sbr.rel @p1 .LBB2_46-.Ltmp35, $4  }
0x4d4: {  	v21 =	vmpcnt.ones.xlane vm3;
	v22 =	vmpcnt.ones.xlane vm2  }
0x4d5: {  	s19 =	spop (v2sf)  }
0x4d6: {  	(v2sf) =	vpush v21, $0x0;
	s1 =	sadd.s32 s1, s19;
	s13 =	sadd.s32 s13, s19;
	s19 =	spop (v2sf)  }
0x4d7: {  	(v2sf) =	vpush v22, $0x0;
	s10 =	sadd.s32 s10, s19;
	p2 =	slt.s32 s13, $0x3F0;
	s30 =	sadd.s32 s30, s19  }
.LBB2_47:
0x4d8: {  	_ =	sdelay $0x8  }
0x4d9: {  	p1 =	por !p2, !p0  }
0x4da: {  	s15 =	simm.s32 $0x0;
	s13 =	simm.s32 @p1 $0x3F0;
	p1 =	slt.s32 @p0 s30, $0x3F0  }
.Ltmp36:
0x4db: {  	v19 =	vshra.s32 v20, $0x7;
	s15 =	smov.u32 @p0 s13;
	p1 =	por !p1, !p0;
	(pc) =	sbr.rel .LBB2_48-.Ltmp36, $4  }
0x4dc: {  	v20 =	vand.u32 $0x7F, v20;
	[tilespmem:s15+$0x1CC00] =	vst.msk vm3, v19;
	s30 =	simm.s32 @p1 $0x3F0  }
0x4dd: {  	[tilespmem:s15+$0x1D000] =	vst.msk vm3, v20;
	s0 =	smov.u32 @p0 s30;
	s30 =	spop (v2sf)  }
0x4de: {  	[tilespmem:s0+$0x1D400] =	vst.msk vm2, v19;
	s31 =	spop (v2sf)  }
0x4df: {  	[tilespmem:s0+$0x1D800] =	vst.msk vm2, v20;
	s0 =	sadd.s32 s1, s30;
	s1 =	sadd.s32 s10, s31  }
.LBB2_42:
0x4e0: {  	s0 =	simm.s32 $0x0;
	s1 =	simm.s32 $0x0  }
.LBB2_48:
0x4e1: {  	[tilespmem:s14], [sflag:$0x1] =	stream.indirect.gather [hbm4b:s4+s9], $0x80, s22, s9, $0xb8;
	[tilespmem:$0x1DC80] =	vst v63  }
0x4e2: {  	_ = 	snop  }
0x4e3: {  	[tilespmem:s16], [sflag:$0x1] =	stream.indirect.gather [hbm4b:s4+s9], $0x80, s23, s9, $0xb8;
	[tilespmem:$0x1DC80] =	vst v63  }
0x4e4: {  	s10 =	sadd.s32 $0xF, s0  }
0x4e5: {  	[tilespmem:s18], [sflag:$0x1] =	stream.indirect.gather [hbm4b:s4+s9], $0x80, s24, s9, $0xb8;
	[tilespmem:$0x1DC80] =	vst v63  }
0x4e6: {  	s13 =	sand.u32 $0xF, s10  }
0x4e7: {  	[tilespmem:s20], [sflag:$0x1] =	stream.indirect.gather [hbm4b:s4+s9], $0x80, s25, s9, $0xb8;
	[tilespmem:$0x1DC80] =	vst v63  }
0x4e8: {  	s31 =	sshra.s32 s10, $0x1F;
	p1 =	slt.s32 s10, $0x1;
	_ =	swait.ge [sflag:s12], $0x4000  }
0x4e9: {  	p0 =	sne.s32 s13, $0x0;
	s13 =	sshrl.u32 s31, $0x1C;
	[sflag:s12] =	ssyncset.done $0x0  }
0x4ea: {  	p0 =	por !p1, !p0;
	s10 =	sadd.s32 s13, s10;
	[sflag:s12] =	ssyncadd.s32 $0xFFFFC000  }
0x4eb: {  	s13 =	simm.s32 $0x1;
	p0 =	por !p0, !p0;
	_ =	swait.ge [sflag:s12], $0x4000  }
0x4ec: {  	s10 =	sshra.s32 s10, $0x4;
	s13 =	simm.s32 @!p0 $0x0;
	[sflag:s12] =	ssyncset.done $0x0  }
0x4ed: {  	s10 =	ssub.s32 s10, s13;
	[sflag:s12] =	ssyncadd.s32 $0xFFFFC000  }
0x4ee: {  	p0 =	slt.s32 s10, $0x1;
	_ =	swait.ge [sflag:s12], $0x4000  }
.Ltmp37:
0x4ef: {  	[sflag:s12] =	ssyncset.done $0x0;
	(pc) =	sbr.rel @p0 .LBB2_58-.Ltmp37, $4  }
0x4f0: {  	[sflag:s12] =	ssyncadd.s32 $0xFFFFC000  }
0x4f1: {  	_ =	swait.ge [sflag:s12], $0x4000  }
0x4f2: {  	[sflag:s12] =	ssyncset.done $0x0  }
0x4f3: {  	v19 =	vimm.f32 $0.0e+00;
	v20 =	vimm.f32 $0.0e+00;
	[sflag:s12] =	ssyncadd.s32 $0xFFFFC000  }
0x4f4: {  	p2 =	sne.s32 s10, $0x1  }
.Ltmp38:
0x4f5: {  	_ = 	snop;
	(pc) =	sbr.rel @!p2 .LBB2_50-.Ltmp38, $3  }
0x4f6: {  	_ =	sdelay $0x1  }
0x4f7: {  	s13 =	simm.s32 $0x1D000;
	s15 =	simm.s32 $0x0;
	s10 =	sadd.s32 $0xFFFFFFFF, s10  }
0x4f8: {  	v20 =	vmov s0;
	v21 =	vimm.f32 $0.0e+00;
	p0 =	por $0x0, $0x0;
	p1 =	por $0x0, $0x0;
	v25 =	vld [tilespmem:s13+$0x0];
	v22 =	vor.u32 s15, v0;
	s13 =	simm.s32 $0x1D010  }
0x4f9: {  	_ = 	snop  }
0x4fa: {  	p2 =	sne.s32 s10, $0x1  }
.Ltmp39:
0x4fb: {  	_ = 	snop;
	(pc) =	sbr.rel @!p2 .LBB2_52-.Ltmp39, $4  }
0x4fc: {  	_ = 	snop  }
0x4fd: {  	v24 =	vshll.u32 v22, $0x7;
	v23 =	vand.u32 $0xFFFFFF80, v25  }
0x4fe: {  	s15 =	simm.s32 $0x10;
	v26 =	vand.u32 $0x7F, v25;
	v23 =	vadd.s32 v24, v23  }
0x4ff: {  	p0 =	por $0x1, $0x1;
	v27 =	vor.u32 s15, v0;
	s15 =	simm.s32 $0x1D020;
	v25 =	vld [tilespmem:s13+$0x0];
	s13 =	sadd.s32 $0xFFFFFFFF, s10;
	v23 =	vor.u32 v26, v23  }
0x500: {  	_ =	sdelay $0x3  }
0x501: {  	v26 =	vshll.u32 v27, $0x7;
	p2 =	sne.s32 s13, $0x1;
	v24 =	vand.u32 $0xFFFFFF80, v25  }
.Ltmp40:
0x502: {  	v28 =	vand.u32 $0x7F, v25;
	v25 =	vld [tilespmem:s15+$0x0];
	v26 =	vadd.s32 v26, v24;
	(pc) =	sbr.rel @!p2 .LBB2_54-.Ltmp40, $3  }
0x503: {  	v24 =	vld.idx.msk [tilespmem:v23+s14+$0x0], $0xffff;
	v23 =	vor.u32 v28, v26;
	_ =	sdelay $0x1  }
0x504: {  	s10 =	simm.s32 $0x20  }
0x505: {  	s13 =	sadd.s32 $0xFFFFFFFF, s13;
	p1 =	por $0x1, $0x1;
	s15 =	simm.s32 $0x1D030;
	v26 =	vor.u32 s10, v0;
	v28 =	vimm.f32 $0.0e+00  }
.LBB2_55:
0x506: {  	v29 =	vld [tilespmem:s15+$0x0];
	v30 =	vand.u32 $0xFFFFFF80, v25;
	v31 =	vshll.u32 v26, $0x7;
	vm2 =	vlt.s32 v22, v20;
	v22 =	vmovc v27;
	v27 =	vmovc v26;
	p2 =	sne.s32 s13, $0x1  }
.Ltmp41:
0x507: {  	s13 =	sadd.s32 $0xFFFFFFFF, s13;
	v25 =	vand.u32 $0x7F, v25;
	v26 =	vadd.s32 v31, v30;
	v30 =	vnsel vm2, $0x0, v24;
	v24 =	vld.idx.msk [tilespmem:v23+s14+$0x0], $0xffff;
	(pc) =	sbr.rel @p2 .LBB2_55-.Ltmp41, $3  }
0x508: {  	v23 =	vor.u32 v25, v26;
	v28 =	vadd.f32 v30, v28;
	_ =	sdelay $0x1  }
0x509: {  	s10 =	sadd.s32 $0x10, s10  }
0x50a: {  	s15 =	sadd.s32 $0x10, s15;
	v26 =	vor.u32 s10, v0;
	v25 =	vmov v29  }
0x50b: {  	v29 =	vmov v22;
	v22 =	vmov v27  }
.LBB2_57:
0x50c: {  	_ = 	snop  }
0x50d: {  	v27 =	vand.u32 $0xFFFFFF80, v25;
	v30 =	vshll.u32 v26, $0x7  }
0x50e: {  	v63 =	vand.u32 $0x7F, v25;
	v27 =	vadd.s32 v30, v27  }
0x50f: {  	v25 =	vor.u32 v63, v27  }
0x510: {  	v23 =	vld.idx.msk @p0 [tilespmem:v23+s14+$0x0], $0xffff;
	_ =	sdelay $0x1  }
0x511: {  	vm2 =	vlt.s32 @p1 v29, v20  }
0x512: {  	v24 =	vnsel @p1 vm2, $0x0, v24  }
0x513: {  	v22 =	vpsel p0, v22, v0;
	v24 =	vadd.f32 @p1 v24, v28;
	v25 =	vld.idx.msk [tilespmem:v25+s14+$0x0], $0xffff  }
0x514: {  	vm2 =	vlt.s32 @p0 v22, v20;
	v23 =	vpsel p0, v23, v0  }
0x515: {  	v22 =	vpsel p1, v24, v21;
	v23 =	vnsel @p0 vm2, $0x0, v23  }
0x516: {  	v22 =	vadd.f32 @p0 v23, v22  }
0x517: {  	vm2 =	vlt.s32 v26, v20  }
0x518: {  	v20 =	vpsel p0, v22, v21;
	v21 =	vnsel vm2, $0x0, v25  }
0x519: {  	v20 =	vadd.f32 v21, v20  }
.LBB2_58:
0x51a: {  	p0 =	slt.s32 s1, $0x80;
	s10 =	smov.u32 s1  }
0x51b: {  	(xrf2) =	vadd.scan.msk.f32 $0xffff, v20;
	s10 =	simm.s32 @!p0 $0x80  }
0x51c: {  	s13 =	sadd.s32 $0xF, s10  }
0x51d: {  	s15 =	sand.u32 $0xF, s13  }
0x51e: {  	p6 =	slt.s32 s1, $0xFFFFFFF2;
	s31 =	sshra.s32 s13, $0x1F;
	p1 =	sne.s32 s15, $0x0  }
0x51f: {  	s1 =	sshrl.u32 s31, $0x1C;
	p0 =	por !p6, !p1  }
0x520: {  	s1 =	sadd.s32 s1, s13;
	s13 =	simm.s32 $0x1;
	p0 =	por !p0, !p0  }
0x521: {  	s1 =	sshra.s32 s1, $0x4;
	s13 =	simm.s32 @!p0 $0x0  }
0x522: {  	s1 =	ssub.s32 s1, s13  }
0x523: {  	p0 =	slt.s32 s1, $0x1  }
.Ltmp42:
0x524: {  	_ = 	snop;
	(pc) =	sbr.rel @p0 .LBB2_68-.Ltmp42, $4  }
0x525: {  	[tilespmem:s14], [sflag:$0x1] =	stream.indirect.gather [hbm4b:s4+s9], $0x80, s26, s9, $0xb8;
	v20, _, _ =	vpop (xrf2);
	[tilespmem:$0x1DC80] =	vst v63  }
0x526: {  	_ =	swait.ge [sflag:s12], $0x4000  }
0x527: {  	[sflag:s12] =	ssyncset.done $0x0  }
0x528: {  	[sflag:s12] =	ssyncadd.s32 $0xFFFFC000  }
0x529: {  	p2 =	sne.s32 s1, $0x1  }
.Ltmp43:
0x52a: {  	s13 =	simm.s32 $0x1D800;
	(pc) =	sbr.rel @!p2 .LBB2_60-.Ltmp43, $3  }
0x52b: {  	v25 =	vld [tilespmem:s13+$0x0];
	_ =	sdelay $0x1  }
0x52c: {  	s15 =	simm.s32 $0x0;
	s1 =	sadd.s32 $0xFFFFFFFF, s1  }
0x52d: {  	v19 =	vmov s10;
	v21 =	vimm.f32 $0.0e+00;
	p0 =	por $0x0, $0x0;
	p1 =	por $0x0, $0x0;
	v22 =	vor.u32 s15, v0;
	s13 =	simm.s32 $0x1D810  }
0x52e: {  	p2 =	sne.s32 s1, $0x1  }
.Ltmp44:
0x52f: {  	_ = 	snop;
	(pc) =	sbr.rel @!p2 .LBB2_62-.Ltmp44, $4  }
0x530: {  	v23 =	vand.u32 $0xFFFFFF80, v25;
	v26 =	vand.u32 $0x7F, v25;
	v25 =	vld [tilespmem:s13+$0x0]  }
0x531: {  	v24 =	vshll.u32 v22, $0x7  }
0x532: {  	s15 =	simm.s32 $0x10;
	v23 =	vadd.s32 v24, v23  }
0x533: {  	p0 =	por $0x1, $0x1;
	s13 =	sadd.s32 $0xFFFFFFFF, s1;
	v27 =	vor.u32 s15, v0;
	s15 =	simm.s32 $0x1D820;
	v23 =	vor.u32 v26, v23  }
0x534: {  	_ =	sdelay $0x1  }
0x535: {  	v26 =	vshll.u32 v27, $0x7;
	p2 =	sne.s32 s13, $0x1;
	v24 =	vand.u32 $0xFFFFFF80, v25  }
.Ltmp45:
0x536: {  	v28 =	vand.u32 $0x7F, v25;
	v25 =	vld [tilespmem:s15+$0x0];
	v26 =	vadd.s32 v26, v24;
	(pc) =	sbr.rel @!p2 .LBB2_64-.Ltmp45, $3  }
0x537: {  	v24 =	vld.idx.msk [tilespmem:v23+s14+$0x0], $0xffff;
	v23 =	vor.u32 v28, v26;
	_ =	sdelay $0x1  }
0x538: {  	s1 =	simm.s32 $0x20  }
0x539: {  	s13 =	sadd.s32 $0xFFFFFFFF, s13;
	p1 =	por $0x1, $0x1;
	s15 =	simm.s32 $0x1D830;
	v26 =	vor.u32 s1, v0;
	v28 =	vimm.f32 $0.0e+00  }
.LBB2_65:
0x53a: {  	v29 =	vld [tilespmem:s15+$0x0];
	v30 =	vand.u32 $0xFFFFFF80, v25;
	v31 =	vshll.u32 v26, $0x7;
	vm2 =	vlt.s32 v22, v19;
	v22 =	vmovc v27;
	v27 =	vmovc v26;
	p2 =	sne.s32 s13, $0x1  }
.Ltmp46:
0x53b: {  	s13 =	sadd.s32 $0xFFFFFFFF, s13;
	v25 =	vand.u32 $0x7F, v25;
	v26 =	vadd.s32 v31, v30;
	v30 =	vnsel vm2, $0x0, v24;
	v24 =	vld.idx.msk [tilespmem:v23+s14+$0x0], $0xffff;
	(pc) =	sbr.rel @p2 .LBB2_65-.Ltmp46, $3  }
0x53c: {  	v23 =	vor.u32 v25, v26;
	v28 =	vadd.f32 v30, v28;
	_ =	sdelay $0x1  }
0x53d: {  	s1 =	sadd.s32 $0x10, s1  }
0x53e: {  	s15 =	sadd.s32 $0x10, s15;
	v26 =	vor.u32 s1, v0;
	v25 =	vmov v29  }
.Ltmp47:
0x53f: {  	(pc) =	sbr.rel .LBB2_67-.Ltmp47, $2  }
0x540: {  	_ =	sdelay $0x2  }
0x541: {  	v29 =	vmov v22;
	v22 =	vmov v27  }
.LBB2_44:
.Ltmp48:
0x542: {  	(pc) =	sbr.rel .LBB2_47-.Ltmp48, $2  }
0x543: {  	_ =	sdelay $0x2  }
0x544: {  	s1 =	simm.s32 $0x0;
	s10 =	simm.s32 $0x0  }
.LBB2_50:
.Ltmp49:
0x545: {  	(pc) =	sbr.rel .LBB2_57-.Ltmp49, $2  }
0x546: {  	_ =	sdelay $0x2  }
0x547: {  	v26 =	vmov v22;
	v28 =	vimm.f32 $0.0e+00  }
.LBB2_52:
.Ltmp50:
0x548: {  	(pc) =	sbr.rel .LBB2_57-.Ltmp50, $2  }
0x549: {  	_ =	sdelay $0x2  }
0x54a: {  	v26 =	vmov v27;
	v28 =	vimm.f32 $0.0e+00  }
.LBB2_62:
.Ltmp51:
0x54b: {  	(pc) =	sbr.rel .LBB2_67-.Ltmp51, $2  }
0x54c: {  	_ =	sdelay $0x2  }
0x54d: {  	v26 =	vmov v27;
	v28 =	vimm.f32 $0.0e+00  }
.LBB2_54:
.Ltmp52:
0x54e: {  	(pc) =	sbr.rel .LBB2_57-.Ltmp52, $2  }
0x54f: {  	_ =	sdelay $0x2  }
0x550: {  	v29 =	vmov v22;
	v22 =	vmov v27;
	v28 =	vimm.f32 $0.0e+00  }
.LBB2_64:
.Ltmp53:
0x551: {  	(pc) =	sbr.rel .LBB2_67-.Ltmp53, $2  }
0x552: {  	_ =	sdelay $0x2  }
0x553: {  	v29 =	vmov v22;
	v22 =	vmov v27;
	v28 =	vimm.f32 $0.0e+00  }
.LBB2_69:
0x554: {  	_ =	sfence.sel $0x180000  }
0x555: {  	[bflag:$0x0] =	sbarrier.arrive $0xFFFF  }
0x556: {  	_ =	strace $0x90000047  }
0x557: {  	s0 =	stileid.u32;
	[bflag:$0x2] =	sbarrier.arrive $0xFFFF  }
0x558: {  	p0 =	sne.s32 s0, $0x0;
	s0 =	rddreg [dreg:$0x1]  }
0x559: {  	s0 =	sadd.s32 @!p0 $0x100000, s0  }
0x55a: {  	[sflag:s0] =	ssyncadd.tile.s32 @!p0 $0x1;
	_ =	shalt  }
.Lfunc_end2:
_tile_overlayer_lowered:
.L_overlay_start_2:
0x55b: {  	(tag) =	ssettag $0x2  }
0x55c: {  	s0 =	rddreg [dreg:$0x0];
	s2 =	stileid.u32  }
0x55d: {  	s1 =	rddreg [dreg:$0x1];
	p0 =	sne.s32 s2, $0x0  }
0x55e: {  	s3 =	rddreg [dreg:$0x2];
	[bflag:$0x3] =	sbarrier.arrive $0xFFFF;
	s2 =	simm.s32 @!p0 $0x1C02  }
0x55f: {  	[timem:s3], [sflag:s2] =	dma.local @!p0 [hbm:s0], s1  }
0x560: {  	s0 =	simm.s32 @!p0 $0x2  }
0x561: {  	_ =	swait.ge @!p0 [sflag:s0], s1  }
0x562: {  	s1 =	ssub.s32 @!p0 $0x0, s1;
	[sflag:s0] =	ssyncset.done @!p0 $0x0  }
0x563: {  	[sflag:s0] =	ssyncadd.s32 @!p0 s1  }
0x564: {  	[bflag:$0x3] =	sbarrier.arrive $0xFFFF  }
0x565: {  	_ =	shalt  }

</sc_bundles>
